<compile_context>
chip_gen: v7x
topology: tpu7x:2x2x1
jax: 0.10.2.dev20260603
libtpu: 0.0.44.dev20260713+nightly
codegen_flags: <defaults>
</compile_context>

<pallas_src>
import functools

import numpy as np

import jax
import jax.numpy as jnp
from jax import lax
from jax.experimental import pallas as pl
from jax.experimental.pallas import tpu as pltpu
from jax.experimental.pallas import tpu_sc as plsc

N = 8388608
NHALF = N // 2
PHASE_MASK = N - 1
TWO_PI_OVER_N = 2.0 * np.pi / N

R1 = 256
R2 = 256
R3 = 128
N23 = R2 * R3

PREC = jax.lax.Precision.HIGHEST



def _dft_tables(r):
  k = np.arange(r)
  ph = 2.0 * np.pi * (np.outer(k, k) % r).astype(np.float64) / r
  return np.cos(ph).astype(np.float32), (-np.sin(ph)).astype(np.float32)

D1C, D1S = _dft_tables(R1)
D2C, D2S = _dft_tables(R2)
D3C, D3S = _dft_tables(R3)

_n2 = np.arange(R2)
_a = np.arange(R1)
_ph = 2.0 * np.pi * ((R3 * np.outer(_a, _n2)) % N).astype(np.float64) / N
T1C = np.cos(_ph).astype(np.float32)
T1S = (-np.sin(_ph)).astype(np.float32)

_c = np.arange(R3)
_ph = 2.0 * np.pi * (np.outer(_a, _c) % N).astype(np.float64) / N
TAC = np.cos(_ph).astype(np.float32)
TAS = (-np.sin(_ph)).astype(np.float32)
_b = np.arange(R2)
_ph = 2.0 * np.pi * (np.outer(_b, _c) % N23).astype(np.float64) / N23
TBC = np.cos(_ph).astype(np.float32)
TBS = (-np.sin(_ph)).astype(np.float32)


S1_COLS = 2048
S1_GRID = N23 // S1_COLS
AB_CHUNK = 8
S23_ROWS = AB_CHUNK * R2
S23_GRID = R1 // AB_CHUNK


N2_CHUNK = S1_COLS // R3


def _fft1_body(d1c_ref, d1s_ref, x_ref, yre_ref, yim_ref):
  xb = x_ref[...]
  yre = _dotd(d1c_ref[...], xb)
  yim = _dotd(d1s_ref[...], xb)
  for j in range(N2_CHUNK):
    yre_ref[:, j, :] = yre[:, j * R3:(j + 1) * R3]
    yim_ref[:, j, :] = yim[:, j * R3:(j + 1) * R3]


def _split(a):
  ah = a.astype(jnp.bfloat16)
  al = (a - ah.astype(jnp.float32)).astype(jnp.bfloat16)
  return ah, al


def _dot3s(a_split, b_split):
  ah, al = a_split
  bh, bl = b_split
  d = functools.partial(jnp.dot, preferred_element_type=jnp.float32)
  return d(ah, bh) + d(ah, bl) + d(al, bh)


def _dotd(a, b):
  return jnp.dot(a, b, preferred_element_type=jnp.float32)


def _fft23_body(d2c_ref, d2s_ref, t1c_ref, t1s_ref, d3c_ref, d3s_ref,
                d3cs_ref, tbc_ref, tbs_ref, tac_ref, tas_ref,
                yre_ref, yim_ref, ore_ref, oim_ref):
  d2c = d2c_ref[...]
  d2s = d2s_ref[...]
  d3c = d3c_ref[...]
  d3s = d3s_ref[...]
  d3cs = d3cs_ref[...]
  tbc = tbc_ref[...]
  tbs = tbs_ref[...]
  for j in range(AB_CHUNK):
    yre = yre_ref[j]
    yim = yim_ref[j]
    t1c = t1c_ref[pl.ds(j, 1), :]
    t1s = t1s_ref[pl.ds(j, 1), :]
    d2ca = d2c * t1c - d2s * t1s
    d2sa = d2c * t1s + d2s * t1c
    m1 = _dotd(d2ca, yre)
    m2 = _dotd(d2sa, yim)
    m3 = _dotd(d2ca + d2sa, yre + yim)
    zre = m1 - m2
    zim = m3 - m1 - m2
    tac = tac_ref[pl.ds(j, 1), :]
    tas = tas_ref[pl.ds(j, 1), :]
    t2c = tac * tbc - tas * tbs
    t2s = tac * tbs + tas * tbc
    ztre = zre * t2c - zim * t2s
    ztim = zre * t2s + zim * t2c
    k1 = _dotd(ztre, d3c)
    k2 = _dotd(ztim, d3s)
    k3 = _dotd(ztre + ztim, d3cs)
    ore_ref[j] = k1 - k2
    oim_ref[j] = k3 - k1 - k2


def _fft(x):
  xm = x.reshape(R1, N23)
  full = pl.BlockSpec((R1, R1), lambda i: (0, 0))
  y3 = pl.BlockSpec((R1, N2_CHUNK, R3), lambda i: (0, i, 0))
  yre, yim = pl.pallas_call(
      _fft1_body,
      grid=(S1_GRID,),
      in_specs=[full, full, pl.BlockSpec((R1, S1_COLS), lambda i: (0, i))],
      out_specs=[y3, y3],
      out_shape=[jax.ShapeDtypeStruct((R1, R2, R3), jnp.float32)] * 2,
  )(jnp.asarray(D1C), jnp.asarray(D1S), xm)

  rows3 = pl.BlockSpec((AB_CHUNK, R2, R3), lambda i: (i, 0, 0))
  d2full = pl.BlockSpec((R2, R2), lambda i: (0, 0))
  t1spec = pl.BlockSpec((AB_CHUNK, R2), lambda i: (i, 0))
  d3full = pl.BlockSpec((R3, R3), lambda i: (0, 0))
  tbspec = pl.BlockSpec((R2, R3), lambda i: (0, 0))
  taspec = pl.BlockSpec((AB_CHUNK, R3), lambda i: (i, 0))
  ore, oim = pl.pallas_call(
      _fft23_body,
      grid=(S23_GRID,),
      in_specs=[d2full, d2full, t1spec, t1spec, d3full, d3full, d3full,
                tbspec, tbspec, taspec, taspec, rows3, rows3],
      out_specs=[rows3, rows3],
      out_shape=[jax.ShapeDtypeStruct((R1, R2, R3), jnp.float32)] * 2,
  )(jnp.asarray(D2C), jnp.asarray(D2S), jnp.asarray(T1C), jnp.asarray(T1S),
    jnp.asarray(D3C), jnp.asarray(D3S), jnp.asarray(D3C + D3S),
    jnp.asarray(TBC), jnp.asarray(TBS), jnp.asarray(TAC), jnp.asarray(TAS),
    yre, yim)
  return ore.reshape(R1 * R2, R3), oim.reshape(R1 * R2, R3)


NW = 32
TOT_ROWS = R1 * R2
ROWS_PER_W = TOT_ROWS // NW
R_CHUNK = 128
N_DMA = ROWS_PER_W // R_CHUNK
VALID_COLS = 64
SUB_ROWS = 8
N_SUB = R_CHUNK // SUB_ROWS
VEC = 16
VPR = VALID_COLS // VEC
N_VEC = SUB_ROWS * VPR


def _merge_pool(vm, vi, vre, vim, poolm, pooli, poolre, poolim, lane):
  nk, si, sre, sim = lax.sort((-vm, vi, vre, vim), num_keys=1)
  sm = -nk
  sel = lane < 8
  cm = jnp.where(sel, poolm, lax.rev(sm, (0,)))
  ci = jnp.where(sel, pooli, lax.rev(si, (0,)))
  cre = jnp.where(sel, poolre, lax.rev(sre, (0,)))
  cim = jnp.where(sel, poolim, lax.rev(sim, (0,)))
  nk2, pi2, pre2, pim2 = lax.sort((-cm, ci, cre, cim), num_keys=1)
  pm2 = -nk2
  new_t = jnp.min(jnp.where(lane < 5, pm2, jnp.float32(3e38)))
  return pm2, pi2, pre2, pim2, new_t


def _sc_topk_body(re_hbm, im_hbm, outm, outi, outre, outim,
                  re_buf, im_buf, stg_m, stg_i, stg_re, stg_im):
  wid = lax.axis_index("s") * 2 + lax.axis_index("c")
  row_base = wid * ROWS_PER_W
  lane = lax.iota(jnp.int32, 16)
  lane_k = lane << 16

  state0 = (
      jnp.full((VEC,), -1.0, jnp.float32),
      jnp.zeros((VEC,), jnp.int32),
      jnp.zeros((VEC,), jnp.float32),
      jnp.zeros((VEC,), jnp.float32),
      jnp.float32(-1.0),
  )

  def process_sub(sc, chunk_row0, state):
    r0 = sc * SUB_ROWS

    def maxbody(v, acc):
      r = r0 + (v >> 2)
      cc = (v & 3) * VEC
      rr = re_buf[r, pl.ds(cc, VEC)]
      ii = im_buf[r, pl.ds(cc, VEC)]
      return jnp.maximum(acc, rr * rr + ii * ii)

    m_acc = lax.fori_loop(0, N_VEC, maxbody, jnp.full((VEC,), -2.0, jnp.float32))
    sub_max = jnp.max(m_acc)

    def rescan(st):
      def body(v, st2):
        r = r0 + (v >> 2)
        cc = (v & 3) * VEC
        rr = re_buf[r, pl.ds(cc, VEC)]
        ii = im_buf[r, pl.ds(cc, VEC)]
        vm = rr * rr + ii * ii
        vmax = jnp.max(vm)

        def do_merge(st3):
          pm, pi, pre, pim, _t = st3
          grow = chunk_row0 + r
          a = grow >> 8
          b = grow & 255
          base_k = a + (b << 8) + (cc << 16)
          vi = lane_k + base_k
          return _merge_pool(vm, vi, rr, ii, pm, pi, pre, pim, lane)

        return lax.cond(vmax > st2[4], do_merge, lambda s: s, st2)

      return lax.fori_loop(0, N_VEC, body, st)

    return lax.cond(sub_max > state[4], rescan, lambda s: s, state)

  def dma_step(s, state):
    row0 = row_base + s * R_CHUNK
    pltpu.sync_copy(re_hbm.at[pl.ds(row0, R_CHUNK), pl.ds(0, VALID_COLS)],
                    re_buf)
    pltpu.sync_copy(im_hbm.at[pl.ds(row0, R_CHUNK), pl.ds(0, VALID_COLS)],
                    im_buf)

    @pl.when(jnp.logical_and(wid == 0, s == 0))
    def _zero_dc():
      rr = re_buf[0, pl.ds(0, VEC)]
      ii = im_buf[0, pl.ds(0, VEC)]
      re_buf[0, pl.ds(0, VEC)] = jnp.where(lane == 0, jnp.float32(0.0), rr)
      im_buf[0, pl.ds(0, VEC)] = jnp.where(lane == 0, jnp.float32(0.0), ii)

    def sub(c, st):
      return process_sub(c, row0, st)

    return lax.fori_loop(0, N_SUB, sub, state)

  state = lax.fori_loop(0, N_DMA, dma_step, state0)

  def nyq_merge(st):
    pltpu.sync_copy(re_hbm.at[0, pl.ds(VALID_COLS, VEC)], stg_re)
    pltpu.sync_copy(im_hbm.at[0, pl.ds(VALID_COLS, VEC)], stg_im)
    rr = stg_re[...]
    ii = stg_im[...]
    vm = jnp.where(lane == 0, rr * rr + ii * ii, jnp.float32(-1.0))
    vi = jnp.full((VEC,), NHALF, jnp.int32)
    pm, pi, pre, pim, _t = st
    return _merge_pool(vm, vi, rr, ii, pm, pi, pre, pim, lane)

  state = lax.cond(wid == 0, nyq_merge, lambda s: s, state)
  poolm, pooli, poolre, poolim, _t = state

  stg_m[...] = poolm
  stg_i[...] = pooli
  stg_re[...] = poolre
  stg_im[...] = poolim
  pltpu.sync_copy(stg_m, outm.at[pl.ds(wid * VEC, VEC)])
  pltpu.sync_copy(stg_i, outi.at[pl.ds(wid * VEC, VEC)])
  pltpu.sync_copy(stg_re, outre.at[pl.ds(wid * VEC, VEC)])
  pltpu.sync_copy(stg_im, outim.at[pl.ds(wid * VEC, VEC)])


@functools.cache
def _sc_topk():
  return pl.kernel(
      _sc_topk_body,
      out_type=[
          jax.ShapeDtypeStruct((NW * VEC,), jnp.float32),
          jax.ShapeDtypeStruct((NW * VEC,), jnp.int32),
          jax.ShapeDtypeStruct((NW * VEC,), jnp.float32),
          jax.ShapeDtypeStruct((NW * VEC,), jnp.float32),
      ],
      mesh=plsc.VectorSubcoreMesh(core_axis_name="c", subcore_axis_name="s"),
      compiler_params=pltpu.CompilerParams(needs_layout_passes=False,
                                           use_tc_tiling_on_sc=False),
      scratch_types=[
          pltpu.VMEM((R_CHUNK, VALID_COLS), jnp.float32),
          pltpu.VMEM((R_CHUNK, VALID_COLS), jnp.float32),
          pltpu.VMEM((VEC,), jnp.float32),
          pltpu.VMEM((VEC,), jnp.int32),
          pltpu.VMEM((VEC,), jnp.float32),
          pltpu.VMEM((VEC,), jnp.float32),
      ],
  )


ROWS = 8192
COLS = 1024
BLK_R = 256
GRID = ROWS // BLK_R
NREF = 16


def _refine_body(candm_ref, candi_ref, x_ref, outre_ref, outim_ref, outj_ref,
                 e2ct, e2st, accre, accim, jk_smem):
  i = pl.program_id(0)

  @pl.when(i == 0)
  def _init():
    m = candm_ref[...]
    ci = candi_ref[...]
    fi = (lax.broadcasted_iota(jnp.int32, m.shape, 0) * m.shape[1]
          + lax.broadcasted_iota(jnp.int32, m.shape, 1))
    avail = fi >= 0
    for k in range(NREF):
      cur = jnp.where(avail, m, jnp.float32(-3.0))
      mk = jnp.max(cur)
      pick = jnp.min(jnp.where(cur == mk, fi, jnp.int32(1 << 30)))
      sel = fi == pick
      jk_smem[k] = jnp.sum(jnp.where(sel, ci, 0))
      avail = jnp.logical_and(avail, jnp.logical_not(sel))
    jv = jnp.concatenate(
        [lax.broadcast_in_dim(jk_smem[k], (1, 1), ()) for k in range(NREF)],
        axis=1)
    n2c = lax.broadcasted_iota(jnp.int32, (COLS, 1), 0)
    m2 = (jv * n2c) & PHASE_MASK
    th2 = m2.astype(jnp.float32) * jnp.float32(TWO_PI_OVER_N)
    e2ct[...] = jnp.cos(th2)
    e2st[...] = jnp.sin(th2)
    accre[...] = jnp.zeros((1, NREF), jnp.float32)
    accim[...] = jnp.zeros((1, NREF), jnp.float32)

  jv = jnp.concatenate(
      [lax.broadcast_in_dim(jk_smem[k], (1, 1), ()) for k in range(NREF)],
      axis=1)
  xb = x_ref[...]
  xs = _split(xb)
  p = _dot3s(xs, _split(e2ct[...]))
  q = _dot3s(xs, _split(e2st[...]))
  n1k = (i * BLK_R + lax.broadcasted_iota(jnp.int32, (BLK_R, 1), 0)) * COLS
  m1 = (jv * n1k) & PHASE_MASK
  th1 = m1.astype(jnp.float32) * jnp.float32(TWO_PI_OVER_N)
  c1 = jnp.cos(th1)
  s1 = jnp.sin(th1)
  accre[...] = accre[...] + jnp.sum(c1 * p - s1 * q, axis=0, keepdims=True)
  accim[...] = accim[...] - jnp.sum(s1 * p + c1 * q, axis=0, keepdims=True)

  @pl.when(i == GRID - 1)
  def _fin():
    outre_ref[...] = accre[...]
    outim_ref[...] = accim[...]
    outj_ref[...] = jv


def _refine(candm, candi, x2):
  cand_spec = pl.BlockSpec((4, 128), lambda i: (0, 0))
  out_spec = pl.BlockSpec((1, NREF), lambda i: (0, 0))
  return pl.pallas_call(
      _refine_body,
      grid=(GRID,),
      in_specs=[cand_spec, cand_spec,
                pl.BlockSpec((BLK_R, COLS), lambda i: (i, 0))],
      out_specs=[out_spec, out_spec, out_spec],
      out_shape=[jax.ShapeDtypeStruct((1, NREF), jnp.float32),
                 jax.ShapeDtypeStruct((1, NREF), jnp.float32),
                 jax.ShapeDtypeStruct((1, NREF), jnp.int32)],
      scratch_shapes=[pltpu.VMEM((COLS, NREF), jnp.float32),
                      pltpu.VMEM((COLS, NREF), jnp.float32),
                      pltpu.VMEM((1, NREF), jnp.float32),
                      pltpu.VMEM((1, NREF), jnp.float32),
                      pltpu.SMEM((NREF,), jnp.int32)],
  )(candm, candi, x2)


def _tc_synth_body(candre_ref, candim_ref, candj_ref, x_ref,
                   season_ref, trend_ref, uv_ref, jk_smem):
  i = pl.program_id(0)

  @pl.when(i == 0)
  def _init():
    cre = candre_ref[...]
    cim = candim_ref[...]
    ci = candj_ref[...]
    m = cre * cre + cim * cim
    fi = (lax.broadcasted_iota(jnp.int32, m.shape, 0) * m.shape[1]
          + lax.broadcasted_iota(jnp.int32, m.shape, 1))
    avail = fi >= 0
    vals = []
    for _ in range(5):
      cur = jnp.where(avail, m, jnp.float32(-3.0))
      mk = jnp.max(cur)
      pick = jnp.min(jnp.where(cur == mk, fi, jnp.int32(1 << 30)))
      sel = fi == pick
      jk = jnp.sum(jnp.where(sel, ci, 0))
      rek = jnp.sum(jnp.where(sel, cre, jnp.float32(0.0)))
      imk = jnp.sum(jnp.where(sel, cim, jnp.float32(0.0)))
      avail = jnp.logical_and(avail, jnp.logical_not(sel))
      vals.append((mk, jk, rek, imk))
    thresh2 = vals[4][0]
    n2 = lax.broadcasted_iota(jnp.int32, (1, COLS), 1)
    zero_row = jnp.zeros((1, COLS), jnp.float32)
    for k in range(5):
      mk, jk, rek, imk = vals[k]
      alive = mk > thresh2
      is_nyq = jk == NHALF
      w = (jnp.where(is_nyq, jnp.float32(1.0), jnp.float32(2.0))
           * jnp.float32(1.0 / N))
      a = jnp.where(alive, w * rek, jnp.float32(0.0))
      b = jnp.where(jnp.logical_and(alive, jnp.logical_not(is_nyq)),
                    -w * imk, jnp.float32(0.0))
      m2 = (jk * n2) & PHASE_MASK
      th2 = m2.astype(jnp.float32) * jnp.float32(TWO_PI_OVER_N)
      c2 = jnp.cos(th2)
      s2 = jnp.sin(th2)
      uv_ref[pl.ds(k, 1), :] = a * c2 + b * s2
      uv_ref[pl.ds(8 + k, 1), :] = b * c2 - a * s2
      jk_smem[k] = jk
    for k in range(5, 8):
      uv_ref[pl.ds(k, 1), :] = zero_row
      uv_ref[pl.ds(8 + k, 1), :] = zero_row
      jk_smem[k] = 0

  n1k = (i * BLK_R + lax.broadcasted_iota(jnp.int32, (BLK_R, 1), 0)) * COLS
  jvec = jnp.concatenate(
      [lax.broadcast_in_dim(jk_smem[k], (1, 1), ()) for k in range(8)], axis=1)
  m1 = (jvec * n1k) & PHASE_MASK
  th1 = m1.astype(jnp.float32) * jnp.float32(TWO_PI_OVER_N)
  cs1 = jnp.concatenate([jnp.cos(th1), jnp.sin(th1)], axis=1)
  season = jnp.dot(cs1, uv_ref[...],
                   preferred_element_type=jnp.float32, precision=PREC)
  season_ref[...] = season
  trend_ref[...] = x_ref[...] - season


def _tc_synth(candre, candim, candj, x2):
  cand_spec = pl.BlockSpec((1, NREF), lambda i: (0, 0))
  return pl.pallas_call(
      _tc_synth_body,
      grid=(GRID,),
      in_specs=[cand_spec, cand_spec, cand_spec,
                pl.BlockSpec((BLK_R, COLS), lambda i: (i, 0))],
      out_specs=[pl.BlockSpec((BLK_R, COLS), lambda i: (i, 0)),
                 pl.BlockSpec((BLK_R, COLS), lambda i: (i, 0))],
      out_shape=[jax.ShapeDtypeStruct((ROWS, COLS), jnp.float32),
                 jax.ShapeDtypeStruct((ROWS, COLS), jnp.float32)],
      scratch_shapes=[pltpu.VMEM((16, COLS), jnp.float32),
                      pltpu.SMEM((8,), jnp.int32)],
  )(candre, candim, candj, x2)


def kernel(x):
  ore, oim = _fft(x)
  candm, candi, _candre, _candim = _sc_topk()(ore, oim)
  x2 = x.reshape(ROWS, COLS)
  refre, refim, refj = _refine(candm.reshape(4, 128), candi.reshape(4, 128), x2)
  season, trend = _tc_synth(refre, refim, refj, x2)
  return season.reshape(-1), trend.reshape(-1)

# --- scband reference (transcript-rebuilt; emitter-appended) ---
"""Pipeline reference for scband-dft-series-decomp-3719441678986 (READ-ONLY COPY).

The authoritative reference and input builder live on the scoring server;
editing this copy changes nothing except your own understanding.
"""

import jax, jax.numpy as jnp
import numpy as np

N = 8388608  # 2^23, even length so irfft reconstructs exactly N samples

def setup_inputs(seed: int = 0) -> dict:
    key = jax.random.key(seed)
    x = jax.random.normal(key, (N,), dtype=jnp.float32)
    return {"x": x}

def reference(x):
    # torch.fft.rfft(x)
    xf = jnp.fft.rfft(x)
    # freq = abs(xf)
    freq = jnp.abs(xf)
    # freq[0] = 0  (zero the DC magnitude)
    freq = freq.at[0].set(0.0)
    # top_k_freq, top_list = torch.topk(freq, 5)  (k hardcoded to 5 in original forward)
    top_k_freq, top_list = jax.lax.top_k(freq, 5)
    # xf[freq <= top_k_freq.min()] = 0
    thresh = jnp.min(top_k_freq)
    xf = jnp.where(freq <= thresh, jnp.zeros_like(xf), xf)
    # x_season = torch.fft.irfft(xf)
    x_season = jnp.fft.irfft(xf)
    x_trend = x - x_season
    return (x_season, x_trend)

if __name__ == "__main__":
    import jax
    _d = setup_inputs()
    print(jax.jit(kernel)(*tuple(_d.values())))

</pallas_src>

<mosaic_0001>
#map = affine_map<(d0, d1) -> (0, 0)>
#map1 = affine_map<(d0, d1) -> (0)>
module attributes {stable_mosaic.version = 14 : i64} {
  func.func @_sc_topk_body(%arg0: i32, %arg1: i32, %arg2: memref<65536x128xf32, #tpu.memory_space<hbm>>, %arg3: memref<65536x128xf32, #tpu.memory_space<hbm>>, %arg4: memref<512xf32, #tpu.memory_space<hbm>>, %arg5: memref<512xi32, #tpu.memory_space<hbm>>, %arg6: memref<512xf32, #tpu.memory_space<hbm>>, %arg7: memref<512xf32, #tpu.memory_space<hbm>>, %arg8: memref<128x64xf32, #tpu.memory_space<vmem>>, %arg9: memref<128x64xf32, #tpu.memory_space<vmem>>, %arg10: memref<16xf32, #tpu.memory_space<vmem>>, %arg11: memref<16xi32, #tpu.memory_space<vmem>>, %arg12: memref<16xf32, #tpu.memory_space<vmem>>, %arg13: memref<16xf32, #tpu.memory_space<vmem>>) attributes {dimension_semantics = [#tpu.dimension_semantics<core_parallel>, #tpu.dimension_semantics<subcore_parallel>], iteration_bounds = array<i64: 2, 16>, scalar_prefetch = 0 : i64, scratch_operands = 6 : i64, tpu.core_type = #tpu.core_type<sc_vector_subcore>, window_params = [{transform_indices = #map}, {transform_indices = #map}, {transform_indices = #map1}, {transform_indices = #map1}, {transform_indices = #map1}, {transform_indices = #map1}]} {
    %mul3A = arith.constant 2 : i32
    %mul3A_0 = arith.muli %arg1, %mul3A : i32
    %add3A = arith.addi %mul3A_0, %arg0 : i32
    %mul3A_1 = arith.constant 2048 : i32
    %mul3A_2 = arith.muli %add3A, %mul3A_1 : i32
    %iota3A = tpu.iota {dimensions = array<i32: 0>} : vector<16xi32>
    %shift_left3A = arith.constant 16 : i32
    %shift_left3A_3 = vector.broadcast %shift_left3A : i32 to vector<16xi32>
    %shift_left3A_4 = arith.shli %iota3A, %shift_left3A_3 : vector<16xi32>
    %broadcast_in_dim3A = arith.constant -1.000000e+00 : f32
    %broadcast_in_dim3A_5 = vector.broadcast %broadcast_in_dim3A : f32 to vector<16xf32>
    %broadcast_in_dim3A_6 = arith.constant 0 : i32
    %broadcast_in_dim3A_7 = vector.broadcast %broadcast_in_dim3A_6 : i32 to vector<16xi32>
    %broadcast_in_dim3A_8 = arith.constant 0.000000e+00 : f32
    %broadcast_in_dim3A_9 = vector.broadcast %broadcast_in_dim3A_8 : f32 to vector<16xf32>
    %broadcast_in_dim3A_10 = arith.constant 0.000000e+00 : f32
    %broadcast_in_dim3A_11 = vector.broadcast %broadcast_in_dim3A_10 : f32 to vector<16xf32>
    %scan3A = arith.constant -1.000000e+00 : f32
    %scan3A_12 = arith.constant 0 : i32
    %scan3A_13 = arith.constant 16 : i32
    %scan3A_14 = arith.addi %scan3A_12, %scan3A_13 : i32
    %scan3A_15 = arith.constant 1 : i32
    %scan3A_16:5 = scf.for %scan3A_36 = %scan3A_12 to %scan3A_14 step %scan3A_15 iter_args(%scan3A_37 = %broadcast_in_dim3A_5, %scan3A_38 = %broadcast_in_dim3A_7, %scan3A_39 = %broadcast_in_dim3A_9, %scan3A_40 = %broadcast_in_dim3A_11, %scan3A_41 = %scan3A) -> (vector<16xf32>, vector<16xi32>, vector<16xf32>, vector<16xf32>, f32)  : i32 {
      %mul3A_42 = arith.constant 128 : i32
      %mul3A_43 = arith.muli %scan3A_36, %mul3A_42 : i32
      %add3A_44 = arith.addi %mul3A_2, %mul3A_43 : i32
      "tpu.region"() ({
        %run_scoped3A = tpu.sem_alloc : memref<!tpu.dma_semaphore, #tpu.memory_space<semaphore_mem>>
        %dma_start3A = arith.constant 0 : i32
        %dma_start3A_58 = tpu.memref_slice %arg2[%add3A_44, %dma_start3A] : memref<65536x128xf32, #tpu.memory_space<hbm>> -> memref<128x64xf32, #tpu.memory_space<hbm>>
        %dma_start3A_59 = arith.constant 0 : i32
        %dma_start3A_60 = tpu.memref_slice %arg2[%add3A_44, %dma_start3A_59] : memref<65536x128xf32, #tpu.memory_space<hbm>> -> memref<128x64xf32, #tpu.memory_space<hbm>>
        tpu.enqueue_dma source(%dma_start3A_60 : memref<128x64xf32, #tpu.memory_space<hbm>>) target(%arg8 : memref<128x64xf32, #tpu.memory_space<vmem>>) target_semaphore(%run_scoped3A : memref<!tpu.dma_semaphore, #tpu.memory_space<semaphore_mem>>)
        %dma_wait3A = arith.constant 0 : i32
        %dma_wait3A_61 = tpu.memref_slice %arg2[%add3A_44, %dma_wait3A] : memref<65536x128xf32, #tpu.memory_space<hbm>> -> memref<128x64xf32, #tpu.memory_space<hbm>>
        %dma_wait3A_62 = arith.constant 0 : i32
        %dma_wait3A_63 = tpu.memref_slice %arg2[%add3A_44, %dma_wait3A_62] : memref<65536x128xf32, #tpu.memory_space<hbm>> -> memref<128x64xf32, #tpu.memory_space<hbm>>
        tpu.wait_dma2 semaphore(%run_scoped3A : memref<!tpu.dma_semaphore, #tpu.memory_space<semaphore_mem>>) src(%dma_wait3A_63 : memref<128x64xf32, #tpu.memory_space<hbm>>) dst(%arg8 : memref<128x64xf32, #tpu.memory_space<vmem>>)
        tpu.yield
      }) : () -> ()
      "tpu.region"() ({
        %run_scoped3A = tpu.sem_alloc : memref<!tpu.dma_semaphore, #tpu.memory_space<semaphore_mem>>
        %dma_start3A = arith.constant 0 : i32
        %dma_start3A_58 = tpu.memref_slice %arg3[%add3A_44, %dma_start3A] : memref<65536x128xf32, #tpu.memory_space<hbm>> -> memref<128x64xf32, #tpu.memory_space<hbm>>
        %dma_start3A_59 = arith.constant 0 : i32
        %dma_start3A_60 = tpu.memref_slice %arg3[%add3A_44, %dma_start3A_59] : memref<65536x128xf32, #tpu.memory_space<hbm>> -> memref<128x64xf32, #tpu.memory_space<hbm>>
        tpu.enqueue_dma source(%dma_start3A_60 : memref<128x64xf32, #tpu.memory_space<hbm>>) target(%arg9 : memref<128x64xf32, #tpu.memory_space<vmem>>) target_semaphore(%run_scoped3A : memref<!tpu.dma_semaphore, #tpu.memory_space<semaphore_mem>>)
        %dma_wait3A = arith.constant 0 : i32
        %dma_wait3A_61 = tpu.memref_slice %arg3[%add3A_44, %dma_wait3A] : memref<65536x128xf32, #tpu.memory_space<hbm>> -> memref<128x64xf32, #tpu.memory_space<hbm>>
        %dma_wait3A_62 = arith.constant 0 : i32
        %dma_wait3A_63 = tpu.memref_slice %arg3[%add3A_44, %dma_wait3A_62] : memref<65536x128xf32, #tpu.memory_space<hbm>> -> memref<128x64xf32, #tpu.memory_space<hbm>>
        tpu.wait_dma2 semaphore(%run_scoped3A : memref<!tpu.dma_semaphore, #tpu.memory_space<semaphore_mem>>) src(%dma_wait3A_63 : memref<128x64xf32, #tpu.memory_space<hbm>>) dst(%arg9 : memref<128x64xf32, #tpu.memory_space<vmem>>)
        tpu.yield
      }) : () -> ()
      %eq3A_45 = arith.constant 0 : i32
      %eq3A_46 = arith.cmpi eq, %add3A, %eq3A_45 : i32
      %eq3A_47 = arith.constant 0 : i32
      %eq3A_48 = arith.cmpi eq, %scan3A_36, %eq3A_47 : i32
      %and3A = arith.andi %eq3A_46, %eq3A_48 : i1
      %convert_element_type3A_49 = arith.extui %and3A : i1 to i32
      %cond3A_50 = arith.constant 0 : i32
      %cond3A_51 = arith.cmpi ne, %convert_element_type3A_49, %cond3A_50 : i32
      scf.if %cond3A_51 {
        %get3A = arith.constant 0 : i32
        %get3A_58 = arith.index_cast %get3A : i32 to index
        %get3A_59 = arith.constant 0 : index
        %get3A_60 = tpu.vector_load %arg8[%get3A_58, %get3A_59] {strides = array<i32>} : memref<128x64xf32, #tpu.memory_space<vmem>>, vector<16xf32>,
        %get3A_61 = arith.constant 0 : i32
        %get3A_62 = arith.index_cast %get3A_61 : i32 to index
        %get3A_63 = arith.constant 0 : index
        %get3A_64 = tpu.vector_load %arg9[%get3A_62, %get3A_63] {strides = array<i32>} : memref<128x64xf32, #tpu.memory_space<vmem>>, vector<16xf32>,
        %eq3A_65 = arith.constant 0 : i32
        %eq3A_66 = vector.broadcast %eq3A_65 : i32 to vector<16xi32>
        %eq3A_67 = arith.cmpi eq, %iota3A, %eq3A_66 : vector<16xi32>
        %jit3A = arith.constant 0.000000e+00 : f32
        %broadcast_in_dim3A_68 = vector.broadcast %jit3A : f32 to vector<16xf32>
        %select_n3A = arith.select %eq3A_67, %broadcast_in_dim3A_68, %get3A_60 : vector<16xi1>, vector<16xf32>
        %swap3A_69 = arith.constant 0 : i32
        %swap3A_70 = arith.index_cast %swap3A_69 : i32 to index
        %swap3A_71 = arith.constant 0 : index
        %swap3A_72 = tpu.vector_load %arg8[%swap3A_70, %swap3A_71] {strides = array<i32>} : memref<128x64xf32, #tpu.memory_space<vmem>>, vector<16xf32>,
        tpu.vector_store %arg8[%swap3A_70, %swap3A_71], %select_n3A {strides = array<i32>} : memref<128x64xf32, #tpu.memory_space<vmem>>, vector<16xf32>,
        %eq3A_73 = arith.constant 0 : i32
        %eq3A_74 = vector.broadcast %eq3A_73 : i32 to vector<16xi32>
        %eq3A_75 = arith.cmpi eq, %iota3A, %eq3A_74 : vector<16xi32>
        %jit3A_76 = arith.constant 0.000000e+00 : f32
        %broadcast_in_dim3A_77 = vector.broadcast %jit3A_76 : f32 to vector<16xf32>
        %select_n3A_78 = arith.select %eq3A_75, %broadcast_in_dim3A_77, %get3A_64 : vector<16xi1>, vector<16xf32>
        %swap3A_79 = arith.constant 0 : i32
        %swap3A_80 = arith.index_cast %swap3A_79 : i32 to index
        %swap3A_81 = arith.constant 0 : index
        %swap3A_82 = tpu.vector_load %arg9[%swap3A_80, %swap3A_81] {strides = array<i32>} : memref<128x64xf32, #tpu.memory_space<vmem>>, vector<16xf32>,
        tpu.vector_store %arg9[%swap3A_80, %swap3A_81], %select_n3A_78 {strides = array<i32>} : memref<128x64xf32, #tpu.memory_space<vmem>>, vector<16xf32>,
      } else {
      }
      %scan3A_52 = arith.constant 0 : i32
      %scan3A_53 = arith.constant 16 : i32
      %scan3A_54 = arith.addi %scan3A_52, %scan3A_53 : i32
      %scan3A_55 = arith.constant 1 : i32
      %scan3A_56:5 = scf.for %scan3A_58 = %scan3A_52 to %scan3A_54 step %scan3A_55 iter_args(%scan3A_59 = %scan3A_37, %scan3A_60 = %scan3A_38, %scan3A_61 = %scan3A_39, %scan3A_62 = %scan3A_40, %scan3A_63 = %scan3A_41) -> (vector<16xf32>, vector<16xi32>, vector<16xf32>, vector<16xf32>, f32)  : i32 {
        %mul3A_64 = arith.constant 8 : i32
        %mul3A_65 = arith.muli %scan3A_58, %mul3A_64 : i32
        %broadcast_in_dim3A_66 = arith.constant -2.000000e+00 : f32
        %broadcast_in_dim3A_67 = vector.broadcast %broadcast_in_dim3A_66 : f32 to vector<16xf32>
        %scan3A_68 = arith.constant 0 : i32
        %scan3A_69 = arith.constant 32 : i32
        %scan3A_70 = arith.addi %scan3A_68, %scan3A_69 : i32
        %scan3A_71 = arith.constant 1 : i32
        %scan3A_72 = scf.for %scan3A_81 = %scan3A_68 to %scan3A_70 step %scan3A_71 iter_args(%scan3A_82 = %broadcast_in_dim3A_67) -> (vector<16xf32>)  : i32 {
          %shift_right_arithmetic3A = arith.constant 2 : i32
          %shift_right_arithmetic3A_83 = arith.shrsi %scan3A_81, %shift_right_arithmetic3A : i32
          %add3A_84 = arith.addi %mul3A_65, %shift_right_arithmetic3A_83 : i32
          %and3A_85 = arith.constant 3 : i32
          %and3A_86 = arith.andi %scan3A_81, %and3A_85 : i32
          %mul3A_87 = arith.constant 16 : i32
          %mul3A_88 = arith.muli %and3A_86, %mul3A_87 : i32
          %get3A = arith.index_cast %add3A_84 : i32 to index
          %get3A_89 = arith.index_cast %mul3A_88 : i32 to index
          %get3A_90 = tpu.vector_load %arg8[%get3A, %get3A_89] {strides = array<i32>} : memref<128x64xf32, #tpu.memory_space<vmem>>, vector<16xf32>,
          %get3A_91 = arith.index_cast %add3A_84 : i32 to index
          %get3A_92 = arith.index_cast %mul3A_88 : i32 to index
          %get3A_93 = tpu.vector_load %arg9[%get3A_91, %get3A_92] {strides = array<i32>} : memref<128x64xf32, #tpu.memory_space<vmem>>, vector<16xf32>,
          %mul3A_94 = arith.mulf %get3A_90, %get3A_90 : vector<16xf32>
          %mul3A_95 = arith.mulf %get3A_93, %get3A_93 : vector<16xf32>
          %add3A_96 = arith.addf %mul3A_94, %mul3A_95 : vector<16xf32>
          %max3A = arith.maximumf %scan3A_82, %add3A_96 : vector<16xf32>
          scf.yield %max3A : vector<16xf32>
        }
        %scan3A_73 = arith.constant 32 : i32
        %reduce_max3A = arith.constant true
        %reduce_max3A_74 = vector.broadcast %reduce_max3A : i1 to vector<16xi1>
        %reduce_max3A_75 = tpu.scan <max>, %scan3A_72 masked %reduce_max3A_74 : vector<16xf32>, vector<16xi1> -> vector<16xf32>
        %reduce_max3A_76 = vector.extract %reduce_max3A_75[15] : f32 from vector<16xf32>
        %gt3A = arith.cmpf ogt, %reduce_max3A_76, %scan3A_63 : f32
        %convert_element_type3A_77 = arith.extui %gt3A : i1 to i32
        %cond3A_78 = arith.constant 0 : i32
        %cond3A_79 = arith.cmpi ne, %convert_element_type3A_77, %cond3A_78 : i32
        %cond3A_80:5 = scf.if %cond3A_79 -> (vector<16xf32>, vector<16xi32>, vector<16xf32>, vector<16xf32>, f32) {
          %scan3A_81 = arith.constant 0 : i32
          %scan3A_82 = arith.constant 32 : i32
          %scan3A_83 = arith.addi %scan3A_81, %scan3A_82 : i32
          %scan3A_84 = arith.constant 1 : i32
          %scan3A_85:5 = scf.for %scan3A_87 = %scan3A_81 to %scan3A_83 step %scan3A_84 iter_args(%scan3A_88 = %scan3A_59, %scan3A_89 = %scan3A_60, %scan3A_90 = %scan3A_61, %scan3A_91 = %scan3A_62, %scan3A_92 = %scan3A_63) -> (vector<16xf32>, vector<16xi32>, vector<16xf32>, vector<16xf32>, f32)  : i32 {
            %shift_right_arithmetic3A = arith.constant 2 : i32
            %shift_right_arithmetic3A_93 = arith.shrsi %scan3A_87, %shift_right_arithmetic3A : i32
            %add3A_94 = arith.addi %mul3A_65, %shift_right_arithmetic3A_93 : i32
            %and3A_95 = arith.constant 3 : i32
            %and3A_96 = arith.andi %scan3A_87, %and3A_95 : i32
            %mul3A_97 = arith.constant 16 : i32
            %mul3A_98 = arith.muli %and3A_96, %mul3A_97 : i32
            %get3A = arith.index_cast %add3A_94 : i32 to index
            %get3A_99 = arith.index_cast %mul3A_98 : i32 to index
            %get3A_100 = tpu.vector_load %arg8[%get3A, %get3A_99] {strides = array<i32>} : memref<128x64xf32, #tpu.memory_space<vmem>>, vector<16xf32>,
            %get3A_101 = arith.index_cast %add3A_94 : i32 to index
            %get3A_102 = arith.index_cast %mul3A_98 : i32 to index
            %get3A_103 = tpu.vector_load %arg9[%get3A_101, %get3A_102] {strides = array<i32>} : memref<128x64xf32, #tpu.memory_space<vmem>>, vector<16xf32>,
            %mul3A_104 = arith.mulf %get3A_100, %get3A_100 : vector<16xf32>
            %mul3A_105 = arith.mulf %get3A_103, %get3A_103 : vector<16xf32>
            %add3A_106 = arith.addf %mul3A_104, %mul3A_105 : vector<16xf32>
            %reduce_max3A_107 = arith.constant true
            %reduce_max3A_108 = vector.broadcast %reduce_max3A_107 : i1 to vector<16xi1>
            %reduce_max3A_109 = tpu.scan <max>, %add3A_106 masked %reduce_max3A_108 : vector<16xf32>, vector<16xi1> -> vector<16xf32>
            %reduce_max3A_110 = vector.extract %reduce_max3A_109[15] : f32 from vector<16xf32>
            %gt3A_111 = arith.cmpf ogt, %reduce_max3A_110, %scan3A_92 : f32
            %convert_element_type3A_112 = arith.extui %gt3A_111 : i1 to i32
            %cond3A_113 = arith.constant 0 : i32
            %cond3A_114 = arith.cmpi ne, %convert_element_type3A_112, %cond3A_113 : i32
            %cond3A_115:5 = scf.if %cond3A_114 -> (vector<16xf32>, vector<16xi32>, vector<16xf32>, vector<16xf32>, f32) {
              %add3A_116 = arith.addi %add3A_44, %add3A_94 : i32
              %shift_right_arithmetic3A_117 = arith.constant 8 : i32
              %shift_right_arithmetic3A_118 = arith.shrsi %add3A_116, %shift_right_arithmetic3A_117 : i32
              %and3A_119 = arith.constant 255 : i32
              %and3A_120 = arith.andi %add3A_116, %and3A_119 : i32
              %shift_left3A_121 = arith.constant 8 : i32
              %shift_left3A_122 = arith.shli %and3A_120, %shift_left3A_121 : i32
              %add3A_123 = arith.addi %shift_right_arithmetic3A_118, %shift_left3A_122 : i32
              %shift_left3A_124 = arith.constant 16 : i32
              %shift_left3A_125 = arith.shli %mul3A_98, %shift_left3A_124 : i32
              %add3A_126 = arith.addi %add3A_123, %shift_left3A_125 : i32
              %add3A_127 = vector.broadcast %add3A_126 : i32 to vector<16xi32>
              %add3A_128 = arith.addi %shift_left3A_4, %add3A_127 : vector<16xi32>
              %neg3A = arith.constant 0.000000e+00 : f32
              %neg3A_129 = vector.broadcast %neg3A : f32 to vector<16xf32>
              %neg3A_130 = arith.subf %neg3A_129, %add3A_106 : vector<16xf32>
              %sort3A = arith.constant dense<true> : vector<16xi1>
              %sort3A_131, %sort3A_132, %sort3A_133 = tpu.sort %neg3A_130, %add3A_128 masked %sort3A : (vector<16xf32>, vector<16xi32>, vector<16xi1>) -> (vector<16xi1>, vector<16xf32>, vector<16xi32>)
              %sort3A_134, %sort3A_135, %sort3A_136 = tpu.sort %neg3A_130, %get3A_100 masked %sort3A : (vector<16xf32>, vector<16xf32>, vector<16xi1>) -> (vector<16xi1>, vector<16xf32>, vector<16xf32>)
              %sort3A_137, %sort3A_138, %sort3A_139 = tpu.sort %neg3A_130, %get3A_103 masked %sort3A : (vector<16xf32>, vector<16xf32>, vector<16xi1>) -> (vector<16xi1>, vector<16xf32>, vector<16xf32>)
              %neg3A_140 = arith.constant 0.000000e+00 : f32
              %neg3A_141 = vector.broadcast %neg3A_140 : f32 to vector<16xf32>
              %neg3A_142 = arith.subf %neg3A_141, %sort3A_132 : vector<16xf32>
              %lt3A = arith.constant 8 : i32
              %lt3A_143 = vector.broadcast %lt3A : i32 to vector<16xi32>
              %lt3A_144 = arith.cmpi slt, %iota3A, %lt3A_143 : vector<16xi32>
              %rev3A = arith.constant 15 : i32
              %rev3A_145 = vector.broadcast %rev3A : i32 to vector<16xi32>
              %rev3A_146 = tpu.iota {dimensions = array<i32: 0>} : vector<16xi32>
              %rev3A_147 = arith.subi %rev3A_145, %rev3A_146 : vector<16xi32>
              %rev3A_148 = tpu.dynamic_gather %neg3A_142[%rev3A_147] in [0] : vector<16xf32>, vector<16xi32> -> vector<16xf32>
              %select_n3A = arith.select %lt3A_144, %scan3A_88, %rev3A_148 : vector<16xi1>, vector<16xf32>
              %rev3A_149 = arith.constant 15 : i32
              %rev3A_150 = vector.broadcast %rev3A_149 : i32 to vector<16xi32>
              %rev3A_151 = tpu.iota {dimensions = array<i32: 0>} : vector<16xi32>
              %rev3A_152 = arith.subi %rev3A_150, %rev3A_151 : vector<16xi32>
              %rev3A_153 = tpu.dynamic_gather %sort3A_133[%rev3A_152] in [0] : vector<16xi32>, vector<16xi32> -> vector<16xi32>
              %select_n3A_154 = arith.select %lt3A_144, %scan3A_89, %rev3A_153 : vector<16xi1>, vector<16xi32>
              %rev3A_155 = arith.constant 15 : i32
              %rev3A_156 = vector.broadcast %rev3A_155 : i32 to vector<16xi32>
              %rev3A_157 = tpu.iota {dimensions = array<i32: 0>} : vector<16xi32>
              %rev3A_158 = arith.subi %rev3A_156, %rev3A_157 : vector<16xi32>
              %rev3A_159 = tpu.dynamic_gather %sort3A_136[%rev3A_158] in [0] : vector<16xf32>, vector<16xi32> -> vector<16xf32>
              %select_n3A_160 = arith.select %lt3A_144, %scan3A_90, %rev3A_159 : vector<16xi1>, vector<16xf32>
              %rev3A_161 = arith.constant 15 : i32
              %rev3A_162 = vector.broadcast %rev3A_161 : i32 to vector<16xi32>
              %rev3A_163 = tpu.iota {dimensions = array<i32: 0>} : vector<16xi32>
              %rev3A_164 = arith.subi %rev3A_162, %rev3A_163 : vector<16xi32>
              %rev3A_165 = tpu.dynamic_gather %sort3A_139[%rev3A_164] in [0] : vector<16xf32>, vector<16xi32> -> vector<16xf32>
              %select_n3A_166 = arith.select %lt3A_144, %scan3A_91, %rev3A_165 : vector<16xi1>, vector<16xf32>
              %neg3A_167 = arith.constant 0.000000e+00 : f32
              %neg3A_168 = vector.broadcast %neg3A_167 : f32 to vector<16xf32>
              %neg3A_169 = arith.subf %neg3A_168, %select_n3A : vector<16xf32>
              %sort3A_170 = arith.constant dense<true> : vector<16xi1>
              %sort3A_171, %sort3A_172, %sort3A_173 = tpu.sort %neg3A_169, %select_n3A_154 masked %sort3A_170 : (vector<16xf32>, vector<16xi32>, vector<16xi1>) -> (vector<16xi1>, vector<16xf32>, vector<16xi32>)
              %sort3A_174, %sort3A_175, %sort3A_176 = tpu.sort %neg3A_169, %select_n3A_160 masked %sort3A_170 : (vector<16xf32>, vector<16xf32>, vector<16xi1>) -> (vector<16xi1>, vector<16xf32>, vector<16xf32>)
              %sort3A_177, %sort3A_178, %sort3A_179 = tpu.sort %neg3A_169, %select_n3A_166 masked %sort3A_170 : (vector<16xf32>, vector<16xf32>, vector<16xi1>) -> (vector<16xi1>, vector<16xf32>, vector<16xf32>)
              %neg3A_180 = arith.constant 0.000000e+00 : f32
              %neg3A_181 = vector.broadcast %neg3A_180 : f32 to vector<16xf32>
              %neg3A_182 = arith.subf %neg3A_181, %sort3A_172 : vector<16xf32>
              %lt3A_183 = arith.constant 5 : i32
              %lt3A_184 = vector.broadcast %lt3A_183 : i32 to vector<16xi32>
              %lt3A_185 = arith.cmpi slt, %iota3A, %lt3A_184 : vector<16xi32>
              %jit3A = arith.constant 3.000000e+38 : f32
              %broadcast_in_dim3A_186 = vector.broadcast %jit3A : f32 to vector<16xf32>
              %select_n3A_187 = arith.select %lt3A_185, %neg3A_182, %broadcast_in_dim3A_186 : vector<16xi1>, vector<16xf32>
              %reduce_min3A = arith.constant true
              %reduce_min3A_188 = vector.broadcast %reduce_min3A : i1 to vector<16xi1>
              %reduce_min3A_189 = tpu.scan <min>, %select_n3A_187 masked %reduce_min3A_188 : vector<16xf32>, vector<16xi1> -> vector<16xf32>
              %reduce_min3A_190 = vector.extract %reduce_min3A_189[15] : f32 from vector<16xf32>
              scf.yield %neg3A_182, %sort3A_173, %sort3A_176, %sort3A_179, %reduce_min3A_190 : vector<16xf32>, vector<16xi32>, vector<16xf32>, vector<16xf32>, f32
            } else {
              scf.yield %scan3A_88, %scan3A_89, %scan3A_90, %scan3A_91, %scan3A_92 : vector<16xf32>, vector<16xi32>, vector<16xf32>, vector<16xf32>, f32
            }
            scf.yield %cond3A_115#0, %cond3A_115#1, %cond3A_115#2, %cond3A_115#3, %cond3A_115#4 : vector<16xf32>, vector<16xi32>, vector<16xf32>, vector<16xf32>, f32
          }
          %scan3A_86 = arith.constant 32 : i32
          scf.yield %scan3A_85#0, %scan3A_85#1, %scan3A_85#2, %scan3A_85#3, %scan3A_85#4 : vector<16xf32>, vector<16xi32>, vector<16xf32>, vector<16xf32>, f32
        } else {
          scf.yield %scan3A_59, %scan3A_60, %scan3A_61, %scan3A_62, %scan3A_63 : vector<16xf32>, vector<16xi32>, vector<16xf32>, vector<16xf32>, f32
        }
        scf.yield %cond3A_80#0, %cond3A_80#1, %cond3A_80#2, %cond3A_80#3, %cond3A_80#4 : vector<16xf32>, vector<16xi32>, vector<16xf32>, vector<16xf32>, f32
      }
      %scan3A_57 = arith.constant 16 : i32
      scf.yield %scan3A_56#0, %scan3A_56#1, %scan3A_56#2, %scan3A_56#3, %scan3A_56#4 : vector<16xf32>, vector<16xi32>, vector<16xf32>, vector<16xf32>, f32
    }
    %scan3A_17 = arith.constant 16 : i32
    %eq3A = arith.constant 0 : i32
    %eq3A_18 = arith.cmpi eq, %add3A, %eq3A : i32
    %convert_element_type3A = arith.extui %eq3A_18 : i1 to i32
    %cond3A = arith.constant 0 : i32
    %cond3A_19 = arith.cmpi ne, %convert_element_type3A, %cond3A : i32
    %cond3A_20:5 = scf.if %cond3A_19 -> (vector<16xf32>, vector<16xi32>, vector<16xf32>, vector<16xf32>, f32) {
      %run_scoped3A = arith.constant 0 : i32
      "tpu.region"() ({
        %run_scoped3A_113 = tpu.sem_alloc : memref<!tpu.dma_semaphore, #tpu.memory_space<semaphore_mem>>
        %dma_start3A = arith.constant 64 : i32
        %dma_start3A_114 = tpu.memref_slice %arg2[%run_scoped3A, %dma_start3A] : memref<65536x128xf32, #tpu.memory_space<hbm>> -> memref<1x16xf32, #tpu.memory_space<hbm>>
        %dma_start3A_115 = tpu.memref_squeeze %dma_start3A_114 : memref<1x16xf32, #tpu.memory_space<hbm>> -> memref<16xf32, #tpu.memory_space<hbm>>
        %dma_start3A_116 = arith.constant 64 : i32
        %dma_start3A_117 = tpu.memref_slice %arg2[%run_scoped3A, %dma_start3A_116] : memref<65536x128xf32, #tpu.memory_space<hbm>> -> memref<1x16xf32, #tpu.memory_space<hbm>>
        %dma_start3A_118 = tpu.memref_squeeze %dma_start3A_117 : memref<1x16xf32, #tpu.memory_space<hbm>> -> memref<16xf32, #tpu.memory_space<hbm>>
        tpu.enqueue_dma source(%dma_start3A_118 : memref<16xf32, #tpu.memory_space<hbm>>) target(%arg12 : memref<16xf32, #tpu.memory_space<vmem>>) target_semaphore(%run_scoped3A_113 : memref<!tpu.dma_semaphore, #tpu.memory_space<semaphore_mem>>)
        %dma_wait3A = arith.constant 64 : i32
        %dma_wait3A_119 = tpu.memref_slice %arg2[%run_scoped3A, %dma_wait3A] : memref<65536x128xf32, #tpu.memory_space<hbm>> -> memref<1x16xf32, #tpu.memory_space<hbm>>
        %dma_wait3A_120 = tpu.memref_squeeze %dma_wait3A_119 : memref<1x16xf32, #tpu.memory_space<hbm>> -> memref<16xf32, #tpu.memory_space<hbm>>
        %dma_wait3A_121 = arith.constant 64 : i32
        %dma_wait3A_122 = tpu.memref_slice %arg2[%run_scoped3A, %dma_wait3A_121] : memref<65536x128xf32, #tpu.memory_space<hbm>> -> memref<1x16xf32, #tpu.memory_space<hbm>>
        %dma_wait3A_123 = tpu.memref_squeeze %dma_wait3A_122 : memref<1x16xf32, #tpu.memory_space<hbm>> -> memref<16xf32, #tpu.memory_space<hbm>>
        tpu.wait_dma2 semaphore(%run_scoped3A_113 : memref<!tpu.dma_semaphore, #tpu.memory_space<semaphore_mem>>) src(%dma_wait3A_123 : memref<16xf32, #tpu.memory_space<hbm>>) dst(%arg12 : memref<16xf32, #tpu.memory_space<vmem>>)
        tpu.yield
      }) : () -> ()
      %run_scoped3A_36 = arith.constant 0 : i32
      "tpu.region"() ({
        %run_scoped3A_113 = tpu.sem_alloc : memref<!tpu.dma_semaphore, #tpu.memory_space<semaphore_mem>>
        %dma_start3A = arith.constant 64 : i32
        %dma_start3A_114 = tpu.memref_slice %arg3[%run_scoped3A_36, %dma_start3A] : memref<65536x128xf32, #tpu.memory_space<hbm>> -> memref<1x16xf32, #tpu.memory_space<hbm>>
        %dma_start3A_115 = tpu.memref_squeeze %dma_start3A_114 : memref<1x16xf32, #tpu.memory_space<hbm>> -> memref<16xf32, #tpu.memory_space<hbm>>
        %dma_start3A_116 = arith.constant 64 : i32
        %dma_start3A_117 = tpu.memref_slice %arg3[%run_scoped3A_36, %dma_start3A_116] : memref<65536x128xf32, #tpu.memory_space<hbm>> -> memref<1x16xf32, #tpu.memory_space<hbm>>
        %dma_start3A_118 = tpu.memref_squeeze %dma_start3A_117 : memref<1x16xf32, #tpu.memory_space<hbm>> -> memref<16xf32, #tpu.memory_space<hbm>>
        tpu.enqueue_dma source(%dma_start3A_118 : memref<16xf32, #tpu.memory_space<hbm>>) target(%arg13 : memref<16xf32, #tpu.memory_space<vmem>>) target_semaphore(%run_scoped3A_113 : memref<!tpu.dma_semaphore, #tpu.memory_space<semaphore_mem>>)
        %dma_wait3A = arith.constant 64 : i32
        %dma_wait3A_119 = tpu.memref_slice %arg3[%run_scoped3A_36, %dma_wait3A] : memref<65536x128xf32, #tpu.memory_space<hbm>> -> memref<1x16xf32, #tpu.memory_space<hbm>>
        %dma_wait3A_120 = tpu.memref_squeeze %dma_wait3A_119 : memref<1x16xf32, #tpu.memory_space<hbm>> -> memref<16xf32, #tpu.memory_space<hbm>>
        %dma_wait3A_121 = arith.constant 64 : i32
        %dma_wait3A_122 = tpu.memref_slice %arg3[%run_scoped3A_36, %dma_wait3A_121] : memref<65536x128xf32, #tpu.memory_space<hbm>> -> memref<1x16xf32, #tpu.memory_space<hbm>>
        %dma_wait3A_123 = tpu.memref_squeeze %dma_wait3A_122 : memref<1x16xf32, #tpu.memory_space<hbm>> -> memref<16xf32, #tpu.memory_space<hbm>>
        tpu.wait_dma2 semaphore(%run_scoped3A_113 : memref<!tpu.dma_semaphore, #tpu.memory_space<semaphore_mem>>) src(%dma_wait3A_123 : memref<16xf32, #tpu.memory_space<hbm>>) dst(%arg13 : memref<16xf32, #tpu.memory_space<vmem>>)
        tpu.yield
      }) : () -> ()
      %get3A = arith.constant 0 : index
      %get3A_37 = tpu.vector_load %arg12[%get3A] {strides = array<i32>} : memref<16xf32, #tpu.memory_space<vmem>>, vector<16xf32>,
      %get3A_38 = arith.constant 0 : index
      %get3A_39 = tpu.vector_load %arg13[%get3A_38] {strides = array<i32>} : memref<16xf32, #tpu.memory_space<vmem>>, vector<16xf32>,
      %eq3A_40 = arith.constant 0 : i32
      %eq3A_41 = vector.broadcast %eq3A_40 : i32 to vector<16xi32>
      %eq3A_42 = arith.cmpi eq, %iota3A, %eq3A_41 : vector<16xi32>
      %mul3A_43 = arith.mulf %get3A_37, %get3A_37 : vector<16xf32>
      %mul3A_44 = arith.mulf %get3A_39, %get3A_39 : vector<16xf32>
      %add3A_45 = arith.addf %mul3A_43, %mul3A_44 : vector<16xf32>
      %jit3A = arith.constant -1.000000e+00 : f32
      %broadcast_in_dim3A_46 = vector.broadcast %jit3A : f32 to vector<16xf32>
      %select_n3A = arith.select %eq3A_42, %add3A_45, %broadcast_in_dim3A_46 : vector<16xi1>, vector<16xf32>
      %broadcast_in_dim3A_47 = arith.constant 4194304 : i32
      %broadcast_in_dim3A_48 = vector.broadcast %broadcast_in_dim3A_47 : i32 to vector<16xi32>
      %neg3A = arith.constant 0.000000e+00 : f32
      %neg3A_49 = vector.broadcast %neg3A : f32 to vector<16xf32>
      %neg3A_50 = arith.subf %neg3A_49, %select_n3A : vector<16xf32>
      %sort3A = arith.constant dense<true> : vector<16xi1>
      %sort3A_51, %sort3A_52, %sort3A_53 = tpu.sort %neg3A_50, %broadcast_in_dim3A_48 masked %sort3A : (vector<16xf32>, vector<16xi32>, vector<16xi1>) -> (vector<16xi1>, vector<16xf32>, vector<16xi32>)
      %sort3A_54, %sort3A_55, %sort3A_56 = tpu.sort %neg3A_50, %get3A_37 masked %sort3A : (vector<16xf32>, vector<16xf32>, vector<16xi1>) -> (vector<16xi1>, vector<16xf32>, vector<16xf32>)
      %sort3A_57, %sort3A_58, %sort3A_59 = tpu.sort %neg3A_50, %get3A_39 masked %sort3A : (vector<16xf32>, vector<16xf32>, vector<16xi1>) -> (vector<16xi1>, vector<16xf32>, vector<16xf32>)
      %neg3A_60 = arith.constant 0.000000e+00 : f32
      %neg3A_61 = vector.broadcast %neg3A_60 : f32 to vector<16xf32>
      %neg3A_62 = arith.subf %neg3A_61, %sort3A_52 : vector<16xf32>
      %lt3A = arith.constant 8 : i32
      %lt3A_63 = vector.broadcast %lt3A : i32 to vector<16xi32>
      %lt3A_64 = arith.cmpi slt, %iota3A, %lt3A_63 : vector<16xi32>
      %rev3A = arith.constant 15 : i32
      %rev3A_65 = vector.broadcast %rev3A : i32 to vector<16xi32>
      %rev3A_66 = tpu.iota {dimensions = array<i32: 0>} : vector<16xi32>
      %rev3A_67 = arith.subi %rev3A_65, %rev3A_66 : vector<16xi32>
      %rev3A_68 = tpu.dynamic_gather %neg3A_62[%rev3A_67] in [0] : vector<16xf32>, vector<16xi32> -> vector<16xf32>
      %select_n3A_69 = arith.select %lt3A_64, %scan3A_16#0, %rev3A_68 : vector<16xi1>, vector<16xf32>
      %rev3A_70 = arith.constant 15 : i32
      %rev3A_71 = vector.broadcast %rev3A_70 : i32 to vector<16xi32>
      %rev3A_72 = tpu.iota {dimensions = array<i32: 0>} : vector<16xi32>
      %rev3A_73 = arith.subi %rev3A_71, %rev3A_72 : vector<16xi32>
      %rev3A_74 = tpu.dynamic_gather %sort3A_53[%rev3A_73] in [0] : vector<16xi32>, vector<16xi32> -> vector<16xi32>
      %select_n3A_75 = arith.select %lt3A_64, %scan3A_16#1, %rev3A_74 : vector<16xi1>, vector<16xi32>
      %rev3A_76 = arith.constant 15 : i32
      %rev3A_77 = vector.broadcast %rev3A_76 : i32 to vector<16xi32>
      %rev3A_78 = tpu.iota {dimensions = array<i32: 0>} : vector<16xi32>
      %rev3A_79 = arith.subi %rev3A_77, %rev3A_78 : vector<16xi32>
      %rev3A_80 = tpu.dynamic_gather %sort3A_56[%rev3A_79] in [0] : vector<16xf32>, vector<16xi32> -> vector<16xf32>
      %select_n3A_81 = arith.select %lt3A_64, %scan3A_16#2, %rev3A_80 : vector<16xi1>, vector<16xf32>
      %rev3A_82 = arith.constant 15 : i32
      %rev3A_83 = vector.broadcast %rev3A_82 : i32 to vector<16xi32>
      %rev3A_84 = tpu.iota {dimensions = array<i32: 0>} : vector<16xi32>
      %rev3A_85 = arith.subi %rev3A_83, %rev3A_84 : vector<16xi32>
      %rev3A_86 = tpu.dynamic_gather %sort3A_59[%rev3A_85] in [0] : vector<16xf32>, vector<16xi32> -> vector<16xf32>
      %select_n3A_87 = arith.select %lt3A_64, %scan3A_16#3, %rev3A_86 : vector<16xi1>, vector<16xf32>
      %neg3A_88 = arith.constant 0.000000e+00 : f32
      %neg3A_89 = vector.broadcast %neg3A_88 : f32 to vector<16xf32>
      %neg3A_90 = arith.subf %neg3A_89, %select_n3A_69 : vector<16xf32>
      %sort3A_91 = arith.constant dense<true> : vector<16xi1>
      %sort3A_92, %sort3A_93, %sort3A_94 = tpu.sort %neg3A_90, %select_n3A_75 masked %sort3A_91 : (vector<16xf32>, vector<16xi32>, vector<16xi1>) -> (vector<16xi1>, vector<16xf32>, vector<16xi32>)
      %sort3A_95, %sort3A_96, %sort3A_97 = tpu.sort %neg3A_90, %select_n3A_81 masked %sort3A_91 : (vector<16xf32>, vector<16xf32>, vector<16xi1>) -> (vector<16xi1>, vector<16xf32>, vector<16xf32>)
      %sort3A_98, %sort3A_99, %sort3A_100 = tpu.sort %neg3A_90, %select_n3A_87 masked %sort3A_91 : (vector<16xf32>, vector<16xf32>, vector<16xi1>) -> (vector<16xi1>, vector<16xf32>, vector<16xf32>)
      %neg3A_101 = arith.constant 0.000000e+00 : f32
      %neg3A_102 = vector.broadcast %neg3A_101 : f32 to vector<16xf32>
      %neg3A_103 = arith.subf %neg3A_102, %sort3A_93 : vector<16xf32>
      %lt3A_104 = arith.constant 5 : i32
      %lt3A_105 = vector.broadcast %lt3A_104 : i32 to vector<16xi32>
      %lt3A_106 = arith.cmpi slt, %iota3A, %lt3A_105 : vector<16xi32>
      %jit3A_107 = arith.constant 3.000000e+38 : f32
      %broadcast_in_dim3A_108 = vector.broadcast %jit3A_107 : f32 to vector<16xf32>
      %select_n3A_109 = arith.select %lt3A_106, %neg3A_103, %broadcast_in_dim3A_108 : vector<16xi1>, vector<16xf32>
      %reduce_min3A = arith.constant true
      %reduce_min3A_110 = vector.broadcast %reduce_min3A : i1 to vector<16xi1>
      %reduce_min3A_111 = tpu.scan <min>, %select_n3A_109 masked %reduce_min3A_110 : vector<16xf32>, vector<16xi1> -> vector<16xf32>
      %reduce_min3A_112 = vector.extract %reduce_min3A_111[15] : f32 from vector<16xf32>
      scf.yield %neg3A_103, %sort3A_94, %sort3A_97, %sort3A_100, %reduce_min3A_112 : vector<16xf32>, vector<16xi32>, vector<16xf32>, vector<16xf32>, f32
    } else {
      scf.yield %scan3A_16#0, %scan3A_16#1, %scan3A_16#2, %scan3A_16#3, %scan3A_16#4 : vector<16xf32>, vector<16xi32>, vector<16xf32>, vector<16xf32>, f32
    }
    %swap3A = arith.constant 0 : index
    %swap3A_21 = tpu.vector_load %arg10[%swap3A] {strides = array<i32>} : memref<16xf32, #tpu.memory_space<vmem>>, vector<16xf32>,
    tpu.vector_store %arg10[%swap3A], %cond3A_20#0 {strides = array<i32>} : memref<16xf32, #tpu.memory_space<vmem>>, vector<16xf32>,
    %swap3A_22 = arith.constant 0 : index
    %swap3A_23 = tpu.vector_load %arg11[%swap3A_22] {strides = array<i32>} : memref<16xi32, #tpu.memory_space<vmem>>, vector<16xi32>,
    tpu.vector_store %arg11[%swap3A_22], %cond3A_20#1 {strides = array<i32>} : memref<16xi32, #tpu.memory_space<vmem>>, vector<16xi32>,
    %swap3A_24 = arith.constant 0 : index
    %swap3A_25 = tpu.vector_load %arg12[%swap3A_24] {strides = array<i32>} : memref<16xf32, #tpu.memory_space<vmem>>, vector<16xf32>,
    tpu.vector_store %arg12[%swap3A_24], %cond3A_20#2 {strides = array<i32>} : memref<16xf32, #tpu.memory_space<vmem>>, vector<16xf32>,
    %swap3A_26 = arith.constant 0 : index
    %swap3A_27 = tpu.vector_load %arg13[%swap3A_26] {strides = array<i32>} : memref<16xf32, #tpu.memory_space<vmem>>, vector<16xf32>,
    tpu.vector_store %arg13[%swap3A_26], %cond3A_20#3 {strides = array<i32>} : memref<16xf32, #tpu.memory_space<vmem>>, vector<16xf32>,
    %mul3A_28 = arith.constant 16 : i32
    %mul3A_29 = arith.muli %add3A, %mul3A_28 : i32
    "tpu.region"() ({
      %run_scoped3A = tpu.sem_alloc : memref<!tpu.dma_semaphore, #tpu.memory_space<semaphore_mem>>
      %dma_start3A = tpu.memref_slice %arg4[%mul3A_29] : memref<512xf32, #tpu.memory_space<hbm>> -> memref<16xf32, #tpu.memory_space<hbm>>
      %dma_start3A_36 = tpu.memref_slice %arg4[%mul3A_29] : memref<512xf32, #tpu.memory_space<hbm>> -> memref<16xf32, #tpu.memory_space<hbm>>
      tpu.enqueue_dma source(%arg10 : memref<16xf32, #tpu.memory_space<vmem>>) target(%dma_start3A_36 : memref<16xf32, #tpu.memory_space<hbm>>) target_semaphore(%run_scoped3A : memref<!tpu.dma_semaphore, #tpu.memory_space<semaphore_mem>>)
      %dma_wait3A = tpu.memref_slice %arg4[%mul3A_29] : memref<512xf32, #tpu.memory_space<hbm>> -> memref<16xf32, #tpu.memory_space<hbm>>
      %dma_wait3A_37 = tpu.memref_slice %arg4[%mul3A_29] : memref<512xf32, #tpu.memory_space<hbm>> -> memref<16xf32, #tpu.memory_space<hbm>>
      tpu.wait_dma2 semaphore(%run_scoped3A : memref<!tpu.dma_semaphore, #tpu.memory_space<semaphore_mem>>) src(%arg10 : memref<16xf32, #tpu.memory_space<vmem>>) dst(%dma_wait3A_37 : memref<16xf32, #tpu.memory_space<hbm>>)
      tpu.yield
    }) : () -> ()
    %mul3A_30 = arith.constant 16 : i32
    %mul3A_31 = arith.muli %add3A, %mul3A_30 : i32
    "tpu.region"() ({
      %run_scoped3A = tpu.sem_alloc : memref<!tpu.dma_semaphore, #tpu.memory_space<semaphore_mem>>
      %dma_start3A = tpu.memref_slice %arg5[%mul3A_31] : memref<512xi32, #tpu.memory_space<hbm>> -> memref<16xi32, #tpu.memory_space<hbm>>
      %dma_start3A_36 = tpu.memref_slice %arg5[%mul3A_31] : memref<512xi32, #tpu.memory_space<hbm>> -> memref<16xi32, #tpu.memory_space<hbm>>
      tpu.enqueue_dma source(%arg11 : memref<16xi32, #tpu.memory_space<vmem>>) target(%dma_start3A_36 : memref<16xi32, #tpu.memory_space<hbm>>) target_semaphore(%run_scoped3A : memref<!tpu.dma_semaphore, #tpu.memory_space<semaphore_mem>>)
      %dma_wait3A = tpu.memref_slice %arg5[%mul3A_31] : memref<512xi32, #tpu.memory_space<hbm>> -> memref<16xi32, #tpu.memory_space<hbm>>
      %dma_wait3A_37 = tpu.memref_slice %arg5[%mul3A_31] : memref<512xi32, #tpu.memory_space<hbm>> -> memref<16xi32, #tpu.memory_space<hbm>>
      tpu.wait_dma2 semaphore(%run_scoped3A : memref<!tpu.dma_semaphore, #tpu.memory_space<semaphore_mem>>) src(%arg11 : memref<16xi32, #tpu.memory_space<vmem>>) dst(%dma_wait3A_37 : memref<16xi32, #tpu.memory_space<hbm>>)
      tpu.yield
    }) : () -> ()
    %mul3A_32 = arith.constant 16 : i32
    %mul3A_33 = arith.muli %add3A, %mul3A_32 : i32
    "tpu.region"() ({
      %run_scoped3A = tpu.sem_alloc : memref<!tpu.dma_semaphore, #tpu.memory_space<semaphore_mem>>
      %dma_start3A = tpu.memref_slice %arg6[%mul3A_33] : memref<512xf32, #tpu.memory_space<hbm>> -> memref<16xf32, #tpu.memory_space<hbm>>
      %dma_start3A_36 = tpu.memref_slice %arg6[%mul3A_33] : memref<512xf32, #tpu.memory_space<hbm>> -> memref<16xf32, #tpu.memory_space<hbm>>
      tpu.enqueue_dma source(%arg12 : memref<16xf32, #tpu.memory_space<vmem>>) target(%dma_start3A_36 : memref<16xf32, #tpu.memory_space<hbm>>) target_semaphore(%run_scoped3A : memref<!tpu.dma_semaphore, #tpu.memory_space<semaphore_mem>>)
      %dma_wait3A = tpu.memref_slice %arg6[%mul3A_33] : memref<512xf32, #tpu.memory_space<hbm>> -> memref<16xf32, #tpu.memory_space<hbm>>
      %dma_wait3A_37 = tpu.memref_slice %arg6[%mul3A_33] : memref<512xf32, #tpu.memory_space<hbm>> -> memref<16xf32, #tpu.memory_space<hbm>>
      tpu.wait_dma2 semaphore(%run_scoped3A : memref<!tpu.dma_semaphore, #tpu.memory_space<semaphore_mem>>) src(%arg12 : memref<16xf32, #tpu.memory_space<vmem>>) dst(%dma_wait3A_37 : memref<16xf32, #tpu.memory_space<hbm>>)
      tpu.yield
    }) : () -> ()
    %mul3A_34 = arith.constant 16 : i32
    %mul3A_35 = arith.muli %add3A, %mul3A_34 : i32
    "tpu.region"() ({
      %run_scoped3A = tpu.sem_alloc : memref<!tpu.dma_semaphore, #tpu.memory_space<semaphore_mem>>
      %dma_start3A = tpu.memref_slice %arg7[%mul3A_35] : memref<512xf32, #tpu.memory_space<hbm>> -> memref<16xf32, #tpu.memory_space<hbm>>
      %dma_start3A_36 = tpu.memref_slice %arg7[%mul3A_35] : memref<512xf32, #tpu.memory_space<hbm>> -> memref<16xf32, #tpu.memory_space<hbm>>
      tpu.enqueue_dma source(%arg13 : memref<16xf32, #tpu.memory_space<vmem>>) target(%dma_start3A_36 : memref<16xf32, #tpu.memory_space<hbm>>) target_semaphore(%run_scoped3A : memref<!tpu.dma_semaphore, #tpu.memory_space<semaphore_mem>>)
      %dma_wait3A = tpu.memref_slice %arg7[%mul3A_35] : memref<512xf32, #tpu.memory_space<hbm>> -> memref<16xf32, #tpu.memory_space<hbm>>
      %dma_wait3A_37 = tpu.memref_slice %arg7[%mul3A_35] : memref<512xf32, #tpu.memory_space<hbm>> -> memref<16xf32, #tpu.memory_space<hbm>>
      tpu.wait_dma2 semaphore(%run_scoped3A : memref<!tpu.dma_semaphore, #tpu.memory_space<semaphore_mem>>) src(%arg13 : memref<16xf32, #tpu.memory_space<vmem>>) dst(%dma_wait3A_37 : memref<16xf32, #tpu.memory_space<hbm>>)
      tpu.yield
    }) : () -> ()
    return
  }
}

module attributes {stable_mosaic.version = 14 : i64} {
  func.func @_fft1_body(%arg0: i32, %arg1: memref<256x256xf32, #tpu.memory_space<vmem>>, %arg2: memref<256x256xf32, #tpu.memory_space<vmem>>, %arg3: memref<256x2048xf32, #tpu.memory_space<vmem>>, %arg4: memref<256x16x128xf32, #tpu.memory_space<vmem>>, %arg5: memref<256x16x128xf32, #tpu.memory_space<vmem>>) attributes {dimension_semantics = [#tpu.dimension_semantics<arbitrary>], iteration_bounds = array<i64: 16>, scalar_prefetch = 0 : i64, scratch_operands = 0 : i64, tpu.core_type = #tpu.core_type<tc>, window_params = [{pipeline_mode = #tpu.pipeline_mode<synchronous>, transform_indices = @transform_0, window_bounds = array<i64: 256, 256>}, {pipeline_mode = #tpu.pipeline_mode<synchronous>, transform_indices = @transform_1, window_bounds = array<i64: 256, 256>}, {transform_indices = @transform_2, window_bounds = array<i64: 256, 2048>}, {transform_indices = @transform_3, window_bounds = array<i64: 256, 16, 128>}, {transform_indices = @transform_4, window_bounds = array<i64: 256, 16, 128>}]} {
    %get3A = arith.constant 0 : index
    %get3A_0 = arith.constant 0 : index
    %get3A_1 = vector.load %arg3[%get3A, %get3A_0] : memref<256x2048xf32, #tpu.memory_space<vmem>>, vector<256x2048xf32>
    %get3A_2 = arith.constant 0 : index
    %get3A_3 = arith.constant 0 : index
    %get3A_4 = vector.load %arg1[%get3A_2, %get3A_3] : memref<256x256xf32, #tpu.memory_space<vmem>>, vector<256x256xf32>
    %dot_general3A = arith.constant dense<0.000000e+00> : vector<256x2048xf32>
    %dot_general3A_5 = tpu.matmul %get3A_4, %get3A_1, %dot_general3A {dimension_numbers = #tpu.dot_dimension_numbers<[1], [0], [0], [1], [0, 0, 1, 1], [], []>, transpose_lhs_hint = false} : vector<256x256xf32>, vector<256x2048xf32>, vector<256x2048xf32> -> vector<256x2048xf32>
    %get3A_6 = arith.constant 0 : index
    %get3A_7 = arith.constant 0 : index
    %get3A_8 = vector.load %arg2[%get3A_6, %get3A_7] : memref<256x256xf32, #tpu.memory_space<vmem>>, vector<256x256xf32>
    %dot_general3A_9 = arith.constant dense<0.000000e+00> : vector<256x2048xf32>
    %dot_general3A_10 = tpu.matmul %get3A_8, %get3A_1, %dot_general3A_9 {dimension_numbers = #tpu.dot_dimension_numbers<[1], [0], [0], [1], [0, 0, 1, 1], [], []>, transpose_lhs_hint = false} : vector<256x256xf32>, vector<256x2048xf32>, vector<256x2048xf32> -> vector<256x2048xf32>
    %slice3A = vector.extract_strided_slice %dot_general3A_5 {offsets = [0, 0], sizes = [256, 128], strides = [1, 1]} : vector<256x2048xf32> to vector<256x128xf32>
    %swap3A = arith.constant 0 : index
    %swap3A_11 = arith.constant 0 : index
    %swap3A_12 = arith.constant 0 : index
    %swap3A_13 = vector.load %arg4[%swap3A, %swap3A_11, %swap3A_12] : memref<256x16x128xf32, #tpu.memory_space<vmem>>, vector<256x1x128xf32>
    %swap3A_14 = vector.shape_cast %swap3A_13 : vector<256x1x128xf32> to vector<256x128xf32>
    %swap3A_15 = vector.shape_cast %slice3A : vector<256x128xf32> to vector<256x1x128xf32>
    tpu.vector_store %arg4[%swap3A, %swap3A_11, %swap3A_12], %swap3A_15 {strides = array<i32>} : memref<256x16x128xf32, #tpu.memory_space<vmem>>, vector<256x1x128xf32>,
    %slice3A_16 = vector.extract_strided_slice %dot_general3A_10 {offsets = [0, 0], sizes = [256, 128], strides = [1, 1]} : vector<256x2048xf32> to vector<256x128xf32>
    %swap3A_17 = arith.constant 0 : index
    %swap3A_18 = arith.constant 0 : index
    %swap3A_19 = arith.constant 0 : index
    %swap3A_20 = vector.load %arg5[%swap3A_17, %swap3A_18, %swap3A_19] : memref<256x16x128xf32, #tpu.memory_space<vmem>>, vector<256x1x128xf32>
    %swap3A_21 = vector.shape_cast %swap3A_20 : vector<256x1x128xf32> to vector<256x128xf32>
    %swap3A_22 = vector.shape_cast %slice3A_16 : vector<256x128xf32> to vector<256x1x128xf32>
    tpu.vector_store %arg5[%swap3A_17, %swap3A_18, %swap3A_19], %swap3A_22 {strides = array<i32>} : memref<256x16x128xf32, #tpu.memory_space<vmem>>, vector<256x1x128xf32>,
    %slice3A_23 = vector.extract_strided_slice %dot_general3A_5 {offsets = [0, 128], sizes = [256, 128], strides = [1, 1]} : vector<256x2048xf32> to vector<256x128xf32>
    %swap3A_24 = arith.constant 0 : index
    %swap3A_25 = arith.constant 1 : index
    %swap3A_26 = arith.constant 0 : index
    %swap3A_27 = vector.load %arg4[%swap3A_24, %swap3A_25, %swap3A_26] : memref<256x16x128xf32, #tpu.memory_space<vmem>>, vector<256x1x128xf32>
    %swap3A_28 = vector.shape_cast %swap3A_27 : vector<256x1x128xf32> to vector<256x128xf32>
    %swap3A_29 = vector.shape_cast %slice3A_23 : vector<256x128xf32> to vector<256x1x128xf32>
    tpu.vector_store %arg4[%swap3A_24, %swap3A_25, %swap3A_26], %swap3A_29 {strides = array<i32>} : memref<256x16x128xf32, #tpu.memory_space<vmem>>, vector<256x1x128xf32>,
    %slice3A_30 = vector.extract_strided_slice %dot_general3A_10 {offsets = [0, 128], sizes = [256, 128], strides = [1, 1]} : vector<256x2048xf32> to vector<256x128xf32>
    %swap3A_31 = arith.constant 0 : index
    %swap3A_32 = arith.constant 1 : index
    %swap3A_33 = arith.constant 0 : index
    %swap3A_34 = vector.load %arg5[%swap3A_31, %swap3A_32, %swap3A_33] : memref<256x16x128xf32, #tpu.memory_space<vmem>>, vector<256x1x128xf32>
    %swap3A_35 = vector.shape_cast %swap3A_34 : vector<256x1x128xf32> to vector<256x128xf32>
    %swap3A_36 = vector.shape_cast %slice3A_30 : vector<256x128xf32> to vector<256x1x128xf32>
    tpu.vector_store %arg5[%swap3A_31, %swap3A_32, %swap3A_33], %swap3A_36 {strides = array<i32>} : memref<256x16x128xf32, #tpu.memory_space<vmem>>, vector<256x1x128xf32>,
    %slice3A_37 = vector.extract_strided_slice %dot_general3A_5 {offsets = [0, 256], sizes = [256, 128], strides = [1, 1]} : vector<256x2048xf32> to vector<256x128xf32>
    %swap3A_38 = arith.constant 0 : index
    %swap3A_39 = arith.constant 2 : index
    %swap3A_40 = arith.constant 0 : index
    %swap3A_41 = vector.load %arg4[%swap3A_38, %swap3A_39, %swap3A_40] : memref<256x16x128xf32, #tpu.memory_space<vmem>>, vector<256x1x128xf32>
    %swap3A_42 = vector.shape_cast %swap3A_41 : vector<256x1x128xf32> to vector<256x128xf32>
    %swap3A_43 = vector.shape_cast %slice3A_37 : vector<256x128xf32> to vector<256x1x128xf32>
    tpu.vector_store %arg4[%swap3A_38, %swap3A_39, %swap3A_40], %swap3A_43 {strides = array<i32>} : memref<256x16x128xf32, #tpu.memory_space<vmem>>, vector<256x1x128xf32>,
    %slice3A_44 = vector.extract_strided_slice %dot_general3A_10 {offsets = [0, 256], sizes = [256, 128], strides = [1, 1]} : vector<256x2048xf32> to vector<256x128xf32>
    %swap3A_45 = arith.constant 0 : index
    %swap3A_46 = arith.constant 2 : index
    %swap3A_47 = arith.constant 0 : index
    %swap3A_48 = vector.load %arg5[%swap3A_45, %swap3A_46, %swap3A_47] : memref<256x16x128xf32, #tpu.memory_space<vmem>>, vector<256x1x128xf32>
    %swap3A_49 = vector.shape_cast %swap3A_48 : vector<256x1x128xf32> to vector<256x128xf32>
    %swap3A_50 = vector.shape_cast %slice3A_44 : vector<256x128xf32> to vector<256x1x128xf32>
    tpu.vector_store %arg5[%swap3A_45, %swap3A_46, %swap3A_47], %swap3A_50 {strides = array<i32>} : memref<256x16x128xf32, #tpu.memory_space<vmem>>, vector<256x1x128xf32>,
    %slice3A_51 = vector.extract_strided_slice %dot_general3A_5 {offsets = [0, 384], sizes = [256, 128], strides = [1, 1]} : vector<256x2048xf32> to vector<256x128xf32>
    %swap3A_52 = arith.constant 0 : index
    %swap3A_53 = arith.constant 3 : index
    %swap3A_54 = arith.constant 0 : index
    %swap3A_55 = vector.load %arg4[%swap3A_52, %swap3A_53, %swap3A_54] : memref<256x16x128xf32, #tpu.memory_space<vmem>>, vector<256x1x128xf32>
    %swap3A_56 = vector.shape_cast %swap3A_55 : vector<256x1x128xf32> to vector<256x128xf32>
    %swap3A_57 = vector.shape_cast %slice3A_51 : vector<256x128xf32> to vector<256x1x128xf32>
    tpu.vector_store %arg4[%swap3A_52, %swap3A_53, %swap3A_54], %swap3A_57 {strides = array<i32>} : memref<256x16x128xf32, #tpu.memory_space<vmem>>, vector<256x1x128xf32>,
    %slice3A_58 = vector.extract_strided_slice %dot_general3A_10 {offsets = [0, 384], sizes = [256, 128], strides = [1, 1]} : vector<256x2048xf32> to vector<256x128xf32>
    %swap3A_59 = arith.constant 0 : index
    %swap3A_60 = arith.constant 3 : index
    %swap3A_61 = arith.constant 0 : index
    %swap3A_62 = vector.load %arg5[%swap3A_59, %swap3A_60, %swap3A_61] : memref<256x16x128xf32, #tpu.memory_space<vmem>>, vector<256x1x128xf32>
    %swap3A_63 = vector.shape_cast %swap3A_62 : vector<256x1x128xf32> to vector<256x128xf32>
    %swap3A_64 = vector.shape_cast %slice3A_58 : vector<256x128xf32> to vector<256x1x128xf32>
    tpu.vector_store %arg5[%swap3A_59, %swap3A_60, %swap3A_61], %swap3A_64 {strides = array<i32>} : memref<256x16x128xf32, #tpu.memory_space<vmem>>, vector<256x1x128xf32>,
    %slice3A_65 = vector.extract_strided_slice %dot_general3A_5 {offsets = [0, 512], sizes = [256, 128], strides = [1, 1]} : vector<256x2048xf32> to vector<256x128xf32>
    %swap3A_66 = arith.constant 0 : index
    %swap3A_67 = arith.constant 4 : index
    %swap3A_68 = arith.constant 0 : index
    %swap3A_69 = vector.load %arg4[%swap3A_66, %swap3A_67, %swap3A_68] : memref<256x16x128xf32, #tpu.memory_space<vmem>>, vector<256x1x128xf32>
    %swap3A_70 = vector.shape_cast %swap3A_69 : vector<256x1x128xf32> to vector<256x128xf32>
    %swap3A_71 = vector.shape_cast %slice3A_65 : vector<256x128xf32> to vector<256x1x128xf32>
    tpu.vector_store %arg4[%swap3A_66, %swap3A_67, %swap3A_68], %swap3A_71 {strides = array<i32>} : memref<256x16x128xf32, #tpu.memory_space<vmem>>, vector<256x1x128xf32>,
    %slice3A_72 = vector.extract_strided_slice %dot_general3A_10 {offsets = [0, 512], sizes = [256, 128], strides = [1, 1]} : vector<256x2048xf32> to vector<256x128xf32>
    %swap3A_73 = arith.constant 0 : index
    %swap3A_74 = arith.constant 4 : index
    %swap3A_75 = arith.constant 0 : index
    %swap3A_76 = vector.load %arg5[%swap3A_73, %swap3A_74, %swap3A_75] : memref<256x16x128xf32, #tpu.memory_space<vmem>>, vector<256x1x128xf32>
    %swap3A_77 = vector.shape_cast %swap3A_76 : vector<256x1x128xf32> to vector<256x128xf32>
    %swap3A_78 = vector.shape_cast %slice3A_72 : vector<256x128xf32> to vector<256x1x128xf32>
    tpu.vector_store %arg5[%swap3A_73, %swap3A_74, %swap3A_75], %swap3A_78 {strides = array<i32>} : memref<256x16x128xf32, #tpu.memory_space<vmem>>, vector<256x1x128xf32>,
    %slice3A_79 = vector.extract_strided_slice %dot_general3A_5 {offsets = [0, 640], sizes = [256, 128], strides = [1, 1]} : vector<256x2048xf32> to vector<256x128xf32>
    %swap3A_80 = arith.constant 0 : index
    %swap3A_81 = arith.constant 5 : index
    %swap3A_82 = arith.constant 0 : index
    %swap3A_83 = vector.load %arg4[%swap3A_80, %swap3A_81, %swap3A_82] : memref<256x16x128xf32, #tpu.memory_space<vmem>>, vector<256x1x128xf32>
    %swap3A_84 = vector.shape_cast %swap3A_83 : vector<256x1x128xf32> to vector<256x128xf32>
    %swap3A_85 = vector.shape_cast %slice3A_79 : vector<256x128xf32> to vector<256x1x128xf32>
    tpu.vector_store %arg4[%swap3A_80, %swap3A_81, %swap3A_82], %swap3A_85 {strides = array<i32>} : memref<256x16x128xf32, #tpu.memory_space<vmem>>, vector<256x1x128xf32>,
    %slice3A_86 = vector.extract_strided_slice %dot_general3A_10 {offsets = [0, 640], sizes = [256, 128], strides = [1, 1]} : vector<256x2048xf32> to vector<256x128xf32>
    %swap3A_87 = arith.constant 0 : index
    %swap3A_88 = arith.constant 5 : index
    %swap3A_89 = arith.constant 0 : index
    %swap3A_90 = vector.load %arg5[%swap3A_87, %swap3A_88, %swap3A_89] : memref<256x16x128xf32, #tpu.memory_space<vmem>>, vector<256x1x128xf32>
    %swap3A_91 = vector.shape_cast %swap3A_90 : vector<256x1x128xf32> to vector<256x128xf32>
    %swap3A_92 = vector.shape_cast %slice3A_86 : vector<256x128xf32> to vector<256x1x128xf32>
    tpu.vector_store %arg5[%swap3A_87, %swap3A_88, %swap3A_89], %swap3A_92 {strides = array<i32>} : memref<256x16x128xf32, #tpu.memory_space<vmem>>, vector<256x1x128xf32>,
    %slice3A_93 = vector.extract_strided_slice %dot_general3A_5 {offsets = [0, 768], sizes = [256, 128], strides = [1, 1]} : vector<256x2048xf32> to vector<256x128xf32>
    %swap3A_94 = arith.constant 0 : index
    %swap3A_95 = arith.constant 6 : index
    %swap3A_96 = arith.constant 0 : index
    %swap3A_97 = vector.load %arg4[%swap3A_94, %swap3A_95, %swap3A_96] : memref<256x16x128xf32, #tpu.memory_space<vmem>>, vector<256x1x128xf32>
    %swap3A_98 = vector.shape_cast %swap3A_97 : vector<256x1x128xf32> to vector<256x128xf32>
    %swap3A_99 = vector.shape_cast %slice3A_93 : vector<256x128xf32> to vector<256x1x128xf32>
    tpu.vector_store %arg4[%swap3A_94, %swap3A_95, %swap3A_96], %swap3A_99 {strides = array<i32>} : memref<256x16x128xf32, #tpu.memory_space<vmem>>, vector<256x1x128xf32>,
    %slice3A_100 = vector.extract_strided_slice %dot_general3A_10 {offsets = [0, 768], sizes = [256, 128], strides = [1, 1]} : vector<256x2048xf32> to vector<256x128xf32>
    %swap3A_101 = arith.constant 0 : index
    %swap3A_102 = arith.constant 6 : index
    %swap3A_103 = arith.constant 0 : index
    %swap3A_104 = vector.load %arg5[%swap3A_101, %swap3A_102, %swap3A_103] : memref<256x16x128xf32, #tpu.memory_space<vmem>>, vector<256x1x128xf32>
    %swap3A_105 = vector.shape_cast %swap3A_104 : vector<256x1x128xf32> to vector<256x128xf32>
    %swap3A_106 = vector.shape_cast %slice3A_100 : vector<256x128xf32> to vector<256x1x128xf32>
    tpu.vector_store %arg5[%swap3A_101, %swap3A_102, %swap3A_103], %swap3A_106 {strides = array<i32>} : memref<256x16x128xf32, #tpu.memory_space<vmem>>, vector<256x1x128xf32>,
    %slice3A_107 = vector.extract_strided_slice %dot_general3A_5 {offsets = [0, 896], sizes = [256, 128], strides = [1, 1]} : vector<256x2048xf32> to vector<256x128xf32>
    %swap3A_108 = arith.constant 0 : index
    %swap3A_109 = arith.constant 7 : index
    %swap3A_110 = arith.constant 0 : index
    %swap3A_111 = vector.load %arg4[%swap3A_108, %swap3A_109, %swap3A_110] : memref<256x16x128xf32, #tpu.memory_space<vmem>>, vector<256x1x128xf32>
    %swap3A_112 = vector.shape_cast %swap3A_111 : vector<256x1x128xf32> to vector<256x128xf32>
    %swap3A_113 = vector.shape_cast %slice3A_107 : vector<256x128xf32> to vector<256x1x128xf32>
    tpu.vector_store %arg4[%swap3A_108, %swap3A_109, %swap3A_110], %swap3A_113 {strides = array<i32>} : memref<256x16x128xf32, #tpu.memory_space<vmem>>, vector<256x1x128xf32>,
    %slice3A_114 = vector.extract_strided_slice %dot_general3A_10 {offsets = [0, 896], sizes = [256, 128], strides = [1, 1]} : vector<256x2048xf32> to vector<256x128xf32>
    %swap3A_115 = arith.constant 0 : index
    %swap3A_116 = arith.constant 7 : index
    %swap3A_117 = arith.constant 0 : index
    %swap3A_118 = vector.load %arg5[%swap3A_115, %swap3A_116, %swap3A_117] : memref<256x16x128xf32, #tpu.memory_space<vmem>>, vector<256x1x128xf32>
    %swap3A_119 = vector.shape_cast %swap3A_118 : vector<256x1x128xf32> to vector<256x128xf32>
    %swap3A_120 = vector.shape_cast %slice3A_114 : vector<256x128xf32> to vector<256x1x128xf32>
    tpu.vector_store %arg5[%swap3A_115, %swap3A_116, %swap3A_117], %swap3A_120 {strides = array<i32>} : memref<256x16x128xf32, #tpu.memory_space<vmem>>, vector<256x1x128xf32>,
    %slice3A_121 = vector.extract_strided_slice %dot_general3A_5 {offsets = [0, 1024], sizes = [256, 128], strides = [1, 1]} : vector<256x2048xf32> to vector<256x128xf32>
    %swap3A_122 = arith.constant 0 : index
    %swap3A_123 = arith.constant 8 : index
    %swap3A_124 = arith.constant 0 : index
    %swap3A_125 = vector.load %arg4[%swap3A_122, %swap3A_123, %swap3A_124] : memref<256x16x128xf32, #tpu.memory_space<vmem>>, vector<256x1x128xf32>
    %swap3A_126 = vector.shape_cast %swap3A_125 : vector<256x1x128xf32> to vector<256x128xf32>
    %swap3A_127 = vector.shape_cast %slice3A_121 : vector<256x128xf32> to vector<256x1x128xf32>
    tpu.vector_store %arg4[%swap3A_122, %swap3A_123, %swap3A_124], %swap3A_127 {strides = array<i32>} : memref<256x16x128xf32, #tpu.memory_space<vmem>>, vector<256x1x128xf32>,
    %slice3A_128 = vector.extract_strided_slice %dot_general3A_10 {offsets = [0, 1024], sizes = [256, 128], strides = [1, 1]} : vector<256x2048xf32> to vector<256x128xf32>
    %swap3A_129 = arith.constant 0 : index
    %swap3A_130 = arith.constant 8 : index
    %swap3A_131 = arith.constant 0 : index
    %swap3A_132 = vector.load %arg5[%swap3A_129, %swap3A_130, %swap3A_131] : memref<256x16x128xf32, #tpu.memory_space<vmem>>, vector<256x1x128xf32>
    %swap3A_133 = vector.shape_cast %swap3A_132 : vector<256x1x128xf32> to vector<256x128xf32>
    %swap3A_134 = vector.shape_cast %slice3A_128 : vector<256x128xf32> to vector<256x1x128xf32>
    tpu.vector_store %arg5[%swap3A_129, %swap3A_130, %swap3A_131], %swap3A_134 {strides = array<i32>} : memref<256x16x128xf32, #tpu.memory_space<vmem>>, vector<256x1x128xf32>,
    %slice3A_135 = vector.extract_strided_slice %dot_general3A_5 {offsets = [0, 1152], sizes = [256, 128], strides = [1, 1]} : vector<256x2048xf32> to vector<256x128xf32>
    %swap3A_136 = arith.constant 0 : index
    %swap3A_137 = arith.constant 9 : index
    %swap3A_138 = arith.constant 0 : index
    %swap3A_139 = vector.load %arg4[%swap3A_136, %swap3A_137, %swap3A_138] : memref<256x16x128xf32, #tpu.memory_space<vmem>>, vector<256x1x128xf32>
    %swap3A_140 = vector.shape_cast %swap3A_139 : vector<256x1x128xf32> to vector<256x128xf32>
    %swap3A_141 = vector.shape_cast %slice3A_135 : vector<256x128xf32> to vector<256x1x128xf32>
    tpu.vector_store %arg4[%swap3A_136, %swap3A_137, %swap3A_138], %swap3A_141 {strides = array<i32>} : memref<256x16x128xf32, #tpu.memory_space<vmem>>, vector<256x1x128xf32>,
    %slice3A_142 = vector.extract_strided_slice %dot_general3A_10 {offsets = [0, 1152], sizes = [256, 128], strides = [1, 1]} : vector<256x2048xf32> to vector<256x128xf32>
    %swap3A_143 = arith.constant 0 : index
    %swap3A_144 = arith.constant 9 : index
    %swap3A_145 = arith.constant 0 : index
    %swap3A_146 = vector.load %arg5[%swap3A_143, %swap3A_144, %swap3A_145] : memref<256x16x128xf32, #tpu.memory_space<vmem>>, vector<256x1x128xf32>
    %swap3A_147 = vector.shape_cast %swap3A_146 : vector<256x1x128xf32> to vector<256x128xf32>
    %swap3A_148 = vector.shape_cast %slice3A_142 : vector<256x128xf32> to vector<256x1x128xf32>
    tpu.vector_store %arg5[%swap3A_143, %swap3A_144, %swap3A_145], %swap3A_148 {strides = array<i32>} : memref<256x16x128xf32, #tpu.memory_space<vmem>>, vector<256x1x128xf32>,
    %slice3A_149 = vector.extract_strided_slice %dot_general3A_5 {offsets = [0, 1280], sizes = [256, 128], strides = [1, 1]} : vector<256x2048xf32> to vector<256x128xf32>
    %swap3A_150 = arith.constant 0 : index
    %swap3A_151 = arith.constant 10 : index
    %swap3A_152 = arith.constant 0 : index
    %swap3A_153 = vector.load %arg4[%swap3A_150, %swap3A_151, %swap3A_152] : memref<256x16x128xf32, #tpu.memory_space<vmem>>, vector<256x1x128xf32>
    %swap3A_154 = vector.shape_cast %swap3A_153 : vector<256x1x128xf32> to vector<256x128xf32>
    %swap3A_155 = vector.shape_cast %slice3A_149 : vector<256x128xf32> to vector<256x1x128xf32>
    tpu.vector_store %arg4[%swap3A_150, %swap3A_151, %swap3A_152], %swap3A_155 {strides = array<i32>} : memref<256x16x128xf32, #tpu.memory_space<vmem>>, vector<256x1x128xf32>,
    %slice3A_156 = vector.extract_strided_slice %dot_general3A_10 {offsets = [0, 1280], sizes = [256, 128], strides = [1, 1]} : vector<256x2048xf32> to vector<256x128xf32>
    %swap3A_157 = arith.constant 0 : index
    %swap3A_158 = arith.constant 10 : index
    %swap3A_159 = arith.constant 0 : index
    %swap3A_160 = vector.load %arg5[%swap3A_157, %swap3A_158, %swap3A_159] : memref<256x16x128xf32, #tpu.memory_space<vmem>>, vector<256x1x128xf32>
    %swap3A_161 = vector.shape_cast %swap3A_160 : vector<256x1x128xf32> to vector<256x128xf32>
    %swap3A_162 = vector.shape_cast %slice3A_156 : vector<256x128xf32> to vector<256x1x128xf32>
    tpu.vector_store %arg5[%swap3A_157, %swap3A_158, %swap3A_159], %swap3A_162 {strides = array<i32>} : memref<256x16x128xf32, #tpu.memory_space<vmem>>, vector<256x1x128xf32>,
    %slice3A_163 = vector.extract_strided_slice %dot_general3A_5 {offsets = [0, 1408], sizes = [256, 128], strides = [1, 1]} : vector<256x2048xf32> to vector<256x128xf32>
    %swap3A_164 = arith.constant 0 : index
    %swap3A_165 = arith.constant 11 : index
    %swap3A_166 = arith.constant 0 : index
    %swap3A_167 = vector.load %arg4[%swap3A_164, %swap3A_165, %swap3A_166] : memref<256x16x128xf32, #tpu.memory_space<vmem>>, vector<256x1x128xf32>
    %swap3A_168 = vector.shape_cast %swap3A_167 : vector<256x1x128xf32> to vector<256x128xf32>
    %swap3A_169 = vector.shape_cast %slice3A_163 : vector<256x128xf32> to vector<256x1x128xf32>
    tpu.vector_store %arg4[%swap3A_164, %swap3A_165, %swap3A_166], %swap3A_169 {strides = array<i32>} : memref<256x16x128xf32, #tpu.memory_space<vmem>>, vector<256x1x128xf32>,
    %slice3A_170 = vector.extract_strided_slice %dot_general3A_10 {offsets = [0, 1408], sizes = [256, 128], strides = [1, 1]} : vector<256x2048xf32> to vector<256x128xf32>
    %swap3A_171 = arith.constant 0 : index
    %swap3A_172 = arith.constant 11 : index
    %swap3A_173 = arith.constant 0 : index
    %swap3A_174 = vector.load %arg5[%swap3A_171, %swap3A_172, %swap3A_173] : memref<256x16x128xf32, #tpu.memory_space<vmem>>, vector<256x1x128xf32>
    %swap3A_175 = vector.shape_cast %swap3A_174 : vector<256x1x128xf32> to vector<256x128xf32>
    %swap3A_176 = vector.shape_cast %slice3A_170 : vector<256x128xf32> to vector<256x1x128xf32>
    tpu.vector_store %arg5[%swap3A_171, %swap3A_172, %swap3A_173], %swap3A_176 {strides = array<i32>} : memref<256x16x128xf32, #tpu.memory_space<vmem>>, vector<256x1x128xf32>,
    %slice3A_177 = vector.extract_strided_slice %dot_general3A_5 {offsets = [0, 1536], sizes = [256, 128], strides = [1, 1]} : vector<256x2048xf32> to vector<256x128xf32>
    %swap3A_178 = arith.constant 0 : index
    %swap3A_179 = arith.constant 12 : index
    %swap3A_180 = arith.constant 0 : index
    %swap3A_181 = vector.load %arg4[%swap3A_178, %swap3A_179, %swap3A_180] : memref<256x16x128xf32, #tpu.memory_space<vmem>>, vector<256x1x128xf32>
    %swap3A_182 = vector.shape_cast %swap3A_181 : vector<256x1x128xf32> to vector<256x128xf32>
    %swap3A_183 = vector.shape_cast %slice3A_177 : vector<256x128xf32> to vector<256x1x128xf32>
    tpu.vector_store %arg4[%swap3A_178, %swap3A_179, %swap3A_180], %swap3A_183 {strides = array<i32>} : memref<256x16x128xf32, #tpu.memory_space<vmem>>, vector<256x1x128xf32>,
    %slice3A_184 = vector.extract_strided_slice %dot_general3A_10 {offsets = [0, 1536], sizes = [256, 128], strides = [1, 1]} : vector<256x2048xf32> to vector<256x128xf32>
    %swap3A_185 = arith.constant 0 : index
    %swap3A_186 = arith.constant 12 : index
    %swap3A_187 = arith.constant 0 : index
    %swap3A_188 = vector.load %arg5[%swap3A_185, %swap3A_186, %swap3A_187] : memref<256x16x128xf32, #tpu.memory_space<vmem>>, vector<256x1x128xf32>
    %swap3A_189 = vector.shape_cast %swap3A_188 : vector<256x1x128xf32> to vector<256x128xf32>
    %swap3A_190 = vector.shape_cast %slice3A_184 : vector<256x128xf32> to vector<256x1x128xf32>
    tpu.vector_store %arg5[%swap3A_185, %swap3A_186, %swap3A_187], %swap3A_190 {strides = array<i32>} : memref<256x16x128xf32, #tpu.memory_space<vmem>>, vector<256x1x128xf32>,
    %slice3A_191 = vector.extract_strided_slice %dot_general3A_5 {offsets = [0, 1664], sizes = [256, 128], strides = [1, 1]} : vector<256x2048xf32> to vector<256x128xf32>
    %swap3A_192 = arith.constant 0 : index
    %swap3A_193 = arith.constant 13 : index
    %swap3A_194 = arith.constant 0 : index
    %swap3A_195 = vector.load %arg4[%swap3A_192, %swap3A_193, %swap3A_194] : memref<256x16x128xf32, #tpu.memory_space<vmem>>, vector<256x1x128xf32>
    %swap3A_196 = vector.shape_cast %swap3A_195 : vector<256x1x128xf32> to vector<256x128xf32>
    %swap3A_197 = vector.shape_cast %slice3A_191 : vector<256x128xf32> to vector<256x1x128xf32>
    tpu.vector_store %arg4[%swap3A_192, %swap3A_193, %swap3A_194], %swap3A_197 {strides = array<i32>} : memref<256x16x128xf32, #tpu.memory_space<vmem>>, vector<256x1x128xf32>,
    %slice3A_198 = vector.extract_strided_slice %dot_general3A_10 {offsets = [0, 1664], sizes = [256, 128], strides = [1, 1]} : vector<256x2048xf32> to vector<256x128xf32>
    %swap3A_199 = arith.constant 0 : index
    %swap3A_200 = arith.constant 13 : index
    %swap3A_201 = arith.constant 0 : index
    %swap3A_202 = vector.load %arg5[%swap3A_199, %swap3A_200, %swap3A_201] : memref<256x16x128xf32, #tpu.memory_space<vmem>>, vector<256x1x128xf32>
    %swap3A_203 = vector.shape_cast %swap3A_202 : vector<256x1x128xf32> to vector<256x128xf32>
    %swap3A_204 = vector.shape_cast %slice3A_198 : vector<256x128xf32> to vector<256x1x128xf32>
    tpu.vector_store %arg5[%swap3A_199, %swap3A_200, %swap3A_201], %swap3A_204 {strides = array<i32>} : memref<256x16x128xf32, #tpu.memory_space<vmem>>, vector<256x1x128xf32>,
    %slice3A_205 = vector.extract_strided_slice %dot_general3A_5 {offsets = [0, 1792], sizes = [256, 128], strides = [1, 1]} : vector<256x2048xf32> to vector<256x128xf32>
    %swap3A_206 = arith.constant 0 : index
    %swap3A_207 = arith.constant 14 : index
    %swap3A_208 = arith.constant 0 : index
    %swap3A_209 = vector.load %arg4[%swap3A_206, %swap3A_207, %swap3A_208] : memref<256x16x128xf32, #tpu.memory_space<vmem>>, vector<256x1x128xf32>
    %swap3A_210 = vector.shape_cast %swap3A_209 : vector<256x1x128xf32> to vector<256x128xf32>
    %swap3A_211 = vector.shape_cast %slice3A_205 : vector<256x128xf32> to vector<256x1x128xf32>
    tpu.vector_store %arg4[%swap3A_206, %swap3A_207, %swap3A_208], %swap3A_211 {strides = array<i32>} : memref<256x16x128xf32, #tpu.memory_space<vmem>>, vector<256x1x128xf32>,
    %slice3A_212 = vector.extract_strided_slice %dot_general3A_10 {offsets = [0, 1792], sizes = [256, 128], strides = [1, 1]} : vector<256x2048xf32> to vector<256x128xf32>
    %swap3A_213 = arith.constant 0 : index
    %swap3A_214 = arith.constant 14 : index
    %swap3A_215 = arith.constant 0 : index
    %swap3A_216 = vector.load %arg5[%swap3A_213, %swap3A_214, %swap3A_215] : memref<256x16x128xf32, #tpu.memory_space<vmem>>, vector<256x1x128xf32>
    %swap3A_217 = vector.shape_cast %swap3A_216 : vector<256x1x128xf32> to vector<256x128xf32>
    %swap3A_218 = vector.shape_cast %slice3A_212 : vector<256x128xf32> to vector<256x1x128xf32>
    tpu.vector_store %arg5[%swap3A_213, %swap3A_214, %swap3A_215], %swap3A_218 {strides = array<i32>} : memref<256x16x128xf32, #tpu.memory_space<vmem>>, vector<256x1x128xf32>,
    %slice3A_219 = vector.extract_strided_slice %dot_general3A_5 {offsets = [0, 1920], sizes = [256, 128], strides = [1, 1]} : vector<256x2048xf32> to vector<256x128xf32>
    %swap3A_220 = arith.constant 0 : index
    %swap3A_221 = arith.constant 15 : index
    %swap3A_222 = arith.constant 0 : index
    %swap3A_223 = vector.load %arg4[%swap3A_220, %swap3A_221, %swap3A_222] : memref<256x16x128xf32, #tpu.memory_space<vmem>>, vector<256x1x128xf32>
    %swap3A_224 = vector.shape_cast %swap3A_223 : vector<256x1x128xf32> to vector<256x128xf32>
    %swap3A_225 = vector.shape_cast %slice3A_219 : vector<256x128xf32> to vector<256x1x128xf32>
    tpu.vector_store %arg4[%swap3A_220, %swap3A_221, %swap3A_222], %swap3A_225 {strides = array<i32>} : memref<256x16x128xf32, #tpu.memory_space<vmem>>, vector<256x1x128xf32>,
    %slice3A_226 = vector.extract_strided_slice %dot_general3A_10 {offsets = [0, 1920], sizes = [256, 128], strides = [1, 1]} : vector<256x2048xf32> to vector<256x128xf32>
    %swap3A_227 = arith.constant 0 : index
    %swap3A_228 = arith.constant 15 : index
    %swap3A_229 = arith.constant 0 : index
    %swap3A_230 = vector.load %arg5[%swap3A_227, %swap3A_228, %swap3A_229] : memref<256x16x128xf32, #tpu.memory_space<vmem>>, vector<256x1x128xf32>
    %swap3A_231 = vector.shape_cast %swap3A_230 : vector<256x1x128xf32> to vector<256x128xf32>
    %swap3A_232 = vector.shape_cast %slice3A_226 : vector<256x128xf32> to vector<256x1x128xf32>
    tpu.vector_store %arg5[%swap3A_227, %swap3A_228, %swap3A_229], %swap3A_232 {strides = array<i32>} : memref<256x16x128xf32, #tpu.memory_space<vmem>>, vector<256x1x128xf32>,
    return
  }
  func.func @transform_0(%arg0: i32) -> (i32, i32) {
    %c0_i32 = arith.constant 0 : i32
    %c0_i32_0 = arith.constant 0 : i32
    %c0_i32_1 = arith.constant 0 : i32
    return %c0_i32, %c0_i32_0 : i32, i32
  }
  func.func @transform_1(%arg0: i32) -> (i32, i32) {
    %c0_i32 = arith.constant 0 : i32
    %c0_i32_0 = arith.constant 0 : i32
    %c0_i32_1 = arith.constant 0 : i32
    return %c0_i32, %c0_i32_0 : i32, i32
  }
  func.func @transform_2(%arg0: i32) -> (i32, i32) {
    %c0_i32 = arith.constant 0 : i32
    %c0_i32_0 = arith.constant 0 : i32
    return %c0_i32, %arg0 : i32, i32
  }
  func.func @transform_3(%arg0: i32) -> (i32, i32, i32) {
    %c0_i32 = arith.constant 0 : i32
    %c0_i32_0 = arith.constant 0 : i32
    %c0_i32_1 = arith.constant 0 : i32
    return %c0_i32, %arg0, %c0_i32_0 : i32, i32, i32
  }
  func.func @transform_4(%arg0: i32) -> (i32, i32, i32) {
    %c0_i32 = arith.constant 0 : i32
    %c0_i32_0 = arith.constant 0 : i32
    %c0_i32_1 = arith.constant 0 : i32
    return %c0_i32, %arg0, %c0_i32_0 : i32, i32, i32
  }
}

module attributes {stable_mosaic.version = 14 : i64} {
  func.func @_fft23_body(%arg0: i32, %arg1: memref<256x256xf32, #tpu.memory_space<vmem>>, %arg2: memref<256x256xf32, #tpu.memory_space<vmem>>, %arg3: memref<8x256xf32, #tpu.memory_space<vmem>>, %arg4: memref<8x256xf32, #tpu.memory_space<vmem>>, %arg5: memref<128x128xf32, #tpu.memory_space<vmem>>, %arg6: memref<128x128xf32, #tpu.memory_space<vmem>>, %arg7: memref<128x128xf32, #tpu.memory_space<vmem>>, %arg8: memref<256x128xf32, #tpu.memory_space<vmem>>, %arg9: memref<256x128xf32, #tpu.memory_space<vmem>>, %arg10: memref<8x128xf32, #tpu.memory_space<vmem>>, %arg11: memref<8x128xf32, #tpu.memory_space<vmem>>, %arg12: memref<8x256x128xf32, #tpu.memory_space<vmem>>, %arg13: memref<8x256x128xf32, #tpu.memory_space<vmem>>, %arg14: memref<8x256x128xf32, #tpu.memory_space<vmem>>, %arg15: memref<8x256x128xf32, #tpu.memory_space<vmem>>) attributes {dimension_semantics = [#tpu.dimension_semantics<arbitrary>], iteration_bounds = array<i64: 32>, scalar_prefetch = 0 : i64, scratch_operands = 0 : i64, tpu.core_type = #tpu.core_type<tc>, window_params = [{pipeline_mode = #tpu.pipeline_mode<synchronous>, transform_indices = @transform_0, window_bounds = array<i64: 256, 256>}, {pipeline_mode = #tpu.pipeline_mode<synchronous>, transform_indices = @transform_1, window_bounds = array<i64: 256, 256>}, {transform_indices = @transform_2, window_bounds = array<i64: 8, 256>}, {transform_indices = @transform_3, window_bounds = array<i64: 8, 256>}, {pipeline_mode = #tpu.pipeline_mode<synchronous>, transform_indices = @transform_4, window_bounds = array<i64: 128, 128>}, {pipeline_mode = #tpu.pipeline_mode<synchronous>, transform_indices = @transform_5, window_bounds = array<i64: 128, 128>}, {pipeline_mode = #tpu.pipeline_mode<synchronous>, transform_indices = @transform_6, window_bounds = array<i64: 128, 128>}, {pipeline_mode = #tpu.pipeline_mode<synchronous>, transform_indices = @transform_7, window_bounds = array<i64: 256, 128>}, {pipeline_mode = #tpu.pipeline_mode<synchronous>, transform_indices = @transform_8, window_bounds = array<i64: 256, 128>}, {transform_indices = @transform_9, window_bounds = array<i64: 8, 128>}, {transform_indices = @transform_10, window_bounds = array<i64: 8, 128>}, {transform_indices = @transform_11, window_bounds = array<i64: 8, 256, 128>}, {transform_indices = @transform_12, window_bounds = array<i64: 8, 256, 128>}, {transform_indices = @transform_13, window_bounds = array<i64: 8, 256, 128>}, {transform_indices = @transform_14, window_bounds = array<i64: 8, 256, 128>}]} {
    %get3A = arith.constant 0 : index
    %get3A_0 = arith.constant 0 : index
    %get3A_1 = vector.load %arg1[%get3A, %get3A_0] : memref<256x256xf32, #tpu.memory_space<vmem>>, vector<256x256xf32>
    %get3A_2 = arith.constant 0 : index
    %get3A_3 = arith.constant 0 : index
    %get3A_4 = vector.load %arg2[%get3A_2, %get3A_3] : memref<256x256xf32, #tpu.memory_space<vmem>>, vector<256x256xf32>
    %get3A_5 = arith.constant 0 : index
    %get3A_6 = arith.constant 0 : index
    %get3A_7 = vector.load %arg5[%get3A_5, %get3A_6] : memref<128x128xf32, #tpu.memory_space<vmem>>, vector<128x128xf32>
    %get3A_8 = arith.constant 0 : index
    %get3A_9 = arith.constant 0 : index
    %get3A_10 = vector.load %arg6[%get3A_8, %get3A_9] : memref<128x128xf32, #tpu.memory_space<vmem>>, vector<128x128xf32>
    %get3A_11 = arith.constant 0 : index
    %get3A_12 = arith.constant 0 : index
    %get3A_13 = vector.load %arg7[%get3A_11, %get3A_12] : memref<128x128xf32, #tpu.memory_space<vmem>>, vector<128x128xf32>
    %get3A_14 = arith.constant 0 : index
    %get3A_15 = arith.constant 0 : index
    %get3A_16 = vector.load %arg8[%get3A_14, %get3A_15] : memref<256x128xf32, #tpu.memory_space<vmem>>, vector<256x128xf32>
    %get3A_17 = arith.constant 0 : index
    %get3A_18 = arith.constant 0 : index
    %get3A_19 = vector.load %arg9[%get3A_17, %get3A_18] : memref<256x128xf32, #tpu.memory_space<vmem>>, vector<256x128xf32>
    %get3A_20 = arith.constant 0 : index
    %get3A_21 = arith.constant 0 : index
    %get3A_22 = arith.constant 0 : index
    %get3A_23 = vector.load %arg12[%get3A_20, %get3A_21, %get3A_22] : memref<8x256x128xf32, #tpu.memory_space<vmem>>, vector<1x256x128xf32>
    %get3A_24 = vector.shape_cast %get3A_23 : vector<1x256x128xf32> to vector<256x128xf32>
    %get3A_25 = arith.constant 0 : index
    %get3A_26 = arith.constant 0 : index
    %get3A_27 = arith.constant 0 : index
    %get3A_28 = vector.load %arg13[%get3A_25, %get3A_26, %get3A_27] : memref<8x256x128xf32, #tpu.memory_space<vmem>>, vector<1x256x128xf32>
    %get3A_29 = vector.shape_cast %get3A_28 : vector<1x256x128xf32> to vector<256x128xf32>
    %get3A_30 = arith.constant 0 : index
    %get3A_31 = arith.constant 0 : index
    %get3A_32 = vector.load %arg3[%get3A_30, %get3A_31] : memref<8x256xf32, #tpu.memory_space<vmem>>, vector<1x256xf32>
    %get3A_33 = arith.constant 0 : index
    %get3A_34 = arith.constant 0 : index
    %get3A_35 = vector.load %arg4[%get3A_33, %get3A_34] : memref<8x256xf32, #tpu.memory_space<vmem>>, vector<1x256xf32>
    %mul3A = vector.broadcast %get3A_32 : vector<1x256xf32> to vector<256x256xf32>
    %mul3A_36 = arith.mulf %get3A_1, %mul3A : vector<256x256xf32>
    %mul3A_37 = vector.broadcast %get3A_35 : vector<1x256xf32> to vector<256x256xf32>
    %mul3A_38 = arith.mulf %get3A_4, %mul3A_37 : vector<256x256xf32>
    %sub3A = arith.subf %mul3A_36, %mul3A_38 : vector<256x256xf32>
    %mul3A_39 = vector.broadcast %get3A_35 : vector<1x256xf32> to vector<256x256xf32>
    %mul3A_40 = arith.mulf %get3A_1, %mul3A_39 : vector<256x256xf32>
    %mul3A_41 = vector.broadcast %get3A_32 : vector<1x256xf32> to vector<256x256xf32>
    %mul3A_42 = arith.mulf %get3A_4, %mul3A_41 : vector<256x256xf32>
    %add3A = arith.addf %mul3A_40, %mul3A_42 : vector<256x256xf32>
    %dot_general3A = arith.constant dense<0.000000e+00> : vector<256x128xf32>
    %dot_general3A_43 = tpu.matmul %sub3A, %get3A_24, %dot_general3A {dimension_numbers = #tpu.dot_dimension_numbers<[1], [0], [0], [1], [0, 0, 1, 1], [], []>, transpose_lhs_hint = false} : vector<256x256xf32>, vector<256x128xf32>, vector<256x128xf32> -> vector<256x128xf32>
    %dot_general3A_44 = arith.constant dense<0.000000e+00> : vector<256x128xf32>
    %dot_general3A_45 = tpu.matmul %add3A, %get3A_29, %dot_general3A_44 {dimension_numbers = #tpu.dot_dimension_numbers<[1], [0], [0], [1], [0, 0, 1, 1], [], []>, transpose_lhs_hint = false} : vector<256x256xf32>, vector<256x128xf32>, vector<256x128xf32> -> vector<256x128xf32>
    %add3A_46 = arith.addf %sub3A, %add3A : vector<256x256xf32>
    %add3A_47 = arith.addf %get3A_24, %get3A_29 : vector<256x128xf32>
    %dot_general3A_48 = arith.constant dense<0.000000e+00> : vector<256x128xf32>
    %dot_general3A_49 = tpu.matmul %add3A_46, %add3A_47, %dot_general3A_48 {dimension_numbers = #tpu.dot_dimension_numbers<[1], [0], [0], [1], [0, 0, 1, 1], [], []>, transpose_lhs_hint = false} : vector<256x256xf32>, vector<256x128xf32>, vector<256x128xf32> -> vector<256x128xf32>
    %sub3A_50 = arith.subf %dot_general3A_43, %dot_general3A_45 : vector<256x128xf32>
    %sub3A_51 = arith.subf %dot_general3A_49, %dot_general3A_43 : vector<256x128xf32>
    %sub3A_52 = arith.subf %sub3A_51, %dot_general3A_45 : vector<256x128xf32>
    %get3A_53 = arith.constant 0 : index
    %get3A_54 = arith.constant 0 : index
    %get3A_55 = vector.load %arg10[%get3A_53, %get3A_54] : memref<8x128xf32, #tpu.memory_space<vmem>>, vector<1x128xf32>
    %get3A_56 = arith.constant 0 : index
    %get3A_57 = arith.constant 0 : index
    %get3A_58 = vector.load %arg11[%get3A_56, %get3A_57] : memref<8x128xf32, #tpu.memory_space<vmem>>, vector<1x128xf32>
    %mul3A_59 = vector.broadcast %get3A_55 : vector<1x128xf32> to vector<256x128xf32>
    %mul3A_60 = arith.mulf %mul3A_59, %get3A_16 : vector<256x128xf32>
    %mul3A_61 = vector.broadcast %get3A_58 : vector<1x128xf32> to vector<256x128xf32>
    %mul3A_62 = arith.mulf %mul3A_61, %get3A_19 : vector<256x128xf32>
    %sub3A_63 = arith.subf %mul3A_60, %mul3A_62 : vector<256x128xf32>
    %mul3A_64 = vector.broadcast %get3A_55 : vector<1x128xf32> to vector<256x128xf32>
    %mul3A_65 = arith.mulf %mul3A_64, %get3A_19 : vector<256x128xf32>
    %mul3A_66 = vector.broadcast %get3A_58 : vector<1x128xf32> to vector<256x128xf32>
    %mul3A_67 = arith.mulf %mul3A_66, %get3A_16 : vector<256x128xf32>
    %add3A_68 = arith.addf %mul3A_65, %mul3A_67 : vector<256x128xf32>
    %mul3A_69 = arith.mulf %sub3A_50, %sub3A_63 : vector<256x128xf32>
    %mul3A_70 = arith.mulf %sub3A_52, %add3A_68 : vector<256x128xf32>
    %sub3A_71 = arith.subf %mul3A_69, %mul3A_70 : vector<256x128xf32>
    %mul3A_72 = arith.mulf %sub3A_50, %add3A_68 : vector<256x128xf32>
    %mul3A_73 = arith.mulf %sub3A_52, %sub3A_63 : vector<256x128xf32>
    %add3A_74 = arith.addf %mul3A_72, %mul3A_73 : vector<256x128xf32>
    %dot_general3A_75 = arith.constant dense<0.000000e+00> : vector<256x128xf32>
    %dot_general3A_76 = tpu.matmul %sub3A_71, %get3A_7, %dot_general3A_75 {dimension_numbers = #tpu.dot_dimension_numbers<[1], [0], [0], [1], [0, 0, 1, 1], [], []>, transpose_lhs_hint = false} : vector<256x128xf32>, vector<128x128xf32>, vector<256x128xf32> -> vector<256x128xf32>
    %dot_general3A_77 = arith.constant dense<0.000000e+00> : vector<256x128xf32>
    %dot_general3A_78 = tpu.matmul %add3A_74, %get3A_10, %dot_general3A_77 {dimension_numbers = #tpu.dot_dimension_numbers<[1], [0], [0], [1], [0, 0, 1, 1], [], []>, transpose_lhs_hint = false} : vector<256x128xf32>, vector<128x128xf32>, vector<256x128xf32> -> vector<256x128xf32>
    %add3A_79 = arith.addf %sub3A_71, %add3A_74 : vector<256x128xf32>
    %dot_general3A_80 = arith.constant dense<0.000000e+00> : vector<256x128xf32>
    %dot_general3A_81 = tpu.matmul %add3A_79, %get3A_13, %dot_general3A_80 {dimension_numbers = #tpu.dot_dimension_numbers<[1], [0], [0], [1], [0, 0, 1, 1], [], []>, transpose_lhs_hint = false} : vector<256x128xf32>, vector<128x128xf32>, vector<256x128xf32> -> vector<256x128xf32>
    %sub3A_82 = arith.subf %dot_general3A_76, %dot_general3A_78 : vector<256x128xf32>
    %swap3A = arith.constant 0 : index
    %swap3A_83 = arith.constant 0 : index
    %swap3A_84 = arith.constant 0 : index
    %swap3A_85 = vector.load %arg14[%swap3A, %swap3A_83, %swap3A_84] : memref<8x256x128xf32, #tpu.memory_space<vmem>>, vector<1x256x128xf32>
    %swap3A_86 = vector.shape_cast %swap3A_85 : vector<1x256x128xf32> to vector<256x128xf32>
    %swap3A_87 = vector.shape_cast %sub3A_82 : vector<256x128xf32> to vector<1x256x128xf32>
    tpu.vector_store %arg14[%swap3A, %swap3A_83, %swap3A_84], %swap3A_87 {strides = array<i32>} : memref<8x256x128xf32, #tpu.memory_space<vmem>>, vector<1x256x128xf32>,
    %sub3A_88 = arith.subf %dot_general3A_81, %dot_general3A_76 : vector<256x128xf32>
    %sub3A_89 = arith.subf %sub3A_88, %dot_general3A_78 : vector<256x128xf32>
    %swap3A_90 = arith.constant 0 : index
    %swap3A_91 = arith.constant 0 : index
    %swap3A_92 = arith.constant 0 : index
    %swap3A_93 = vector.load %arg15[%swap3A_90, %swap3A_91, %swap3A_92] : memref<8x256x128xf32, #tpu.memory_space<vmem>>, vector<1x256x128xf32>
    %swap3A_94 = vector.shape_cast %swap3A_93 : vector<1x256x128xf32> to vector<256x128xf32>
    %swap3A_95 = vector.shape_cast %sub3A_89 : vector<256x128xf32> to vector<1x256x128xf32>
    tpu.vector_store %arg15[%swap3A_90, %swap3A_91, %swap3A_92], %swap3A_95 {strides = array<i32>} : memref<8x256x128xf32, #tpu.memory_space<vmem>>, vector<1x256x128xf32>,
    %get3A_96 = arith.constant 1 : index
    %get3A_97 = arith.constant 0 : index
    %get3A_98 = arith.constant 0 : index
    %get3A_99 = vector.load %arg12[%get3A_96, %get3A_97, %get3A_98] : memref<8x256x128xf32, #tpu.memory_space<vmem>>, vector<1x256x128xf32>
    %get3A_100 = vector.shape_cast %get3A_99 : vector<1x256x128xf32> to vector<256x128xf32>
    %get3A_101 = arith.constant 1 : index
    %get3A_102 = arith.constant 0 : index
    %get3A_103 = arith.constant 0 : index
    %get3A_104 = vector.load %arg13[%get3A_101, %get3A_102, %get3A_103] : memref<8x256x128xf32, #tpu.memory_space<vmem>>, vector<1x256x128xf32>
    %get3A_105 = vector.shape_cast %get3A_104 : vector<1x256x128xf32> to vector<256x128xf32>
    %get3A_106 = arith.constant 1 : index
    %get3A_107 = arith.constant 0 : index
    %get3A_108 = vector.load %arg3[%get3A_106, %get3A_107] : memref<8x256xf32, #tpu.memory_space<vmem>>, vector<1x256xf32>
    %get3A_109 = arith.constant 1 : index
    %get3A_110 = arith.constant 0 : index
    %get3A_111 = vector.load %arg4[%get3A_109, %get3A_110] : memref<8x256xf32, #tpu.memory_space<vmem>>, vector<1x256xf32>
    %mul3A_112 = vector.broadcast %get3A_108 : vector<1x256xf32> to vector<256x256xf32>
    %mul3A_113 = arith.mulf %get3A_1, %mul3A_112 : vector<256x256xf32>
    %mul3A_114 = vector.broadcast %get3A_111 : vector<1x256xf32> to vector<256x256xf32>
    %mul3A_115 = arith.mulf %get3A_4, %mul3A_114 : vector<256x256xf32>
    %sub3A_116 = arith.subf %mul3A_113, %mul3A_115 : vector<256x256xf32>
    %mul3A_117 = vector.broadcast %get3A_111 : vector<1x256xf32> to vector<256x256xf32>
    %mul3A_118 = arith.mulf %get3A_1, %mul3A_117 : vector<256x256xf32>
    %mul3A_119 = vector.broadcast %get3A_108 : vector<1x256xf32> to vector<256x256xf32>
    %mul3A_120 = arith.mulf %get3A_4, %mul3A_119 : vector<256x256xf32>
    %add3A_121 = arith.addf %mul3A_118, %mul3A_120 : vector<256x256xf32>
    %dot_general3A_122 = arith.constant dense<0.000000e+00> : vector<256x128xf32>
    %dot_general3A_123 = tpu.matmul %sub3A_116, %get3A_100, %dot_general3A_122 {dimension_numbers = #tpu.dot_dimension_numbers<[1], [0], [0], [1], [0, 0, 1, 1], [], []>, transpose_lhs_hint = false} : vector<256x256xf32>, vector<256x128xf32>, vector<256x128xf32> -> vector<256x128xf32>
    %dot_general3A_124 = arith.constant dense<0.000000e+00> : vector<256x128xf32>
    %dot_general3A_125 = tpu.matmul %add3A_121, %get3A_105, %dot_general3A_124 {dimension_numbers = #tpu.dot_dimension_numbers<[1], [0], [0], [1], [0, 0, 1, 1], [], []>, transpose_lhs_hint = false} : vector<256x256xf32>, vector<256x128xf32>, vector<256x128xf32> -> vector<256x128xf32>
    %add3A_126 = arith.addf %sub3A_116, %add3A_121 : vector<256x256xf32>
    %add3A_127 = arith.addf %get3A_100, %get3A_105 : vector<256x128xf32>
    %dot_general3A_128 = arith.constant dense<0.000000e+00> : vector<256x128xf32>
    %dot_general3A_129 = tpu.matmul %add3A_126, %add3A_127, %dot_general3A_128 {dimension_numbers = #tpu.dot_dimension_numbers<[1], [0], [0], [1], [0, 0, 1, 1], [], []>, transpose_lhs_hint = false} : vector<256x256xf32>, vector<256x128xf32>, vector<256x128xf32> -> vector<256x128xf32>
    %sub3A_130 = arith.subf %dot_general3A_123, %dot_general3A_125 : vector<256x128xf32>
    %sub3A_131 = arith.subf %dot_general3A_129, %dot_general3A_123 : vector<256x128xf32>
    %sub3A_132 = arith.subf %sub3A_131, %dot_general3A_125 : vector<256x128xf32>
    %get3A_133 = arith.constant 1 : index
    %get3A_134 = arith.constant 0 : index
    %get3A_135 = vector.load %arg10[%get3A_133, %get3A_134] : memref<8x128xf32, #tpu.memory_space<vmem>>, vector<1x128xf32>
    %get3A_136 = arith.constant 1 : index
    %get3A_137 = arith.constant 0 : index
    %get3A_138 = vector.load %arg11[%get3A_136, %get3A_137] : memref<8x128xf32, #tpu.memory_space<vmem>>, vector<1x128xf32>
    %mul3A_139 = vector.broadcast %get3A_135 : vector<1x128xf32> to vector<256x128xf32>
    %mul3A_140 = arith.mulf %mul3A_139, %get3A_16 : vector<256x128xf32>
    %mul3A_141 = vector.broadcast %get3A_138 : vector<1x128xf32> to vector<256x128xf32>
    %mul3A_142 = arith.mulf %mul3A_141, %get3A_19 : vector<256x128xf32>
    %sub3A_143 = arith.subf %mul3A_140, %mul3A_142 : vector<256x128xf32>
    %mul3A_144 = vector.broadcast %get3A_135 : vector<1x128xf32> to vector<256x128xf32>
    %mul3A_145 = arith.mulf %mul3A_144, %get3A_19 : vector<256x128xf32>
    %mul3A_146 = vector.broadcast %get3A_138 : vector<1x128xf32> to vector<256x128xf32>
    %mul3A_147 = arith.mulf %mul3A_146, %get3A_16 : vector<256x128xf32>
    %add3A_148 = arith.addf %mul3A_145, %mul3A_147 : vector<256x128xf32>
    %mul3A_149 = arith.mulf %sub3A_130, %sub3A_143 : vector<256x128xf32>
    %mul3A_150 = arith.mulf %sub3A_132, %add3A_148 : vector<256x128xf32>
    %sub3A_151 = arith.subf %mul3A_149, %mul3A_150 : vector<256x128xf32>
    %mul3A_152 = arith.mulf %sub3A_130, %add3A_148 : vector<256x128xf32>
    %mul3A_153 = arith.mulf %sub3A_132, %sub3A_143 : vector<256x128xf32>
    %add3A_154 = arith.addf %mul3A_152, %mul3A_153 : vector<256x128xf32>
    %dot_general3A_155 = arith.constant dense<0.000000e+00> : vector<256x128xf32>
    %dot_general3A_156 = tpu.matmul %sub3A_151, %get3A_7, %dot_general3A_155 {dimension_numbers = #tpu.dot_dimension_numbers<[1], [0], [0], [1], [0, 0, 1, 1], [], []>, transpose_lhs_hint = false} : vector<256x128xf32>, vector<128x128xf32>, vector<256x128xf32> -> vector<256x128xf32>
    %dot_general3A_157 = arith.constant dense<0.000000e+00> : vector<256x128xf32>
    %dot_general3A_158 = tpu.matmul %add3A_154, %get3A_10, %dot_general3A_157 {dimension_numbers = #tpu.dot_dimension_numbers<[1], [0], [0], [1], [0, 0, 1, 1], [], []>, transpose_lhs_hint = false} : vector<256x128xf32>, vector<128x128xf32>, vector<256x128xf32> -> vector<256x128xf32>
    %add3A_159 = arith.addf %sub3A_151, %add3A_154 : vector<256x128xf32>
    %dot_general3A_160 = arith.constant dense<0.000000e+00> : vector<256x128xf32>
    %dot_general3A_161 = tpu.matmul %add3A_159, %get3A_13, %dot_general3A_160 {dimension_numbers = #tpu.dot_dimension_numbers<[1], [0], [0], [1], [0, 0, 1, 1], [], []>, transpose_lhs_hint = false} : vector<256x128xf32>, vector<128x128xf32>, vector<256x128xf32> -> vector<256x128xf32>
    %sub3A_162 = arith.subf %dot_general3A_156, %dot_general3A_158 : vector<256x128xf32>
    %swap3A_163 = arith.constant 1 : index
    %swap3A_164 = arith.constant 0 : index
    %swap3A_165 = arith.constant 0 : index
    %swap3A_166 = vector.load %arg14[%swap3A_163, %swap3A_164, %swap3A_165] : memref<8x256x128xf32, #tpu.memory_space<vmem>>, vector<1x256x128xf32>
    %swap3A_167 = vector.shape_cast %swap3A_166 : vector<1x256x128xf32> to vector<256x128xf32>
    %swap3A_168 = vector.shape_cast %sub3A_162 : vector<256x128xf32> to vector<1x256x128xf32>
    tpu.vector_store %arg14[%swap3A_163, %swap3A_164, %swap3A_165], %swap3A_168 {strides = array<i32>} : memref<8x256x128xf32, #tpu.memory_space<vmem>>, vector<1x256x128xf32>,
    %sub3A_169 = arith.subf %dot_general3A_161, %dot_general3A_156 : vector<256x128xf32>
    %sub3A_170 = arith.subf %sub3A_169, %dot_general3A_158 : vector<256x128xf32>
    %swap3A_171 = arith.constant 1 : index
    %swap3A_172 = arith.constant 0 : index
    %swap3A_173 = arith.constant 0 : index
    %swap3A_174 = vector.load %arg15[%swap3A_171, %swap3A_172, %swap3A_173] : memref<8x256x128xf32, #tpu.memory_space<vmem>>, vector<1x256x128xf32>
    %swap3A_175 = vector.shape_cast %swap3A_174 : vector<1x256x128xf32> to vector<256x128xf32>
    %swap3A_176 = vector.shape_cast %sub3A_170 : vector<256x128xf32> to vector<1x256x128xf32>
    tpu.vector_store %arg15[%swap3A_171, %swap3A_172, %swap3A_173], %swap3A_176 {strides = array<i32>} : memref<8x256x128xf32, #tpu.memory_space<vmem>>, vector<1x256x128xf32>,
    %get3A_177 = arith.constant 2 : index
    %get3A_178 = arith.constant 0 : index
    %get3A_179 = arith.constant 0 : index
    %get3A_180 = vector.load %arg12[%get3A_177, %get3A_178, %get3A_179] : memref<8x256x128xf32, #tpu.memory_space<vmem>>, vector<1x256x128xf32>
    %get3A_181 = vector.shape_cast %get3A_180 : vector<1x256x128xf32> to vector<256x128xf32>
    %get3A_182 = arith.constant 2 : index
    %get3A_183 = arith.constant 0 : index
    %get3A_184 = arith.constant 0 : index
    %get3A_185 = vector.load %arg13[%get3A_182, %get3A_183, %get3A_184] : memref<8x256x128xf32, #tpu.memory_space<vmem>>, vector<1x256x128xf32>
    %get3A_186 = vector.shape_cast %get3A_185 : vector<1x256x128xf32> to vector<256x128xf32>
    %get3A_187 = arith.constant 2 : index
    %get3A_188 = arith.constant 0 : index
    %get3A_189 = vector.load %arg3[%get3A_187, %get3A_188] : memref<8x256xf32, #tpu.memory_space<vmem>>, vector<1x256xf32>
    %get3A_190 = arith.constant 2 : index
    %get3A_191 = arith.constant 0 : index
    %get3A_192 = vector.load %arg4[%get3A_190, %get3A_191] : memref<8x256xf32, #tpu.memory_space<vmem>>, vector<1x256xf32>
    %mul3A_193 = vector.broadcast %get3A_189 : vector<1x256xf32> to vector<256x256xf32>
    %mul3A_194 = arith.mulf %get3A_1, %mul3A_193 : vector<256x256xf32>
    %mul3A_195 = vector.broadcast %get3A_192 : vector<1x256xf32> to vector<256x256xf32>
    %mul3A_196 = arith.mulf %get3A_4, %mul3A_195 : vector<256x256xf32>
    %sub3A_197 = arith.subf %mul3A_194, %mul3A_196 : vector<256x256xf32>
    %mul3A_198 = vector.broadcast %get3A_192 : vector<1x256xf32> to vector<256x256xf32>
    %mul3A_199 = arith.mulf %get3A_1, %mul3A_198 : vector<256x256xf32>
    %mul3A_200 = vector.broadcast %get3A_189 : vector<1x256xf32> to vector<256x256xf32>
    %mul3A_201 = arith.mulf %get3A_4, %mul3A_200 : vector<256x256xf32>
    %add3A_202 = arith.addf %mul3A_199, %mul3A_201 : vector<256x256xf32>
    %dot_general3A_203 = arith.constant dense<0.000000e+00> : vector<256x128xf32>
    %dot_general3A_204 = tpu.matmul %sub3A_197, %get3A_181, %dot_general3A_203 {dimension_numbers = #tpu.dot_dimension_numbers<[1], [0], [0], [1], [0, 0, 1, 1], [], []>, transpose_lhs_hint = false} : vector<256x256xf32>, vector<256x128xf32>, vector<256x128xf32> -> vector<256x128xf32>
    %dot_general3A_205 = arith.constant dense<0.000000e+00> : vector<256x128xf32>
    %dot_general3A_206 = tpu.matmul %add3A_202, %get3A_186, %dot_general3A_205 {dimension_numbers = #tpu.dot_dimension_numbers<[1], [0], [0], [1], [0, 0, 1, 1], [], []>, transpose_lhs_hint = false} : vector<256x256xf32>, vector<256x128xf32>, vector<256x128xf32> -> vector<256x128xf32>
    %add3A_207 = arith.addf %sub3A_197, %add3A_202 : vector<256x256xf32>
    %add3A_208 = arith.addf %get3A_181, %get3A_186 : vector<256x128xf32>
    %dot_general3A_209 = arith.constant dense<0.000000e+00> : vector<256x128xf32>
    %dot_general3A_210 = tpu.matmul %add3A_207, %add3A_208, %dot_general3A_209 {dimension_numbers = #tpu.dot_dimension_numbers<[1], [0], [0], [1], [0, 0, 1, 1], [], []>, transpose_lhs_hint = false} : vector<256x256xf32>, vector<256x128xf32>, vector<256x128xf32> -> vector<256x128xf32>
    %sub3A_211 = arith.subf %dot_general3A_204, %dot_general3A_206 : vector<256x128xf32>
    %sub3A_212 = arith.subf %dot_general3A_210, %dot_general3A_204 : vector<256x128xf32>
    %sub3A_213 = arith.subf %sub3A_212, %dot_general3A_206 : vector<256x128xf32>
    %get3A_214 = arith.constant 2 : index
    %get3A_215 = arith.constant 0 : index
    %get3A_216 = vector.load %arg10[%get3A_214, %get3A_215] : memref<8x128xf32, #tpu.memory_space<vmem>>, vector<1x128xf32>
    %get3A_217 = arith.constant 2 : index
    %get3A_218 = arith.constant 0 : index
    %get3A_219 = vector.load %arg11[%get3A_217, %get3A_218] : memref<8x128xf32, #tpu.memory_space<vmem>>, vector<1x128xf32>
    %mul3A_220 = vector.broadcast %get3A_216 : vector<1x128xf32> to vector<256x128xf32>
    %mul3A_221 = arith.mulf %mul3A_220, %get3A_16 : vector<256x128xf32>
    %mul3A_222 = vector.broadcast %get3A_219 : vector<1x128xf32> to vector<256x128xf32>
    %mul3A_223 = arith.mulf %mul3A_222, %get3A_19 : vector<256x128xf32>
    %sub3A_224 = arith.subf %mul3A_221, %mul3A_223 : vector<256x128xf32>
    %mul3A_225 = vector.broadcast %get3A_216 : vector<1x128xf32> to vector<256x128xf32>
    %mul3A_226 = arith.mulf %mul3A_225, %get3A_19 : vector<256x128xf32>
    %mul3A_227 = vector.broadcast %get3A_219 : vector<1x128xf32> to vector<256x128xf32>
    %mul3A_228 = arith.mulf %mul3A_227, %get3A_16 : vector<256x128xf32>
    %add3A_229 = arith.addf %mul3A_226, %mul3A_228 : vector<256x128xf32>
    %mul3A_230 = arith.mulf %sub3A_211, %sub3A_224 : vector<256x128xf32>
    %mul3A_231 = arith.mulf %sub3A_213, %add3A_229 : vector<256x128xf32>
    %sub3A_232 = arith.subf %mul3A_230, %mul3A_231 : vector<256x128xf32>
    %mul3A_233 = arith.mulf %sub3A_211, %add3A_229 : vector<256x128xf32>
    %mul3A_234 = arith.mulf %sub3A_213, %sub3A_224 : vector<256x128xf32>
    %add3A_235 = arith.addf %mul3A_233, %mul3A_234 : vector<256x128xf32>
    %dot_general3A_236 = arith.constant dense<0.000000e+00> : vector<256x128xf32>
    %dot_general3A_237 = tpu.matmul %sub3A_232, %get3A_7, %dot_general3A_236 {dimension_numbers = #tpu.dot_dimension_numbers<[1], [0], [0], [1], [0, 0, 1, 1], [], []>, transpose_lhs_hint = false} : vector<256x128xf32>, vector<128x128xf32>, vector<256x128xf32> -> vector<256x128xf32>
    %dot_general3A_238 = arith.constant dense<0.000000e+00> : vector<256x128xf32>
    %dot_general3A_239 = tpu.matmul %add3A_235, %get3A_10, %dot_general3A_238 {dimension_numbers = #tpu.dot_dimension_numbers<[1], [0], [0], [1], [0, 0, 1, 1], [], []>, transpose_lhs_hint = false} : vector<256x128xf32>, vector<128x128xf32>, vector<256x128xf32> -> vector<256x128xf32>
    %add3A_240 = arith.addf %sub3A_232, %add3A_235 : vector<256x128xf32>
    %dot_general3A_241 = arith.constant dense<0.000000e+00> : vector<256x128xf32>
    %dot_general3A_242 = tpu.matmul %add3A_240, %get3A_13, %dot_general3A_241 {dimension_numbers = #tpu.dot_dimension_numbers<[1], [0], [0], [1], [0, 0, 1, 1], [], []>, transpose_lhs_hint = false} : vector<256x128xf32>, vector<128x128xf32>, vector<256x128xf32> -> vector<256x128xf32>
    %sub3A_243 = arith.subf %dot_general3A_237, %dot_general3A_239 : vector<256x128xf32>
    %swap3A_244 = arith.constant 2 : index
    %swap3A_245 = arith.constant 0 : index
    %swap3A_246 = arith.constant 0 : index
    %swap3A_247 = vector.load %arg14[%swap3A_244, %swap3A_245, %swap3A_246] : memref<8x256x128xf32, #tpu.memory_space<vmem>>, vector<1x256x128xf32>
    %swap3A_248 = vector.shape_cast %swap3A_247 : vector<1x256x128xf32> to vector<256x128xf32>
    %swap3A_249 = vector.shape_cast %sub3A_243 : vector<256x128xf32> to vector<1x256x128xf32>
    tpu.vector_store %arg14[%swap3A_244, %swap3A_245, %swap3A_246], %swap3A_249 {strides = array<i32>} : memref<8x256x128xf32, #tpu.memory_space<vmem>>, vector<1x256x128xf32>,
    %sub3A_250 = arith.subf %dot_general3A_242, %dot_general3A_237 : vector<256x128xf32>
    %sub3A_251 = arith.subf %sub3A_250, %dot_general3A_239 : vector<256x128xf32>
    %swap3A_252 = arith.constant 2 : index
    %swap3A_253 = arith.constant 0 : index
    %swap3A_254 = arith.constant 0 : index
    %swap3A_255 = vector.load %arg15[%swap3A_252, %swap3A_253, %swap3A_254] : memref<8x256x128xf32, #tpu.memory_space<vmem>>, vector<1x256x128xf32>
    %swap3A_256 = vector.shape_cast %swap3A_255 : vector<1x256x128xf32> to vector<256x128xf32>
    %swap3A_257 = vector.shape_cast %sub3A_251 : vector<256x128xf32> to vector<1x256x128xf32>
    tpu.vector_store %arg15[%swap3A_252, %swap3A_253, %swap3A_254], %swap3A_257 {strides = array<i32>} : memref<8x256x128xf32, #tpu.memory_space<vmem>>, vector<1x256x128xf32>,
    %get3A_258 = arith.constant 3 : index
    %get3A_259 = arith.constant 0 : index
    %get3A_260 = arith.constant 0 : index
    %get3A_261 = vector.load %arg12[%get3A_258, %get3A_259, %get3A_260] : memref<8x256x128xf32, #tpu.memory_space<vmem>>, vector<1x256x128xf32>
    %get3A_262 = vector.shape_cast %get3A_261 : vector<1x256x128xf32> to vector<256x128xf32>
    %get3A_263 = arith.constant 3 : index
    %get3A_264 = arith.constant 0 : index
    %get3A_265 = arith.constant 0 : index
    %get3A_266 = vector.load %arg13[%get3A_263, %get3A_264, %get3A_265] : memref<8x256x128xf32, #tpu.memory_space<vmem>>, vector<1x256x128xf32>
    %get3A_267 = vector.shape_cast %get3A_266 : vector<1x256x128xf32> to vector<256x128xf32>
    %get3A_268 = arith.constant 3 : index
    %get3A_269 = arith.constant 0 : index
    %get3A_270 = vector.load %arg3[%get3A_268, %get3A_269] : memref<8x256xf32, #tpu.memory_space<vmem>>, vector<1x256xf32>
    %get3A_271 = arith.constant 3 : index
    %get3A_272 = arith.constant 0 : index
    %get3A_273 = vector.load %arg4[%get3A_271, %get3A_272] : memref<8x256xf32, #tpu.memory_space<vmem>>, vector<1x256xf32>
    %mul3A_274 = vector.broadcast %get3A_270 : vector<1x256xf32> to vector<256x256xf32>
    %mul3A_275 = arith.mulf %get3A_1, %mul3A_274 : vector<256x256xf32>
    %mul3A_276 = vector.broadcast %get3A_273 : vector<1x256xf32> to vector<256x256xf32>
    %mul3A_277 = arith.mulf %get3A_4, %mul3A_276 : vector<256x256xf32>
    %sub3A_278 = arith.subf %mul3A_275, %mul3A_277 : vector<256x256xf32>
    %mul3A_279 = vector.broadcast %get3A_273 : vector<1x256xf32> to vector<256x256xf32>
    %mul3A_280 = arith.mulf %get3A_1, %mul3A_279 : vector<256x256xf32>
    %mul3A_281 = vector.broadcast %get3A_270 : vector<1x256xf32> to vector<256x256xf32>
    %mul3A_282 = arith.mulf %get3A_4, %mul3A_281 : vector<256x256xf32>
    %add3A_283 = arith.addf %mul3A_280, %mul3A_282 : vector<256x256xf32>
    %dot_general3A_284 = arith.constant dense<0.000000e+00> : vector<256x128xf32>
    %dot_general3A_285 = tpu.matmul %sub3A_278, %get3A_262, %dot_general3A_284 {dimension_numbers = #tpu.dot_dimension_numbers<[1], [0], [0], [1], [0, 0, 1, 1], [], []>, transpose_lhs_hint = false} : vector<256x256xf32>, vector<256x128xf32>, vector<256x128xf32> -> vector<256x128xf32>
    %dot_general3A_286 = arith.constant dense<0.000000e+00> : vector<256x128xf32>
    %dot_general3A_287 = tpu.matmul %add3A_283, %get3A_267, %dot_general3A_286 {dimension_numbers = #tpu.dot_dimension_numbers<[1], [0], [0], [1], [0, 0, 1, 1], [], []>, transpose_lhs_hint = false} : vector<256x256xf32>, vector<256x128xf32>, vector<256x128xf32> -> vector<256x128xf32>
    %add3A_288 = arith.addf %sub3A_278, %add3A_283 : vector<256x256xf32>
    %add3A_289 = arith.addf %get3A_262, %get3A_267 : vector<256x128xf32>
    %dot_general3A_290 = arith.constant dense<0.000000e+00> : vector<256x128xf32>
    %dot_general3A_291 = tpu.matmul %add3A_288, %add3A_289, %dot_general3A_290 {dimension_numbers = #tpu.dot_dimension_numbers<[1], [0], [0], [1], [0, 0, 1, 1], [], []>, transpose_lhs_hint = false} : vector<256x256xf32>, vector<256x128xf32>, vector<256x128xf32> -> vector<256x128xf32>
    %sub3A_292 = arith.subf %dot_general3A_285, %dot_general3A_287 : vector<256x128xf32>
    %sub3A_293 = arith.subf %dot_general3A_291, %dot_general3A_285 : vector<256x128xf32>
    %sub3A_294 = arith.subf %sub3A_293, %dot_general3A_287 : vector<256x128xf32>
    %get3A_295 = arith.constant 3 : index
    %get3A_296 = arith.constant 0 : index
    %get3A_297 = vector.load %arg10[%get3A_295, %get3A_296] : memref<8x128xf32, #tpu.memory_space<vmem>>, vector<1x128xf32>
    %get3A_298 = arith.constant 3 : index
    %get3A_299 = arith.constant 0 : index
    %get3A_300 = vector.load %arg11[%get3A_298, %get3A_299] : memref<8x128xf32, #tpu.memory_space<vmem>>, vector<1x128xf32>
    %mul3A_301 = vector.broadcast %get3A_297 : vector<1x128xf32> to vector<256x128xf32>
    %mul3A_302 = arith.mulf %mul3A_301, %get3A_16 : vector<256x128xf32>
    %mul3A_303 = vector.broadcast %get3A_300 : vector<1x128xf32> to vector<256x128xf32>
    %mul3A_304 = arith.mulf %mul3A_303, %get3A_19 : vector<256x128xf32>
    %sub3A_305 = arith.subf %mul3A_302, %mul3A_304 : vector<256x128xf32>
    %mul3A_306 = vector.broadcast %get3A_297 : vector<1x128xf32> to vector<256x128xf32>
    %mul3A_307 = arith.mulf %mul3A_306, %get3A_19 : vector<256x128xf32>
    %mul3A_308 = vector.broadcast %get3A_300 : vector<1x128xf32> to vector<256x128xf32>
    %mul3A_309 = arith.mulf %mul3A_308, %get3A_16 : vector<256x128xf32>
    %add3A_310 = arith.addf %mul3A_307, %mul3A_309 : vector<256x128xf32>
    %mul3A_311 = arith.mulf %sub3A_292, %sub3A_305 : vector<256x128xf32>
    %mul3A_312 = arith.mulf %sub3A_294, %add3A_310 : vector<256x128xf32>
    %sub3A_313 = arith.subf %mul3A_311, %mul3A_312 : vector<256x128xf32>
    %mul3A_314 = arith.mulf %sub3A_292, %add3A_310 : vector<256x128xf32>
    %mul3A_315 = arith.mulf %sub3A_294, %sub3A_305 : vector<256x128xf32>
    %add3A_316 = arith.addf %mul3A_314, %mul3A_315 : vector<256x128xf32>
    %dot_general3A_317 = arith.constant dense<0.000000e+00> : vector<256x128xf32>
    %dot_general3A_318 = tpu.matmul %sub3A_313, %get3A_7, %dot_general3A_317 {dimension_numbers = #tpu.dot_dimension_numbers<[1], [0], [0], [1], [0, 0, 1, 1], [], []>, transpose_lhs_hint = false} : vector<256x128xf32>, vector<128x128xf32>, vector<256x128xf32> -> vector<256x128xf32>
    %dot_general3A_319 = arith.constant dense<0.000000e+00> : vector<256x128xf32>
    %dot_general3A_320 = tpu.matmul %add3A_316, %get3A_10, %dot_general3A_319 {dimension_numbers = #tpu.dot_dimension_numbers<[1], [0], [0], [1], [0, 0, 1, 1], [], []>, transpose_lhs_hint = false} : vector<256x128xf32>, vector<128x128xf32>, vector<256x128xf32> -> vector<256x128xf32>
    %add3A_321 = arith.addf %sub3A_313, %add3A_316 : vector<256x128xf32>
    %dot_general3A_322 = arith.constant dense<0.000000e+00> : vector<256x128xf32>
    %dot_general3A_323 = tpu.matmul %add3A_321, %get3A_13, %dot_general3A_322 {dimension_numbers = #tpu.dot_dimension_numbers<[1], [0], [0], [1], [0, 0, 1, 1], [], []>, transpose_lhs_hint = false} : vector<256x128xf32>, vector<128x128xf32>, vector<256x128xf32> -> vector<256x128xf32>
    %sub3A_324 = arith.subf %dot_general3A_318, %dot_general3A_320 : vector<256x128xf32>
    %swap3A_325 = arith.constant 3 : index
    %swap3A_326 = arith.constant 0 : index
    %swap3A_327 = arith.constant 0 : index
    %swap3A_328 = vector.load %arg14[%swap3A_325, %swap3A_326, %swap3A_327] : memref<8x256x128xf32, #tpu.memory_space<vmem>>, vector<1x256x128xf32>
    %swap3A_329 = vector.shape_cast %swap3A_328 : vector<1x256x128xf32> to vector<256x128xf32>
    %swap3A_330 = vector.shape_cast %sub3A_324 : vector<256x128xf32> to vector<1x256x128xf32>
    tpu.vector_store %arg14[%swap3A_325, %swap3A_326, %swap3A_327], %swap3A_330 {strides = array<i32>} : memref<8x256x128xf32, #tpu.memory_space<vmem>>, vector<1x256x128xf32>,
    %sub3A_331 = arith.subf %dot_general3A_323, %dot_general3A_318 : vector<256x128xf32>
    %sub3A_332 = arith.subf %sub3A_331, %dot_general3A_320 : vector<256x128xf32>
    %swap3A_333 = arith.constant 3 : index
    %swap3A_334 = arith.constant 0 : index
    %swap3A_335 = arith.constant 0 : index
    %swap3A_336 = vector.load %arg15[%swap3A_333, %swap3A_334, %swap3A_335] : memref<8x256x128xf32, #tpu.memory_space<vmem>>, vector<1x256x128xf32>
    %swap3A_337 = vector.shape_cast %swap3A_336 : vector<1x256x128xf32> to vector<256x128xf32>
    %swap3A_338 = vector.shape_cast %sub3A_332 : vector<256x128xf32> to vector<1x256x128xf32>
    tpu.vector_store %arg15[%swap3A_333, %swap3A_334, %swap3A_335], %swap3A_338 {strides = array<i32>} : memref<8x256x128xf32, #tpu.memory_space<vmem>>, vector<1x256x128xf32>,
    %get3A_339 = arith.constant 4 : index
    %get3A_340 = arith.constant 0 : index
    %get3A_341 = arith.constant 0 : index
    %get3A_342 = vector.load %arg12[%get3A_339, %get3A_340, %get3A_341] : memref<8x256x128xf32, #tpu.memory_space<vmem>>, vector<1x256x128xf32>
    %get3A_343 = vector.shape_cast %get3A_342 : vector<1x256x128xf32> to vector<256x128xf32>
    %get3A_344 = arith.constant 4 : index
    %get3A_345 = arith.constant 0 : index
    %get3A_346 = arith.constant 0 : index
    %get3A_347 = vector.load %arg13[%get3A_344, %get3A_345, %get3A_346] : memref<8x256x128xf32, #tpu.memory_space<vmem>>, vector<1x256x128xf32>
    %get3A_348 = vector.shape_cast %get3A_347 : vector<1x256x128xf32> to vector<256x128xf32>
    %get3A_349 = arith.constant 4 : index
    %get3A_350 = arith.constant 0 : index
    %get3A_351 = vector.load %arg3[%get3A_349, %get3A_350] : memref<8x256xf32, #tpu.memory_space<vmem>>, vector<1x256xf32>
    %get3A_352 = arith.constant 4 : index
    %get3A_353 = arith.constant 0 : index
    %get3A_354 = vector.load %arg4[%get3A_352, %get3A_353] : memref<8x256xf32, #tpu.memory_space<vmem>>, vector<1x256xf32>
    %mul3A_355 = vector.broadcast %get3A_351 : vector<1x256xf32> to vector<256x256xf32>
    %mul3A_356 = arith.mulf %get3A_1, %mul3A_355 : vector<256x256xf32>
    %mul3A_357 = vector.broadcast %get3A_354 : vector<1x256xf32> to vector<256x256xf32>
    %mul3A_358 = arith.mulf %get3A_4, %mul3A_357 : vector<256x256xf32>
    %sub3A_359 = arith.subf %mul3A_356, %mul3A_358 : vector<256x256xf32>
    %mul3A_360 = vector.broadcast %get3A_354 : vector<1x256xf32> to vector<256x256xf32>
    %mul3A_361 = arith.mulf %get3A_1, %mul3A_360 : vector<256x256xf32>
    %mul3A_362 = vector.broadcast %get3A_351 : vector<1x256xf32> to vector<256x256xf32>
    %mul3A_363 = arith.mulf %get3A_4, %mul3A_362 : vector<256x256xf32>
    %add3A_364 = arith.addf %mul3A_361, %mul3A_363 : vector<256x256xf32>
    %dot_general3A_365 = arith.constant dense<0.000000e+00> : vector<256x128xf32>
    %dot_general3A_366 = tpu.matmul %sub3A_359, %get3A_343, %dot_general3A_365 {dimension_numbers = #tpu.dot_dimension_numbers<[1], [0], [0], [1], [0, 0, 1, 1], [], []>, transpose_lhs_hint = false} : vector<256x256xf32>, vector<256x128xf32>, vector<256x128xf32> -> vector<256x128xf32>
    %dot_general3A_367 = arith.constant dense<0.000000e+00> : vector<256x128xf32>
    %dot_general3A_368 = tpu.matmul %add3A_364, %get3A_348, %dot_general3A_367 {dimension_numbers = #tpu.dot_dimension_numbers<[1], [0], [0], [1], [0, 0, 1, 1], [], []>, transpose_lhs_hint = false} : vector<256x256xf32>, vector<256x128xf32>, vector<256x128xf32> -> vector<256x128xf32>
    %add3A_369 = arith.addf %sub3A_359, %add3A_364 : vector<256x256xf32>
    %add3A_370 = arith.addf %get3A_343, %get3A_348 : vector<256x128xf32>
    %dot_general3A_371 = arith.constant dense<0.000000e+00> : vector<256x128xf32>
    %dot_general3A_372 = tpu.matmul %add3A_369, %add3A_370, %dot_general3A_371 {dimension_numbers = #tpu.dot_dimension_numbers<[1], [0], [0], [1], [0, 0, 1, 1], [], []>, transpose_lhs_hint = false} : vector<256x256xf32>, vector<256x128xf32>, vector<256x128xf32> -> vector<256x128xf32>
    %sub3A_373 = arith.subf %dot_general3A_366, %dot_general3A_368 : vector<256x128xf32>
    %sub3A_374 = arith.subf %dot_general3A_372, %dot_general3A_366 : vector<256x128xf32>
    %sub3A_375 = arith.subf %sub3A_374, %dot_general3A_368 : vector<256x128xf32>
    %get3A_376 = arith.constant 4 : index
    %get3A_377 = arith.constant 0 : index
    %get3A_378 = vector.load %arg10[%get3A_376, %get3A_377] : memref<8x128xf32, #tpu.memory_space<vmem>>, vector<1x128xf32>
    %get3A_379 = arith.constant 4 : index
    %get3A_380 = arith.constant 0 : index
    %get3A_381 = vector.load %arg11[%get3A_379, %get3A_380] : memref<8x128xf32, #tpu.memory_space<vmem>>, vector<1x128xf32>
    %mul3A_382 = vector.broadcast %get3A_378 : vector<1x128xf32> to vector<256x128xf32>
    %mul3A_383 = arith.mulf %mul3A_382, %get3A_16 : vector<256x128xf32>
    %mul3A_384 = vector.broadcast %get3A_381 : vector<1x128xf32> to vector<256x128xf32>
    %mul3A_385 = arith.mulf %mul3A_384, %get3A_19 : vector<256x128xf32>
    %sub3A_386 = arith.subf %mul3A_383, %mul3A_385 : vector<256x128xf32>
    %mul3A_387 = vector.broadcast %get3A_378 : vector<1x128xf32> to vector<256x128xf32>
    %mul3A_388 = arith.mulf %mul3A_387, %get3A_19 : vector<256x128xf32>
    %mul3A_389 = vector.broadcast %get3A_381 : vector<1x128xf32> to vector<256x128xf32>
    %mul3A_390 = arith.mulf %mul3A_389, %get3A_16 : vector<256x128xf32>
    %add3A_391 = arith.addf %mul3A_388, %mul3A_390 : vector<256x128xf32>
    %mul3A_392 = arith.mulf %sub3A_373, %sub3A_386 : vector<256x128xf32>
    %mul3A_393 = arith.mulf %sub3A_375, %add3A_391 : vector<256x128xf32>
    %sub3A_394 = arith.subf %mul3A_392, %mul3A_393 : vector<256x128xf32>
    %mul3A_395 = arith.mulf %sub3A_373, %add3A_391 : vector<256x128xf32>
    %mul3A_396 = arith.mulf %sub3A_375, %sub3A_386 : vector<256x128xf32>
    %add3A_397 = arith.addf %mul3A_395, %mul3A_396 : vector<256x128xf32>
    %dot_general3A_398 = arith.constant dense<0.000000e+00> : vector<256x128xf32>
    %dot_general3A_399 = tpu.matmul %sub3A_394, %get3A_7, %dot_general3A_398 {dimension_numbers = #tpu.dot_dimension_numbers<[1], [0], [0], [1], [0, 0, 1, 1], [], []>, transpose_lhs_hint = false} : vector<256x128xf32>, vector<128x128xf32>, vector<256x128xf32> -> vector<256x128xf32>
    %dot_general3A_400 = arith.constant dense<0.000000e+00> : vector<256x128xf32>
    %dot_general3A_401 = tpu.matmul %add3A_397, %get3A_10, %dot_general3A_400 {dimension_numbers = #tpu.dot_dimension_numbers<[1], [0], [0], [1], [0, 0, 1, 1], [], []>, transpose_lhs_hint = false} : vector<256x128xf32>, vector<128x128xf32>, vector<256x128xf32> -> vector<256x128xf32>
    %add3A_402 = arith.addf %sub3A_394, %add3A_397 : vector<256x128xf32>
    %dot_general3A_403 = arith.constant dense<0.000000e+00> : vector<256x128xf32>
    %dot_general3A_404 = tpu.matmul %add3A_402, %get3A_13, %dot_general3A_403 {dimension_numbers = #tpu.dot_dimension_numbers<[1], [0], [0], [1], [0, 0, 1, 1], [], []>, transpose_lhs_hint = false} : vector<256x128xf32>, vector<128x128xf32>, vector<256x128xf32> -> vector<256x128xf32>
    %sub3A_405 = arith.subf %dot_general3A_399, %dot_general3A_401 : vector<256x128xf32>
    %swap3A_406 = arith.constant 4 : index
    %swap3A_407 = arith.constant 0 : index
    %swap3A_408 = arith.constant 0 : index
    %swap3A_409 = vector.load %arg14[%swap3A_406, %swap3A_407, %swap3A_408] : memref<8x256x128xf32, #tpu.memory_space<vmem>>, vector<1x256x128xf32>
    %swap3A_410 = vector.shape_cast %swap3A_409 : vector<1x256x128xf32> to vector<256x128xf32>
    %swap3A_411 = vector.shape_cast %sub3A_405 : vector<256x128xf32> to vector<1x256x128xf32>
    tpu.vector_store %arg14[%swap3A_406, %swap3A_407, %swap3A_408], %swap3A_411 {strides = array<i32>} : memref<8x256x128xf32, #tpu.memory_space<vmem>>, vector<1x256x128xf32>,
    %sub3A_412 = arith.subf %dot_general3A_404, %dot_general3A_399 : vector<256x128xf32>
    %sub3A_413 = arith.subf %sub3A_412, %dot_general3A_401 : vector<256x128xf32>
    %swap3A_414 = arith.constant 4 : index
    %swap3A_415 = arith.constant 0 : index
    %swap3A_416 = arith.constant 0 : index
    %swap3A_417 = vector.load %arg15[%swap3A_414, %swap3A_415, %swap3A_416] : memref<8x256x128xf32, #tpu.memory_space<vmem>>, vector<1x256x128xf32>
    %swap3A_418 = vector.shape_cast %swap3A_417 : vector<1x256x128xf32> to vector<256x128xf32>
    %swap3A_419 = vector.shape_cast %sub3A_413 : vector<256x128xf32> to vector<1x256x128xf32>
    tpu.vector_store %arg15[%swap3A_414, %swap3A_415, %swap3A_416], %swap3A_419 {strides = array<i32>} : memref<8x256x128xf32, #tpu.memory_space<vmem>>, vector<1x256x128xf32>,
    %get3A_420 = arith.constant 5 : index
    %get3A_421 = arith.constant 0 : index
    %get3A_422 = arith.constant 0 : index
    %get3A_423 = vector.load %arg12[%get3A_420, %get3A_421, %get3A_422] : memref<8x256x128xf32, #tpu.memory_space<vmem>>, vector<1x256x128xf32>
    %get3A_424 = vector.shape_cast %get3A_423 : vector<1x256x128xf32> to vector<256x128xf32>
    %get3A_425 = arith.constant 5 : index
    %get3A_426 = arith.constant 0 : index
    %get3A_427 = arith.constant 0 : index
    %get3A_428 = vector.load %arg13[%get3A_425, %get3A_426, %get3A_427] : memref<8x256x128xf32, #tpu.memory_space<vmem>>, vector<1x256x128xf32>
    %get3A_429 = vector.shape_cast %get3A_428 : vector<1x256x128xf32> to vector<256x128xf32>
    %get3A_430 = arith.constant 5 : index
    %get3A_431 = arith.constant 0 : index
    %get3A_432 = vector.load %arg3[%get3A_430, %get3A_431] : memref<8x256xf32, #tpu.memory_space<vmem>>, vector<1x256xf32>
    %get3A_433 = arith.constant 5 : index
    %get3A_434 = arith.constant 0 : index
    %get3A_435 = vector.load %arg4[%get3A_433, %get3A_434] : memref<8x256xf32, #tpu.memory_space<vmem>>, vector<1x256xf32>
    %mul3A_436 = vector.broadcast %get3A_432 : vector<1x256xf32> to vector<256x256xf32>
    %mul3A_437 = arith.mulf %get3A_1, %mul3A_436 : vector<256x256xf32>
    %mul3A_438 = vector.broadcast %get3A_435 : vector<1x256xf32> to vector<256x256xf32>
    %mul3A_439 = arith.mulf %get3A_4, %mul3A_438 : vector<256x256xf32>
    %sub3A_440 = arith.subf %mul3A_437, %mul3A_439 : vector<256x256xf32>
    %mul3A_441 = vector.broadcast %get3A_435 : vector<1x256xf32> to vector<256x256xf32>
    %mul3A_442 = arith.mulf %get3A_1, %mul3A_441 : vector<256x256xf32>
    %mul3A_443 = vector.broadcast %get3A_432 : vector<1x256xf32> to vector<256x256xf32>
    %mul3A_444 = arith.mulf %get3A_4, %mul3A_443 : vector<256x256xf32>
    %add3A_445 = arith.addf %mul3A_442, %mul3A_444 : vector<256x256xf32>
    %dot_general3A_446 = arith.constant dense<0.000000e+00> : vector<256x128xf32>
    %dot_general3A_447 = tpu.matmul %sub3A_440, %get3A_424, %dot_general3A_446 {dimension_numbers = #tpu.dot_dimension_numbers<[1], [0], [0], [1], [0, 0, 1, 1], [], []>, transpose_lhs_hint = false} : vector<256x256xf32>, vector<256x128xf32>, vector<256x128xf32> -> vector<256x128xf32>
    %dot_general3A_448 = arith.constant dense<0.000000e+00> : vector<256x128xf32>
    %dot_general3A_449 = tpu.matmul %add3A_445, %get3A_429, %dot_general3A_448 {dimension_numbers = #tpu.dot_dimension_numbers<[1], [0], [0], [1], [0, 0, 1, 1], [], []>, transpose_lhs_hint = false} : vector<256x256xf32>, vector<256x128xf32>, vector<256x128xf32> -> vector<256x128xf32>
    %add3A_450 = arith.addf %sub3A_440, %add3A_445 : vector<256x256xf32>
    %add3A_451 = arith.addf %get3A_424, %get3A_429 : vector<256x128xf32>
    %dot_general3A_452 = arith.constant dense<0.000000e+00> : vector<256x128xf32>
    %dot_general3A_453 = tpu.matmul %add3A_450, %add3A_451, %dot_general3A_452 {dimension_numbers = #tpu.dot_dimension_numbers<[1], [0], [0], [1], [0, 0, 1, 1], [], []>, transpose_lhs_hint = false} : vector<256x256xf32>, vector<256x128xf32>, vector<256x128xf32> -> vector<256x128xf32>
    %sub3A_454 = arith.subf %dot_general3A_447, %dot_general3A_449 : vector<256x128xf32>
    %sub3A_455 = arith.subf %dot_general3A_453, %dot_general3A_447 : vector<256x128xf32>
    %sub3A_456 = arith.subf %sub3A_455, %dot_general3A_449 : vector<256x128xf32>
    %get3A_457 = arith.constant 5 : index
    %get3A_458 = arith.constant 0 : index
    %get3A_459 = vector.load %arg10[%get3A_457, %get3A_458] : memref<8x128xf32, #tpu.memory_space<vmem>>, vector<1x128xf32>
    %get3A_460 = arith.constant 5 : index
    %get3A_461 = arith.constant 0 : index
    %get3A_462 = vector.load %arg11[%get3A_460, %get3A_461] : memref<8x128xf32, #tpu.memory_space<vmem>>, vector<1x128xf32>
    %mul3A_463 = vector.broadcast %get3A_459 : vector<1x128xf32> to vector<256x128xf32>
    %mul3A_464 = arith.mulf %mul3A_463, %get3A_16 : vector<256x128xf32>
    %mul3A_465 = vector.broadcast %get3A_462 : vector<1x128xf32> to vector<256x128xf32>
    %mul3A_466 = arith.mulf %mul3A_465, %get3A_19 : vector<256x128xf32>
    %sub3A_467 = arith.subf %mul3A_464, %mul3A_466 : vector<256x128xf32>
    %mul3A_468 = vector.broadcast %get3A_459 : vector<1x128xf32> to vector<256x128xf32>
    %mul3A_469 = arith.mulf %mul3A_468, %get3A_19 : vector<256x128xf32>
    %mul3A_470 = vector.broadcast %get3A_462 : vector<1x128xf32> to vector<256x128xf32>
    %mul3A_471 = arith.mulf %mul3A_470, %get3A_16 : vector<256x128xf32>
    %add3A_472 = arith.addf %mul3A_469, %mul3A_471 : vector<256x128xf32>
    %mul3A_473 = arith.mulf %sub3A_454, %sub3A_467 : vector<256x128xf32>
    %mul3A_474 = arith.mulf %sub3A_456, %add3A_472 : vector<256x128xf32>
    %sub3A_475 = arith.subf %mul3A_473, %mul3A_474 : vector<256x128xf32>
    %mul3A_476 = arith.mulf %sub3A_454, %add3A_472 : vector<256x128xf32>
    %mul3A_477 = arith.mulf %sub3A_456, %sub3A_467 : vector<256x128xf32>
    %add3A_478 = arith.addf %mul3A_476, %mul3A_477 : vector<256x128xf32>
    %dot_general3A_479 = arith.constant dense<0.000000e+00> : vector<256x128xf32>
    %dot_general3A_480 = tpu.matmul %sub3A_475, %get3A_7, %dot_general3A_479 {dimension_numbers = #tpu.dot_dimension_numbers<[1], [0], [0], [1], [0, 0, 1, 1], [], []>, transpose_lhs_hint = false} : vector<256x128xf32>, vector<128x128xf32>, vector<256x128xf32> -> vector<256x128xf32>
    %dot_general3A_481 = arith.constant dense<0.000000e+00> : vector<256x128xf32>
    %dot_general3A_482 = tpu.matmul %add3A_478, %get3A_10, %dot_general3A_481 {dimension_numbers = #tpu.dot_dimension_numbers<[1], [0], [0], [1], [0, 0, 1, 1], [], []>, transpose_lhs_hint = false} : vector<256x128xf32>, vector<128x128xf32>, vector<256x128xf32> -> vector<256x128xf32>
    %add3A_483 = arith.addf %sub3A_475, %add3A_478 : vector<256x128xf32>
    %dot_general3A_484 = arith.constant dense<0.000000e+00> : vector<256x128xf32>
    %dot_general3A_485 = tpu.matmul %add3A_483, %get3A_13, %dot_general3A_484 {dimension_numbers = #tpu.dot_dimension_numbers<[1], [0], [0], [1], [0, 0, 1, 1], [], []>, transpose_lhs_hint = false} : vector<256x128xf32>, vector<128x128xf32>, vector<256x128xf32> -> vector<256x128xf32>
    %sub3A_486 = arith.subf %dot_general3A_480, %dot_general3A_482 : vector<256x128xf32>
    %swap3A_487 = arith.constant 5 : index
    %swap3A_488 = arith.constant 0 : index
    %swap3A_489 = arith.constant 0 : index
    %swap3A_490 = vector.load %arg14[%swap3A_487, %swap3A_488, %swap3A_489] : memref<8x256x128xf32, #tpu.memory_space<vmem>>, vector<1x256x128xf32>
    %swap3A_491 = vector.shape_cast %swap3A_490 : vector<1x256x128xf32> to vector<256x128xf32>
    %swap3A_492 = vector.shape_cast %sub3A_486 : vector<256x128xf32> to vector<1x256x128xf32>
    tpu.vector_store %arg14[%swap3A_487, %swap3A_488, %swap3A_489], %swap3A_492 {strides = array<i32>} : memref<8x256x128xf32, #tpu.memory_space<vmem>>, vector<1x256x128xf32>,
    %sub3A_493 = arith.subf %dot_general3A_485, %dot_general3A_480 : vector<256x128xf32>
    %sub3A_494 = arith.subf %sub3A_493, %dot_general3A_482 : vector<256x128xf32>
    %swap3A_495 = arith.constant 5 : index
    %swap3A_496 = arith.constant 0 : index
    %swap3A_497 = arith.constant 0 : index
    %swap3A_498 = vector.load %arg15[%swap3A_495, %swap3A_496, %swap3A_497] : memref<8x256x128xf32, #tpu.memory_space<vmem>>, vector<1x256x128xf32>
    %swap3A_499 = vector.shape_cast %swap3A_498 : vector<1x256x128xf32> to vector<256x128xf32>
    %swap3A_500 = vector.shape_cast %sub3A_494 : vector<256x128xf32> to vector<1x256x128xf32>
    tpu.vector_store %arg15[%swap3A_495, %swap3A_496, %swap3A_497], %swap3A_500 {strides = array<i32>} : memref<8x256x128xf32, #tpu.memory_space<vmem>>, vector<1x256x128xf32>,
    %get3A_501 = arith.constant 6 : index
    %get3A_502 = arith.constant 0 : index
    %get3A_503 = arith.constant 0 : index
    %get3A_504 = vector.load %arg12[%get3A_501, %get3A_502, %get3A_503] : memref<8x256x128xf32, #tpu.memory_space<vmem>>, vector<1x256x128xf32>
    %get3A_505 = vector.shape_cast %get3A_504 : vector<1x256x128xf32> to vector<256x128xf32>
    %get3A_506 = arith.constant 6 : index
    %get3A_507 = arith.constant 0 : index
    %get3A_508 = arith.constant 0 : index
    %get3A_509 = vector.load %arg13[%get3A_506, %get3A_507, %get3A_508] : memref<8x256x128xf32, #tpu.memory_space<vmem>>, vector<1x256x128xf32>
    %get3A_510 = vector.shape_cast %get3A_509 : vector<1x256x128xf32> to vector<256x128xf32>
    %get3A_511 = arith.constant 6 : index
    %get3A_512 = arith.constant 0 : index
    %get3A_513 = vector.load %arg3[%get3A_511, %get3A_512] : memref<8x256xf32, #tpu.memory_space<vmem>>, vector<1x256xf32>
    %get3A_514 = arith.constant 6 : index
    %get3A_515 = arith.constant 0 : index
    %get3A_516 = vector.load %arg4[%get3A_514, %get3A_515] : memref<8x256xf32, #tpu.memory_space<vmem>>, vector<1x256xf32>
    %mul3A_517 = vector.broadcast %get3A_513 : vector<1x256xf32> to vector<256x256xf32>
    %mul3A_518 = arith.mulf %get3A_1, %mul3A_517 : vector<256x256xf32>
    %mul3A_519 = vector.broadcast %get3A_516 : vector<1x256xf32> to vector<256x256xf32>
    %mul3A_520 = arith.mulf %get3A_4, %mul3A_519 : vector<256x256xf32>
    %sub3A_521 = arith.subf %mul3A_518, %mul3A_520 : vector<256x256xf32>
    %mul3A_522 = vector.broadcast %get3A_516 : vector<1x256xf32> to vector<256x256xf32>
    %mul3A_523 = arith.mulf %get3A_1, %mul3A_522 : vector<256x256xf32>
    %mul3A_524 = vector.broadcast %get3A_513 : vector<1x256xf32> to vector<256x256xf32>
    %mul3A_525 = arith.mulf %get3A_4, %mul3A_524 : vector<256x256xf32>
    %add3A_526 = arith.addf %mul3A_523, %mul3A_525 : vector<256x256xf32>
    %dot_general3A_527 = arith.constant dense<0.000000e+00> : vector<256x128xf32>
    %dot_general3A_528 = tpu.matmul %sub3A_521, %get3A_505, %dot_general3A_527 {dimension_numbers = #tpu.dot_dimension_numbers<[1], [0], [0], [1], [0, 0, 1, 1], [], []>, transpose_lhs_hint = false} : vector<256x256xf32>, vector<256x128xf32>, vector<256x128xf32> -> vector<256x128xf32>
    %dot_general3A_529 = arith.constant dense<0.000000e+00> : vector<256x128xf32>
    %dot_general3A_530 = tpu.matmul %add3A_526, %get3A_510, %dot_general3A_529 {dimension_numbers = #tpu.dot_dimension_numbers<[1], [0], [0], [1], [0, 0, 1, 1], [], []>, transpose_lhs_hint = false} : vector<256x256xf32>, vector<256x128xf32>, vector<256x128xf32> -> vector<256x128xf32>
    %add3A_531 = arith.addf %sub3A_521, %add3A_526 : vector<256x256xf32>
    %add3A_532 = arith.addf %get3A_505, %get3A_510 : vector<256x128xf32>
    %dot_general3A_533 = arith.constant dense<0.000000e+00> : vector<256x128xf32>
    %dot_general3A_534 = tpu.matmul %add3A_531, %add3A_532, %dot_general3A_533 {dimension_numbers = #tpu.dot_dimension_numbers<[1], [0], [0], [1], [0, 0, 1, 1], [], []>, transpose_lhs_hint = false} : vector<256x256xf32>, vector<256x128xf32>, vector<256x128xf32> -> vector<256x128xf32>
    %sub3A_535 = arith.subf %dot_general3A_528, %dot_general3A_530 : vector<256x128xf32>
    %sub3A_536 = arith.subf %dot_general3A_534, %dot_general3A_528 : vector<256x128xf32>
    %sub3A_537 = arith.subf %sub3A_536, %dot_general3A_530 : vector<256x128xf32>
    %get3A_538 = arith.constant 6 : index
    %get3A_539 = arith.constant 0 : index
    %get3A_540 = vector.load %arg10[%get3A_538, %get3A_539] : memref<8x128xf32, #tpu.memory_space<vmem>>, vector<1x128xf32>
    %get3A_541 = arith.constant 6 : index
    %get3A_542 = arith.constant 0 : index
    %get3A_543 = vector.load %arg11[%get3A_541, %get3A_542] : memref<8x128xf32, #tpu.memory_space<vmem>>, vector<1x128xf32>
    %mul3A_544 = vector.broadcast %get3A_540 : vector<1x128xf32> to vector<256x128xf32>
    %mul3A_545 = arith.mulf %mul3A_544, %get3A_16 : vector<256x128xf32>
    %mul3A_546 = vector.broadcast %get3A_543 : vector<1x128xf32> to vector<256x128xf32>
    %mul3A_547 = arith.mulf %mul3A_546, %get3A_19 : vector<256x128xf32>
    %sub3A_548 = arith.subf %mul3A_545, %mul3A_547 : vector<256x128xf32>
    %mul3A_549 = vector.broadcast %get3A_540 : vector<1x128xf32> to vector<256x128xf32>
    %mul3A_550 = arith.mulf %mul3A_549, %get3A_19 : vector<256x128xf32>
    %mul3A_551 = vector.broadcast %get3A_543 : vector<1x128xf32> to vector<256x128xf32>
    %mul3A_552 = arith.mulf %mul3A_551, %get3A_16 : vector<256x128xf32>
    %add3A_553 = arith.addf %mul3A_550, %mul3A_552 : vector<256x128xf32>
    %mul3A_554 = arith.mulf %sub3A_535, %sub3A_548 : vector<256x128xf32>
    %mul3A_555 = arith.mulf %sub3A_537, %add3A_553 : vector<256x128xf32>
    %sub3A_556 = arith.subf %mul3A_554, %mul3A_555 : vector<256x128xf32>
    %mul3A_557 = arith.mulf %sub3A_535, %add3A_553 : vector<256x128xf32>
    %mul3A_558 = arith.mulf %sub3A_537, %sub3A_548 : vector<256x128xf32>
    %add3A_559 = arith.addf %mul3A_557, %mul3A_558 : vector<256x128xf32>
    %dot_general3A_560 = arith.constant dense<0.000000e+00> : vector<256x128xf32>
    %dot_general3A_561 = tpu.matmul %sub3A_556, %get3A_7, %dot_general3A_560 {dimension_numbers = #tpu.dot_dimension_numbers<[1], [0], [0], [1], [0, 0, 1, 1], [], []>, transpose_lhs_hint = false} : vector<256x128xf32>, vector<128x128xf32>, vector<256x128xf32> -> vector<256x128xf32>
    %dot_general3A_562 = arith.constant dense<0.000000e+00> : vector<256x128xf32>
    %dot_general3A_563 = tpu.matmul %add3A_559, %get3A_10, %dot_general3A_562 {dimension_numbers = #tpu.dot_dimension_numbers<[1], [0], [0], [1], [0, 0, 1, 1], [], []>, transpose_lhs_hint = false} : vector<256x128xf32>, vector<128x128xf32>, vector<256x128xf32> -> vector<256x128xf32>
    %add3A_564 = arith.addf %sub3A_556, %add3A_559 : vector<256x128xf32>
    %dot_general3A_565 = arith.constant dense<0.000000e+00> : vector<256x128xf32>
    %dot_general3A_566 = tpu.matmul %add3A_564, %get3A_13, %dot_general3A_565 {dimension_numbers = #tpu.dot_dimension_numbers<[1], [0], [0], [1], [0, 0, 1, 1], [], []>, transpose_lhs_hint = false} : vector<256x128xf32>, vector<128x128xf32>, vector<256x128xf32> -> vector<256x128xf32>
    %sub3A_567 = arith.subf %dot_general3A_561, %dot_general3A_563 : vector<256x128xf32>
    %swap3A_568 = arith.constant 6 : index
    %swap3A_569 = arith.constant 0 : index
    %swap3A_570 = arith.constant 0 : index
    %swap3A_571 = vector.load %arg14[%swap3A_568, %swap3A_569, %swap3A_570] : memref<8x256x128xf32, #tpu.memory_space<vmem>>, vector<1x256x128xf32>
    %swap3A_572 = vector.shape_cast %swap3A_571 : vector<1x256x128xf32> to vector<256x128xf32>
    %swap3A_573 = vector.shape_cast %sub3A_567 : vector<256x128xf32> to vector<1x256x128xf32>
    tpu.vector_store %arg14[%swap3A_568, %swap3A_569, %swap3A_570], %swap3A_573 {strides = array<i32>} : memref<8x256x128xf32, #tpu.memory_space<vmem>>, vector<1x256x128xf32>,
    %sub3A_574 = arith.subf %dot_general3A_566, %dot_general3A_561 : vector<256x128xf32>
    %sub3A_575 = arith.subf %sub3A_574, %dot_general3A_563 : vector<256x128xf32>
    %swap3A_576 = arith.constant 6 : index
    %swap3A_577 = arith.constant 0 : index
    %swap3A_578 = arith.constant 0 : index
    %swap3A_579 = vector.load %arg15[%swap3A_576, %swap3A_577, %swap3A_578] : memref<8x256x128xf32, #tpu.memory_space<vmem>>, vector<1x256x128xf32>
    %swap3A_580 = vector.shape_cast %swap3A_579 : vector<1x256x128xf32> to vector<256x128xf32>
    %swap3A_581 = vector.shape_cast %sub3A_575 : vector<256x128xf32> to vector<1x256x128xf32>
    tpu.vector_store %arg15[%swap3A_576, %swap3A_577, %swap3A_578], %swap3A_581 {strides = array<i32>} : memref<8x256x128xf32, #tpu.memory_space<vmem>>, vector<1x256x128xf32>,
    %get3A_582 = arith.constant 7 : index
    %get3A_583 = arith.constant 0 : index
    %get3A_584 = arith.constant 0 : index
    %get3A_585 = vector.load %arg12[%get3A_582, %get3A_583, %get3A_584] : memref<8x256x128xf32, #tpu.memory_space<vmem>>, vector<1x256x128xf32>
    %get3A_586 = vector.shape_cast %get3A_585 : vector<1x256x128xf32> to vector<256x128xf32>
    %get3A_587 = arith.constant 7 : index
    %get3A_588 = arith.constant 0 : index
    %get3A_589 = arith.constant 0 : index
    %get3A_590 = vector.load %arg13[%get3A_587, %get3A_588, %get3A_589] : memref<8x256x128xf32, #tpu.memory_space<vmem>>, vector<1x256x128xf32>
    %get3A_591 = vector.shape_cast %get3A_590 : vector<1x256x128xf32> to vector<256x128xf32>
    %get3A_592 = arith.constant 7 : index
    %get3A_593 = arith.constant 0 : index
    %get3A_594 = vector.load %arg3[%get3A_592, %get3A_593] : memref<8x256xf32, #tpu.memory_space<vmem>>, vector<1x256xf32>
    %get3A_595 = arith.constant 7 : index
    %get3A_596 = arith.constant 0 : index
    %get3A_597 = vector.load %arg4[%get3A_595, %get3A_596] : memref<8x256xf32, #tpu.memory_space<vmem>>, vector<1x256xf32>
    %mul3A_598 = vector.broadcast %get3A_594 : vector<1x256xf32> to vector<256x256xf32>
    %mul3A_599 = arith.mulf %get3A_1, %mul3A_598 : vector<256x256xf32>
    %mul3A_600 = vector.broadcast %get3A_597 : vector<1x256xf32> to vector<256x256xf32>
    %mul3A_601 = arith.mulf %get3A_4, %mul3A_600 : vector<256x256xf32>
    %sub3A_602 = arith.subf %mul3A_599, %mul3A_601 : vector<256x256xf32>
    %mul3A_603 = vector.broadcast %get3A_597 : vector<1x256xf32> to vector<256x256xf32>
    %mul3A_604 = arith.mulf %get3A_1, %mul3A_603 : vector<256x256xf32>
    %mul3A_605 = vector.broadcast %get3A_594 : vector<1x256xf32> to vector<256x256xf32>
    %mul3A_606 = arith.mulf %get3A_4, %mul3A_605 : vector<256x256xf32>
    %add3A_607 = arith.addf %mul3A_604, %mul3A_606 : vector<256x256xf32>
    %dot_general3A_608 = arith.constant dense<0.000000e+00> : vector<256x128xf32>
    %dot_general3A_609 = tpu.matmul %sub3A_602, %get3A_586, %dot_general3A_608 {dimension_numbers = #tpu.dot_dimension_numbers<[1], [0], [0], [1], [0, 0, 1, 1], [], []>, transpose_lhs_hint = false} : vector<256x256xf32>, vector<256x128xf32>, vector<256x128xf32> -> vector<256x128xf32>
    %dot_general3A_610 = arith.constant dense<0.000000e+00> : vector<256x128xf32>
    %dot_general3A_611 = tpu.matmul %add3A_607, %get3A_591, %dot_general3A_610 {dimension_numbers = #tpu.dot_dimension_numbers<[1], [0], [0], [1], [0, 0, 1, 1], [], []>, transpose_lhs_hint = false} : vector<256x256xf32>, vector<256x128xf32>, vector<256x128xf32> -> vector<256x128xf32>
    %add3A_612 = arith.addf %sub3A_602, %add3A_607 : vector<256x256xf32>
    %add3A_613 = arith.addf %get3A_586, %get3A_591 : vector<256x128xf32>
    %dot_general3A_614 = arith.constant dense<0.000000e+00> : vector<256x128xf32>
    %dot_general3A_615 = tpu.matmul %add3A_612, %add3A_613, %dot_general3A_614 {dimension_numbers = #tpu.dot_dimension_numbers<[1], [0], [0], [1], [0, 0, 1, 1], [], []>, transpose_lhs_hint = false} : vector<256x256xf32>, vector<256x128xf32>, vector<256x128xf32> -> vector<256x128xf32>
    %sub3A_616 = arith.subf %dot_general3A_609, %dot_general3A_611 : vector<256x128xf32>
    %sub3A_617 = arith.subf %dot_general3A_615, %dot_general3A_609 : vector<256x128xf32>
    %sub3A_618 = arith.subf %sub3A_617, %dot_general3A_611 : vector<256x128xf32>
    %get3A_619 = arith.constant 7 : index
    %get3A_620 = arith.constant 0 : index
    %get3A_621 = vector.load %arg10[%get3A_619, %get3A_620] : memref<8x128xf32, #tpu.memory_space<vmem>>, vector<1x128xf32>
    %get3A_622 = arith.constant 7 : index
    %get3A_623 = arith.constant 0 : index
    %get3A_624 = vector.load %arg11[%get3A_622, %get3A_623] : memref<8x128xf32, #tpu.memory_space<vmem>>, vector<1x128xf32>
    %mul3A_625 = vector.broadcast %get3A_621 : vector<1x128xf32> to vector<256x128xf32>
    %mul3A_626 = arith.mulf %mul3A_625, %get3A_16 : vector<256x128xf32>
    %mul3A_627 = vector.broadcast %get3A_624 : vector<1x128xf32> to vector<256x128xf32>
    %mul3A_628 = arith.mulf %mul3A_627, %get3A_19 : vector<256x128xf32>
    %sub3A_629 = arith.subf %mul3A_626, %mul3A_628 : vector<256x128xf32>
    %mul3A_630 = vector.broadcast %get3A_621 : vector<1x128xf32> to vector<256x128xf32>
    %mul3A_631 = arith.mulf %mul3A_630, %get3A_19 : vector<256x128xf32>
    %mul3A_632 = vector.broadcast %get3A_624 : vector<1x128xf32> to vector<256x128xf32>
    %mul3A_633 = arith.mulf %mul3A_632, %get3A_16 : vector<256x128xf32>
    %add3A_634 = arith.addf %mul3A_631, %mul3A_633 : vector<256x128xf32>
    %mul3A_635 = arith.mulf %sub3A_616, %sub3A_629 : vector<256x128xf32>
    %mul3A_636 = arith.mulf %sub3A_618, %add3A_634 : vector<256x128xf32>
    %sub3A_637 = arith.subf %mul3A_635, %mul3A_636 : vector<256x128xf32>
    %mul3A_638 = arith.mulf %sub3A_616, %add3A_634 : vector<256x128xf32>
    %mul3A_639 = arith.mulf %sub3A_618, %sub3A_629 : vector<256x128xf32>
    %add3A_640 = arith.addf %mul3A_638, %mul3A_639 : vector<256x128xf32>
    %dot_general3A_641 = arith.constant dense<0.000000e+00> : vector<256x128xf32>
    %dot_general3A_642 = tpu.matmul %sub3A_637, %get3A_7, %dot_general3A_641 {dimension_numbers = #tpu.dot_dimension_numbers<[1], [0], [0], [1], [0, 0, 1, 1], [], []>, transpose_lhs_hint = false} : vector<256x128xf32>, vector<128x128xf32>, vector<256x128xf32> -> vector<256x128xf32>
    %dot_general3A_643 = arith.constant dense<0.000000e+00> : vector<256x128xf32>
    %dot_general3A_644 = tpu.matmul %add3A_640, %get3A_10, %dot_general3A_643 {dimension_numbers = #tpu.dot_dimension_numbers<[1], [0], [0], [1], [0, 0, 1, 1], [], []>, transpose_lhs_hint = false} : vector<256x128xf32>, vector<128x128xf32>, vector<256x128xf32> -> vector<256x128xf32>
    %add3A_645 = arith.addf %sub3A_637, %add3A_640 : vector<256x128xf32>
    %dot_general3A_646 = arith.constant dense<0.000000e+00> : vector<256x128xf32>
    %dot_general3A_647 = tpu.matmul %add3A_645, %get3A_13, %dot_general3A_646 {dimension_numbers = #tpu.dot_dimension_numbers<[1], [0], [0], [1], [0, 0, 1, 1], [], []>, transpose_lhs_hint = false} : vector<256x128xf32>, vector<128x128xf32>, vector<256x128xf32> -> vector<256x128xf32>
    %sub3A_648 = arith.subf %dot_general3A_642, %dot_general3A_644 : vector<256x128xf32>
    %swap3A_649 = arith.constant 7 : index
    %swap3A_650 = arith.constant 0 : index
    %swap3A_651 = arith.constant 0 : index
    %swap3A_652 = vector.load %arg14[%swap3A_649, %swap3A_650, %swap3A_651] : memref<8x256x128xf32, #tpu.memory_space<vmem>>, vector<1x256x128xf32>
    %swap3A_653 = vector.shape_cast %swap3A_652 : vector<1x256x128xf32> to vector<256x128xf32>
    %swap3A_654 = vector.shape_cast %sub3A_648 : vector<256x128xf32> to vector<1x256x128xf32>
    tpu.vector_store %arg14[%swap3A_649, %swap3A_650, %swap3A_651], %swap3A_654 {strides = array<i32>} : memref<8x256x128xf32, #tpu.memory_space<vmem>>, vector<1x256x128xf32>,
    %sub3A_655 = arith.subf %dot_general3A_647, %dot_general3A_642 : vector<256x128xf32>
    %sub3A_656 = arith.subf %sub3A_655, %dot_general3A_644 : vector<256x128xf32>
    %swap3A_657 = arith.constant 7 : index
    %swap3A_658 = arith.constant 0 : index
    %swap3A_659 = arith.constant 0 : index
    %swap3A_660 = vector.load %arg15[%swap3A_657, %swap3A_658, %swap3A_659] : memref<8x256x128xf32, #tpu.memory_space<vmem>>, vector<1x256x128xf32>
    %swap3A_661 = vector.shape_cast %swap3A_660 : vector<1x256x128xf32> to vector<256x128xf32>
    %swap3A_662 = vector.shape_cast %sub3A_656 : vector<256x128xf32> to vector<1x256x128xf32>
    tpu.vector_store %arg15[%swap3A_657, %swap3A_658, %swap3A_659], %swap3A_662 {strides = array<i32>} : memref<8x256x128xf32, #tpu.memory_space<vmem>>, vector<1x256x128xf32>,
    return
  }
  func.func @transform_0(%arg0: i32) -> (i32, i32) {
    %c0_i32 = arith.constant 0 : i32
    %c0_i32_0 = arith.constant 0 : i32
    %c0_i32_1 = arith.constant 0 : i32
    return %c0_i32, %c0_i32_0 : i32, i32
  }
  func.func @transform_1(%arg0: i32) -> (i32, i32) {
    %c0_i32 = arith.constant 0 : i32
    %c0_i32_0 = arith.constant 0 : i32
    %c0_i32_1 = arith.constant 0 : i32
    return %c0_i32, %c0_i32_0 : i32, i32
  }
  func.func @transform_2(%arg0: i32) -> (i32, i32) {
    %c0_i32 = arith.constant 0 : i32
    %c0_i32_0 = arith.constant 0 : i32
    return %arg0, %c0_i32 : i32, i32
  }
  func.func @transform_3(%arg0: i32) -> (i32, i32) {
    %c0_i32 = arith.constant 0 : i32
    %c0_i32_0 = arith.constant 0 : i32
    return %arg0, %c0_i32 : i32, i32
  }
  func.func @transform_4(%arg0: i32) -> (i32, i32) {
    %c0_i32 = arith.constant 0 : i32
    %c0_i32_0 = arith.constant 0 : i32
    %c0_i32_1 = arith.constant 0 : i32
    return %c0_i32, %c0_i32_0 : i32, i32
  }
  func.func @transform_5(%arg0: i32) -> (i32, i32) {
    %c0_i32 = arith.constant 0 : i32
    %c0_i32_0 = arith.constant 0 : i32
    %c0_i32_1 = arith.constant 0 : i32
    return %c0_i32, %c0_i32_0 : i32, i32
  }
  func.func @transform_6(%arg0: i32) -> (i32, i32) {
    %c0_i32 = arith.constant 0 : i32
    %c0_i32_0 = arith.constant 0 : i32
    %c0_i32_1 = arith.constant 0 : i32
    return %c0_i32, %c0_i32_0 : i32, i32
  }
  func.func @transform_7(%arg0: i32) -> (i32, i32) {
    %c0_i32 = arith.constant 0 : i32
    %c0_i32_0 = arith.constant 0 : i32
    %c0_i32_1 = arith.constant 0 : i32
    return %c0_i32, %c0_i32_0 : i32, i32
  }
  func.func @transform_8(%arg0: i32) -> (i32, i32) {
    %c0_i32 = arith.constant 0 : i32
    %c0_i32_0 = arith.constant 0 : i32
    %c0_i32_1 = arith.constant 0 : i32
    return %c0_i32, %c0_i32_0 : i32, i32
  }
  func.func @transform_9(%arg0: i32) -> (i32, i32) {
    %c0_i32 = arith.constant 0 : i32
    %c0_i32_0 = arith.constant 0 : i32
    return %arg0, %c0_i32 : i32, i32
  }
  func.func @transform_10(%arg0: i32) -> (i32, i32) {
    %c0_i32 = arith.constant 0 : i32
    %c0_i32_0 = arith.constant 0 : i32
    return %arg0, %c0_i32 : i32, i32
  }
  func.func @transform_11(%arg0: i32) -> (i32, i32, i32) {
    %c0_i32 = arith.constant 0 : i32
    %c0_i32_0 = arith.constant 0 : i32
    %c0_i32_1 = arith.constant 0 : i32
    return %arg0, %c0_i32, %c0_i32_0 : i32, i32, i32
  }
  func.func @transform_12(%arg0: i32) -> (i32, i32, i32) {
    %c0_i32 = arith.constant 0 : i32
    %c0_i32_0 = arith.constant 0 : i32
    %c0_i32_1 = arith.constant 0 : i32
    return %arg0, %c0_i32, %c0_i32_0 : i32, i32, i32
  }
  func.func @transform_13(%arg0: i32) -> (i32, i32, i32) {
    %c0_i32 = arith.constant 0 : i32
    %c0_i32_0 = arith.constant 0 : i32
    %c0_i32_1 = arith.constant 0 : i32
    return %arg0, %c0_i32, %c0_i32_0 : i32, i32, i32
  }
  func.func @transform_14(%arg0: i32) -> (i32, i32, i32) {
    %c0_i32 = arith.constant 0 : i32
    %c0_i32_0 = arith.constant 0 : i32
    %c0_i32_1 = arith.constant 0 : i32
    return %arg0, %c0_i32, %c0_i32_0 : i32, i32, i32
  }
}

module attributes {stable_mosaic.version = 14 : i64} {
  func.func @_tc_synth_body(%arg0: i32, %arg1: memref<1x16xf32, #tpu.memory_space<vmem>>, %arg2: memref<1x16xf32, #tpu.memory_space<vmem>>, %arg3: memref<1x16xi32, #tpu.memory_space<vmem>>, %arg4: memref<256x1024xf32, #tpu.memory_space<vmem>>, %arg5: memref<256x1024xf32, #tpu.memory_space<vmem>>, %arg6: memref<256x1024xf32, #tpu.memory_space<vmem>>, %arg7: memref<16x1024xf32, #tpu.memory_space<vmem>>, %arg8: memref<8xi32, #tpu.memory_space<smem>>) attributes {dimension_semantics = [#tpu.dimension_semantics<arbitrary>], iteration_bounds = array<i64: 32>, scalar_prefetch = 0 : i64, scratch_operands = 2 : i64, tpu.core_type = #tpu.core_type<tc>, window_params = [{pipeline_mode = #tpu.pipeline_mode<synchronous>, transform_indices = @transform_0, window_bounds = array<i64: 1, 16>}, {pipeline_mode = #tpu.pipeline_mode<synchronous>, transform_indices = @transform_1, window_bounds = array<i64: 1, 16>}, {pipeline_mode = #tpu.pipeline_mode<synchronous>, transform_indices = @transform_2, window_bounds = array<i64: 1, 16>}, {transform_indices = @transform_3, window_bounds = array<i64: 256, 1024>}, {transform_indices = @transform_4, window_bounds = array<i64: 256, 1024>}, {transform_indices = @transform_5, window_bounds = array<i64: 256, 1024>}]} {
    %eq3A = arith.constant 0 : i32
    %eq3A_0 = arith.cmpi eq, %arg0, %eq3A : i32
    %convert_element_type3A = arith.extui %eq3A_0 : i1 to i32
    %cond3A = arith.constant 0 : i32
    %cond3A_1 = arith.cmpi ne, %convert_element_type3A, %cond3A : i32
    scf.if %cond3A_1 {
      %get3A_51 = arith.constant 0 : index
      %get3A_52 = arith.constant 0 : index
      %get3A_53 = vector.load %arg1[%get3A_51, %get3A_52] : memref<1x16xf32, #tpu.memory_space<vmem>>, vector<1x16xf32>
      %get3A_54 = arith.constant 0 : index
      %get3A_55 = arith.constant 0 : index
      %get3A_56 = vector.load %arg2[%get3A_54, %get3A_55] : memref<1x16xf32, #tpu.memory_space<vmem>>, vector<1x16xf32>
      %get3A_57 = arith.constant 0 : index
      %get3A_58 = arith.constant 0 : index
      %get3A_59 = vector.load %arg3[%get3A_57, %get3A_58] : memref<1x16xi32, #tpu.memory_space<vmem>>, vector<1x16xi32>
      %mul3A_60 = arith.mulf %get3A_53, %get3A_53 : vector<1x16xf32>
      %mul3A_61 = arith.mulf %get3A_56, %get3A_56 : vector<1x16xf32>
      %add3A_62 = arith.addf %mul3A_60, %mul3A_61 : vector<1x16xf32>
      %iota3A_63 = tpu.iota {dimensions = array<i32: 0>} : vector<1x16xi32>
      %mul3A_64 = arith.constant 16 : i32
      %mul3A_65 = vector.broadcast %mul3A_64 : i32 to vector<1x16xi32>
      %mul3A_66 = arith.muli %iota3A_63, %mul3A_65 : vector<1x16xi32>
      %iota3A_67 = tpu.iota {dimensions = array<i32: 1>} : vector<1x16xi32>
      %add3A_68 = arith.addi %mul3A_66, %iota3A_67 : vector<1x16xi32>
      %ge3A = arith.constant 0 : i32
      %ge3A_69 = vector.broadcast %ge3A : i32 to vector<1x16xi32>
      %ge3A_70 = arith.cmpi sge, %add3A_68, %ge3A_69 : vector<1x16xi32>
      %jit3A = arith.constant -3.000000e+00 : f32
      %broadcast_in_dim3A_71 = vector.broadcast %jit3A : f32 to vector<1x16xf32>
      %select_n3A = arith.select %ge3A_70, %add3A_62, %broadcast_in_dim3A_71 : vector<1x16xi1>, vector<1x16xf32>
      %reduce_max3A = vector.shape_cast %select_n3A : vector<1x16xf32> to vector<1x1x16xf32>
      %reduce_max3A_72 = arith.constant dense<0xFF800000> : vector<1xf32>
      %reduce_max3A_73 = vector.multi_reduction <maximumf>, %reduce_max3A, %reduce_max3A_72 [1, 2] : vector<1x1x16xf32> to vector<1xf32>
      %reduce_max3A_74 = vector.shape_cast %reduce_max3A_73 : vector<1xf32> to vector<1x1x1xf32>
      %reduce_max3A_75 = vector.extract %reduce_max3A_74[0, 0, 0] : f32 from vector<1x1x1xf32>
      %eq3A_76 = vector.broadcast %reduce_max3A_75 : f32 to vector<1x16xf32>
      %eq3A_77 = arith.cmpf oeq, %select_n3A, %eq3A_76 : vector<1x16xf32>
      %jit3A_78 = arith.constant 1073741824 : i32
      %broadcast_in_dim3A_79 = vector.broadcast %jit3A_78 : i32 to vector<1x16xi32>
      %select_n3A_80 = arith.select %eq3A_77, %add3A_68, %broadcast_in_dim3A_79 : vector<1x16xi1>, vector<1x16xi32>
      %reduce_min3A = vector.shape_cast %select_n3A_80 : vector<1x16xi32> to vector<1x1x16xi32>
      %reduce_min3A_81 = arith.constant dense<2147483647> : vector<1xi32>
      %reduce_min3A_82 = vector.multi_reduction <minsi>, %reduce_min3A, %reduce_min3A_81 [1, 2] : vector<1x1x16xi32> to vector<1xi32>
      %reduce_min3A_83 = vector.shape_cast %reduce_min3A_82 : vector<1xi32> to vector<1x1x1xi32>
      %reduce_min3A_84 = vector.extract %reduce_min3A_83[0, 0, 0] : i32 from vector<1x1x1xi32>
      %eq3A_85 = vector.broadcast %reduce_min3A_84 : i32 to vector<1x16xi32>
      %eq3A_86 = arith.cmpi eq, %add3A_68, %eq3A_85 : vector<1x16xi32>
      %jit3A_87 = arith.constant 0 : i32
      %broadcast_in_dim3A_88 = vector.broadcast %jit3A_87 : i32 to vector<1x16xi32>
      %select_n3A_89 = arith.select %eq3A_86, %get3A_59, %broadcast_in_dim3A_88 : vector<1x16xi1>, vector<1x16xi32>
      %reduce_sum3A = vector.shape_cast %select_n3A_89 : vector<1x16xi32> to vector<1x1x16xi32>
      %reduce_sum3A_90 = arith.constant dense<0> : vector<1xi32>
      %reduce_sum3A_91 = vector.multi_reduction <add>, %reduce_sum3A, %reduce_sum3A_90 [1, 2] : vector<1x1x16xi32> to vector<1xi32>
      %reduce_sum3A_92 = vector.shape_cast %reduce_sum3A_91 : vector<1xi32> to vector<1x1x1xi32>
      %reduce_sum3A_93 = vector.extract %reduce_sum3A_92[0, 0, 0] : i32 from vector<1x1x1xi32>
      %jit3A_94 = arith.constant 0.000000e+00 : f32
      %broadcast_in_dim3A_95 = vector.broadcast %jit3A_94 : f32 to vector<1x16xf32>
      %select_n3A_96 = arith.select %eq3A_86, %get3A_53, %broadcast_in_dim3A_95 : vector<1x16xi1>, vector<1x16xf32>
      %reduce_sum3A_97 = vector.shape_cast %select_n3A_96 : vector<1x16xf32> to vector<1x1x16xf32>
      %reduce_sum3A_98 = arith.constant dense<0.000000e+00> : vector<1xf32>
      %reduce_sum3A_99 = vector.multi_reduction <add>, %reduce_sum3A_97, %reduce_sum3A_98 [1, 2] : vector<1x1x16xf32> to vector<1xf32>
      %reduce_sum3A_100 = vector.shape_cast %reduce_sum3A_99 : vector<1xf32> to vector<1x1x1xf32>
      %reduce_sum3A_101 = vector.extract %reduce_sum3A_100[0, 0, 0] : f32 from vector<1x1x1xf32>
      %jit3A_102 = arith.constant 0.000000e+00 : f32
      %broadcast_in_dim3A_103 = vector.broadcast %jit3A_102 : f32 to vector<1x16xf32>
      %select_n3A_104 = arith.select %eq3A_86, %get3A_56, %broadcast_in_dim3A_103 : vector<1x16xi1>, vector<1x16xf32>
      %reduce_sum3A_105 = vector.shape_cast %select_n3A_104 : vector<1x16xf32> to vector<1x1x16xf32>
      %reduce_sum3A_106 = arith.constant dense<0.000000e+00> : vector<1xf32>
      %reduce_sum3A_107 = vector.multi_reduction <add>, %reduce_sum3A_105, %reduce_sum3A_106 [1, 2] : vector<1x1x16xf32> to vector<1xf32>
      %reduce_sum3A_108 = vector.shape_cast %reduce_sum3A_107 : vector<1xf32> to vector<1x1x1xf32>
      %reduce_sum3A_109 = vector.extract %reduce_sum3A_108[0, 0, 0] : f32 from vector<1x1x1xf32>
      %not3A = arith.constant dense<true> : vector<1x16xi1>
      %not3A_110 = arith.xori %eq3A_86, %not3A : vector<1x16xi1>
      %and3A_111 = arith.andi %ge3A_70, %not3A_110 : vector<1x16xi1>
      %jit3A_112 = arith.constant -3.000000e+00 : f32
      %broadcast_in_dim3A_113 = vector.broadcast %jit3A_112 : f32 to vector<1x16xf32>
      %select_n3A_114 = arith.select %and3A_111, %add3A_62, %broadcast_in_dim3A_113 : vector<1x16xi1>, vector<1x16xf32>
      %reduce_max3A_115 = vector.shape_cast %select_n3A_114 : vector<1x16xf32> to vector<1x1x16xf32>
      %reduce_max3A_116 = arith.constant dense<0xFF800000> : vector<1xf32>
      %reduce_max3A_117 = vector.multi_reduction <maximumf>, %reduce_max3A_115, %reduce_max3A_116 [1, 2] : vector<1x1x16xf32> to vector<1xf32>
      %reduce_max3A_118 = vector.shape_cast %reduce_max3A_117 : vector<1xf32> to vector<1x1x1xf32>
      %reduce_max3A_119 = vector.extract %reduce_max3A_118[0, 0, 0] : f32 from vector<1x1x1xf32>
      %eq3A_120 = vector.broadcast %reduce_max3A_119 : f32 to vector<1x16xf32>
      %eq3A_121 = arith.cmpf oeq, %select_n3A_114, %eq3A_120 : vector<1x16xf32>
      %jit3A_122 = arith.constant 1073741824 : i32
      %broadcast_in_dim3A_123 = vector.broadcast %jit3A_122 : i32 to vector<1x16xi32>
      %select_n3A_124 = arith.select %eq3A_121, %add3A_68, %broadcast_in_dim3A_123 : vector<1x16xi1>, vector<1x16xi32>
      %reduce_min3A_125 = vector.shape_cast %select_n3A_124 : vector<1x16xi32> to vector<1x1x16xi32>
      %reduce_min3A_126 = arith.constant dense<2147483647> : vector<1xi32>
      %reduce_min3A_127 = vector.multi_reduction <minsi>, %reduce_min3A_125, %reduce_min3A_126 [1, 2] : vector<1x1x16xi32> to vector<1xi32>
      %reduce_min3A_128 = vector.shape_cast %reduce_min3A_127 : vector<1xi32> to vector<1x1x1xi32>
      %reduce_min3A_129 = vector.extract %reduce_min3A_128[0, 0, 0] : i32 from vector<1x1x1xi32>
      %eq3A_130 = vector.broadcast %reduce_min3A_129 : i32 to vector<1x16xi32>
      %eq3A_131 = arith.cmpi eq, %add3A_68, %eq3A_130 : vector<1x16xi32>
      %jit3A_132 = arith.constant 0 : i32
      %broadcast_in_dim3A_133 = vector.broadcast %jit3A_132 : i32 to vector<1x16xi32>
      %select_n3A_134 = arith.select %eq3A_131, %get3A_59, %broadcast_in_dim3A_133 : vector<1x16xi1>, vector<1x16xi32>
      %reduce_sum3A_135 = vector.shape_cast %select_n3A_134 : vector<1x16xi32> to vector<1x1x16xi32>
      %reduce_sum3A_136 = arith.constant dense<0> : vector<1xi32>
      %reduce_sum3A_137 = vector.multi_reduction <add>, %reduce_sum3A_135, %reduce_sum3A_136 [1, 2] : vector<1x1x16xi32> to vector<1xi32>
      %reduce_sum3A_138 = vector.shape_cast %reduce_sum3A_137 : vector<1xi32> to vector<1x1x1xi32>
      %reduce_sum3A_139 = vector.extract %reduce_sum3A_138[0, 0, 0] : i32 from vector<1x1x1xi32>
      %jit3A_140 = arith.constant 0.000000e+00 : f32
      %broadcast_in_dim3A_141 = vector.broadcast %jit3A_140 : f32 to vector<1x16xf32>
      %select_n3A_142 = arith.select %eq3A_131, %get3A_53, %broadcast_in_dim3A_141 : vector<1x16xi1>, vector<1x16xf32>
      %reduce_sum3A_143 = vector.shape_cast %select_n3A_142 : vector<1x16xf32> to vector<1x1x16xf32>
      %reduce_sum3A_144 = arith.constant dense<0.000000e+00> : vector<1xf32>
      %reduce_sum3A_145 = vector.multi_reduction <add>, %reduce_sum3A_143, %reduce_sum3A_144 [1, 2] : vector<1x1x16xf32> to vector<1xf32>
      %reduce_sum3A_146 = vector.shape_cast %reduce_sum3A_145 : vector<1xf32> to vector<1x1x1xf32>
      %reduce_sum3A_147 = vector.extract %reduce_sum3A_146[0, 0, 0] : f32 from vector<1x1x1xf32>
      %jit3A_148 = arith.constant 0.000000e+00 : f32
      %broadcast_in_dim3A_149 = vector.broadcast %jit3A_148 : f32 to vector<1x16xf32>
      %select_n3A_150 = arith.select %eq3A_131, %get3A_56, %broadcast_in_dim3A_149 : vector<1x16xi1>, vector<1x16xf32>
      %reduce_sum3A_151 = vector.shape_cast %select_n3A_150 : vector<1x16xf32> to vector<1x1x16xf32>
      %reduce_sum3A_152 = arith.constant dense<0.000000e+00> : vector<1xf32>
      %reduce_sum3A_153 = vector.multi_reduction <add>, %reduce_sum3A_151, %reduce_sum3A_152 [1, 2] : vector<1x1x16xf32> to vector<1xf32>
      %reduce_sum3A_154 = vector.shape_cast %reduce_sum3A_153 : vector<1xf32> to vector<1x1x1xf32>
      %reduce_sum3A_155 = vector.extract %reduce_sum3A_154[0, 0, 0] : f32 from vector<1x1x1xf32>
      %not3A_156 = arith.constant dense<true> : vector<1x16xi1>
      %not3A_157 = arith.xori %eq3A_131, %not3A_156 : vector<1x16xi1>
      %and3A_158 = arith.andi %and3A_111, %not3A_157 : vector<1x16xi1>
      %jit3A_159 = arith.constant -3.000000e+00 : f32
      %broadcast_in_dim3A_160 = vector.broadcast %jit3A_159 : f32 to vector<1x16xf32>
      %select_n3A_161 = arith.select %and3A_158, %add3A_62, %broadcast_in_dim3A_160 : vector<1x16xi1>, vector<1x16xf32>
      %reduce_max3A_162 = vector.shape_cast %select_n3A_161 : vector<1x16xf32> to vector<1x1x16xf32>
      %reduce_max3A_163 = arith.constant dense<0xFF800000> : vector<1xf32>
      %reduce_max3A_164 = vector.multi_reduction <maximumf>, %reduce_max3A_162, %reduce_max3A_163 [1, 2] : vector<1x1x16xf32> to vector<1xf32>
      %reduce_max3A_165 = vector.shape_cast %reduce_max3A_164 : vector<1xf32> to vector<1x1x1xf32>
      %reduce_max3A_166 = vector.extract %reduce_max3A_165[0, 0, 0] : f32 from vector<1x1x1xf32>
      %eq3A_167 = vector.broadcast %reduce_max3A_166 : f32 to vector<1x16xf32>
      %eq3A_168 = arith.cmpf oeq, %select_n3A_161, %eq3A_167 : vector<1x16xf32>
      %jit3A_169 = arith.constant 1073741824 : i32
      %broadcast_in_dim3A_170 = vector.broadcast %jit3A_169 : i32 to vector<1x16xi32>
      %select_n3A_171 = arith.select %eq3A_168, %add3A_68, %broadcast_in_dim3A_170 : vector<1x16xi1>, vector<1x16xi32>
      %reduce_min3A_172 = vector.shape_cast %select_n3A_171 : vector<1x16xi32> to vector<1x1x16xi32>
      %reduce_min3A_173 = arith.constant dense<2147483647> : vector<1xi32>
      %reduce_min3A_174 = vector.multi_reduction <minsi>, %reduce_min3A_172, %reduce_min3A_173 [1, 2] : vector<1x1x16xi32> to vector<1xi32>
      %reduce_min3A_175 = vector.shape_cast %reduce_min3A_174 : vector<1xi32> to vector<1x1x1xi32>
      %reduce_min3A_176 = vector.extract %reduce_min3A_175[0, 0, 0] : i32 from vector<1x1x1xi32>
      %eq3A_177 = vector.broadcast %reduce_min3A_176 : i32 to vector<1x16xi32>
      %eq3A_178 = arith.cmpi eq, %add3A_68, %eq3A_177 : vector<1x16xi32>
      %jit3A_179 = arith.constant 0 : i32
      %broadcast_in_dim3A_180 = vector.broadcast %jit3A_179 : i32 to vector<1x16xi32>
      %select_n3A_181 = arith.select %eq3A_178, %get3A_59, %broadcast_in_dim3A_180 : vector<1x16xi1>, vector<1x16xi32>
      %reduce_sum3A_182 = vector.shape_cast %select_n3A_181 : vector<1x16xi32> to vector<1x1x16xi32>
      %reduce_sum3A_183 = arith.constant dense<0> : vector<1xi32>
      %reduce_sum3A_184 = vector.multi_reduction <add>, %reduce_sum3A_182, %reduce_sum3A_183 [1, 2] : vector<1x1x16xi32> to vector<1xi32>
      %reduce_sum3A_185 = vector.shape_cast %reduce_sum3A_184 : vector<1xi32> to vector<1x1x1xi32>
      %reduce_sum3A_186 = vector.extract %reduce_sum3A_185[0, 0, 0] : i32 from vector<1x1x1xi32>
      %jit3A_187 = arith.constant 0.000000e+00 : f32
      %broadcast_in_dim3A_188 = vector.broadcast %jit3A_187 : f32 to vector<1x16xf32>
      %select_n3A_189 = arith.select %eq3A_178, %get3A_53, %broadcast_in_dim3A_188 : vector<1x16xi1>, vector<1x16xf32>
      %reduce_sum3A_190 = vector.shape_cast %select_n3A_189 : vector<1x16xf32> to vector<1x1x16xf32>
      %reduce_sum3A_191 = arith.constant dense<0.000000e+00> : vector<1xf32>
      %reduce_sum3A_192 = vector.multi_reduction <add>, %reduce_sum3A_190, %reduce_sum3A_191 [1, 2] : vector<1x1x16xf32> to vector<1xf32>
      %reduce_sum3A_193 = vector.shape_cast %reduce_sum3A_192 : vector<1xf32> to vector<1x1x1xf32>
      %reduce_sum3A_194 = vector.extract %reduce_sum3A_193[0, 0, 0] : f32 from vector<1x1x1xf32>
      %jit3A_195 = arith.constant 0.000000e+00 : f32
      %broadcast_in_dim3A_196 = vector.broadcast %jit3A_195 : f32 to vector<1x16xf32>
      %select_n3A_197 = arith.select %eq3A_178, %get3A_56, %broadcast_in_dim3A_196 : vector<1x16xi1>, vector<1x16xf32>
      %reduce_sum3A_198 = vector.shape_cast %select_n3A_197 : vector<1x16xf32> to vector<1x1x16xf32>
      %reduce_sum3A_199 = arith.constant dense<0.000000e+00> : vector<1xf32>
      %reduce_sum3A_200 = vector.multi_reduction <add>, %reduce_sum3A_198, %reduce_sum3A_199 [1, 2] : vector<1x1x16xf32> to vector<1xf32>
      %reduce_sum3A_201 = vector.shape_cast %reduce_sum3A_200 : vector<1xf32> to vector<1x1x1xf32>
      %reduce_sum3A_202 = vector.extract %reduce_sum3A_201[0, 0, 0] : f32 from vector<1x1x1xf32>
      %not3A_203 = arith.constant dense<true> : vector<1x16xi1>
      %not3A_204 = arith.xori %eq3A_178, %not3A_203 : vector<1x16xi1>
      %and3A_205 = arith.andi %and3A_158, %not3A_204 : vector<1x16xi1>
      %jit3A_206 = arith.constant -3.000000e+00 : f32
      %broadcast_in_dim3A_207 = vector.broadcast %jit3A_206 : f32 to vector<1x16xf32>
      %select_n3A_208 = arith.select %and3A_205, %add3A_62, %broadcast_in_dim3A_207 : vector<1x16xi1>, vector<1x16xf32>
      %reduce_max3A_209 = vector.shape_cast %select_n3A_208 : vector<1x16xf32> to vector<1x1x16xf32>
      %reduce_max3A_210 = arith.constant dense<0xFF800000> : vector<1xf32>
      %reduce_max3A_211 = vector.multi_reduction <maximumf>, %reduce_max3A_209, %reduce_max3A_210 [1, 2] : vector<1x1x16xf32> to vector<1xf32>
      %reduce_max3A_212 = vector.shape_cast %reduce_max3A_211 : vector<1xf32> to vector<1x1x1xf32>
      %reduce_max3A_213 = vector.extract %reduce_max3A_212[0, 0, 0] : f32 from vector<1x1x1xf32>
      %eq3A_214 = vector.broadcast %reduce_max3A_213 : f32 to vector<1x16xf32>
      %eq3A_215 = arith.cmpf oeq, %select_n3A_208, %eq3A_214 : vector<1x16xf32>
      %jit3A_216 = arith.constant 1073741824 : i32
      %broadcast_in_dim3A_217 = vector.broadcast %jit3A_216 : i32 to vector<1x16xi32>
      %select_n3A_218 = arith.select %eq3A_215, %add3A_68, %broadcast_in_dim3A_217 : vector<1x16xi1>, vector<1x16xi32>
      %reduce_min3A_219 = vector.shape_cast %select_n3A_218 : vector<1x16xi32> to vector<1x1x16xi32>
      %reduce_min3A_220 = arith.constant dense<2147483647> : vector<1xi32>
      %reduce_min3A_221 = vector.multi_reduction <minsi>, %reduce_min3A_219, %reduce_min3A_220 [1, 2] : vector<1x1x16xi32> to vector<1xi32>
      %reduce_min3A_222 = vector.shape_cast %reduce_min3A_221 : vector<1xi32> to vector<1x1x1xi32>
      %reduce_min3A_223 = vector.extract %reduce_min3A_222[0, 0, 0] : i32 from vector<1x1x1xi32>
      %eq3A_224 = vector.broadcast %reduce_min3A_223 : i32 to vector<1x16xi32>
      %eq3A_225 = arith.cmpi eq, %add3A_68, %eq3A_224 : vector<1x16xi32>
      %jit3A_226 = arith.constant 0 : i32
      %broadcast_in_dim3A_227 = vector.broadcast %jit3A_226 : i32 to vector<1x16xi32>
      %select_n3A_228 = arith.select %eq3A_225, %get3A_59, %broadcast_in_dim3A_227 : vector<1x16xi1>, vector<1x16xi32>
      %reduce_sum3A_229 = vector.shape_cast %select_n3A_228 : vector<1x16xi32> to vector<1x1x16xi32>
      %reduce_sum3A_230 = arith.constant dense<0> : vector<1xi32>
      %reduce_sum3A_231 = vector.multi_reduction <add>, %reduce_sum3A_229, %reduce_sum3A_230 [1, 2] : vector<1x1x16xi32> to vector<1xi32>
      %reduce_sum3A_232 = vector.shape_cast %reduce_sum3A_231 : vector<1xi32> to vector<1x1x1xi32>
      %reduce_sum3A_233 = vector.extract %reduce_sum3A_232[0, 0, 0] : i32 from vector<1x1x1xi32>
      %jit3A_234 = arith.constant 0.000000e+00 : f32
      %broadcast_in_dim3A_235 = vector.broadcast %jit3A_234 : f32 to vector<1x16xf32>
      %select_n3A_236 = arith.select %eq3A_225, %get3A_53, %broadcast_in_dim3A_235 : vector<1x16xi1>, vector<1x16xf32>
      %reduce_sum3A_237 = vector.shape_cast %select_n3A_236 : vector<1x16xf32> to vector<1x1x16xf32>
      %reduce_sum3A_238 = arith.constant dense<0.000000e+00> : vector<1xf32>
      %reduce_sum3A_239 = vector.multi_reduction <add>, %reduce_sum3A_237, %reduce_sum3A_238 [1, 2] : vector<1x1x16xf32> to vector<1xf32>
      %reduce_sum3A_240 = vector.shape_cast %reduce_sum3A_239 : vector<1xf32> to vector<1x1x1xf32>
      %reduce_sum3A_241 = vector.extract %reduce_sum3A_240[0, 0, 0] : f32 from vector<1x1x1xf32>
      %jit3A_242 = arith.constant 0.000000e+00 : f32
      %broadcast_in_dim3A_243 = vector.broadcast %jit3A_242 : f32 to vector<1x16xf32>
      %select_n3A_244 = arith.select %eq3A_225, %get3A_56, %broadcast_in_dim3A_243 : vector<1x16xi1>, vector<1x16xf32>
      %reduce_sum3A_245 = vector.shape_cast %select_n3A_244 : vector<1x16xf32> to vector<1x1x16xf32>
      %reduce_sum3A_246 = arith.constant dense<0.000000e+00> : vector<1xf32>
      %reduce_sum3A_247 = vector.multi_reduction <add>, %reduce_sum3A_245, %reduce_sum3A_246 [1, 2] : vector<1x1x16xf32> to vector<1xf32>
      %reduce_sum3A_248 = vector.shape_cast %reduce_sum3A_247 : vector<1xf32> to vector<1x1x1xf32>
      %reduce_sum3A_249 = vector.extract %reduce_sum3A_248[0, 0, 0] : f32 from vector<1x1x1xf32>
      %not3A_250 = arith.constant dense<true> : vector<1x16xi1>
      %not3A_251 = arith.xori %eq3A_225, %not3A_250 : vector<1x16xi1>
      %and3A_252 = arith.andi %and3A_205, %not3A_251 : vector<1x16xi1>
      %jit3A_253 = arith.constant -3.000000e+00 : f32
      %broadcast_in_dim3A_254 = vector.broadcast %jit3A_253 : f32 to vector<1x16xf32>
      %select_n3A_255 = arith.select %and3A_252, %add3A_62, %broadcast_in_dim3A_254 : vector<1x16xi1>, vector<1x16xf32>
      %reduce_max3A_256 = vector.shape_cast %select_n3A_255 : vector<1x16xf32> to vector<1x1x16xf32>
      %reduce_max3A_257 = arith.constant dense<0xFF800000> : vector<1xf32>
      %reduce_max3A_258 = vector.multi_reduction <maximumf>, %reduce_max3A_256, %reduce_max3A_257 [1, 2] : vector<1x1x16xf32> to vector<1xf32>
      %reduce_max3A_259 = vector.shape_cast %reduce_max3A_258 : vector<1xf32> to vector<1x1x1xf32>
      %reduce_max3A_260 = vector.extract %reduce_max3A_259[0, 0, 0] : f32 from vector<1x1x1xf32>
      %eq3A_261 = vector.broadcast %reduce_max3A_260 : f32 to vector<1x16xf32>
      %eq3A_262 = arith.cmpf oeq, %select_n3A_255, %eq3A_261 : vector<1x16xf32>
      %jit3A_263 = arith.constant 1073741824 : i32
      %broadcast_in_dim3A_264 = vector.broadcast %jit3A_263 : i32 to vector<1x16xi32>
      %select_n3A_265 = arith.select %eq3A_262, %add3A_68, %broadcast_in_dim3A_264 : vector<1x16xi1>, vector<1x16xi32>
      %reduce_min3A_266 = vector.shape_cast %select_n3A_265 : vector<1x16xi32> to vector<1x1x16xi32>
      %reduce_min3A_267 = arith.constant dense<2147483647> : vector<1xi32>
      %reduce_min3A_268 = vector.multi_reduction <minsi>, %reduce_min3A_266, %reduce_min3A_267 [1, 2] : vector<1x1x16xi32> to vector<1xi32>
      %reduce_min3A_269 = vector.shape_cast %reduce_min3A_268 : vector<1xi32> to vector<1x1x1xi32>
      %reduce_min3A_270 = vector.extract %reduce_min3A_269[0, 0, 0] : i32 from vector<1x1x1xi32>
      %eq3A_271 = vector.broadcast %reduce_min3A_270 : i32 to vector<1x16xi32>
      %eq3A_272 = arith.cmpi eq, %add3A_68, %eq3A_271 : vector<1x16xi32>
      %jit3A_273 = arith.constant 0 : i32
      %broadcast_in_dim3A_274 = vector.broadcast %jit3A_273 : i32 to vector<1x16xi32>
      %select_n3A_275 = arith.select %eq3A_272, %get3A_59, %broadcast_in_dim3A_274 : vector<1x16xi1>, vector<1x16xi32>
      %reduce_sum3A_276 = vector.shape_cast %select_n3A_275 : vector<1x16xi32> to vector<1x1x16xi32>
      %reduce_sum3A_277 = arith.constant dense<0> : vector<1xi32>
      %reduce_sum3A_278 = vector.multi_reduction <add>, %reduce_sum3A_276, %reduce_sum3A_277 [1, 2] : vector<1x1x16xi32> to vector<1xi32>
      %reduce_sum3A_279 = vector.shape_cast %reduce_sum3A_278 : vector<1xi32> to vector<1x1x1xi32>
      %reduce_sum3A_280 = vector.extract %reduce_sum3A_279[0, 0, 0] : i32 from vector<1x1x1xi32>
      %jit3A_281 = arith.constant 0.000000e+00 : f32
      %broadcast_in_dim3A_282 = vector.broadcast %jit3A_281 : f32 to vector<1x16xf32>
      %select_n3A_283 = arith.select %eq3A_272, %get3A_53, %broadcast_in_dim3A_282 : vector<1x16xi1>, vector<1x16xf32>
      %reduce_sum3A_284 = vector.shape_cast %select_n3A_283 : vector<1x16xf32> to vector<1x1x16xf32>
      %reduce_sum3A_285 = arith.constant dense<0.000000e+00> : vector<1xf32>
      %reduce_sum3A_286 = vector.multi_reduction <add>, %reduce_sum3A_284, %reduce_sum3A_285 [1, 2] : vector<1x1x16xf32> to vector<1xf32>
      %reduce_sum3A_287 = vector.shape_cast %reduce_sum3A_286 : vector<1xf32> to vector<1x1x1xf32>
      %reduce_sum3A_288 = vector.extract %reduce_sum3A_287[0, 0, 0] : f32 from vector<1x1x1xf32>
      %jit3A_289 = arith.constant 0.000000e+00 : f32
      %broadcast_in_dim3A_290 = vector.broadcast %jit3A_289 : f32 to vector<1x16xf32>
      %select_n3A_291 = arith.select %eq3A_272, %get3A_56, %broadcast_in_dim3A_290 : vector<1x16xi1>, vector<1x16xf32>
      %reduce_sum3A_292 = vector.shape_cast %select_n3A_291 : vector<1x16xf32> to vector<1x1x16xf32>
      %reduce_sum3A_293 = arith.constant dense<0.000000e+00> : vector<1xf32>
      %reduce_sum3A_294 = vector.multi_reduction <add>, %reduce_sum3A_292, %reduce_sum3A_293 [1, 2] : vector<1x1x16xf32> to vector<1xf32>
      %reduce_sum3A_295 = vector.shape_cast %reduce_sum3A_294 : vector<1xf32> to vector<1x1x1xf32>
      %reduce_sum3A_296 = vector.extract %reduce_sum3A_295[0, 0, 0] : f32 from vector<1x1x1xf32>
      %iota3A_297 = tpu.iota {dimensions = array<i32: 1>} : vector<1x1024xi32>
      %broadcast_in_dim3A_298 = arith.constant 0.000000e+00 : f32
      %broadcast_in_dim3A_299 = vector.broadcast %broadcast_in_dim3A_298 : f32 to vector<1x1024xf32>
      %gt3A = arith.cmpf ogt, %reduce_max3A_75, %reduce_max3A_260 : f32
      %eq3A_300 = arith.constant 4194304 : i32
      %eq3A_301 = arith.cmpi eq, %reduce_sum3A_93, %eq3A_300 : i32
      %jit3A_302 = arith.constant 1.000000e+00 : f32
      %jit3A_303 = arith.constant 2.000000e+00 : f32
      %select_n3A_304 = arith.select %eq3A_301, %jit3A_302, %jit3A_303 : f32
      %mul3A_305 = arith.constant 1.1920929E-7 : f32
      %mul3A_306 = arith.mulf %select_n3A_304, %mul3A_305 : f32
      %mul3A_307 = arith.mulf %mul3A_306, %reduce_sum3A_101 : f32
      %jit3A_308 = arith.constant 0.000000e+00 : f32
      %select_n3A_309 = arith.select %gt3A, %mul3A_307, %jit3A_308 : f32
      %not3A_310 = arith.constant true
      %not3A_311 = arith.xori %eq3A_301, %not3A_310 : i1
      %and3A_312 = arith.andi %gt3A, %not3A_311 : i1
      %neg3A = arith.constant 0.000000e+00 : f32
      %neg3A_313 = arith.subf %neg3A, %mul3A_306 : f32
      %mul3A_314 = arith.mulf %neg3A_313, %reduce_sum3A_109 : f32
      %jit3A_315 = arith.constant 0.000000e+00 : f32
      %select_n3A_316 = arith.select %and3A_312, %mul3A_314, %jit3A_315 : f32
      %mul3A_317 = vector.broadcast %reduce_sum3A_93 : i32 to vector<1x1024xi32>
      %mul3A_318 = arith.muli %mul3A_317, %iota3A_297 : vector<1x1024xi32>
      %and3A_319 = arith.constant 8388607 : i32
      %and3A_320 = vector.broadcast %and3A_319 : i32 to vector<1x1024xi32>
      %and3A_321 = arith.andi %mul3A_318, %and3A_320 : vector<1x1024xi32>
      %convert_element_type3A_322 = arith.sitofp %and3A_321 : vector<1x1024xi32> to vector<1x1024xf32>
      %mul3A_323 = arith.constant 7.49014077E-7 : f32
      %mul3A_324 = vector.broadcast %mul3A_323 : f32 to vector<1x1024xf32>
      %mul3A_325 = arith.mulf %convert_element_type3A_322, %mul3A_324 : vector<1x1024xf32>
      %cos3A_326 = math.cos %mul3A_325 : vector<1x1024xf32>
      %sin3A_327 = math.sin %mul3A_325 : vector<1x1024xf32>
      %mul3A_328 = vector.broadcast %select_n3A_309 : f32 to vector<1x1024xf32>
      %mul3A_329 = arith.mulf %mul3A_328, %cos3A_326 : vector<1x1024xf32>
      %mul3A_330 = vector.broadcast %select_n3A_316 : f32 to vector<1x1024xf32>
      %mul3A_331 = arith.mulf %mul3A_330, %sin3A_327 : vector<1x1024xf32>
      %add3A_332 = arith.addf %mul3A_329, %mul3A_331 : vector<1x1024xf32>
      %swap3A_333 = arith.constant 0 : index
      %swap3A_334 = arith.constant 0 : index
      %swap3A_335 = vector.load %arg7[%swap3A_333, %swap3A_334] : memref<16x1024xf32, #tpu.memory_space<vmem>>, vector<1x1024xf32>
      tpu.vector_store %arg7[%swap3A_333, %swap3A_334], %add3A_332 {strides = array<i32>} : memref<16x1024xf32, #tpu.memory_space<vmem>>, vector<1x1024xf32>,
      %mul3A_336 = vector.broadcast %select_n3A_316 : f32 to vector<1x1024xf32>
      %mul3A_337 = arith.mulf %mul3A_336, %cos3A_326 : vector<1x1024xf32>
      %mul3A_338 = vector.broadcast %select_n3A_309 : f32 to vector<1x1024xf32>
      %mul3A_339 = arith.mulf %mul3A_338, %sin3A_327 : vector<1x1024xf32>
      %sub3A_340 = arith.subf %mul3A_337, %mul3A_339 : vector<1x1024xf32>
      %swap3A_341 = arith.constant 8 : index
      %swap3A_342 = arith.constant 0 : index
      %swap3A_343 = vector.load %arg7[%swap3A_341, %swap3A_342] : memref<16x1024xf32, #tpu.memory_space<vmem>>, vector<1x1024xf32>
      tpu.vector_store %arg7[%swap3A_341, %swap3A_342], %sub3A_340 {strides = array<i32>} : memref<16x1024xf32, #tpu.memory_space<vmem>>, vector<1x1024xf32>,
      %swap3A_344 = arith.constant 0 : index
      %swap3A_345 = memref.load %arg8[%swap3A_344] : memref<8xi32, #tpu.memory_space<smem>>
      memref.store %reduce_sum3A_93, %arg8[%swap3A_344] : memref<8xi32, #tpu.memory_space<smem>>
      %gt3A_346 = arith.cmpf ogt, %reduce_max3A_119, %reduce_max3A_260 : f32
      %eq3A_347 = arith.constant 4194304 : i32
      %eq3A_348 = arith.cmpi eq, %reduce_sum3A_139, %eq3A_347 : i32
      %jit3A_349 = arith.constant 1.000000e+00 : f32
      %jit3A_350 = arith.constant 2.000000e+00 : f32
      %select_n3A_351 = arith.select %eq3A_348, %jit3A_349, %jit3A_350 : f32
      %mul3A_352 = arith.constant 1.1920929E-7 : f32
      %mul3A_353 = arith.mulf %select_n3A_351, %mul3A_352 : f32
      %mul3A_354 = arith.mulf %mul3A_353, %reduce_sum3A_147 : f32
      %jit3A_355 = arith.constant 0.000000e+00 : f32
      %select_n3A_356 = arith.select %gt3A_346, %mul3A_354, %jit3A_355 : f32
      %not3A_357 = arith.constant true
      %not3A_358 = arith.xori %eq3A_348, %not3A_357 : i1
      %and3A_359 = arith.andi %gt3A_346, %not3A_358 : i1
      %neg3A_360 = arith.constant 0.000000e+00 : f32
      %neg3A_361 = arith.subf %neg3A_360, %mul3A_353 : f32
      %mul3A_362 = arith.mulf %neg3A_361, %reduce_sum3A_155 : f32
      %jit3A_363 = arith.constant 0.000000e+00 : f32
      %select_n3A_364 = arith.select %and3A_359, %mul3A_362, %jit3A_363 : f32
      %mul3A_365 = vector.broadcast %reduce_sum3A_139 : i32 to vector<1x1024xi32>
      %mul3A_366 = arith.muli %mul3A_365, %iota3A_297 : vector<1x1024xi32>
      %and3A_367 = arith.constant 8388607 : i32
      %and3A_368 = vector.broadcast %and3A_367 : i32 to vector<1x1024xi32>
      %and3A_369 = arith.andi %mul3A_366, %and3A_368 : vector<1x1024xi32>
      %convert_element_type3A_370 = arith.sitofp %and3A_369 : vector<1x1024xi32> to vector<1x1024xf32>
      %mul3A_371 = arith.constant 7.49014077E-7 : f32
      %mul3A_372 = vector.broadcast %mul3A_371 : f32 to vector<1x1024xf32>
      %mul3A_373 = arith.mulf %convert_element_type3A_370, %mul3A_372 : vector<1x1024xf32>
      %cos3A_374 = math.cos %mul3A_373 : vector<1x1024xf32>
      %sin3A_375 = math.sin %mul3A_373 : vector<1x1024xf32>
      %mul3A_376 = vector.broadcast %select_n3A_356 : f32 to vector<1x1024xf32>
      %mul3A_377 = arith.mulf %mul3A_376, %cos3A_374 : vector<1x1024xf32>
      %mul3A_378 = vector.broadcast %select_n3A_364 : f32 to vector<1x1024xf32>
      %mul3A_379 = arith.mulf %mul3A_378, %sin3A_375 : vector<1x1024xf32>
      %add3A_380 = arith.addf %mul3A_377, %mul3A_379 : vector<1x1024xf32>
      %swap3A_381 = arith.constant 1 : index
      %swap3A_382 = arith.constant 0 : index
      %swap3A_383 = vector.load %arg7[%swap3A_381, %swap3A_382] : memref<16x1024xf32, #tpu.memory_space<vmem>>, vector<1x1024xf32>
      tpu.vector_store %arg7[%swap3A_381, %swap3A_382], %add3A_380 {strides = array<i32>} : memref<16x1024xf32, #tpu.memory_space<vmem>>, vector<1x1024xf32>,
      %mul3A_384 = vector.broadcast %select_n3A_364 : f32 to vector<1x1024xf32>
      %mul3A_385 = arith.mulf %mul3A_384, %cos3A_374 : vector<1x1024xf32>
      %mul3A_386 = vector.broadcast %select_n3A_356 : f32 to vector<1x1024xf32>
      %mul3A_387 = arith.mulf %mul3A_386, %sin3A_375 : vector<1x1024xf32>
      %sub3A_388 = arith.subf %mul3A_385, %mul3A_387 : vector<1x1024xf32>
      %swap3A_389 = arith.constant 9 : index
      %swap3A_390 = arith.constant 0 : index
      %swap3A_391 = vector.load %arg7[%swap3A_389, %swap3A_390] : memref<16x1024xf32, #tpu.memory_space<vmem>>, vector<1x1024xf32>
      tpu.vector_store %arg7[%swap3A_389, %swap3A_390], %sub3A_388 {strides = array<i32>} : memref<16x1024xf32, #tpu.memory_space<vmem>>, vector<1x1024xf32>,
      %swap3A_392 = arith.constant 1 : index
      %swap3A_393 = memref.load %arg8[%swap3A_392] : memref<8xi32, #tpu.memory_space<smem>>
      memref.store %reduce_sum3A_139, %arg8[%swap3A_392] : memref<8xi32, #tpu.memory_space<smem>>
      %gt3A_394 = arith.cmpf ogt, %reduce_max3A_166, %reduce_max3A_260 : f32
      %eq3A_395 = arith.constant 4194304 : i32
      %eq3A_396 = arith.cmpi eq, %reduce_sum3A_186, %eq3A_395 : i32
      %jit3A_397 = arith.constant 1.000000e+00 : f32
      %jit3A_398 = arith.constant 2.000000e+00 : f32
      %select_n3A_399 = arith.select %eq3A_396, %jit3A_397, %jit3A_398 : f32
      %mul3A_400 = arith.constant 1.1920929E-7 : f32
      %mul3A_401 = arith.mulf %select_n3A_399, %mul3A_400 : f32
      %mul3A_402 = arith.mulf %mul3A_401, %reduce_sum3A_194 : f32
      %jit3A_403 = arith.constant 0.000000e+00 : f32
      %select_n3A_404 = arith.select %gt3A_394, %mul3A_402, %jit3A_403 : f32
      %not3A_405 = arith.constant true
      %not3A_406 = arith.xori %eq3A_396, %not3A_405 : i1
      %and3A_407 = arith.andi %gt3A_394, %not3A_406 : i1
      %neg3A_408 = arith.constant 0.000000e+00 : f32
      %neg3A_409 = arith.subf %neg3A_408, %mul3A_401 : f32
      %mul3A_410 = arith.mulf %neg3A_409, %reduce_sum3A_202 : f32
      %jit3A_411 = arith.constant 0.000000e+00 : f32
      %select_n3A_412 = arith.select %and3A_407, %mul3A_410, %jit3A_411 : f32
      %mul3A_413 = vector.broadcast %reduce_sum3A_186 : i32 to vector<1x1024xi32>
      %mul3A_414 = arith.muli %mul3A_413, %iota3A_297 : vector<1x1024xi32>
      %and3A_415 = arith.constant 8388607 : i32
      %and3A_416 = vector.broadcast %and3A_415 : i32 to vector<1x1024xi32>
      %and3A_417 = arith.andi %mul3A_414, %and3A_416 : vector<1x1024xi32>
      %convert_element_type3A_418 = arith.sitofp %and3A_417 : vector<1x1024xi32> to vector<1x1024xf32>
      %mul3A_419 = arith.constant 7.49014077E-7 : f32
      %mul3A_420 = vector.broadcast %mul3A_419 : f32 to vector<1x1024xf32>
      %mul3A_421 = arith.mulf %convert_element_type3A_418, %mul3A_420 : vector<1x1024xf32>
      %cos3A_422 = math.cos %mul3A_421 : vector<1x1024xf32>
      %sin3A_423 = math.sin %mul3A_421 : vector<1x1024xf32>
      %mul3A_424 = vector.broadcast %select_n3A_404 : f32 to vector<1x1024xf32>
      %mul3A_425 = arith.mulf %mul3A_424, %cos3A_422 : vector<1x1024xf32>
      %mul3A_426 = vector.broadcast %select_n3A_412 : f32 to vector<1x1024xf32>
      %mul3A_427 = arith.mulf %mul3A_426, %sin3A_423 : vector<1x1024xf32>
      %add3A_428 = arith.addf %mul3A_425, %mul3A_427 : vector<1x1024xf32>
      %swap3A_429 = arith.constant 2 : index
      %swap3A_430 = arith.constant 0 : index
      %swap3A_431 = vector.load %arg7[%swap3A_429, %swap3A_430] : memref<16x1024xf32, #tpu.memory_space<vmem>>, vector<1x1024xf32>
      tpu.vector_store %arg7[%swap3A_429, %swap3A_430], %add3A_428 {strides = array<i32>} : memref<16x1024xf32, #tpu.memory_space<vmem>>, vector<1x1024xf32>,
      %mul3A_432 = vector.broadcast %select_n3A_412 : f32 to vector<1x1024xf32>
      %mul3A_433 = arith.mulf %mul3A_432, %cos3A_422 : vector<1x1024xf32>
      %mul3A_434 = vector.broadcast %select_n3A_404 : f32 to vector<1x1024xf32>
      %mul3A_435 = arith.mulf %mul3A_434, %sin3A_423 : vector<1x1024xf32>
      %sub3A_436 = arith.subf %mul3A_433, %mul3A_435 : vector<1x1024xf32>
      %swap3A_437 = arith.constant 10 : index
      %swap3A_438 = arith.constant 0 : index
      %swap3A_439 = vector.load %arg7[%swap3A_437, %swap3A_438] : memref<16x1024xf32, #tpu.memory_space<vmem>>, vector<1x1024xf32>
      tpu.vector_store %arg7[%swap3A_437, %swap3A_438], %sub3A_436 {strides = array<i32>} : memref<16x1024xf32, #tpu.memory_space<vmem>>, vector<1x1024xf32>,
      %swap3A_440 = arith.constant 2 : index
      %swap3A_441 = memref.load %arg8[%swap3A_440] : memref<8xi32, #tpu.memory_space<smem>>
      memref.store %reduce_sum3A_186, %arg8[%swap3A_440] : memref<8xi32, #tpu.memory_space<smem>>
      %gt3A_442 = arith.cmpf ogt, %reduce_max3A_213, %reduce_max3A_260 : f32
      %eq3A_443 = arith.constant 4194304 : i32
      %eq3A_444 = arith.cmpi eq, %reduce_sum3A_233, %eq3A_443 : i32
      %jit3A_445 = arith.constant 1.000000e+00 : f32
      %jit3A_446 = arith.constant 2.000000e+00 : f32
      %select_n3A_447 = arith.select %eq3A_444, %jit3A_445, %jit3A_446 : f32
      %mul3A_448 = arith.constant 1.1920929E-7 : f32
      %mul3A_449 = arith.mulf %select_n3A_447, %mul3A_448 : f32
      %mul3A_450 = arith.mulf %mul3A_449, %reduce_sum3A_241 : f32
      %jit3A_451 = arith.constant 0.000000e+00 : f32
      %select_n3A_452 = arith.select %gt3A_442, %mul3A_450, %jit3A_451 : f32
      %not3A_453 = arith.constant true
      %not3A_454 = arith.xori %eq3A_444, %not3A_453 : i1
      %and3A_455 = arith.andi %gt3A_442, %not3A_454 : i1
      %neg3A_456 = arith.constant 0.000000e+00 : f32
      %neg3A_457 = arith.subf %neg3A_456, %mul3A_449 : f32
      %mul3A_458 = arith.mulf %neg3A_457, %reduce_sum3A_249 : f32
      %jit3A_459 = arith.constant 0.000000e+00 : f32
      %select_n3A_460 = arith.select %and3A_455, %mul3A_458, %jit3A_459 : f32
      %mul3A_461 = vector.broadcast %reduce_sum3A_233 : i32 to vector<1x1024xi32>
      %mul3A_462 = arith.muli %mul3A_461, %iota3A_297 : vector<1x1024xi32>
      %and3A_463 = arith.constant 8388607 : i32
      %and3A_464 = vector.broadcast %and3A_463 : i32 to vector<1x1024xi32>
      %and3A_465 = arith.andi %mul3A_462, %and3A_464 : vector<1x1024xi32>
      %convert_element_type3A_466 = arith.sitofp %and3A_465 : vector<1x1024xi32> to vector<1x1024xf32>
      %mul3A_467 = arith.constant 7.49014077E-7 : f32
      %mul3A_468 = vector.broadcast %mul3A_467 : f32 to vector<1x1024xf32>
      %mul3A_469 = arith.mulf %convert_element_type3A_466, %mul3A_468 : vector<1x1024xf32>
      %cos3A_470 = math.cos %mul3A_469 : vector<1x1024xf32>
      %sin3A_471 = math.sin %mul3A_469 : vector<1x1024xf32>
      %mul3A_472 = vector.broadcast %select_n3A_452 : f32 to vector<1x1024xf32>
      %mul3A_473 = arith.mulf %mul3A_472, %cos3A_470 : vector<1x1024xf32>
      %mul3A_474 = vector.broadcast %select_n3A_460 : f32 to vector<1x1024xf32>
      %mul3A_475 = arith.mulf %mul3A_474, %sin3A_471 : vector<1x1024xf32>
      %add3A_476 = arith.addf %mul3A_473, %mul3A_475 : vector<1x1024xf32>
      %swap3A_477 = arith.constant 3 : index
      %swap3A_478 = arith.constant 0 : index
      %swap3A_479 = vector.load %arg7[%swap3A_477, %swap3A_478] : memref<16x1024xf32, #tpu.memory_space<vmem>>, vector<1x1024xf32>
      tpu.vector_store %arg7[%swap3A_477, %swap3A_478], %add3A_476 {strides = array<i32>} : memref<16x1024xf32, #tpu.memory_space<vmem>>, vector<1x1024xf32>,
      %mul3A_480 = vector.broadcast %select_n3A_460 : f32 to vector<1x1024xf32>
      %mul3A_481 = arith.mulf %mul3A_480, %cos3A_470 : vector<1x1024xf32>
      %mul3A_482 = vector.broadcast %select_n3A_452 : f32 to vector<1x1024xf32>
      %mul3A_483 = arith.mulf %mul3A_482, %sin3A_471 : vector<1x1024xf32>
      %sub3A_484 = arith.subf %mul3A_481, %mul3A_483 : vector<1x1024xf32>
      %swap3A_485 = arith.constant 11 : index
      %swap3A_486 = arith.constant 0 : index
      %swap3A_487 = vector.load %arg7[%swap3A_485, %swap3A_486] : memref<16x1024xf32, #tpu.memory_space<vmem>>, vector<1x1024xf32>
      tpu.vector_store %arg7[%swap3A_485, %swap3A_486], %sub3A_484 {strides = array<i32>} : memref<16x1024xf32, #tpu.memory_space<vmem>>, vector<1x1024xf32>,
      %swap3A_488 = arith.constant 3 : index
      %swap3A_489 = memref.load %arg8[%swap3A_488] : memref<8xi32, #tpu.memory_space<smem>>
      memref.store %reduce_sum3A_233, %arg8[%swap3A_488] : memref<8xi32, #tpu.memory_space<smem>>
      %gt3A_490 = arith.cmpf ogt, %reduce_max3A_260, %reduce_max3A_260 : f32
      %eq3A_491 = arith.constant 4194304 : i32
      %eq3A_492 = arith.cmpi eq, %reduce_sum3A_280, %eq3A_491 : i32
      %jit3A_493 = arith.constant 1.000000e+00 : f32
      %jit3A_494 = arith.constant 2.000000e+00 : f32
      %select_n3A_495 = arith.select %eq3A_492, %jit3A_493, %jit3A_494 : f32
      %mul3A_496 = arith.constant 1.1920929E-7 : f32
      %mul3A_497 = arith.mulf %select_n3A_495, %mul3A_496 : f32
      %mul3A_498 = arith.mulf %mul3A_497, %reduce_sum3A_288 : f32
      %jit3A_499 = arith.constant 0.000000e+00 : f32
      %select_n3A_500 = arith.select %gt3A_490, %mul3A_498, %jit3A_499 : f32
      %not3A_501 = arith.constant true
      %not3A_502 = arith.xori %eq3A_492, %not3A_501 : i1
      %and3A_503 = arith.andi %gt3A_490, %not3A_502 : i1
      %neg3A_504 = arith.constant 0.000000e+00 : f32
      %neg3A_505 = arith.subf %neg3A_504, %mul3A_497 : f32
      %mul3A_506 = arith.mulf %neg3A_505, %reduce_sum3A_296 : f32
      %jit3A_507 = arith.constant 0.000000e+00 : f32
      %select_n3A_508 = arith.select %and3A_503, %mul3A_506, %jit3A_507 : f32
      %mul3A_509 = vector.broadcast %reduce_sum3A_280 : i32 to vector<1x1024xi32>
      %mul3A_510 = arith.muli %mul3A_509, %iota3A_297 : vector<1x1024xi32>
      %and3A_511 = arith.constant 8388607 : i32
      %and3A_512 = vector.broadcast %and3A_511 : i32 to vector<1x1024xi32>
      %and3A_513 = arith.andi %mul3A_510, %and3A_512 : vector<1x1024xi32>
      %convert_element_type3A_514 = arith.sitofp %and3A_513 : vector<1x1024xi32> to vector<1x1024xf32>
      %mul3A_515 = arith.constant 7.49014077E-7 : f32
      %mul3A_516 = vector.broadcast %mul3A_515 : f32 to vector<1x1024xf32>
      %mul3A_517 = arith.mulf %convert_element_type3A_514, %mul3A_516 : vector<1x1024xf32>
      %cos3A_518 = math.cos %mul3A_517 : vector<1x1024xf32>
      %sin3A_519 = math.sin %mul3A_517 : vector<1x1024xf32>
      %mul3A_520 = vector.broadcast %select_n3A_500 : f32 to vector<1x1024xf32>
      %mul3A_521 = arith.mulf %mul3A_520, %cos3A_518 : vector<1x1024xf32>
      %mul3A_522 = vector.broadcast %select_n3A_508 : f32 to vector<1x1024xf32>
      %mul3A_523 = arith.mulf %mul3A_522, %sin3A_519 : vector<1x1024xf32>
      %add3A_524 = arith.addf %mul3A_521, %mul3A_523 : vector<1x1024xf32>
      %swap3A_525 = arith.constant 4 : index
      %swap3A_526 = arith.constant 0 : index
      %swap3A_527 = vector.load %arg7[%swap3A_525, %swap3A_526] : memref<16x1024xf32, #tpu.memory_space<vmem>>, vector<1x1024xf32>
      tpu.vector_store %arg7[%swap3A_525, %swap3A_526], %add3A_524 {strides = array<i32>} : memref<16x1024xf32, #tpu.memory_space<vmem>>, vector<1x1024xf32>,
      %mul3A_528 = vector.broadcast %select_n3A_508 : f32 to vector<1x1024xf32>
      %mul3A_529 = arith.mulf %mul3A_528, %cos3A_518 : vector<1x1024xf32>
      %mul3A_530 = vector.broadcast %select_n3A_500 : f32 to vector<1x1024xf32>
      %mul3A_531 = arith.mulf %mul3A_530, %sin3A_519 : vector<1x1024xf32>
      %sub3A_532 = arith.subf %mul3A_529, %mul3A_531 : vector<1x1024xf32>
      %swap3A_533 = arith.constant 12 : index
      %swap3A_534 = arith.constant 0 : index
      %swap3A_535 = vector.load %arg7[%swap3A_533, %swap3A_534] : memref<16x1024xf32, #tpu.memory_space<vmem>>, vector<1x1024xf32>
      tpu.vector_store %arg7[%swap3A_533, %swap3A_534], %sub3A_532 {strides = array<i32>} : memref<16x1024xf32, #tpu.memory_space<vmem>>, vector<1x1024xf32>,
      %swap3A_536 = arith.constant 4 : index
      %swap3A_537 = memref.load %arg8[%swap3A_536] : memref<8xi32, #tpu.memory_space<smem>>
      memref.store %reduce_sum3A_280, %arg8[%swap3A_536] : memref<8xi32, #tpu.memory_space<smem>>
      %swap3A_538 = arith.constant 5 : index
      %swap3A_539 = arith.constant 0 : index
      %swap3A_540 = vector.load %arg7[%swap3A_538, %swap3A_539] : memref<16x1024xf32, #tpu.memory_space<vmem>>, vector<1x1024xf32>
      tpu.vector_store %arg7[%swap3A_538, %swap3A_539], %broadcast_in_dim3A_299 {strides = array<i32>} : memref<16x1024xf32, #tpu.memory_space<vmem>>, vector<1x1024xf32>,
      %swap3A_541 = arith.constant 13 : index
      %swap3A_542 = arith.constant 0 : index
      %swap3A_543 = vector.load %arg7[%swap3A_541, %swap3A_542] : memref<16x1024xf32, #tpu.memory_space<vmem>>, vector<1x1024xf32>
      tpu.vector_store %arg7[%swap3A_541, %swap3A_542], %broadcast_in_dim3A_299 {strides = array<i32>} : memref<16x1024xf32, #tpu.memory_space<vmem>>, vector<1x1024xf32>,
      %swap3A_544 = arith.constant 0 : i32
      %swap3A_545 = arith.constant 5 : index
      %swap3A_546 = memref.load %arg8[%swap3A_545] : memref<8xi32, #tpu.memory_space<smem>>
      memref.store %swap3A_544, %arg8[%swap3A_545] : memref<8xi32, #tpu.memory_space<smem>>
      %swap3A_547 = arith.constant 6 : index
      %swap3A_548 = arith.constant 0 : index
      %swap3A_549 = vector.load %arg7[%swap3A_547, %swap3A_548] : memref<16x1024xf32, #tpu.memory_space<vmem>>, vector<1x1024xf32>
      tpu.vector_store %arg7[%swap3A_547, %swap3A_548], %broadcast_in_dim3A_299 {strides = array<i32>} : memref<16x1024xf32, #tpu.memory_space<vmem>>, vector<1x1024xf32>,
      %swap3A_550 = arith.constant 14 : index
      %swap3A_551 = arith.constant 0 : index
      %swap3A_552 = vector.load %arg7[%swap3A_550, %swap3A_551] : memref<16x1024xf32, #tpu.memory_space<vmem>>, vector<1x1024xf32>
      tpu.vector_store %arg7[%swap3A_550, %swap3A_551], %broadcast_in_dim3A_299 {strides = array<i32>} : memref<16x1024xf32, #tpu.memory_space<vmem>>, vector<1x1024xf32>,
      %swap3A_553 = arith.constant 0 : i32
      %swap3A_554 = arith.constant 6 : index
      %swap3A_555 = memref.load %arg8[%swap3A_554] : memref<8xi32, #tpu.memory_space<smem>>
      memref.store %swap3A_553, %arg8[%swap3A_554] : memref<8xi32, #tpu.memory_space<smem>>
      %swap3A_556 = arith.constant 7 : index
      %swap3A_557 = arith.constant 0 : index
      %swap3A_558 = vector.load %arg7[%swap3A_556, %swap3A_557] : memref<16x1024xf32, #tpu.memory_space<vmem>>, vector<1x1024xf32>
      tpu.vector_store %arg7[%swap3A_556, %swap3A_557], %broadcast_in_dim3A_299 {strides = array<i32>} : memref<16x1024xf32, #tpu.memory_space<vmem>>, vector<1x1024xf32>,
      %swap3A_559 = arith.constant 15 : index
      %swap3A_560 = arith.constant 0 : index
      %swap3A_561 = vector.load %arg7[%swap3A_559, %swap3A_560] : memref<16x1024xf32, #tpu.memory_space<vmem>>, vector<1x1024xf32>
      tpu.vector_store %arg7[%swap3A_559, %swap3A_560], %broadcast_in_dim3A_299 {strides = array<i32>} : memref<16x1024xf32, #tpu.memory_space<vmem>>, vector<1x1024xf32>,
      %swap3A_562 = arith.constant 0 : i32
      %swap3A_563 = arith.constant 7 : index
      %swap3A_564 = memref.load %arg8[%swap3A_563] : memref<8xi32, #tpu.memory_space<smem>>
      memref.store %swap3A_562, %arg8[%swap3A_563] : memref<8xi32, #tpu.memory_space<smem>>
    } else {
    }
    %mul3A = arith.constant 256 : i32
    %mul3A_2 = arith.muli %arg0, %mul3A : i32
    %iota3A = tpu.iota {dimensions = array<i32: 0>} : vector<256x1xi32>
    %add3A = vector.broadcast %mul3A_2 : i32 to vector<256x1xi32>
    %add3A_3 = arith.addi %add3A, %iota3A : vector<256x1xi32>
    %mul3A_4 = arith.constant 1024 : i32
    %mul3A_5 = vector.broadcast %mul3A_4 : i32 to vector<256x1xi32>
    %mul3A_6 = arith.muli %add3A_3, %mul3A_5 : vector<256x1xi32>
    %get3A = arith.constant 0 : index
    %get3A_7 = memref.load %arg8[%get3A] : memref<8xi32, #tpu.memory_space<smem>>
    %broadcast_in_dim3A = vector.broadcast %get3A_7 : i32 to vector<1x1xi32>
    %get3A_8 = arith.constant 1 : index
    %get3A_9 = memref.load %arg8[%get3A_8] : memref<8xi32, #tpu.memory_space<smem>>
    %broadcast_in_dim3A_10 = vector.broadcast %get3A_9 : i32 to vector<1x1xi32>
    %get3A_11 = arith.constant 2 : index
    %get3A_12 = memref.load %arg8[%get3A_11] : memref<8xi32, #tpu.memory_space<smem>>
    %broadcast_in_dim3A_13 = vector.broadcast %get3A_12 : i32 to vector<1x1xi32>
    %get3A_14 = arith.constant 3 : index
    %get3A_15 = memref.load %arg8[%get3A_14] : memref<8xi32, #tpu.memory_space<smem>>
    %broadcast_in_dim3A_16 = vector.broadcast %get3A_15 : i32 to vector<1x1xi32>
    %get3A_17 = arith.constant 4 : index
    %get3A_18 = memref.load %arg8[%get3A_17] : memref<8xi32, #tpu.memory_space<smem>>
    %broadcast_in_dim3A_19 = vector.broadcast %get3A_18 : i32 to vector<1x1xi32>
    %get3A_20 = arith.constant 5 : index
    %get3A_21 = memref.load %arg8[%get3A_20] : memref<8xi32, #tpu.memory_space<smem>>
    %broadcast_in_dim3A_22 = vector.broadcast %get3A_21 : i32 to vector<1x1xi32>
    %get3A_23 = arith.constant 6 : index
    %get3A_24 = memref.load %arg8[%get3A_23] : memref<8xi32, #tpu.memory_space<smem>>
    %broadcast_in_dim3A_25 = vector.broadcast %get3A_24 : i32 to vector<1x1xi32>
    %get3A_26 = arith.constant 7 : index
    %get3A_27 = memref.load %arg8[%get3A_26] : memref<8xi32, #tpu.memory_space<smem>>
    %broadcast_in_dim3A_28 = vector.broadcast %get3A_27 : i32 to vector<1x1xi32>
    %concatenate3A = tpu.concatenate %broadcast_in_dim3A, %broadcast_in_dim3A_10, %broadcast_in_dim3A_13, %broadcast_in_dim3A_16, %broadcast_in_dim3A_19, %broadcast_in_dim3A_22, %broadcast_in_dim3A_25, %broadcast_in_dim3A_28 in 1 : vector<1x1xi32>, vector<1x1xi32>, vector<1x1xi32>, vector<1x1xi32>, vector<1x1xi32>, vector<1x1xi32>, vector<1x1xi32>, vector<1x1xi32> -> vector<1x8xi32>
    %mul3A_29 = vector.broadcast %concatenate3A : vector<1x8xi32> to vector<256x8xi32>
    %mul3A_30 = vector.broadcast %mul3A_6 : vector<256x1xi32> to vector<256x8xi32>
    %mul3A_31 = arith.muli %mul3A_29, %mul3A_30 : vector<256x8xi32>
    %and3A = arith.constant 8388607 : i32
    %and3A_32 = vector.broadcast %and3A : i32 to vector<256x8xi32>
    %and3A_33 = arith.andi %mul3A_31, %and3A_32 : vector<256x8xi32>
    %convert_element_type3A_34 = arith.sitofp %and3A_33 : vector<256x8xi32> to vector<256x8xf32>
    %mul3A_35 = arith.constant 7.49014077E-7 : f32
    %mul3A_36 = vector.broadcast %mul3A_35 : f32 to vector<256x8xf32>
    %mul3A_37 = arith.mulf %convert_element_type3A_34, %mul3A_36 : vector<256x8xf32>
    %cos3A = math.cos %mul3A_37 : vector<256x8xf32>
    %sin3A = math.sin %mul3A_37 : vector<256x8xf32>
    %concatenate3A_38 = tpu.concatenate %cos3A, %sin3A in 1 : vector<256x8xf32>, vector<256x8xf32> -> vector<256x16xf32>
    %get3A_39 = arith.constant 0 : index
    %get3A_40 = arith.constant 0 : index
    %get3A_41 = vector.load %arg7[%get3A_39, %get3A_40] : memref<16x1024xf32, #tpu.memory_space<vmem>>, vector<16x1024xf32>
    %dot_general3A = arith.constant dense<0.000000e+00> : vector<256x1024xf32>
    %dot_general3A_42 = tpu.matmul %concatenate3A_38, %get3A_41, %dot_general3A {dimension_numbers = #tpu.dot_dimension_numbers<[1], [0], [0], [1], [0, 0, 1, 1], [], []>, precision = #tpu.contract_precision<fp32>, transpose_lhs_hint = false} : vector<256x16xf32>, vector<16x1024xf32>, vector<256x1024xf32> -> vector<256x1024xf32>
    %swap3A = arith.constant 0 : index
    %swap3A_43 = arith.constant 0 : index
    %swap3A_44 = vector.load %arg5[%swap3A, %swap3A_43] : memref<256x1024xf32, #tpu.memory_space<vmem>>, vector<256x1024xf32>
    tpu.vector_store %arg5[%swap3A, %swap3A_43], %dot_general3A_42 {strides = array<i32>} : memref<256x1024xf32, #tpu.memory_space<vmem>>, vector<256x1024xf32>,
    %get3A_45 = arith.constant 0 : index
    %get3A_46 = arith.constant 0 : index
    %get3A_47 = vector.load %arg4[%get3A_45, %get3A_46] : memref<256x1024xf32, #tpu.memory_space<vmem>>, vector<256x1024xf32>
    %sub3A = arith.subf %get3A_47, %dot_general3A_42 : vector<256x1024xf32>
    %swap3A_48 = arith.constant 0 : index
    %swap3A_49 = arith.constant 0 : index
    %swap3A_50 = vector.load %arg6[%swap3A_48, %swap3A_49] : memref<256x1024xf32, #tpu.memory_space<vmem>>, vector<256x1024xf32>
    tpu.vector_store %arg6[%swap3A_48, %swap3A_49], %sub3A {strides = array<i32>} : memref<256x1024xf32, #tpu.memory_space<vmem>>, vector<256x1024xf32>,
    return
  }
  func.func @transform_0(%arg0: i32) -> (i32, i32) {
    %c0_i32 = arith.constant 0 : i32
    %c0_i32_0 = arith.constant 0 : i32
    %c0_i32_1 = arith.constant 0 : i32
    return %c0_i32, %c0_i32_0 : i32, i32
  }
  func.func @transform_1(%arg0: i32) -> (i32, i32) {
    %c0_i32 = arith.constant 0 : i32
    %c0_i32_0 = arith.constant 0 : i32
    %c0_i32_1 = arith.constant 0 : i32
    return %c0_i32, %c0_i32_0 : i32, i32
  }
  func.func @transform_2(%arg0: i32) -> (i32, i32) {
    %c0_i32 = arith.constant 0 : i32
    %c0_i32_0 = arith.constant 0 : i32
    %c0_i32_1 = arith.constant 0 : i32
    return %c0_i32, %c0_i32_0 : i32, i32
  }
  func.func @transform_3(%arg0: i32) -> (i32, i32) {
    %c0_i32 = arith.constant 0 : i32
    %c0_i32_0 = arith.constant 0 : i32
    return %arg0, %c0_i32 : i32, i32
  }
  func.func @transform_4(%arg0: i32) -> (i32, i32) {
    %c0_i32 = arith.constant 0 : i32
    %c0_i32_0 = arith.constant 0 : i32
    return %arg0, %c0_i32 : i32, i32
  }
  func.func @transform_5(%arg0: i32) -> (i32, i32) {
    %c0_i32 = arith.constant 0 : i32
    %c0_i32_0 = arith.constant 0 : i32
    return %arg0, %c0_i32 : i32, i32
  }
}

module attributes {stable_mosaic.version = 14 : i64} {
  func.func @_refine_body(%arg0: i32, %arg1: memref<4x128xf32, #tpu.memory_space<vmem>>, %arg2: memref<4x128xi32, #tpu.memory_space<vmem>>, %arg3: memref<256x1024xf32, #tpu.memory_space<vmem>>, %arg4: memref<1x16xf32, #tpu.memory_space<vmem>>, %arg5: memref<1x16xf32, #tpu.memory_space<vmem>>, %arg6: memref<1x16xi32, #tpu.memory_space<vmem>>, %arg7: memref<1024x16xf32, #tpu.memory_space<vmem>>, %arg8: memref<1024x16xf32, #tpu.memory_space<vmem>>, %arg9: memref<1x16xf32, #tpu.memory_space<vmem>>, %arg10: memref<1x16xf32, #tpu.memory_space<vmem>>, %arg11: memref<16xi32, #tpu.memory_space<smem>>) attributes {dimension_semantics = [#tpu.dimension_semantics<arbitrary>], iteration_bounds = array<i64: 32>, scalar_prefetch = 0 : i64, scratch_operands = 5 : i64, tpu.core_type = #tpu.core_type<tc>, window_params = [{pipeline_mode = #tpu.pipeline_mode<synchronous>, transform_indices = @transform_0, window_bounds = array<i64: 4, 128>}, {pipeline_mode = #tpu.pipeline_mode<synchronous>, transform_indices = @transform_1, window_bounds = array<i64: 4, 128>}, {transform_indices = @transform_2, window_bounds = array<i64: 256, 1024>}, {pipeline_mode = #tpu.pipeline_mode<synchronous>, transform_indices = @transform_3, window_bounds = array<i64: 1, 16>}, {pipeline_mode = #tpu.pipeline_mode<synchronous>, transform_indices = @transform_4, window_bounds = array<i64: 1, 16>}, {pipeline_mode = #tpu.pipeline_mode<synchronous>, transform_indices = @transform_5, window_bounds = array<i64: 1, 16>}]} {
    %eq3A = arith.constant 0 : i32
    %eq3A_0 = arith.cmpi eq, %arg0, %eq3A : i32
    %convert_element_type3A = arith.extui %eq3A_0 : i1 to i32
    %cond3A = arith.constant 0 : i32
    %cond3A_1 = arith.cmpi ne, %convert_element_type3A, %cond3A : i32
    scf.if %cond3A_1 {
      %get3A_126 = arith.constant 0 : index
      %get3A_127 = arith.constant 0 : index
      %get3A_128 = vector.load %arg1[%get3A_126, %get3A_127] : memref<4x128xf32, #tpu.memory_space<vmem>>, vector<4x128xf32>
      %get3A_129 = arith.constant 0 : index
      %get3A_130 = arith.constant 0 : index
      %get3A_131 = vector.load %arg2[%get3A_129, %get3A_130] : memref<4x128xi32, #tpu.memory_space<vmem>>, vector<4x128xi32>
      %iota3A_132 = tpu.iota {dimensions = array<i32: 0>} : vector<4x128xi32>
      %mul3A_133 = arith.constant 128 : i32
      %mul3A_134 = vector.broadcast %mul3A_133 : i32 to vector<4x128xi32>
      %mul3A_135 = arith.muli %iota3A_132, %mul3A_134 : vector<4x128xi32>
      %iota3A_136 = tpu.iota {dimensions = array<i32: 1>} : vector<4x128xi32>
      %add3A_137 = arith.addi %mul3A_135, %iota3A_136 : vector<4x128xi32>
      %ge3A = arith.constant 0 : i32
      %ge3A_138 = vector.broadcast %ge3A : i32 to vector<4x128xi32>
      %ge3A_139 = arith.cmpi sge, %add3A_137, %ge3A_138 : vector<4x128xi32>
      %jit3A = arith.constant -3.000000e+00 : f32
      %broadcast_in_dim3A_140 = vector.broadcast %jit3A : f32 to vector<4x128xf32>
      %select_n3A = arith.select %ge3A_139, %get3A_128, %broadcast_in_dim3A_140 : vector<4x128xi1>, vector<4x128xf32>
      %reduce_max3A = vector.shape_cast %select_n3A : vector<4x128xf32> to vector<1x4x128xf32>
      %reduce_max3A_141 = arith.constant dense<0xFF800000> : vector<1xf32>
      %reduce_max3A_142 = vector.multi_reduction <maximumf>, %reduce_max3A, %reduce_max3A_141 [1, 2] : vector<1x4x128xf32> to vector<1xf32>
      %reduce_max3A_143 = vector.shape_cast %reduce_max3A_142 : vector<1xf32> to vector<1x1x1xf32>
      %reduce_max3A_144 = vector.extract %reduce_max3A_143[0, 0, 0] : f32 from vector<1x1x1xf32>
      %eq3A_145 = vector.broadcast %reduce_max3A_144 : f32 to vector<4x128xf32>
      %eq3A_146 = arith.cmpf oeq, %select_n3A, %eq3A_145 : vector<4x128xf32>
      %jit3A_147 = arith.constant 1073741824 : i32
      %broadcast_in_dim3A_148 = vector.broadcast %jit3A_147 : i32 to vector<4x128xi32>
      %select_n3A_149 = arith.select %eq3A_146, %add3A_137, %broadcast_in_dim3A_148 : vector<4x128xi1>, vector<4x128xi32>
      %reduce_min3A = vector.shape_cast %select_n3A_149 : vector<4x128xi32> to vector<1x4x128xi32>
      %reduce_min3A_150 = arith.constant dense<2147483647> : vector<1xi32>
      %reduce_min3A_151 = vector.multi_reduction <minsi>, %reduce_min3A, %reduce_min3A_150 [1, 2] : vector<1x4x128xi32> to vector<1xi32>
      %reduce_min3A_152 = vector.shape_cast %reduce_min3A_151 : vector<1xi32> to vector<1x1x1xi32>
      %reduce_min3A_153 = vector.extract %reduce_min3A_152[0, 0, 0] : i32 from vector<1x1x1xi32>
      %eq3A_154 = vector.broadcast %reduce_min3A_153 : i32 to vector<4x128xi32>
      %eq3A_155 = arith.cmpi eq, %add3A_137, %eq3A_154 : vector<4x128xi32>
      %jit3A_156 = arith.constant 0 : i32
      %broadcast_in_dim3A_157 = vector.broadcast %jit3A_156 : i32 to vector<4x128xi32>
      %select_n3A_158 = arith.select %eq3A_155, %get3A_131, %broadcast_in_dim3A_157 : vector<4x128xi1>, vector<4x128xi32>
      %reduce_sum3A_159 = vector.shape_cast %select_n3A_158 : vector<4x128xi32> to vector<1x4x128xi32>
      %reduce_sum3A_160 = arith.constant dense<0> : vector<1xi32>
      %reduce_sum3A_161 = vector.multi_reduction <add>, %reduce_sum3A_159, %reduce_sum3A_160 [1, 2] : vector<1x4x128xi32> to vector<1xi32>
      %reduce_sum3A_162 = vector.shape_cast %reduce_sum3A_161 : vector<1xi32> to vector<1x1x1xi32>
      %reduce_sum3A_163 = vector.extract %reduce_sum3A_162[0, 0, 0] : i32 from vector<1x1x1xi32>
      %swap3A_164 = arith.constant 0 : index
      %swap3A_165 = memref.load %arg11[%swap3A_164] : memref<16xi32, #tpu.memory_space<smem>>
      memref.store %reduce_sum3A_163, %arg11[%swap3A_164] : memref<16xi32, #tpu.memory_space<smem>>
      %not3A = arith.constant dense<true> : vector<4x128xi1>
      %not3A_166 = arith.xori %eq3A_155, %not3A : vector<4x128xi1>
      %and3A_167 = arith.andi %ge3A_139, %not3A_166 : vector<4x128xi1>
      %jit3A_168 = arith.constant -3.000000e+00 : f32
      %broadcast_in_dim3A_169 = vector.broadcast %jit3A_168 : f32 to vector<4x128xf32>
      %select_n3A_170 = arith.select %and3A_167, %get3A_128, %broadcast_in_dim3A_169 : vector<4x128xi1>, vector<4x128xf32>
      %reduce_max3A_171 = vector.shape_cast %select_n3A_170 : vector<4x128xf32> to vector<1x4x128xf32>
      %reduce_max3A_172 = arith.constant dense<0xFF800000> : vector<1xf32>
      %reduce_max3A_173 = vector.multi_reduction <maximumf>, %reduce_max3A_171, %reduce_max3A_172 [1, 2] : vector<1x4x128xf32> to vector<1xf32>
      %reduce_max3A_174 = vector.shape_cast %reduce_max3A_173 : vector<1xf32> to vector<1x1x1xf32>
      %reduce_max3A_175 = vector.extract %reduce_max3A_174[0, 0, 0] : f32 from vector<1x1x1xf32>
      %eq3A_176 = vector.broadcast %reduce_max3A_175 : f32 to vector<4x128xf32>
      %eq3A_177 = arith.cmpf oeq, %select_n3A_170, %eq3A_176 : vector<4x128xf32>
      %jit3A_178 = arith.constant 1073741824 : i32
      %broadcast_in_dim3A_179 = vector.broadcast %jit3A_178 : i32 to vector<4x128xi32>
      %select_n3A_180 = arith.select %eq3A_177, %add3A_137, %broadcast_in_dim3A_179 : vector<4x128xi1>, vector<4x128xi32>
      %reduce_min3A_181 = vector.shape_cast %select_n3A_180 : vector<4x128xi32> to vector<1x4x128xi32>
      %reduce_min3A_182 = arith.constant dense<2147483647> : vector<1xi32>
      %reduce_min3A_183 = vector.multi_reduction <minsi>, %reduce_min3A_181, %reduce_min3A_182 [1, 2] : vector<1x4x128xi32> to vector<1xi32>
      %reduce_min3A_184 = vector.shape_cast %reduce_min3A_183 : vector<1xi32> to vector<1x1x1xi32>
      %reduce_min3A_185 = vector.extract %reduce_min3A_184[0, 0, 0] : i32 from vector<1x1x1xi32>
      %eq3A_186 = vector.broadcast %reduce_min3A_185 : i32 to vector<4x128xi32>
      %eq3A_187 = arith.cmpi eq, %add3A_137, %eq3A_186 : vector<4x128xi32>
      %jit3A_188 = arith.constant 0 : i32
      %broadcast_in_dim3A_189 = vector.broadcast %jit3A_188 : i32 to vector<4x128xi32>
      %select_n3A_190 = arith.select %eq3A_187, %get3A_131, %broadcast_in_dim3A_189 : vector<4x128xi1>, vector<4x128xi32>
      %reduce_sum3A_191 = vector.shape_cast %select_n3A_190 : vector<4x128xi32> to vector<1x4x128xi32>
      %reduce_sum3A_192 = arith.constant dense<0> : vector<1xi32>
      %reduce_sum3A_193 = vector.multi_reduction <add>, %reduce_sum3A_191, %reduce_sum3A_192 [1, 2] : vector<1x4x128xi32> to vector<1xi32>
      %reduce_sum3A_194 = vector.shape_cast %reduce_sum3A_193 : vector<1xi32> to vector<1x1x1xi32>
      %reduce_sum3A_195 = vector.extract %reduce_sum3A_194[0, 0, 0] : i32 from vector<1x1x1xi32>
      %swap3A_196 = arith.constant 1 : index
      %swap3A_197 = memref.load %arg11[%swap3A_196] : memref<16xi32, #tpu.memory_space<smem>>
      memref.store %reduce_sum3A_195, %arg11[%swap3A_196] : memref<16xi32, #tpu.memory_space<smem>>
      %not3A_198 = arith.constant dense<true> : vector<4x128xi1>
      %not3A_199 = arith.xori %eq3A_187, %not3A_198 : vector<4x128xi1>
      %and3A_200 = arith.andi %and3A_167, %not3A_199 : vector<4x128xi1>
      %jit3A_201 = arith.constant -3.000000e+00 : f32
      %broadcast_in_dim3A_202 = vector.broadcast %jit3A_201 : f32 to vector<4x128xf32>
      %select_n3A_203 = arith.select %and3A_200, %get3A_128, %broadcast_in_dim3A_202 : vector<4x128xi1>, vector<4x128xf32>
      %reduce_max3A_204 = vector.shape_cast %select_n3A_203 : vector<4x128xf32> to vector<1x4x128xf32>
      %reduce_max3A_205 = arith.constant dense<0xFF800000> : vector<1xf32>
      %reduce_max3A_206 = vector.multi_reduction <maximumf>, %reduce_max3A_204, %reduce_max3A_205 [1, 2] : vector<1x4x128xf32> to vector<1xf32>
      %reduce_max3A_207 = vector.shape_cast %reduce_max3A_206 : vector<1xf32> to vector<1x1x1xf32>
      %reduce_max3A_208 = vector.extract %reduce_max3A_207[0, 0, 0] : f32 from vector<1x1x1xf32>
      %eq3A_209 = vector.broadcast %reduce_max3A_208 : f32 to vector<4x128xf32>
      %eq3A_210 = arith.cmpf oeq, %select_n3A_203, %eq3A_209 : vector<4x128xf32>
      %jit3A_211 = arith.constant 1073741824 : i32
      %broadcast_in_dim3A_212 = vector.broadcast %jit3A_211 : i32 to vector<4x128xi32>
      %select_n3A_213 = arith.select %eq3A_210, %add3A_137, %broadcast_in_dim3A_212 : vector<4x128xi1>, vector<4x128xi32>
      %reduce_min3A_214 = vector.shape_cast %select_n3A_213 : vector<4x128xi32> to vector<1x4x128xi32>
      %reduce_min3A_215 = arith.constant dense<2147483647> : vector<1xi32>
      %reduce_min3A_216 = vector.multi_reduction <minsi>, %reduce_min3A_214, %reduce_min3A_215 [1, 2] : vector<1x4x128xi32> to vector<1xi32>
      %reduce_min3A_217 = vector.shape_cast %reduce_min3A_216 : vector<1xi32> to vector<1x1x1xi32>
      %reduce_min3A_218 = vector.extract %reduce_min3A_217[0, 0, 0] : i32 from vector<1x1x1xi32>
      %eq3A_219 = vector.broadcast %reduce_min3A_218 : i32 to vector<4x128xi32>
      %eq3A_220 = arith.cmpi eq, %add3A_137, %eq3A_219 : vector<4x128xi32>
      %jit3A_221 = arith.constant 0 : i32
      %broadcast_in_dim3A_222 = vector.broadcast %jit3A_221 : i32 to vector<4x128xi32>
      %select_n3A_223 = arith.select %eq3A_220, %get3A_131, %broadcast_in_dim3A_222 : vector<4x128xi1>, vector<4x128xi32>
      %reduce_sum3A_224 = vector.shape_cast %select_n3A_223 : vector<4x128xi32> to vector<1x4x128xi32>
      %reduce_sum3A_225 = arith.constant dense<0> : vector<1xi32>
      %reduce_sum3A_226 = vector.multi_reduction <add>, %reduce_sum3A_224, %reduce_sum3A_225 [1, 2] : vector<1x4x128xi32> to vector<1xi32>
      %reduce_sum3A_227 = vector.shape_cast %reduce_sum3A_226 : vector<1xi32> to vector<1x1x1xi32>
      %reduce_sum3A_228 = vector.extract %reduce_sum3A_227[0, 0, 0] : i32 from vector<1x1x1xi32>
      %swap3A_229 = arith.constant 2 : index
      %swap3A_230 = memref.load %arg11[%swap3A_229] : memref<16xi32, #tpu.memory_space<smem>>
      memref.store %reduce_sum3A_228, %arg11[%swap3A_229] : memref<16xi32, #tpu.memory_space<smem>>
      %not3A_231 = arith.constant dense<true> : vector<4x128xi1>
      %not3A_232 = arith.xori %eq3A_220, %not3A_231 : vector<4x128xi1>
      %and3A_233 = arith.andi %and3A_200, %not3A_232 : vector<4x128xi1>
      %jit3A_234 = arith.constant -3.000000e+00 : f32
      %broadcast_in_dim3A_235 = vector.broadcast %jit3A_234 : f32 to vector<4x128xf32>
      %select_n3A_236 = arith.select %and3A_233, %get3A_128, %broadcast_in_dim3A_235 : vector<4x128xi1>, vector<4x128xf32>
      %reduce_max3A_237 = vector.shape_cast %select_n3A_236 : vector<4x128xf32> to vector<1x4x128xf32>
      %reduce_max3A_238 = arith.constant dense<0xFF800000> : vector<1xf32>
      %reduce_max3A_239 = vector.multi_reduction <maximumf>, %reduce_max3A_237, %reduce_max3A_238 [1, 2] : vector<1x4x128xf32> to vector<1xf32>
      %reduce_max3A_240 = vector.shape_cast %reduce_max3A_239 : vector<1xf32> to vector<1x1x1xf32>
      %reduce_max3A_241 = vector.extract %reduce_max3A_240[0, 0, 0] : f32 from vector<1x1x1xf32>
      %eq3A_242 = vector.broadcast %reduce_max3A_241 : f32 to vector<4x128xf32>
      %eq3A_243 = arith.cmpf oeq, %select_n3A_236, %eq3A_242 : vector<4x128xf32>
      %jit3A_244 = arith.constant 1073741824 : i32
      %broadcast_in_dim3A_245 = vector.broadcast %jit3A_244 : i32 to vector<4x128xi32>
      %select_n3A_246 = arith.select %eq3A_243, %add3A_137, %broadcast_in_dim3A_245 : vector<4x128xi1>, vector<4x128xi32>
      %reduce_min3A_247 = vector.shape_cast %select_n3A_246 : vector<4x128xi32> to vector<1x4x128xi32>
      %reduce_min3A_248 = arith.constant dense<2147483647> : vector<1xi32>
      %reduce_min3A_249 = vector.multi_reduction <minsi>, %reduce_min3A_247, %reduce_min3A_248 [1, 2] : vector<1x4x128xi32> to vector<1xi32>
      %reduce_min3A_250 = vector.shape_cast %reduce_min3A_249 : vector<1xi32> to vector<1x1x1xi32>
      %reduce_min3A_251 = vector.extract %reduce_min3A_250[0, 0, 0] : i32 from vector<1x1x1xi32>
      %eq3A_252 = vector.broadcast %reduce_min3A_251 : i32 to vector<4x128xi32>
      %eq3A_253 = arith.cmpi eq, %add3A_137, %eq3A_252 : vector<4x128xi32>
      %jit3A_254 = arith.constant 0 : i32
      %broadcast_in_dim3A_255 = vector.broadcast %jit3A_254 : i32 to vector<4x128xi32>
      %select_n3A_256 = arith.select %eq3A_253, %get3A_131, %broadcast_in_dim3A_255 : vector<4x128xi1>, vector<4x128xi32>
      %reduce_sum3A_257 = vector.shape_cast %select_n3A_256 : vector<4x128xi32> to vector<1x4x128xi32>
      %reduce_sum3A_258 = arith.constant dense<0> : vector<1xi32>
      %reduce_sum3A_259 = vector.multi_reduction <add>, %reduce_sum3A_257, %reduce_sum3A_258 [1, 2] : vector<1x4x128xi32> to vector<1xi32>
      %reduce_sum3A_260 = vector.shape_cast %reduce_sum3A_259 : vector<1xi32> to vector<1x1x1xi32>
      %reduce_sum3A_261 = vector.extract %reduce_sum3A_260[0, 0, 0] : i32 from vector<1x1x1xi32>
      %swap3A_262 = arith.constant 3 : index
      %swap3A_263 = memref.load %arg11[%swap3A_262] : memref<16xi32, #tpu.memory_space<smem>>
      memref.store %reduce_sum3A_261, %arg11[%swap3A_262] : memref<16xi32, #tpu.memory_space<smem>>
      %not3A_264 = arith.constant dense<true> : vector<4x128xi1>
      %not3A_265 = arith.xori %eq3A_253, %not3A_264 : vector<4x128xi1>
      %and3A_266 = arith.andi %and3A_233, %not3A_265 : vector<4x128xi1>
      %jit3A_267 = arith.constant -3.000000e+00 : f32
      %broadcast_in_dim3A_268 = vector.broadcast %jit3A_267 : f32 to vector<4x128xf32>
      %select_n3A_269 = arith.select %and3A_266, %get3A_128, %broadcast_in_dim3A_268 : vector<4x128xi1>, vector<4x128xf32>
      %reduce_max3A_270 = vector.shape_cast %select_n3A_269 : vector<4x128xf32> to vector<1x4x128xf32>
      %reduce_max3A_271 = arith.constant dense<0xFF800000> : vector<1xf32>
      %reduce_max3A_272 = vector.multi_reduction <maximumf>, %reduce_max3A_270, %reduce_max3A_271 [1, 2] : vector<1x4x128xf32> to vector<1xf32>
      %reduce_max3A_273 = vector.shape_cast %reduce_max3A_272 : vector<1xf32> to vector<1x1x1xf32>
      %reduce_max3A_274 = vector.extract %reduce_max3A_273[0, 0, 0] : f32 from vector<1x1x1xf32>
      %eq3A_275 = vector.broadcast %reduce_max3A_274 : f32 to vector<4x128xf32>
      %eq3A_276 = arith.cmpf oeq, %select_n3A_269, %eq3A_275 : vector<4x128xf32>
      %jit3A_277 = arith.constant 1073741824 : i32
      %broadcast_in_dim3A_278 = vector.broadcast %jit3A_277 : i32 to vector<4x128xi32>
      %select_n3A_279 = arith.select %eq3A_276, %add3A_137, %broadcast_in_dim3A_278 : vector<4x128xi1>, vector<4x128xi32>
      %reduce_min3A_280 = vector.shape_cast %select_n3A_279 : vector<4x128xi32> to vector<1x4x128xi32>
      %reduce_min3A_281 = arith.constant dense<2147483647> : vector<1xi32>
      %reduce_min3A_282 = vector.multi_reduction <minsi>, %reduce_min3A_280, %reduce_min3A_281 [1, 2] : vector<1x4x128xi32> to vector<1xi32>
      %reduce_min3A_283 = vector.shape_cast %reduce_min3A_282 : vector<1xi32> to vector<1x1x1xi32>
      %reduce_min3A_284 = vector.extract %reduce_min3A_283[0, 0, 0] : i32 from vector<1x1x1xi32>
      %eq3A_285 = vector.broadcast %reduce_min3A_284 : i32 to vector<4x128xi32>
      %eq3A_286 = arith.cmpi eq, %add3A_137, %eq3A_285 : vector<4x128xi32>
      %jit3A_287 = arith.constant 0 : i32
      %broadcast_in_dim3A_288 = vector.broadcast %jit3A_287 : i32 to vector<4x128xi32>
      %select_n3A_289 = arith.select %eq3A_286, %get3A_131, %broadcast_in_dim3A_288 : vector<4x128xi1>, vector<4x128xi32>
      %reduce_sum3A_290 = vector.shape_cast %select_n3A_289 : vector<4x128xi32> to vector<1x4x128xi32>
      %reduce_sum3A_291 = arith.constant dense<0> : vector<1xi32>
      %reduce_sum3A_292 = vector.multi_reduction <add>, %reduce_sum3A_290, %reduce_sum3A_291 [1, 2] : vector<1x4x128xi32> to vector<1xi32>
      %reduce_sum3A_293 = vector.shape_cast %reduce_sum3A_292 : vector<1xi32> to vector<1x1x1xi32>
      %reduce_sum3A_294 = vector.extract %reduce_sum3A_293[0, 0, 0] : i32 from vector<1x1x1xi32>
      %swap3A_295 = arith.constant 4 : index
      %swap3A_296 = memref.load %arg11[%swap3A_295] : memref<16xi32, #tpu.memory_space<smem>>
      memref.store %reduce_sum3A_294, %arg11[%swap3A_295] : memref<16xi32, #tpu.memory_space<smem>>
      %not3A_297 = arith.constant dense<true> : vector<4x128xi1>
      %not3A_298 = arith.xori %eq3A_286, %not3A_297 : vector<4x128xi1>
      %and3A_299 = arith.andi %and3A_266, %not3A_298 : vector<4x128xi1>
      %jit3A_300 = arith.constant -3.000000e+00 : f32
      %broadcast_in_dim3A_301 = vector.broadcast %jit3A_300 : f32 to vector<4x128xf32>
      %select_n3A_302 = arith.select %and3A_299, %get3A_128, %broadcast_in_dim3A_301 : vector<4x128xi1>, vector<4x128xf32>
      %reduce_max3A_303 = vector.shape_cast %select_n3A_302 : vector<4x128xf32> to vector<1x4x128xf32>
      %reduce_max3A_304 = arith.constant dense<0xFF800000> : vector<1xf32>
      %reduce_max3A_305 = vector.multi_reduction <maximumf>, %reduce_max3A_303, %reduce_max3A_304 [1, 2] : vector<1x4x128xf32> to vector<1xf32>
      %reduce_max3A_306 = vector.shape_cast %reduce_max3A_305 : vector<1xf32> to vector<1x1x1xf32>
      %reduce_max3A_307 = vector.extract %reduce_max3A_306[0, 0, 0] : f32 from vector<1x1x1xf32>
      %eq3A_308 = vector.broadcast %reduce_max3A_307 : f32 to vector<4x128xf32>
      %eq3A_309 = arith.cmpf oeq, %select_n3A_302, %eq3A_308 : vector<4x128xf32>
      %jit3A_310 = arith.constant 1073741824 : i32
      %broadcast_in_dim3A_311 = vector.broadcast %jit3A_310 : i32 to vector<4x128xi32>
      %select_n3A_312 = arith.select %eq3A_309, %add3A_137, %broadcast_in_dim3A_311 : vector<4x128xi1>, vector<4x128xi32>
      %reduce_min3A_313 = vector.shape_cast %select_n3A_312 : vector<4x128xi32> to vector<1x4x128xi32>
      %reduce_min3A_314 = arith.constant dense<2147483647> : vector<1xi32>
      %reduce_min3A_315 = vector.multi_reduction <minsi>, %reduce_min3A_313, %reduce_min3A_314 [1, 2] : vector<1x4x128xi32> to vector<1xi32>
      %reduce_min3A_316 = vector.shape_cast %reduce_min3A_315 : vector<1xi32> to vector<1x1x1xi32>
      %reduce_min3A_317 = vector.extract %reduce_min3A_316[0, 0, 0] : i32 from vector<1x1x1xi32>
      %eq3A_318 = vector.broadcast %reduce_min3A_317 : i32 to vector<4x128xi32>
      %eq3A_319 = arith.cmpi eq, %add3A_137, %eq3A_318 : vector<4x128xi32>
      %jit3A_320 = arith.constant 0 : i32
      %broadcast_in_dim3A_321 = vector.broadcast %jit3A_320 : i32 to vector<4x128xi32>
      %select_n3A_322 = arith.select %eq3A_319, %get3A_131, %broadcast_in_dim3A_321 : vector<4x128xi1>, vector<4x128xi32>
      %reduce_sum3A_323 = vector.shape_cast %select_n3A_322 : vector<4x128xi32> to vector<1x4x128xi32>
      %reduce_sum3A_324 = arith.constant dense<0> : vector<1xi32>
      %reduce_sum3A_325 = vector.multi_reduction <add>, %reduce_sum3A_323, %reduce_sum3A_324 [1, 2] : vector<1x4x128xi32> to vector<1xi32>
      %reduce_sum3A_326 = vector.shape_cast %reduce_sum3A_325 : vector<1xi32> to vector<1x1x1xi32>
      %reduce_sum3A_327 = vector.extract %reduce_sum3A_326[0, 0, 0] : i32 from vector<1x1x1xi32>
      %swap3A_328 = arith.constant 5 : index
      %swap3A_329 = memref.load %arg11[%swap3A_328] : memref<16xi32, #tpu.memory_space<smem>>
      memref.store %reduce_sum3A_327, %arg11[%swap3A_328] : memref<16xi32, #tpu.memory_space<smem>>
      %not3A_330 = arith.constant dense<true> : vector<4x128xi1>
      %not3A_331 = arith.xori %eq3A_319, %not3A_330 : vector<4x128xi1>
      %and3A_332 = arith.andi %and3A_299, %not3A_331 : vector<4x128xi1>
      %jit3A_333 = arith.constant -3.000000e+00 : f32
      %broadcast_in_dim3A_334 = vector.broadcast %jit3A_333 : f32 to vector<4x128xf32>
      %select_n3A_335 = arith.select %and3A_332, %get3A_128, %broadcast_in_dim3A_334 : vector<4x128xi1>, vector<4x128xf32>
      %reduce_max3A_336 = vector.shape_cast %select_n3A_335 : vector<4x128xf32> to vector<1x4x128xf32>
      %reduce_max3A_337 = arith.constant dense<0xFF800000> : vector<1xf32>
      %reduce_max3A_338 = vector.multi_reduction <maximumf>, %reduce_max3A_336, %reduce_max3A_337 [1, 2] : vector<1x4x128xf32> to vector<1xf32>
      %reduce_max3A_339 = vector.shape_cast %reduce_max3A_338 : vector<1xf32> to vector<1x1x1xf32>
      %reduce_max3A_340 = vector.extract %reduce_max3A_339[0, 0, 0] : f32 from vector<1x1x1xf32>
      %eq3A_341 = vector.broadcast %reduce_max3A_340 : f32 to vector<4x128xf32>
      %eq3A_342 = arith.cmpf oeq, %select_n3A_335, %eq3A_341 : vector<4x128xf32>
      %jit3A_343 = arith.constant 1073741824 : i32
      %broadcast_in_dim3A_344 = vector.broadcast %jit3A_343 : i32 to vector<4x128xi32>
      %select_n3A_345 = arith.select %eq3A_342, %add3A_137, %broadcast_in_dim3A_344 : vector<4x128xi1>, vector<4x128xi32>
      %reduce_min3A_346 = vector.shape_cast %select_n3A_345 : vector<4x128xi32> to vector<1x4x128xi32>
      %reduce_min3A_347 = arith.constant dense<2147483647> : vector<1xi32>
      %reduce_min3A_348 = vector.multi_reduction <minsi>, %reduce_min3A_346, %reduce_min3A_347 [1, 2] : vector<1x4x128xi32> to vector<1xi32>
      %reduce_min3A_349 = vector.shape_cast %reduce_min3A_348 : vector<1xi32> to vector<1x1x1xi32>
      %reduce_min3A_350 = vector.extract %reduce_min3A_349[0, 0, 0] : i32 from vector<1x1x1xi32>
      %eq3A_351 = vector.broadcast %reduce_min3A_350 : i32 to vector<4x128xi32>
      %eq3A_352 = arith.cmpi eq, %add3A_137, %eq3A_351 : vector<4x128xi32>
      %jit3A_353 = arith.constant 0 : i32
      %broadcast_in_dim3A_354 = vector.broadcast %jit3A_353 : i32 to vector<4x128xi32>
      %select_n3A_355 = arith.select %eq3A_352, %get3A_131, %broadcast_in_dim3A_354 : vector<4x128xi1>, vector<4x128xi32>
      %reduce_sum3A_356 = vector.shape_cast %select_n3A_355 : vector<4x128xi32> to vector<1x4x128xi32>
      %reduce_sum3A_357 = arith.constant dense<0> : vector<1xi32>
      %reduce_sum3A_358 = vector.multi_reduction <add>, %reduce_sum3A_356, %reduce_sum3A_357 [1, 2] : vector<1x4x128xi32> to vector<1xi32>
      %reduce_sum3A_359 = vector.shape_cast %reduce_sum3A_358 : vector<1xi32> to vector<1x1x1xi32>
      %reduce_sum3A_360 = vector.extract %reduce_sum3A_359[0, 0, 0] : i32 from vector<1x1x1xi32>
      %swap3A_361 = arith.constant 6 : index
      %swap3A_362 = memref.load %arg11[%swap3A_361] : memref<16xi32, #tpu.memory_space<smem>>
      memref.store %reduce_sum3A_360, %arg11[%swap3A_361] : memref<16xi32, #tpu.memory_space<smem>>
      %not3A_363 = arith.constant dense<true> : vector<4x128xi1>
      %not3A_364 = arith.xori %eq3A_352, %not3A_363 : vector<4x128xi1>
      %and3A_365 = arith.andi %and3A_332, %not3A_364 : vector<4x128xi1>
      %jit3A_366 = arith.constant -3.000000e+00 : f32
      %broadcast_in_dim3A_367 = vector.broadcast %jit3A_366 : f32 to vector<4x128xf32>
      %select_n3A_368 = arith.select %and3A_365, %get3A_128, %broadcast_in_dim3A_367 : vector<4x128xi1>, vector<4x128xf32>
      %reduce_max3A_369 = vector.shape_cast %select_n3A_368 : vector<4x128xf32> to vector<1x4x128xf32>
      %reduce_max3A_370 = arith.constant dense<0xFF800000> : vector<1xf32>
      %reduce_max3A_371 = vector.multi_reduction <maximumf>, %reduce_max3A_369, %reduce_max3A_370 [1, 2] : vector<1x4x128xf32> to vector<1xf32>
      %reduce_max3A_372 = vector.shape_cast %reduce_max3A_371 : vector<1xf32> to vector<1x1x1xf32>
      %reduce_max3A_373 = vector.extract %reduce_max3A_372[0, 0, 0] : f32 from vector<1x1x1xf32>
      %eq3A_374 = vector.broadcast %reduce_max3A_373 : f32 to vector<4x128xf32>
      %eq3A_375 = arith.cmpf oeq, %select_n3A_368, %eq3A_374 : vector<4x128xf32>
      %jit3A_376 = arith.constant 1073741824 : i32
      %broadcast_in_dim3A_377 = vector.broadcast %jit3A_376 : i32 to vector<4x128xi32>
      %select_n3A_378 = arith.select %eq3A_375, %add3A_137, %broadcast_in_dim3A_377 : vector<4x128xi1>, vector<4x128xi32>
      %reduce_min3A_379 = vector.shape_cast %select_n3A_378 : vector<4x128xi32> to vector<1x4x128xi32>
      %reduce_min3A_380 = arith.constant dense<2147483647> : vector<1xi32>
      %reduce_min3A_381 = vector.multi_reduction <minsi>, %reduce_min3A_379, %reduce_min3A_380 [1, 2] : vector<1x4x128xi32> to vector<1xi32>
      %reduce_min3A_382 = vector.shape_cast %reduce_min3A_381 : vector<1xi32> to vector<1x1x1xi32>
      %reduce_min3A_383 = vector.extract %reduce_min3A_382[0, 0, 0] : i32 from vector<1x1x1xi32>
      %eq3A_384 = vector.broadcast %reduce_min3A_383 : i32 to vector<4x128xi32>
      %eq3A_385 = arith.cmpi eq, %add3A_137, %eq3A_384 : vector<4x128xi32>
      %jit3A_386 = arith.constant 0 : i32
      %broadcast_in_dim3A_387 = vector.broadcast %jit3A_386 : i32 to vector<4x128xi32>
      %select_n3A_388 = arith.select %eq3A_385, %get3A_131, %broadcast_in_dim3A_387 : vector<4x128xi1>, vector<4x128xi32>
      %reduce_sum3A_389 = vector.shape_cast %select_n3A_388 : vector<4x128xi32> to vector<1x4x128xi32>
      %reduce_sum3A_390 = arith.constant dense<0> : vector<1xi32>
      %reduce_sum3A_391 = vector.multi_reduction <add>, %reduce_sum3A_389, %reduce_sum3A_390 [1, 2] : vector<1x4x128xi32> to vector<1xi32>
      %reduce_sum3A_392 = vector.shape_cast %reduce_sum3A_391 : vector<1xi32> to vector<1x1x1xi32>
      %reduce_sum3A_393 = vector.extract %reduce_sum3A_392[0, 0, 0] : i32 from vector<1x1x1xi32>
      %swap3A_394 = arith.constant 7 : index
      %swap3A_395 = memref.load %arg11[%swap3A_394] : memref<16xi32, #tpu.memory_space<smem>>
      memref.store %reduce_sum3A_393, %arg11[%swap3A_394] : memref<16xi32, #tpu.memory_space<smem>>
      %not3A_396 = arith.constant dense<true> : vector<4x128xi1>
      %not3A_397 = arith.xori %eq3A_385, %not3A_396 : vector<4x128xi1>
      %and3A_398 = arith.andi %and3A_365, %not3A_397 : vector<4x128xi1>
      %jit3A_399 = arith.constant -3.000000e+00 : f32
      %broadcast_in_dim3A_400 = vector.broadcast %jit3A_399 : f32 to vector<4x128xf32>
      %select_n3A_401 = arith.select %and3A_398, %get3A_128, %broadcast_in_dim3A_400 : vector<4x128xi1>, vector<4x128xf32>
      %reduce_max3A_402 = vector.shape_cast %select_n3A_401 : vector<4x128xf32> to vector<1x4x128xf32>
      %reduce_max3A_403 = arith.constant dense<0xFF800000> : vector<1xf32>
      %reduce_max3A_404 = vector.multi_reduction <maximumf>, %reduce_max3A_402, %reduce_max3A_403 [1, 2] : vector<1x4x128xf32> to vector<1xf32>
      %reduce_max3A_405 = vector.shape_cast %reduce_max3A_404 : vector<1xf32> to vector<1x1x1xf32>
      %reduce_max3A_406 = vector.extract %reduce_max3A_405[0, 0, 0] : f32 from vector<1x1x1xf32>
      %eq3A_407 = vector.broadcast %reduce_max3A_406 : f32 to vector<4x128xf32>
      %eq3A_408 = arith.cmpf oeq, %select_n3A_401, %eq3A_407 : vector<4x128xf32>
      %jit3A_409 = arith.constant 1073741824 : i32
      %broadcast_in_dim3A_410 = vector.broadcast %jit3A_409 : i32 to vector<4x128xi32>
      %select_n3A_411 = arith.select %eq3A_408, %add3A_137, %broadcast_in_dim3A_410 : vector<4x128xi1>, vector<4x128xi32>
      %reduce_min3A_412 = vector.shape_cast %select_n3A_411 : vector<4x128xi32> to vector<1x4x128xi32>
      %reduce_min3A_413 = arith.constant dense<2147483647> : vector<1xi32>
      %reduce_min3A_414 = vector.multi_reduction <minsi>, %reduce_min3A_412, %reduce_min3A_413 [1, 2] : vector<1x4x128xi32> to vector<1xi32>
      %reduce_min3A_415 = vector.shape_cast %reduce_min3A_414 : vector<1xi32> to vector<1x1x1xi32>
      %reduce_min3A_416 = vector.extract %reduce_min3A_415[0, 0, 0] : i32 from vector<1x1x1xi32>
      %eq3A_417 = vector.broadcast %reduce_min3A_416 : i32 to vector<4x128xi32>
      %eq3A_418 = arith.cmpi eq, %add3A_137, %eq3A_417 : vector<4x128xi32>
      %jit3A_419 = arith.constant 0 : i32
      %broadcast_in_dim3A_420 = vector.broadcast %jit3A_419 : i32 to vector<4x128xi32>
      %select_n3A_421 = arith.select %eq3A_418, %get3A_131, %broadcast_in_dim3A_420 : vector<4x128xi1>, vector<4x128xi32>
      %reduce_sum3A_422 = vector.shape_cast %select_n3A_421 : vector<4x128xi32> to vector<1x4x128xi32>
      %reduce_sum3A_423 = arith.constant dense<0> : vector<1xi32>
      %reduce_sum3A_424 = vector.multi_reduction <add>, %reduce_sum3A_422, %reduce_sum3A_423 [1, 2] : vector<1x4x128xi32> to vector<1xi32>
      %reduce_sum3A_425 = vector.shape_cast %reduce_sum3A_424 : vector<1xi32> to vector<1x1x1xi32>
      %reduce_sum3A_426 = vector.extract %reduce_sum3A_425[0, 0, 0] : i32 from vector<1x1x1xi32>
      %swap3A_427 = arith.constant 8 : index
      %swap3A_428 = memref.load %arg11[%swap3A_427] : memref<16xi32, #tpu.memory_space<smem>>
      memref.store %reduce_sum3A_426, %arg11[%swap3A_427] : memref<16xi32, #tpu.memory_space<smem>>
      %not3A_429 = arith.constant dense<true> : vector<4x128xi1>
      %not3A_430 = arith.xori %eq3A_418, %not3A_429 : vector<4x128xi1>
      %and3A_431 = arith.andi %and3A_398, %not3A_430 : vector<4x128xi1>
      %jit3A_432 = arith.constant -3.000000e+00 : f32
      %broadcast_in_dim3A_433 = vector.broadcast %jit3A_432 : f32 to vector<4x128xf32>
      %select_n3A_434 = arith.select %and3A_431, %get3A_128, %broadcast_in_dim3A_433 : vector<4x128xi1>, vector<4x128xf32>
      %reduce_max3A_435 = vector.shape_cast %select_n3A_434 : vector<4x128xf32> to vector<1x4x128xf32>
      %reduce_max3A_436 = arith.constant dense<0xFF800000> : vector<1xf32>
      %reduce_max3A_437 = vector.multi_reduction <maximumf>, %reduce_max3A_435, %reduce_max3A_436 [1, 2] : vector<1x4x128xf32> to vector<1xf32>
      %reduce_max3A_438 = vector.shape_cast %reduce_max3A_437 : vector<1xf32> to vector<1x1x1xf32>
      %reduce_max3A_439 = vector.extract %reduce_max3A_438[0, 0, 0] : f32 from vector<1x1x1xf32>
      %eq3A_440 = vector.broadcast %reduce_max3A_439 : f32 to vector<4x128xf32>
      %eq3A_441 = arith.cmpf oeq, %select_n3A_434, %eq3A_440 : vector<4x128xf32>
      %jit3A_442 = arith.constant 1073741824 : i32
      %broadcast_in_dim3A_443 = vector.broadcast %jit3A_442 : i32 to vector<4x128xi32>
      %select_n3A_444 = arith.select %eq3A_441, %add3A_137, %broadcast_in_dim3A_443 : vector<4x128xi1>, vector<4x128xi32>
      %reduce_min3A_445 = vector.shape_cast %select_n3A_444 : vector<4x128xi32> to vector<1x4x128xi32>
      %reduce_min3A_446 = arith.constant dense<2147483647> : vector<1xi32>
      %reduce_min3A_447 = vector.multi_reduction <minsi>, %reduce_min3A_445, %reduce_min3A_446 [1, 2] : vector<1x4x128xi32> to vector<1xi32>
      %reduce_min3A_448 = vector.shape_cast %reduce_min3A_447 : vector<1xi32> to vector<1x1x1xi32>
      %reduce_min3A_449 = vector.extract %reduce_min3A_448[0, 0, 0] : i32 from vector<1x1x1xi32>
      %eq3A_450 = vector.broadcast %reduce_min3A_449 : i32 to vector<4x128xi32>
      %eq3A_451 = arith.cmpi eq, %add3A_137, %eq3A_450 : vector<4x128xi32>
      %jit3A_452 = arith.constant 0 : i32
      %broadcast_in_dim3A_453 = vector.broadcast %jit3A_452 : i32 to vector<4x128xi32>
      %select_n3A_454 = arith.select %eq3A_451, %get3A_131, %broadcast_in_dim3A_453 : vector<4x128xi1>, vector<4x128xi32>
      %reduce_sum3A_455 = vector.shape_cast %select_n3A_454 : vector<4x128xi32> to vector<1x4x128xi32>
      %reduce_sum3A_456 = arith.constant dense<0> : vector<1xi32>
      %reduce_sum3A_457 = vector.multi_reduction <add>, %reduce_sum3A_455, %reduce_sum3A_456 [1, 2] : vector<1x4x128xi32> to vector<1xi32>
      %reduce_sum3A_458 = vector.shape_cast %reduce_sum3A_457 : vector<1xi32> to vector<1x1x1xi32>
      %reduce_sum3A_459 = vector.extract %reduce_sum3A_458[0, 0, 0] : i32 from vector<1x1x1xi32>
      %swap3A_460 = arith.constant 9 : index
      %swap3A_461 = memref.load %arg11[%swap3A_460] : memref<16xi32, #tpu.memory_space<smem>>
      memref.store %reduce_sum3A_459, %arg11[%swap3A_460] : memref<16xi32, #tpu.memory_space<smem>>
      %not3A_462 = arith.constant dense<true> : vector<4x128xi1>
      %not3A_463 = arith.xori %eq3A_451, %not3A_462 : vector<4x128xi1>
      %and3A_464 = arith.andi %and3A_431, %not3A_463 : vector<4x128xi1>
      %jit3A_465 = arith.constant -3.000000e+00 : f32
      %broadcast_in_dim3A_466 = vector.broadcast %jit3A_465 : f32 to vector<4x128xf32>
      %select_n3A_467 = arith.select %and3A_464, %get3A_128, %broadcast_in_dim3A_466 : vector<4x128xi1>, vector<4x128xf32>
      %reduce_max3A_468 = vector.shape_cast %select_n3A_467 : vector<4x128xf32> to vector<1x4x128xf32>
      %reduce_max3A_469 = arith.constant dense<0xFF800000> : vector<1xf32>
      %reduce_max3A_470 = vector.multi_reduction <maximumf>, %reduce_max3A_468, %reduce_max3A_469 [1, 2] : vector<1x4x128xf32> to vector<1xf32>
      %reduce_max3A_471 = vector.shape_cast %reduce_max3A_470 : vector<1xf32> to vector<1x1x1xf32>
      %reduce_max3A_472 = vector.extract %reduce_max3A_471[0, 0, 0] : f32 from vector<1x1x1xf32>
      %eq3A_473 = vector.broadcast %reduce_max3A_472 : f32 to vector<4x128xf32>
      %eq3A_474 = arith.cmpf oeq, %select_n3A_467, %eq3A_473 : vector<4x128xf32>
      %jit3A_475 = arith.constant 1073741824 : i32
      %broadcast_in_dim3A_476 = vector.broadcast %jit3A_475 : i32 to vector<4x128xi32>
      %select_n3A_477 = arith.select %eq3A_474, %add3A_137, %broadcast_in_dim3A_476 : vector<4x128xi1>, vector<4x128xi32>
      %reduce_min3A_478 = vector.shape_cast %select_n3A_477 : vector<4x128xi32> to vector<1x4x128xi32>
      %reduce_min3A_479 = arith.constant dense<2147483647> : vector<1xi32>
      %reduce_min3A_480 = vector.multi_reduction <minsi>, %reduce_min3A_478, %reduce_min3A_479 [1, 2] : vector<1x4x128xi32> to vector<1xi32>
      %reduce_min3A_481 = vector.shape_cast %reduce_min3A_480 : vector<1xi32> to vector<1x1x1xi32>
      %reduce_min3A_482 = vector.extract %reduce_min3A_481[0, 0, 0] : i32 from vector<1x1x1xi32>
      %eq3A_483 = vector.broadcast %reduce_min3A_482 : i32 to vector<4x128xi32>
      %eq3A_484 = arith.cmpi eq, %add3A_137, %eq3A_483 : vector<4x128xi32>
      %jit3A_485 = arith.constant 0 : i32
      %broadcast_in_dim3A_486 = vector.broadcast %jit3A_485 : i32 to vector<4x128xi32>
      %select_n3A_487 = arith.select %eq3A_484, %get3A_131, %broadcast_in_dim3A_486 : vector<4x128xi1>, vector<4x128xi32>
      %reduce_sum3A_488 = vector.shape_cast %select_n3A_487 : vector<4x128xi32> to vector<1x4x128xi32>
      %reduce_sum3A_489 = arith.constant dense<0> : vector<1xi32>
      %reduce_sum3A_490 = vector.multi_reduction <add>, %reduce_sum3A_488, %reduce_sum3A_489 [1, 2] : vector<1x4x128xi32> to vector<1xi32>
      %reduce_sum3A_491 = vector.shape_cast %reduce_sum3A_490 : vector<1xi32> to vector<1x1x1xi32>
      %reduce_sum3A_492 = vector.extract %reduce_sum3A_491[0, 0, 0] : i32 from vector<1x1x1xi32>
      %swap3A_493 = arith.constant 10 : index
      %swap3A_494 = memref.load %arg11[%swap3A_493] : memref<16xi32, #tpu.memory_space<smem>>
      memref.store %reduce_sum3A_492, %arg11[%swap3A_493] : memref<16xi32, #tpu.memory_space<smem>>
      %not3A_495 = arith.constant dense<true> : vector<4x128xi1>
      %not3A_496 = arith.xori %eq3A_484, %not3A_495 : vector<4x128xi1>
      %and3A_497 = arith.andi %and3A_464, %not3A_496 : vector<4x128xi1>
      %jit3A_498 = arith.constant -3.000000e+00 : f32
      %broadcast_in_dim3A_499 = vector.broadcast %jit3A_498 : f32 to vector<4x128xf32>
      %select_n3A_500 = arith.select %and3A_497, %get3A_128, %broadcast_in_dim3A_499 : vector<4x128xi1>, vector<4x128xf32>
      %reduce_max3A_501 = vector.shape_cast %select_n3A_500 : vector<4x128xf32> to vector<1x4x128xf32>
      %reduce_max3A_502 = arith.constant dense<0xFF800000> : vector<1xf32>
      %reduce_max3A_503 = vector.multi_reduction <maximumf>, %reduce_max3A_501, %reduce_max3A_502 [1, 2] : vector<1x4x128xf32> to vector<1xf32>
      %reduce_max3A_504 = vector.shape_cast %reduce_max3A_503 : vector<1xf32> to vector<1x1x1xf32>
      %reduce_max3A_505 = vector.extract %reduce_max3A_504[0, 0, 0] : f32 from vector<1x1x1xf32>
      %eq3A_506 = vector.broadcast %reduce_max3A_505 : f32 to vector<4x128xf32>
      %eq3A_507 = arith.cmpf oeq, %select_n3A_500, %eq3A_506 : vector<4x128xf32>
      %jit3A_508 = arith.constant 1073741824 : i32
      %broadcast_in_dim3A_509 = vector.broadcast %jit3A_508 : i32 to vector<4x128xi32>
      %select_n3A_510 = arith.select %eq3A_507, %add3A_137, %broadcast_in_dim3A_509 : vector<4x128xi1>, vector<4x128xi32>
      %reduce_min3A_511 = vector.shape_cast %select_n3A_510 : vector<4x128xi32> to vector<1x4x128xi32>
      %reduce_min3A_512 = arith.constant dense<2147483647> : vector<1xi32>
      %reduce_min3A_513 = vector.multi_reduction <minsi>, %reduce_min3A_511, %reduce_min3A_512 [1, 2] : vector<1x4x128xi32> to vector<1xi32>
      %reduce_min3A_514 = vector.shape_cast %reduce_min3A_513 : vector<1xi32> to vector<1x1x1xi32>
      %reduce_min3A_515 = vector.extract %reduce_min3A_514[0, 0, 0] : i32 from vector<1x1x1xi32>
      %eq3A_516 = vector.broadcast %reduce_min3A_515 : i32 to vector<4x128xi32>
      %eq3A_517 = arith.cmpi eq, %add3A_137, %eq3A_516 : vector<4x128xi32>
      %jit3A_518 = arith.constant 0 : i32
      %broadcast_in_dim3A_519 = vector.broadcast %jit3A_518 : i32 to vector<4x128xi32>
      %select_n3A_520 = arith.select %eq3A_517, %get3A_131, %broadcast_in_dim3A_519 : vector<4x128xi1>, vector<4x128xi32>
      %reduce_sum3A_521 = vector.shape_cast %select_n3A_520 : vector<4x128xi32> to vector<1x4x128xi32>
      %reduce_sum3A_522 = arith.constant dense<0> : vector<1xi32>
      %reduce_sum3A_523 = vector.multi_reduction <add>, %reduce_sum3A_521, %reduce_sum3A_522 [1, 2] : vector<1x4x128xi32> to vector<1xi32>
      %reduce_sum3A_524 = vector.shape_cast %reduce_sum3A_523 : vector<1xi32> to vector<1x1x1xi32>
      %reduce_sum3A_525 = vector.extract %reduce_sum3A_524[0, 0, 0] : i32 from vector<1x1x1xi32>
      %swap3A_526 = arith.constant 11 : index
      %swap3A_527 = memref.load %arg11[%swap3A_526] : memref<16xi32, #tpu.memory_space<smem>>
      memref.store %reduce_sum3A_525, %arg11[%swap3A_526] : memref<16xi32, #tpu.memory_space<smem>>
      %not3A_528 = arith.constant dense<true> : vector<4x128xi1>
      %not3A_529 = arith.xori %eq3A_517, %not3A_528 : vector<4x128xi1>
      %and3A_530 = arith.andi %and3A_497, %not3A_529 : vector<4x128xi1>
      %jit3A_531 = arith.constant -3.000000e+00 : f32
      %broadcast_in_dim3A_532 = vector.broadcast %jit3A_531 : f32 to vector<4x128xf32>
      %select_n3A_533 = arith.select %and3A_530, %get3A_128, %broadcast_in_dim3A_532 : vector<4x128xi1>, vector<4x128xf32>
      %reduce_max3A_534 = vector.shape_cast %select_n3A_533 : vector<4x128xf32> to vector<1x4x128xf32>
      %reduce_max3A_535 = arith.constant dense<0xFF800000> : vector<1xf32>
      %reduce_max3A_536 = vector.multi_reduction <maximumf>, %reduce_max3A_534, %reduce_max3A_535 [1, 2] : vector<1x4x128xf32> to vector<1xf32>
      %reduce_max3A_537 = vector.shape_cast %reduce_max3A_536 : vector<1xf32> to vector<1x1x1xf32>
      %reduce_max3A_538 = vector.extract %reduce_max3A_537[0, 0, 0] : f32 from vector<1x1x1xf32>
      %eq3A_539 = vector.broadcast %reduce_max3A_538 : f32 to vector<4x128xf32>
      %eq3A_540 = arith.cmpf oeq, %select_n3A_533, %eq3A_539 : vector<4x128xf32>
      %jit3A_541 = arith.constant 1073741824 : i32
      %broadcast_in_dim3A_542 = vector.broadcast %jit3A_541 : i32 to vector<4x128xi32>
      %select_n3A_543 = arith.select %eq3A_540, %add3A_137, %broadcast_in_dim3A_542 : vector<4x128xi1>, vector<4x128xi32>
      %reduce_min3A_544 = vector.shape_cast %select_n3A_543 : vector<4x128xi32> to vector<1x4x128xi32>
      %reduce_min3A_545 = arith.constant dense<2147483647> : vector<1xi32>
      %reduce_min3A_546 = vector.multi_reduction <minsi>, %reduce_min3A_544, %reduce_min3A_545 [1, 2] : vector<1x4x128xi32> to vector<1xi32>
      %reduce_min3A_547 = vector.shape_cast %reduce_min3A_546 : vector<1xi32> to vector<1x1x1xi32>
      %reduce_min3A_548 = vector.extract %reduce_min3A_547[0, 0, 0] : i32 from vector<1x1x1xi32>
      %eq3A_549 = vector.broadcast %reduce_min3A_548 : i32 to vector<4x128xi32>
      %eq3A_550 = arith.cmpi eq, %add3A_137, %eq3A_549 : vector<4x128xi32>
      %jit3A_551 = arith.constant 0 : i32
      %broadcast_in_dim3A_552 = vector.broadcast %jit3A_551 : i32 to vector<4x128xi32>
      %select_n3A_553 = arith.select %eq3A_550, %get3A_131, %broadcast_in_dim3A_552 : vector<4x128xi1>, vector<4x128xi32>
      %reduce_sum3A_554 = vector.shape_cast %select_n3A_553 : vector<4x128xi32> to vector<1x4x128xi32>
      %reduce_sum3A_555 = arith.constant dense<0> : vector<1xi32>
      %reduce_sum3A_556 = vector.multi_reduction <add>, %reduce_sum3A_554, %reduce_sum3A_555 [1, 2] : vector<1x4x128xi32> to vector<1xi32>
      %reduce_sum3A_557 = vector.shape_cast %reduce_sum3A_556 : vector<1xi32> to vector<1x1x1xi32>
      %reduce_sum3A_558 = vector.extract %reduce_sum3A_557[0, 0, 0] : i32 from vector<1x1x1xi32>
      %swap3A_559 = arith.constant 12 : index
      %swap3A_560 = memref.load %arg11[%swap3A_559] : memref<16xi32, #tpu.memory_space<smem>>
      memref.store %reduce_sum3A_558, %arg11[%swap3A_559] : memref<16xi32, #tpu.memory_space<smem>>
      %not3A_561 = arith.constant dense<true> : vector<4x128xi1>
      %not3A_562 = arith.xori %eq3A_550, %not3A_561 : vector<4x128xi1>
      %and3A_563 = arith.andi %and3A_530, %not3A_562 : vector<4x128xi1>
      %jit3A_564 = arith.constant -3.000000e+00 : f32
      %broadcast_in_dim3A_565 = vector.broadcast %jit3A_564 : f32 to vector<4x128xf32>
      %select_n3A_566 = arith.select %and3A_563, %get3A_128, %broadcast_in_dim3A_565 : vector<4x128xi1>, vector<4x128xf32>
      %reduce_max3A_567 = vector.shape_cast %select_n3A_566 : vector<4x128xf32> to vector<1x4x128xf32>
      %reduce_max3A_568 = arith.constant dense<0xFF800000> : vector<1xf32>
      %reduce_max3A_569 = vector.multi_reduction <maximumf>, %reduce_max3A_567, %reduce_max3A_568 [1, 2] : vector<1x4x128xf32> to vector<1xf32>
      %reduce_max3A_570 = vector.shape_cast %reduce_max3A_569 : vector<1xf32> to vector<1x1x1xf32>
      %reduce_max3A_571 = vector.extract %reduce_max3A_570[0, 0, 0] : f32 from vector<1x1x1xf32>
      %eq3A_572 = vector.broadcast %reduce_max3A_571 : f32 to vector<4x128xf32>
      %eq3A_573 = arith.cmpf oeq, %select_n3A_566, %eq3A_572 : vector<4x128xf32>
      %jit3A_574 = arith.constant 1073741824 : i32
      %broadcast_in_dim3A_575 = vector.broadcast %jit3A_574 : i32 to vector<4x128xi32>
      %select_n3A_576 = arith.select %eq3A_573, %add3A_137, %broadcast_in_dim3A_575 : vector<4x128xi1>, vector<4x128xi32>
      %reduce_min3A_577 = vector.shape_cast %select_n3A_576 : vector<4x128xi32> to vector<1x4x128xi32>
      %reduce_min3A_578 = arith.constant dense<2147483647> : vector<1xi32>
      %reduce_min3A_579 = vector.multi_reduction <minsi>, %reduce_min3A_577, %reduce_min3A_578 [1, 2] : vector<1x4x128xi32> to vector<1xi32>
      %reduce_min3A_580 = vector.shape_cast %reduce_min3A_579 : vector<1xi32> to vector<1x1x1xi32>
      %reduce_min3A_581 = vector.extract %reduce_min3A_580[0, 0, 0] : i32 from vector<1x1x1xi32>
      %eq3A_582 = vector.broadcast %reduce_min3A_581 : i32 to vector<4x128xi32>
      %eq3A_583 = arith.cmpi eq, %add3A_137, %eq3A_582 : vector<4x128xi32>
      %jit3A_584 = arith.constant 0 : i32
      %broadcast_in_dim3A_585 = vector.broadcast %jit3A_584 : i32 to vector<4x128xi32>
      %select_n3A_586 = arith.select %eq3A_583, %get3A_131, %broadcast_in_dim3A_585 : vector<4x128xi1>, vector<4x128xi32>
      %reduce_sum3A_587 = vector.shape_cast %select_n3A_586 : vector<4x128xi32> to vector<1x4x128xi32>
      %reduce_sum3A_588 = arith.constant dense<0> : vector<1xi32>
      %reduce_sum3A_589 = vector.multi_reduction <add>, %reduce_sum3A_587, %reduce_sum3A_588 [1, 2] : vector<1x4x128xi32> to vector<1xi32>
      %reduce_sum3A_590 = vector.shape_cast %reduce_sum3A_589 : vector<1xi32> to vector<1x1x1xi32>
      %reduce_sum3A_591 = vector.extract %reduce_sum3A_590[0, 0, 0] : i32 from vector<1x1x1xi32>
      %swap3A_592 = arith.constant 13 : index
      %swap3A_593 = memref.load %arg11[%swap3A_592] : memref<16xi32, #tpu.memory_space<smem>>
      memref.store %reduce_sum3A_591, %arg11[%swap3A_592] : memref<16xi32, #tpu.memory_space<smem>>
      %not3A_594 = arith.constant dense<true> : vector<4x128xi1>
      %not3A_595 = arith.xori %eq3A_583, %not3A_594 : vector<4x128xi1>
      %and3A_596 = arith.andi %and3A_563, %not3A_595 : vector<4x128xi1>
      %jit3A_597 = arith.constant -3.000000e+00 : f32
      %broadcast_in_dim3A_598 = vector.broadcast %jit3A_597 : f32 to vector<4x128xf32>
      %select_n3A_599 = arith.select %and3A_596, %get3A_128, %broadcast_in_dim3A_598 : vector<4x128xi1>, vector<4x128xf32>
      %reduce_max3A_600 = vector.shape_cast %select_n3A_599 : vector<4x128xf32> to vector<1x4x128xf32>
      %reduce_max3A_601 = arith.constant dense<0xFF800000> : vector<1xf32>
      %reduce_max3A_602 = vector.multi_reduction <maximumf>, %reduce_max3A_600, %reduce_max3A_601 [1, 2] : vector<1x4x128xf32> to vector<1xf32>
      %reduce_max3A_603 = vector.shape_cast %reduce_max3A_602 : vector<1xf32> to vector<1x1x1xf32>
      %reduce_max3A_604 = vector.extract %reduce_max3A_603[0, 0, 0] : f32 from vector<1x1x1xf32>
      %eq3A_605 = vector.broadcast %reduce_max3A_604 : f32 to vector<4x128xf32>
      %eq3A_606 = arith.cmpf oeq, %select_n3A_599, %eq3A_605 : vector<4x128xf32>
      %jit3A_607 = arith.constant 1073741824 : i32
      %broadcast_in_dim3A_608 = vector.broadcast %jit3A_607 : i32 to vector<4x128xi32>
      %select_n3A_609 = arith.select %eq3A_606, %add3A_137, %broadcast_in_dim3A_608 : vector<4x128xi1>, vector<4x128xi32>
      %reduce_min3A_610 = vector.shape_cast %select_n3A_609 : vector<4x128xi32> to vector<1x4x128xi32>
      %reduce_min3A_611 = arith.constant dense<2147483647> : vector<1xi32>
      %reduce_min3A_612 = vector.multi_reduction <minsi>, %reduce_min3A_610, %reduce_min3A_611 [1, 2] : vector<1x4x128xi32> to vector<1xi32>
      %reduce_min3A_613 = vector.shape_cast %reduce_min3A_612 : vector<1xi32> to vector<1x1x1xi32>
      %reduce_min3A_614 = vector.extract %reduce_min3A_613[0, 0, 0] : i32 from vector<1x1x1xi32>
      %eq3A_615 = vector.broadcast %reduce_min3A_614 : i32 to vector<4x128xi32>
      %eq3A_616 = arith.cmpi eq, %add3A_137, %eq3A_615 : vector<4x128xi32>
      %jit3A_617 = arith.constant 0 : i32
      %broadcast_in_dim3A_618 = vector.broadcast %jit3A_617 : i32 to vector<4x128xi32>
      %select_n3A_619 = arith.select %eq3A_616, %get3A_131, %broadcast_in_dim3A_618 : vector<4x128xi1>, vector<4x128xi32>
      %reduce_sum3A_620 = vector.shape_cast %select_n3A_619 : vector<4x128xi32> to vector<1x4x128xi32>
      %reduce_sum3A_621 = arith.constant dense<0> : vector<1xi32>
      %reduce_sum3A_622 = vector.multi_reduction <add>, %reduce_sum3A_620, %reduce_sum3A_621 [1, 2] : vector<1x4x128xi32> to vector<1xi32>
      %reduce_sum3A_623 = vector.shape_cast %reduce_sum3A_622 : vector<1xi32> to vector<1x1x1xi32>
      %reduce_sum3A_624 = vector.extract %reduce_sum3A_623[0, 0, 0] : i32 from vector<1x1x1xi32>
      %swap3A_625 = arith.constant 14 : index
      %swap3A_626 = memref.load %arg11[%swap3A_625] : memref<16xi32, #tpu.memory_space<smem>>
      memref.store %reduce_sum3A_624, %arg11[%swap3A_625] : memref<16xi32, #tpu.memory_space<smem>>
      %not3A_627 = arith.constant dense<true> : vector<4x128xi1>
      %not3A_628 = arith.xori %eq3A_616, %not3A_627 : vector<4x128xi1>
      %and3A_629 = arith.andi %and3A_596, %not3A_628 : vector<4x128xi1>
      %jit3A_630 = arith.constant -3.000000e+00 : f32
      %broadcast_in_dim3A_631 = vector.broadcast %jit3A_630 : f32 to vector<4x128xf32>
      %select_n3A_632 = arith.select %and3A_629, %get3A_128, %broadcast_in_dim3A_631 : vector<4x128xi1>, vector<4x128xf32>
      %reduce_max3A_633 = vector.shape_cast %select_n3A_632 : vector<4x128xf32> to vector<1x4x128xf32>
      %reduce_max3A_634 = arith.constant dense<0xFF800000> : vector<1xf32>
      %reduce_max3A_635 = vector.multi_reduction <maximumf>, %reduce_max3A_633, %reduce_max3A_634 [1, 2] : vector<1x4x128xf32> to vector<1xf32>
      %reduce_max3A_636 = vector.shape_cast %reduce_max3A_635 : vector<1xf32> to vector<1x1x1xf32>
      %reduce_max3A_637 = vector.extract %reduce_max3A_636[0, 0, 0] : f32 from vector<1x1x1xf32>
      %eq3A_638 = vector.broadcast %reduce_max3A_637 : f32 to vector<4x128xf32>
      %eq3A_639 = arith.cmpf oeq, %select_n3A_632, %eq3A_638 : vector<4x128xf32>
      %jit3A_640 = arith.constant 1073741824 : i32
      %broadcast_in_dim3A_641 = vector.broadcast %jit3A_640 : i32 to vector<4x128xi32>
      %select_n3A_642 = arith.select %eq3A_639, %add3A_137, %broadcast_in_dim3A_641 : vector<4x128xi1>, vector<4x128xi32>
      %reduce_min3A_643 = vector.shape_cast %select_n3A_642 : vector<4x128xi32> to vector<1x4x128xi32>
      %reduce_min3A_644 = arith.constant dense<2147483647> : vector<1xi32>
      %reduce_min3A_645 = vector.multi_reduction <minsi>, %reduce_min3A_643, %reduce_min3A_644 [1, 2] : vector<1x4x128xi32> to vector<1xi32>
      %reduce_min3A_646 = vector.shape_cast %reduce_min3A_645 : vector<1xi32> to vector<1x1x1xi32>
      %reduce_min3A_647 = vector.extract %reduce_min3A_646[0, 0, 0] : i32 from vector<1x1x1xi32>
      %eq3A_648 = vector.broadcast %reduce_min3A_647 : i32 to vector<4x128xi32>
      %eq3A_649 = arith.cmpi eq, %add3A_137, %eq3A_648 : vector<4x128xi32>
      %jit3A_650 = arith.constant 0 : i32
      %broadcast_in_dim3A_651 = vector.broadcast %jit3A_650 : i32 to vector<4x128xi32>
      %select_n3A_652 = arith.select %eq3A_649, %get3A_131, %broadcast_in_dim3A_651 : vector<4x128xi1>, vector<4x128xi32>
      %reduce_sum3A_653 = vector.shape_cast %select_n3A_652 : vector<4x128xi32> to vector<1x4x128xi32>
      %reduce_sum3A_654 = arith.constant dense<0> : vector<1xi32>
      %reduce_sum3A_655 = vector.multi_reduction <add>, %reduce_sum3A_653, %reduce_sum3A_654 [1, 2] : vector<1x4x128xi32> to vector<1xi32>
      %reduce_sum3A_656 = vector.shape_cast %reduce_sum3A_655 : vector<1xi32> to vector<1x1x1xi32>
      %reduce_sum3A_657 = vector.extract %reduce_sum3A_656[0, 0, 0] : i32 from vector<1x1x1xi32>
      %swap3A_658 = arith.constant 15 : index
      %swap3A_659 = memref.load %arg11[%swap3A_658] : memref<16xi32, #tpu.memory_space<smem>>
      memref.store %reduce_sum3A_657, %arg11[%swap3A_658] : memref<16xi32, #tpu.memory_space<smem>>
      %get3A_660 = arith.constant 0 : index
      %get3A_661 = memref.load %arg11[%get3A_660] : memref<16xi32, #tpu.memory_space<smem>>
      %broadcast_in_dim3A_662 = vector.broadcast %get3A_661 : i32 to vector<1x1xi32>
      %get3A_663 = arith.constant 1 : index
      %get3A_664 = memref.load %arg11[%get3A_663] : memref<16xi32, #tpu.memory_space<smem>>
      %broadcast_in_dim3A_665 = vector.broadcast %get3A_664 : i32 to vector<1x1xi32>
      %get3A_666 = arith.constant 2 : index
      %get3A_667 = memref.load %arg11[%get3A_666] : memref<16xi32, #tpu.memory_space<smem>>
      %broadcast_in_dim3A_668 = vector.broadcast %get3A_667 : i32 to vector<1x1xi32>
      %get3A_669 = arith.constant 3 : index
      %get3A_670 = memref.load %arg11[%get3A_669] : memref<16xi32, #tpu.memory_space<smem>>
      %broadcast_in_dim3A_671 = vector.broadcast %get3A_670 : i32 to vector<1x1xi32>
      %get3A_672 = arith.constant 4 : index
      %get3A_673 = memref.load %arg11[%get3A_672] : memref<16xi32, #tpu.memory_space<smem>>
      %broadcast_in_dim3A_674 = vector.broadcast %get3A_673 : i32 to vector<1x1xi32>
      %get3A_675 = arith.constant 5 : index
      %get3A_676 = memref.load %arg11[%get3A_675] : memref<16xi32, #tpu.memory_space<smem>>
      %broadcast_in_dim3A_677 = vector.broadcast %get3A_676 : i32 to vector<1x1xi32>
      %get3A_678 = arith.constant 6 : index
      %get3A_679 = memref.load %arg11[%get3A_678] : memref<16xi32, #tpu.memory_space<smem>>
      %broadcast_in_dim3A_680 = vector.broadcast %get3A_679 : i32 to vector<1x1xi32>
      %get3A_681 = arith.constant 7 : index
      %get3A_682 = memref.load %arg11[%get3A_681] : memref<16xi32, #tpu.memory_space<smem>>
      %broadcast_in_dim3A_683 = vector.broadcast %get3A_682 : i32 to vector<1x1xi32>
      %get3A_684 = arith.constant 8 : index
      %get3A_685 = memref.load %arg11[%get3A_684] : memref<16xi32, #tpu.memory_space<smem>>
      %broadcast_in_dim3A_686 = vector.broadcast %get3A_685 : i32 to vector<1x1xi32>
      %get3A_687 = arith.constant 9 : index
      %get3A_688 = memref.load %arg11[%get3A_687] : memref<16xi32, #tpu.memory_space<smem>>
      %broadcast_in_dim3A_689 = vector.broadcast %get3A_688 : i32 to vector<1x1xi32>
      %get3A_690 = arith.constant 10 : index
      %get3A_691 = memref.load %arg11[%get3A_690] : memref<16xi32, #tpu.memory_space<smem>>
      %broadcast_in_dim3A_692 = vector.broadcast %get3A_691 : i32 to vector<1x1xi32>
      %get3A_693 = arith.constant 11 : index
      %get3A_694 = memref.load %arg11[%get3A_693] : memref<16xi32, #tpu.memory_space<smem>>
      %broadcast_in_dim3A_695 = vector.broadcast %get3A_694 : i32 to vector<1x1xi32>
      %get3A_696 = arith.constant 12 : index
      %get3A_697 = memref.load %arg11[%get3A_696] : memref<16xi32, #tpu.memory_space<smem>>
      %broadcast_in_dim3A_698 = vector.broadcast %get3A_697 : i32 to vector<1x1xi32>
      %get3A_699 = arith.constant 13 : index
      %get3A_700 = memref.load %arg11[%get3A_699] : memref<16xi32, #tpu.memory_space<smem>>
      %broadcast_in_dim3A_701 = vector.broadcast %get3A_700 : i32 to vector<1x1xi32>
      %get3A_702 = arith.constant 14 : index
      %get3A_703 = memref.load %arg11[%get3A_702] : memref<16xi32, #tpu.memory_space<smem>>
      %broadcast_in_dim3A_704 = vector.broadcast %get3A_703 : i32 to vector<1x1xi32>
      %get3A_705 = arith.constant 15 : index
      %get3A_706 = memref.load %arg11[%get3A_705] : memref<16xi32, #tpu.memory_space<smem>>
      %broadcast_in_dim3A_707 = vector.broadcast %get3A_706 : i32 to vector<1x1xi32>
      %concatenate3A_708 = tpu.concatenate %broadcast_in_dim3A_662, %broadcast_in_dim3A_665, %broadcast_in_dim3A_668, %broadcast_in_dim3A_671, %broadcast_in_dim3A_674, %broadcast_in_dim3A_677, %broadcast_in_dim3A_680, %broadcast_in_dim3A_683, %broadcast_in_dim3A_686, %broadcast_in_dim3A_689, %broadcast_in_dim3A_692, %broadcast_in_dim3A_695, %broadcast_in_dim3A_698, %broadcast_in_dim3A_701, %broadcast_in_dim3A_704, %broadcast_in_dim3A_707 in 1 : vector<1x1xi32>, vector<1x1xi32>, vector<1x1xi32>, vector<1x1xi32>, vector<1x1xi32>, vector<1x1xi32>, vector<1x1xi32>, vector<1x1xi32>, vector<1x1xi32>, vector<1x1xi32>, vector<1x1xi32>, vector<1x1xi32>, vector<1x1xi32>, vector<1x1xi32>, vector<1x1xi32>, vector<1x1xi32> -> vector<1x16xi32>
      %iota3A_709 = tpu.iota {dimensions = array<i32: 0>} : vector<1024x1xi32>
      %mul3A_710 = vector.broadcast %concatenate3A_708 : vector<1x16xi32> to vector<1024x16xi32>
      %mul3A_711 = vector.broadcast %iota3A_709 : vector<1024x1xi32> to vector<1024x16xi32>
      %mul3A_712 = arith.muli %mul3A_710, %mul3A_711 : vector<1024x16xi32>
      %and3A_713 = arith.constant 8388607 : i32
      %and3A_714 = vector.broadcast %and3A_713 : i32 to vector<1024x16xi32>
      %and3A_715 = arith.andi %mul3A_712, %and3A_714 : vector<1024x16xi32>
      %convert_element_type3A_716 = arith.sitofp %and3A_715 : vector<1024x16xi32> to vector<1024x16xf32>
      %mul3A_717 = arith.constant 7.49014077E-7 : f32
      %mul3A_718 = vector.broadcast %mul3A_717 : f32 to vector<1024x16xf32>
      %mul3A_719 = arith.mulf %convert_element_type3A_716, %mul3A_718 : vector<1024x16xf32>
      %cos3A_720 = math.cos %mul3A_719 : vector<1024x16xf32>
      %swap3A_721 = arith.constant 0 : index
      %swap3A_722 = arith.constant 0 : index
      %swap3A_723 = vector.load %arg7[%swap3A_721, %swap3A_722] : memref<1024x16xf32, #tpu.memory_space<vmem>>, vector<1024x16xf32>
      tpu.vector_store %arg7[%swap3A_721, %swap3A_722], %cos3A_720 {strides = array<i32>} : memref<1024x16xf32, #tpu.memory_space<vmem>>, vector<1024x16xf32>,
      %sin3A_724 = math.sin %mul3A_719 : vector<1024x16xf32>
      %swap3A_725 = arith.constant 0 : index
      %swap3A_726 = arith.constant 0 : index
      %swap3A_727 = vector.load %arg8[%swap3A_725, %swap3A_726] : memref<1024x16xf32, #tpu.memory_space<vmem>>, vector<1024x16xf32>
      tpu.vector_store %arg8[%swap3A_725, %swap3A_726], %sin3A_724 {strides = array<i32>} : memref<1024x16xf32, #tpu.memory_space<vmem>>, vector<1024x16xf32>,
      %broadcast_in_dim3A_728 = arith.constant 0.000000e+00 : f32
      %broadcast_in_dim3A_729 = vector.broadcast %broadcast_in_dim3A_728 : f32 to vector<1x16xf32>
      %swap3A_730 = arith.constant 0 : index
      %swap3A_731 = arith.constant 0 : index
      %swap3A_732 = vector.load %arg9[%swap3A_730, %swap3A_731] : memref<1x16xf32, #tpu.memory_space<vmem>>, vector<1x16xf32>
      tpu.vector_store %arg9[%swap3A_730, %swap3A_731], %broadcast_in_dim3A_729 {strides = array<i32>} : memref<1x16xf32, #tpu.memory_space<vmem>>, vector<1x16xf32>,
      %broadcast_in_dim3A_733 = arith.constant 0.000000e+00 : f32
      %broadcast_in_dim3A_734 = vector.broadcast %broadcast_in_dim3A_733 : f32 to vector<1x16xf32>
      %swap3A_735 = arith.constant 0 : index
      %swap3A_736 = arith.constant 0 : index
      %swap3A_737 = vector.load %arg10[%swap3A_735, %swap3A_736] : memref<1x16xf32, #tpu.memory_space<vmem>>, vector<1x16xf32>
      tpu.vector_store %arg10[%swap3A_735, %swap3A_736], %broadcast_in_dim3A_734 {strides = array<i32>} : memref<1x16xf32, #tpu.memory_space<vmem>>, vector<1x16xf32>,
    } else {
    }
    %get3A = arith.constant 0 : index
    %get3A_2 = memref.load %arg11[%get3A] : memref<16xi32, #tpu.memory_space<smem>>
    %broadcast_in_dim3A = vector.broadcast %get3A_2 : i32 to vector<1x1xi32>
    %get3A_3 = arith.constant 1 : index
    %get3A_4 = memref.load %arg11[%get3A_3] : memref<16xi32, #tpu.memory_space<smem>>
    %broadcast_in_dim3A_5 = vector.broadcast %get3A_4 : i32 to vector<1x1xi32>
    %get3A_6 = arith.constant 2 : index
    %get3A_7 = memref.load %arg11[%get3A_6] : memref<16xi32, #tpu.memory_space<smem>>
    %broadcast_in_dim3A_8 = vector.broadcast %get3A_7 : i32 to vector<1x1xi32>
    %get3A_9 = arith.constant 3 : index
    %get3A_10 = memref.load %arg11[%get3A_9] : memref<16xi32, #tpu.memory_space<smem>>
    %broadcast_in_dim3A_11 = vector.broadcast %get3A_10 : i32 to vector<1x1xi32>
    %get3A_12 = arith.constant 4 : index
    %get3A_13 = memref.load %arg11[%get3A_12] : memref<16xi32, #tpu.memory_space<smem>>
    %broadcast_in_dim3A_14 = vector.broadcast %get3A_13 : i32 to vector<1x1xi32>
    %get3A_15 = arith.constant 5 : index
    %get3A_16 = memref.load %arg11[%get3A_15] : memref<16xi32, #tpu.memory_space<smem>>
    %broadcast_in_dim3A_17 = vector.broadcast %get3A_16 : i32 to vector<1x1xi32>
    %get3A_18 = arith.constant 6 : index
    %get3A_19 = memref.load %arg11[%get3A_18] : memref<16xi32, #tpu.memory_space<smem>>
    %broadcast_in_dim3A_20 = vector.broadcast %get3A_19 : i32 to vector<1x1xi32>
    %get3A_21 = arith.constant 7 : index
    %get3A_22 = memref.load %arg11[%get3A_21] : memref<16xi32, #tpu.memory_space<smem>>
    %broadcast_in_dim3A_23 = vector.broadcast %get3A_22 : i32 to vector<1x1xi32>
    %get3A_24 = arith.constant 8 : index
    %get3A_25 = memref.load %arg11[%get3A_24] : memref<16xi32, #tpu.memory_space<smem>>
    %broadcast_in_dim3A_26 = vector.broadcast %get3A_25 : i32 to vector<1x1xi32>
    %get3A_27 = arith.constant 9 : index
    %get3A_28 = memref.load %arg11[%get3A_27] : memref<16xi32, #tpu.memory_space<smem>>
    %broadcast_in_dim3A_29 = vector.broadcast %get3A_28 : i32 to vector<1x1xi32>
    %get3A_30 = arith.constant 10 : index
    %get3A_31 = memref.load %arg11[%get3A_30] : memref<16xi32, #tpu.memory_space<smem>>
    %broadcast_in_dim3A_32 = vector.broadcast %get3A_31 : i32 to vector<1x1xi32>
    %get3A_33 = arith.constant 11 : index
    %get3A_34 = memref.load %arg11[%get3A_33] : memref<16xi32, #tpu.memory_space<smem>>
    %broadcast_in_dim3A_35 = vector.broadcast %get3A_34 : i32 to vector<1x1xi32>
    %get3A_36 = arith.constant 12 : index
    %get3A_37 = memref.load %arg11[%get3A_36] : memref<16xi32, #tpu.memory_space<smem>>
    %broadcast_in_dim3A_38 = vector.broadcast %get3A_37 : i32 to vector<1x1xi32>
    %get3A_39 = arith.constant 13 : index
    %get3A_40 = memref.load %arg11[%get3A_39] : memref<16xi32, #tpu.memory_space<smem>>
    %broadcast_in_dim3A_41 = vector.broadcast %get3A_40 : i32 to vector<1x1xi32>
    %get3A_42 = arith.constant 14 : index
    %get3A_43 = memref.load %arg11[%get3A_42] : memref<16xi32, #tpu.memory_space<smem>>
    %broadcast_in_dim3A_44 = vector.broadcast %get3A_43 : i32 to vector<1x1xi32>
    %get3A_45 = arith.constant 15 : index
    %get3A_46 = memref.load %arg11[%get3A_45] : memref<16xi32, #tpu.memory_space<smem>>
    %broadcast_in_dim3A_47 = vector.broadcast %get3A_46 : i32 to vector<1x1xi32>
    %concatenate3A = tpu.concatenate %broadcast_in_dim3A, %broadcast_in_dim3A_5, %broadcast_in_dim3A_8, %broadcast_in_dim3A_11, %broadcast_in_dim3A_14, %broadcast_in_dim3A_17, %broadcast_in_dim3A_20, %broadcast_in_dim3A_23, %broadcast_in_dim3A_26, %broadcast_in_dim3A_29, %broadcast_in_dim3A_32, %broadcast_in_dim3A_35, %broadcast_in_dim3A_38, %broadcast_in_dim3A_41, %broadcast_in_dim3A_44, %broadcast_in_dim3A_47 in 1 : vector<1x1xi32>, vector<1x1xi32>, vector<1x1xi32>, vector<1x1xi32>, vector<1x1xi32>, vector<1x1xi32>, vector<1x1xi32>, vector<1x1xi32>, vector<1x1xi32>, vector<1x1xi32>, vector<1x1xi32>, vector<1x1xi32>, vector<1x1xi32>, vector<1x1xi32>, vector<1x1xi32>, vector<1x1xi32> -> vector<1x16xi32>
    %get3A_48 = arith.constant 0 : index
    %get3A_49 = arith.constant 0 : index
    %get3A_50 = vector.load %arg3[%get3A_48, %get3A_49] : memref<256x1024xf32, #tpu.memory_space<vmem>>, vector<256x1024xf32>
    %convert_element_type3A_51 = arith.truncf %get3A_50 : vector<256x1024xf32> to vector<256x1024xbf16>
    %convert_element_type3A_52 = arith.extf %convert_element_type3A_51 : vector<256x1024xbf16> to vector<256x1024xf32>
    %sub3A = arith.subf %get3A_50, %convert_element_type3A_52 : vector<256x1024xf32>
    %convert_element_type3A_53 = arith.truncf %sub3A : vector<256x1024xf32> to vector<256x1024xbf16>
    %get3A_54 = arith.constant 0 : index
    %get3A_55 = arith.constant 0 : index
    %get3A_56 = vector.load %arg7[%get3A_54, %get3A_55] : memref<1024x16xf32, #tpu.memory_space<vmem>>, vector<1024x16xf32>
    %convert_element_type3A_57 = arith.truncf %get3A_56 : vector<1024x16xf32> to vector<1024x16xbf16>
    %convert_element_type3A_58 = arith.extf %convert_element_type3A_57 : vector<1024x16xbf16> to vector<1024x16xf32>
    %sub3A_59 = arith.subf %get3A_56, %convert_element_type3A_58 : vector<1024x16xf32>
    %convert_element_type3A_60 = arith.truncf %sub3A_59 : vector<1024x16xf32> to vector<1024x16xbf16>
    %dot_general3A = arith.constant dense<0.000000e+00> : vector<256x16xf32>
    %dot_general3A_61 = tpu.matmul %convert_element_type3A_51, %convert_element_type3A_57, %dot_general3A {dimension_numbers = #tpu.dot_dimension_numbers<[1], [0], [0], [1], [0, 0, 1, 1], [], []>, transpose_lhs_hint = false} : vector<256x1024xbf16>, vector<1024x16xbf16>, vector<256x16xf32> -> vector<256x16xf32>
    %dot_general3A_62 = arith.constant dense<0.000000e+00> : vector<256x16xf32>
    %dot_general3A_63 = tpu.matmul %convert_element_type3A_51, %convert_element_type3A_60, %dot_general3A_62 {dimension_numbers = #tpu.dot_dimension_numbers<[1], [0], [0], [1], [0, 0, 1, 1], [], []>, transpose_lhs_hint = false} : vector<256x1024xbf16>, vector<1024x16xbf16>, vector<256x16xf32> -> vector<256x16xf32>
    %add3A = arith.addf %dot_general3A_61, %dot_general3A_63 : vector<256x16xf32>
    %dot_general3A_64 = arith.constant dense<0.000000e+00> : vector<256x16xf32>
    %dot_general3A_65 = tpu.matmul %convert_element_type3A_53, %convert_element_type3A_57, %dot_general3A_64 {dimension_numbers = #tpu.dot_dimension_numbers<[1], [0], [0], [1], [0, 0, 1, 1], [], []>, transpose_lhs_hint = false} : vector<256x1024xbf16>, vector<1024x16xbf16>, vector<256x16xf32> -> vector<256x16xf32>
    %add3A_66 = arith.addf %add3A, %dot_general3A_65 : vector<256x16xf32>
    %get3A_67 = arith.constant 0 : index
    %get3A_68 = arith.constant 0 : index
    %get3A_69 = vector.load %arg8[%get3A_67, %get3A_68] : memref<1024x16xf32, #tpu.memory_space<vmem>>, vector<1024x16xf32>
    %convert_element_type3A_70 = arith.truncf %get3A_69 : vector<1024x16xf32> to vector<1024x16xbf16>
    %convert_element_type3A_71 = arith.extf %convert_element_type3A_70 : vector<1024x16xbf16> to vector<1024x16xf32>
    %sub3A_72 = arith.subf %get3A_69, %convert_element_type3A_71 : vector<1024x16xf32>
    %convert_element_type3A_73 = arith.truncf %sub3A_72 : vector<1024x16xf32> to vector<1024x16xbf16>
    %dot_general3A_74 = arith.constant dense<0.000000e+00> : vector<256x16xf32>
    %dot_general3A_75 = tpu.matmul %convert_element_type3A_51, %convert_element_type3A_70, %dot_general3A_74 {dimension_numbers = #tpu.dot_dimension_numbers<[1], [0], [0], [1], [0, 0, 1, 1], [], []>, transpose_lhs_hint = false} : vector<256x1024xbf16>, vector<1024x16xbf16>, vector<256x16xf32> -> vector<256x16xf32>
    %dot_general3A_76 = arith.constant dense<0.000000e+00> : vector<256x16xf32>
    %dot_general3A_77 = tpu.matmul %convert_element_type3A_51, %convert_element_type3A_73, %dot_general3A_76 {dimension_numbers = #tpu.dot_dimension_numbers<[1], [0], [0], [1], [0, 0, 1, 1], [], []>, transpose_lhs_hint = false} : vector<256x1024xbf16>, vector<1024x16xbf16>, vector<256x16xf32> -> vector<256x16xf32>
    %add3A_78 = arith.addf %dot_general3A_75, %dot_general3A_77 : vector<256x16xf32>
    %dot_general3A_79 = arith.constant dense<0.000000e+00> : vector<256x16xf32>
    %dot_general3A_80 = tpu.matmul %convert_element_type3A_53, %convert_element_type3A_70, %dot_general3A_79 {dimension_numbers = #tpu.dot_dimension_numbers<[1], [0], [0], [1], [0, 0, 1, 1], [], []>, transpose_lhs_hint = false} : vector<256x1024xbf16>, vector<1024x16xbf16>, vector<256x16xf32> -> vector<256x16xf32>
    %add3A_81 = arith.addf %add3A_78, %dot_general3A_80 : vector<256x16xf32>
    %mul3A = arith.constant 256 : i32
    %mul3A_82 = arith.muli %arg0, %mul3A : i32
    %iota3A = tpu.iota {dimensions = array<i32: 0>} : vector<256x1xi32>
    %add3A_83 = vector.broadcast %mul3A_82 : i32 to vector<256x1xi32>
    %add3A_84 = arith.addi %add3A_83, %iota3A : vector<256x1xi32>
    %mul3A_85 = arith.constant 1024 : i32
    %mul3A_86 = vector.broadcast %mul3A_85 : i32 to vector<256x1xi32>
    %mul3A_87 = arith.muli %add3A_84, %mul3A_86 : vector<256x1xi32>
    %mul3A_88 = vector.broadcast %concatenate3A : vector<1x16xi32> to vector<256x16xi32>
    %mul3A_89 = vector.broadcast %mul3A_87 : vector<256x1xi32> to vector<256x16xi32>
    %mul3A_90 = arith.muli %mul3A_88, %mul3A_89 : vector<256x16xi32>
    %and3A = arith.constant 8388607 : i32
    %and3A_91 = vector.broadcast %and3A : i32 to vector<256x16xi32>
    %and3A_92 = arith.andi %mul3A_90, %and3A_91 : vector<256x16xi32>
    %convert_element_type3A_93 = arith.sitofp %and3A_92 : vector<256x16xi32> to vector<256x16xf32>
    %mul3A_94 = arith.constant 7.49014077E-7 : f32
    %mul3A_95 = vector.broadcast %mul3A_94 : f32 to vector<256x16xf32>
    %mul3A_96 = arith.mulf %convert_element_type3A_93, %mul3A_95 : vector<256x16xf32>
    %cos3A = math.cos %mul3A_96 : vector<256x16xf32>
    %sin3A = math.sin %mul3A_96 : vector<256x16xf32>
    %get3A_97 = arith.constant 0 : index
    %get3A_98 = arith.constant 0 : index
    %get3A_99 = vector.load %arg9[%get3A_97, %get3A_98] : memref<1x16xf32, #tpu.memory_space<vmem>>, vector<1x16xf32>
    %mul3A_100 = arith.mulf %cos3A, %add3A_66 : vector<256x16xf32>
    %mul3A_101 = arith.mulf %sin3A, %add3A_81 : vector<256x16xf32>
    %sub3A_102 = arith.subf %mul3A_100, %mul3A_101 : vector<256x16xf32>
    %reduce_sum3A = arith.constant dense<0.000000e+00> : vector<16xf32>
    %reduce_sum3A_103 = vector.multi_reduction <add>, %sub3A_102, %reduce_sum3A [0] : vector<256x16xf32> to vector<16xf32>
    %broadcast_in_dim3A_104 = vector.shape_cast %reduce_sum3A_103 : vector<16xf32> to vector<1x16xf32>
    %add3A_105 = arith.addf %get3A_99, %broadcast_in_dim3A_104 : vector<1x16xf32>
    %swap3A = arith.constant 0 : index
    %swap3A_106 = arith.constant 0 : index
    %swap3A_107 = vector.load %arg9[%swap3A, %swap3A_106] : memref<1x16xf32, #tpu.memory_space<vmem>>, vector<1x16xf32>
    tpu.vector_store %arg9[%swap3A, %swap3A_106], %add3A_105 {strides = array<i32>} : memref<1x16xf32, #tpu.memory_space<vmem>>, vector<1x16xf32>,
    %get3A_108 = arith.constant 0 : index
    %get3A_109 = arith.constant 0 : index
    %get3A_110 = vector.load %arg10[%get3A_108, %get3A_109] : memref<1x16xf32, #tpu.memory_space<vmem>>, vector<1x16xf32>
    %mul3A_111 = arith.mulf %sin3A, %add3A_66 : vector<256x16xf32>
    %mul3A_112 = arith.mulf %cos3A, %add3A_81 : vector<256x16xf32>
    %add3A_113 = arith.addf %mul3A_111, %mul3A_112 : vector<256x16xf32>
    %reduce_sum3A_114 = arith.constant dense<0.000000e+00> : vector<16xf32>
    %reduce_sum3A_115 = vector.multi_reduction <add>, %add3A_113, %reduce_sum3A_114 [0] : vector<256x16xf32> to vector<16xf32>
    %broadcast_in_dim3A_116 = vector.shape_cast %reduce_sum3A_115 : vector<16xf32> to vector<1x16xf32>
    %sub3A_117 = arith.subf %get3A_110, %broadcast_in_dim3A_116 : vector<1x16xf32>
    %swap3A_118 = arith.constant 0 : index
    %swap3A_119 = arith.constant 0 : index
    %swap3A_120 = vector.load %arg10[%swap3A_118, %swap3A_119] : memref<1x16xf32, #tpu.memory_space<vmem>>, vector<1x16xf32>
    tpu.vector_store %arg10[%swap3A_118, %swap3A_119], %sub3A_117 {strides = array<i32>} : memref<1x16xf32, #tpu.memory_space<vmem>>, vector<1x16xf32>,
    %eq3A_121 = arith.constant 31 : i32
    %eq3A_122 = arith.cmpi eq, %arg0, %eq3A_121 : i32
    %convert_element_type3A_123 = arith.extui %eq3A_122 : i1 to i32
    %cond3A_124 = arith.constant 0 : i32
    %cond3A_125 = arith.cmpi ne, %convert_element_type3A_123, %cond3A_124 : i32
    scf.if %cond3A_125 {
      %get3A_126 = arith.constant 0 : index
      %get3A_127 = arith.constant 0 : index
      %get3A_128 = vector.load %arg9[%get3A_126, %get3A_127] : memref<1x16xf32, #tpu.memory_space<vmem>>, vector<1x16xf32>
      %swap3A_129 = arith.constant 0 : index
      %swap3A_130 = arith.constant 0 : index
      %swap3A_131 = vector.load %arg4[%swap3A_129, %swap3A_130] : memref<1x16xf32, #tpu.memory_space<vmem>>, vector<1x16xf32>
      tpu.vector_store %arg4[%swap3A_129, %swap3A_130], %get3A_128 {strides = array<i32>} : memref<1x16xf32, #tpu.memory_space<vmem>>, vector<1x16xf32>,
      %get3A_132 = arith.constant 0 : index
      %get3A_133 = arith.constant 0 : index
      %get3A_134 = vector.load %arg10[%get3A_132, %get3A_133] : memref<1x16xf32, #tpu.memory_space<vmem>>, vector<1x16xf32>
      %swap3A_135 = arith.constant 0 : index
      %swap3A_136 = arith.constant 0 : index
      %swap3A_137 = vector.load %arg5[%swap3A_135, %swap3A_136] : memref<1x16xf32, #tpu.memory_space<vmem>>, vector<1x16xf32>
      tpu.vector_store %arg5[%swap3A_135, %swap3A_136], %get3A_134 {strides = array<i32>} : memref<1x16xf32, #tpu.memory_space<vmem>>, vector<1x16xf32>,
      %swap3A_138 = arith.constant 0 : index
      %swap3A_139 = arith.constant 0 : index
      %swap3A_140 = vector.load %arg6[%swap3A_138, %swap3A_139] : memref<1x16xi32, #tpu.memory_space<vmem>>, vector<1x16xi32>
      tpu.vector_store %arg6[%swap3A_138, %swap3A_139], %concatenate3A {strides = array<i32>} : memref<1x16xi32, #tpu.memory_space<vmem>>, vector<1x16xi32>,
    } else {
    }
    return
  }
  func.func @transform_0(%arg0: i32) -> (i32, i32) {
    %c0_i32 = arith.constant 0 : i32
    %c0_i32_0 = arith.constant 0 : i32
    %c0_i32_1 = arith.constant 0 : i32
    return %c0_i32, %c0_i32_0 : i32, i32
  }
  func.func @transform_1(%arg0: i32) -> (i32, i32) {
    %c0_i32 = arith.constant 0 : i32
    %c0_i32_0 = arith.constant 0 : i32
    %c0_i32_1 = arith.constant 0 : i32
    return %c0_i32, %c0_i32_0 : i32, i32
  }
  func.func @transform_2(%arg0: i32) -> (i32, i32) {
    %c0_i32 = arith.constant 0 : i32
    %c0_i32_0 = arith.constant 0 : i32
    return %arg0, %c0_i32 : i32, i32
  }
  func.func @transform_3(%arg0: i32) -> (i32, i32) {
    %c0_i32 = arith.constant 0 : i32
    %c0_i32_0 = arith.constant 0 : i32
    %c0_i32_1 = arith.constant 0 : i32
    return %c0_i32, %c0_i32_0 : i32, i32
  }
  func.func @transform_4(%arg0: i32) -> (i32, i32) {
    %c0_i32 = arith.constant 0 : i32
    %c0_i32_0 = arith.constant 0 : i32
    %c0_i32_1 = arith.constant 0 : i32
    return %c0_i32, %c0_i32_0 : i32, i32
  }
  func.func @transform_5(%arg0: i32) -> (i32, i32) {
    %c0_i32 = arith.constant 0 : i32
    %c0_i32_0 = arith.constant 0 : i32
    %c0_i32_1 = arith.constant 0 : i32
    return %c0_i32, %c0_i32_0 : i32, i32
  }
}

</mosaic_0001>

<sc_bundles>
// kernel: kernel.7.cloned.1.call-start
scs
__scs_entry_jumppad:
0x0: {  	(pc) =	sbr.rel $0x88, $3  }
0x1: {  	(tag) =	ssettag $0x0;
	lr =	simm.s32 $0x1  }
0x2: {  	[smem:$0x3FA0] =	sst lr;
	_ =	strace $0xD0000000  }
0x3: {  	_ = 	snop  }
0x4: {  	_ = 	snop  }
0x5: {  	_ = 	snop  }
0x6: {  	_ = 	snop  }
0x7: {  	_ = 	snop  }
__scs_overlays_trampoline_lowered:
0x8: {  	[smem:$0x3FAF] =	sst s0  }
0x9: {  	[smem:$0x3FB0] =	sst s1  }
0xa: {  	[smem:$0x3FB1] =	sst s2  }
0xb: {  	[smem:$0x3FB2] =	sst s3  }
0xc: {  	[smem:$0x3FB3] =	sst s4  }
0xd: {  	[smem:$0x3FB4] =	sst s5  }
0xe: {  	[smem:$0x3FB5] =	sst s6  }
0xf: {  	[smem:$0x3FB6] =	sst s7  }
0x10: {  	[smem:$0x3FB7] =	sst s8  }
0x11: {  	[smem:$0x3FB8] =	sst s9;
	s0 =	simm.s32 @!p0 $0x0  }
0x12: {  	s1 =	sld [smem:$0x3F9E];
	s0 =	simm.s32 @p0 $0x1  }
0x13: {  	[smem:$0x3FB9] =	sst s0;
	s0 =	simm.s32 @!p1 $0x0  }
0x14: {  	s2 =	sld [smem:$0x3F9D];
	s0 =	simm.s32 @p1 $0x1  }
0x15: {  	[smem:$0x3FBA] =	sst s0;
	s0 =	simm.s32 @!p2 $0x0  }
0x16: {  	s3 =	sld [smem:$0x3FDB];
	s0 =	simm.s32 @p2 $0x1  }
0x17: {  	s4 =	simm.s32 $0x1BF5;
	[smem:$0x3FBC] =	sst s0  }
0x18: {  	s0 =	sld [smem:$0x3F9F];
	_ =	swait.ge [sflag:s4], $0x0  }
0x19: {  	s7 =	sld [smem:$0x3FA0]  }
0x1a: {  	s8 =	sadd.s32 $0xFFFFE003, lr  }
0x1b: {  	s9 =	sadd.s32 $0xFFFFFEF7, lr;
	s5 =	simm.s32 $0xFFFFFFFF;
	p2 =	slt.u32 s8, $0xFFFFF086  }
0x1c: {  	p1 =	slt.u32 s9, $0xF7A;
	s5 =	simm.s32 @!p2 $0x0  }
0x1d: {  	s5 =	simm.s32 @p1 $0x1;
	p0 =	seq.s32 s7, s2  }
0x1e: {  	s7 =	smul.u32 @!p0 $0xF7A, s2;
	p2 =	seq.s32 @!p0 s5, $0x0  }
0x1f: {  	s9 =	smul.u32 $0xF7A, s1;
	s8 =	simm.s32 @!p0 $0x1BF5;
	p2 =	por !p2, p0  }
0x20: {  	[sflag:s8] =	ssyncset.s32 @!p0 $0xFFFFF086;
	s6 =	sadd.s32 @!p0 s3, s7;
	s7 =	simm.s32 @!p0 $0x108  }
0x21: {  	s3 =	sadd.s32 s3, s9;
	s6 =	sadd.s32 @!p0 $0x88, s6;
	s7 =	simm.s32 @p2 $0x1082  }
0x22: {  	[simem:s7], [sflag:s8] =	dma.local @!p0 [hbm:s6], $0xF7A  }
0x23: {  	s9 =	sor.u32 $0xD0000000, s2;
	s6 =	simm.s32 $0x108;
	_ =	swait.ge @!p0 [sflag:s8], $0x0  }
0x24: {  	s3 =	sadd.s32 $0x88, s3;
	s6 =	simm.s32 @!p1 $0x1082;
	[sflag:s4] =	ssyncset.s32 $0xFFFFF086  }
0x25: {  	[simem:s6], [sflag:s4] =	dma.local [hbm:s3], $0xF7A  }
0x26: {  	[smem:$0x3FA0] =	sst s1;
	(tag) =	ssettag s2;
	_ =	strace s9  }
0x27: {  	s1 =	sld [smem:$0x3FB0]  }
0x28: {  	s2 =	sld [smem:$0x3FB1]  }
0x29: {  	s4 =	sld [smem:$0x3FB3]  }
0x2a: {  	p0 =	seq.s32 s5, $0x0;
	s5 =	sld [smem:$0x3FB4]  }
0x2b: {  	s6 =	sld [smem:$0x3FB5]  }
0x2c: {  	s7 =	sld [smem:$0x3FB6]  }
0x2d: {  	s3 =	simm.s32 $0x108;
	s8 =	sld [smem:$0x3FB7]  }
0x2e: {  	s3 =	simm.s32 @!p0 $0x1082;
	s9 =	sld [smem:$0x3FB8]  }
0x2f: {  	lr =	sadd.s32 s0, s3;
	s0 =	sld [smem:$0x3FAF]  }
0x30: {  	s3 =	sld [smem:$0x3FB2]  }
0x31: {  	[smem:$0x3FBB] =	sst s10  }
0x32: {  	s10 =	sld [smem:$0x3FB9];
	_ =	sdelay $0x3  }
0x33: {  	p0 =	seq.s32 s10, $0x1;
	s10 =	sld [smem:$0x3FBB];
	_ =	sdelay $0x3  }
0x34: {  	[smem:$0x3FBB] =	sst s10  }
0x35: {  	s10 =	sld [smem:$0x3FBA];
	_ =	sdelay $0x3  }
0x36: {  	p1 =	seq.s32 s10, $0x1;
	s10 =	sld [smem:$0x3FBB];
	_ =	sdelay $0x3  }
0x37: {  	[smem:$0x3FBB] =	sst s10  }
0x38: {  	s10 =	sld [smem:$0x3FBC]  }
0x39: {  	_ = 	snop;
	(pc) =	sbr.ind lr, $3  }
0x3a: {  	_ = 	snop  }
0x3b: {  	_ = 	snop  }
0x3c: {  	p2 =	seq.s32 s10, $0x1;
	s10 =	sld [smem:$0x3FBB]  }
0x3d: {  	_ =	shalt  }
0x3e: {  	_ =	shalt  }
0x3f: {  	_ =	shalt  }
0x40: {  	_ =	shalt  }
0x41: {  	_ =	shalt  }
0x42: {  	_ =	shalt  }
0x43: {  	_ =	shalt  }
0x44: {  	_ =	shalt  }
0x45: {  	_ =	shalt  }
0x46: {  	_ =	shalt  }
0x47: {  	_ =	shalt  }
0x48: {  	_ =	shalt  }
0x49: {  	_ =	shalt  }
0x4a: {  	_ =	shalt  }
0x4b: {  	_ =	shalt  }
0x4c: {  	_ =	shalt  }
0x4d: {  	_ =	shalt  }
0x4e: {  	_ =	shalt  }
0x4f: {  	_ =	shalt  }
0x50: {  	_ =	shalt  }
0x51: {  	_ =	shalt  }
0x52: {  	_ =	shalt  }
0x53: {  	_ =	shalt  }
0x54: {  	_ =	shalt  }
0x55: {  	_ =	shalt  }
0x56: {  	_ =	shalt  }
0x57: {  	_ =	shalt  }
0x58: {  	_ =	shalt  }
0x59: {  	_ =	shalt  }
0x5a: {  	_ =	shalt  }
0x5b: {  	_ =	shalt  }
0x5c: {  	_ =	shalt  }
0x5d: {  	_ =	shalt  }
0x5e: {  	_ =	shalt  }
0x5f: {  	_ =	shalt  }
0x60: {  	_ =	shalt  }
0x61: {  	_ =	shalt  }
0x62: {  	_ =	shalt  }
0x63: {  	_ =	shalt  }
0x64: {  	_ =	shalt  }
0x65: {  	_ =	shalt  }
0x66: {  	_ =	shalt  }
0x67: {  	_ =	shalt  }
0x68: {  	_ =	shalt  }
0x69: {  	_ =	shalt  }
0x6a: {  	_ =	shalt  }
0x6b: {  	_ =	shalt  }
0x6c: {  	_ =	shalt  }
0x6d: {  	_ =	shalt  }
0x6e: {  	_ =	shalt  }
0x6f: {  	_ =	shalt  }
0x70: {  	_ =	shalt  }
0x71: {  	_ =	shalt  }
0x72: {  	_ =	shalt  }
0x73: {  	_ =	shalt  }
0x74: {  	_ =	shalt  }
0x75: {  	_ =	shalt  }
0x76: {  	_ =	shalt  }
0x77: {  	_ =	shalt  }
0x78: {  	_ =	shalt  }
0x79: {  	_ =	shalt  }
0x7a: {  	_ =	shalt  }
0x7b: {  	_ =	shalt  }
0x7c: {  	_ =	shalt  }
0x7d: {  	_ =	shalt  }
0x7e: {  	_ =	shalt  }
0x7f: {  	_ =	shalt  }
0x80: {  	_ =	shalt  }
0x81: {  	_ =	shalt  }
0x82: {  	_ =	shalt  }
0x83: {  	_ =	shalt  }
0x84: {  	_ =	shalt  }
0x85: {  	_ =	shalt  }
0x86: {  	_ =	shalt  }
0x87: {  	_ =	shalt  }
.Lfunc_end0:
.L_simem_size_0:
called_computation.2_lowered:
.L_overlay_start_0:
0x88: {  	s2 =	sld [smem:$0x3FD9]  }
0x89: {  	s3 =	sld [smem:$0x3FFE];
	_ =	sdelay $0x1  }
0x8a: {  	s1 =	srdreg.scid  }
0x8b: {  	s0 =	sand.u32 $0x1, s1  }
0x8c: {  	s14 =	sshll.u32 s0, $0xA;
	s2 =	sadd.s32 s3, s2  }
0x8d: {  	s2 =	sadd.s32 s2, s14  }
0x8e: {  	[smem:$0x3FC7] =	sst s2  }
0x8f: {  	_ = 	snop  }
0x90: {  	s2 =	sld [smem:$0x3FD0];
	_ =	sdelay $0x2  }
0x91: {  	s15 =	simm.s32 $0xB;
	s4 =	simm.s32 $0x10  }
0x92: {  	[smem:s4], [sflag:s15] =	dma.local [hbm:s2], $0x1  }
0x93: {  	_ =	swait.eq [sflag:s15], $0x1  }
0x94: {  	[sflag:s15] =	ssyncset.done $0x0  }
0x95: {  	[sflag:s15] =	ssyncadd.s32 $0xFFFFFFFF  }
0x96: {  	s16 =	sld [smem:$0x10];
	(tm) =	ssettm $0x1  }
0x97: {  	s17 =	sld [smem:$0x3FFB];
	_ =	sdelay $0x3  }
0x98: {  	_ =	strace s17  }
0x99: {  	s3 =	sld [smem:$0x3FFC];
	_ =	sdelay $0x3  }
0x9a: {  	_ =	strace s3  }
0x9b: {  	s3 =	sld [smem:$0x3FFD];
	_ =	sdelay $0x3  }
0x9c: {  	_ =	strace s3  }
0x9d: {  	_ =	strace $0x8FFFFFFF  }
0x9e: {  	s18 =	sld [smem:$0x3FDB];
	_ =	sdelay $0x1  }
0x9f: {  	s19 =	simm.s32 $_scs_section_size  }
0xa0: {  	s5 =	simm.s32 $_size__tile_overlayer_lowered;
	s6 =	simm.s32 $_tile_overlayer_lowered  }
0xa1: {  	s22 =	simm.s32 $0x1BFF;
	s21 =	sshll.u32 s6, $0x1;
	s3 =	sadd.s32 s19, s18  }
0xa2: {  	s7 =	simm.s32 $0x0;
	s20 =	sshll.u32 s5, $0x1;
	s5 =	sadd.s32 s21, s3  }
0xa3: {  	[timem:s7], [sflag:s22] =	dma.local [hbm:s5], s20  }
0xa4: {  	_ =	swait.ge [sflag:s22], s20  }
0xa5: {  	s4 =	ssub.s32 $0x0, s20;
	[sflag:s22] =	ssyncset.done $0x0  }
0xa6: {  	[sflag:s22] =	ssyncadd.s32 s4;
	_ =	sdelay $0x1  }
0xa7: {  	s23 =	simm.s32 $0x1B8B  }
0xa8: {  	_ =	swait.ge [sflag:s23], $0x1  }
0xa9: {  	[sflag:s23] =	ssyncset.done $0x0  }
0xaa: {  	s25 =	simm.s32 $0x1B8E;
	s24 =	sld [smem:$0x3FFE];
	[sflag:s23] =	ssyncadd.s32 $0xFFFFFFFF  }
0xab: {  	s26 =	simm.s32 $execute0_lowered;
	[smem:$0x3FD2] =	sst s25  }
0xac: {  	s5 =	sshll.u32 s26, $0x1;
	_ =	strace $0x80000046;
	[dreg:$0x1] =	wrdreg $0xFFFFFFFF  }
0xad: {  	s28 =	simm.s32 $_size_execute0_lowered;
	s3 =	sadd.s32 s3, s5;
	[dreg:$0x0] =	wrdreg $0x0  }
0xae: {  	s5 =	sshll.u32 s28, $0x1;
	[dreg:$0x2] =	wrdreg s3  }
0xaf: {  	[dreg:$0x3] =	wrdreg s5  }
0xb0: {  	[dreg:$0x4] =	wrdreg $0xC0  }
0xb1: {  	_ =	task [dreg:s7], $0x5FFFF  }
0xb2: {  	[dreg:$0x1] =	wrdreg $0xFFFFFFFF  }
0xb3: {  	[dreg:$0x0] =	wrdreg $0x60  }
0xb4: {  	[dreg:$0x2] =	wrdreg s16  }
0xb5: {  	[dreg:$0x3] =	wrdreg s24  }
0xb6: {  	[dreg:$0x4] =	wrdreg $0x9  }
0xb7: {  	_ =	task.clear_ibuf [dreg:s7], $0x5FFFF;
	_ =	strace $0x90000046  }
0xb8: {  	s29 =	simm.s32 $0x9;
	_ =	strace $0x80000048  }
0xb9: {  	_ =	swait.ge [sflag:s29], $0x1  }
0xba: {  	[sflag:s29] =	ssyncadd.s32 $0xFFFFFFFF  }
0xbb: {  	_ =	strace $0x90000048  }
0xbc: {  	_ =	sfence  }
0xbd: {  	s30 =	sld [smem:$0x0];
	_ =	sdelay $0x2  }
0xbe: {  	s31 =	sshll.u32 s1, $0xD;
	s1 =	sshrl.u32 s1, $0x2  }
0xbf: {  	s3 =	sand.u32 $0x4000, s31;
	s1 =	sadd.s32 s1, s30  }
0xc0: {  	s0 =	sor.u32 s3, s0;
	s1 =	sshll.u32 s1, $0x11  }
0xc1: {  	s0 =	sor.u32 s1, s0  }
0xc2: {  	s0 =	sadd.s32 $0x8F2B, s0  }
0xc3: {  	[sflag:s0] =	ssyncadd.remote.s32 $0x1  }
0xc4: {  	_ =	sfence.sel $0xFFFF  }
0xc5: {  	[dreg:$0x0] =	wrdreg $0xFFFFFFFF;
	(pc) =	sbr.abs _section_cstart, $3  }
0xc6: {  	[dreg:$0x1] =	wrdreg $0xFFFFFFFF  }
0xc7: {  	_ =	task.clear_ibuf [dreg:s7], $0x2FFFF;
	_ =	strace $0x9FFFFFFF  }
0xc8: {  	(tm) =	ssettm $0x7FFFFFFF  }
0xc9: {  	_ =	shalt  }
tec
execute0_lowered:
.L_overlay_start_1:
0x0: {  	(tag) =	ssettag $0x1  }
0x1: {  	s2 =	rddreg [dreg:$0x0]  }
0x2: {  	s0 =	rddreg [dreg:$0x1];
	s1 =	srdreg.scid  }
0x3: {  	s4 =	stileid.u32;
	s3 =	simm.s32 $0x0;
	s14 =	simm.s32 $0x40  }
0x4: {  	s15 =	simm.s32 $0x80;
	s16 =	simm.s32 $0x1;
	s17 =	simm.s32 $0x2000  }
0x5: {  	s21 =	simm.s32 $0x4030;
	s22 =	simm.s32 $0x0;
	s28 =	simm.s32 $0x0  }
0x6: {  	s1 =	sand.u32 $0x1, s1;
	s4 =	sshll.u32 s4, $0x1;
	[smem:$0x7FF] =	sst s3  }
0x7: {  	s5 =	sadd.s32 $0x103200, s0;
	s8 =	sadd.s32 $0x103208, s0;
	s4 =	sor.u32 s1, s4  }
.Ltmp0:
0x8: {  	s1 =	ssub.s32 $0x2, s1;
	_ =	strace $0x80000047;
	(pc) =	sbr.rel .LBB2_1-.Ltmp0, $4  }
0x9: {  	s6 =	sshll.u32 s4, $0x1;
	s7 =	sshrl.u32 s1, $0x1;
	p0 =	sne.s32 s4, $0x0  }
0xa: {  	s12 =	sadd.s32 s6, s0;
	s1 =	ssub.s32 s1, s7;
	s6 =	sshll.u32 s4, $0xB  }
0xb: {  	s7 =	sadd.s32 $0x8, s2;
	s9 =	sadd.s32 $0x3600, s12;
	s10 =	sadd.s32 $0x3800, s12  }
0xc: {  	vm0 =	vmmov @!p0 $0x1;
	vm1 =	vmmov @!p0 $0xff;
	s11 =	sadd.s32 $0x3200, s12;
	s12 =	sadd.s32 $0x3400, s12;
	s13 =	smax.u32 s1, $0x1  }
.LBB2_11:
0xd: {  	s0 =	simm.s32 @!p0 $0x0;
	s1 =	simm.s32 @!p0 $0x4020  }
0xe: {  	[tilespmem:s1], [sflag:$0x1] =	stream.linear.gather @!p0 [hbm4b:s7+s0], $0x10, $0x38;
	[tilespmem:$0x4040] =	vst v63  }
0xf: {  	s1 =	simm.s32 @!p0 $0x1  }
0x10: {  	_ =	swait.ge @!p0 [sflag:s1], $0x10  }
0x11: {  	[sflag:s1] =	ssyncset.done @!p0 $0x0  }
0x12: {  	s18 =	simm.s32 @!p0 $0x4030;
	[sflag:s1] =	ssyncadd.s32 @!p0 $0xFFFFFFF0  }
0x13: {  	[tilespmem:s18], [sflag:$0x1] =	stream.linear.gather @!p0 [hbm4b:s8+s0], $0x10, $0x38;
	[tilespmem:$0x4040] =	vst v63  }
0x14: {  	_ =	swait.ge @!p0 [sflag:s1], $0x10  }
0x15: {  	[sflag:s1] =	ssyncset.done @!p0 $0x0  }
0x16: {  	[sflag:s1] =	ssyncadd.s32 @!p0 $0xFFFFFFF0  }
0x17: {  	v4 =	vld @!p0 [tilespmem:$0x4020]  }
0x18: {  	v5 =	vld @!p0 [tilespmem:$0x4030];
	_ =	sdelay $0x4  }
0x19: {  	v6 =	vmul.f32 @!p0 v4, v4;
	v7 =	vmul.f32 @!p0 v5, v5;
	_ =	sdelay $0x1  }
0x1a: {  	v6 =	vadd.f32 @!p0 v7, v6;
	_ =	sdelay $0x1  }
0x1b: {  	v6 =	vnsel @!p0 vm0, $0xBF800000, v6  }
0x1c: {  	v6 =	vsub.f32 @!p0 $0.0e+00, v6  }
0x1d: {  	v7 =	vimm.s32 @!p0 $0x400000  }
0x1e: {  	(xrf1) =	vsort.ascd.msk.f32 @!p0 $0xffff, v6, v7;
	_ =	sdelay $0x9  }
0x1f: {  	(xrf1) =	vsort.ascd.msk.f32 @!p0 $0xffff, v6, v4  }
0x20: {  	(xrf1) =	vsort.ascd.msk.f32 @!p0 $0xffff, v6, v5;
	_ =	sdelay $0x1  }
0x21: {  	v4 =	vlaneseq.u32 @!p0  }
0x22: {  	v4 =	vmul.u32 @!p0 $0xFFFFFFFF, v4;
	v5, v6, _ =	vpop @!p0 (xrf1)  }
0x23: {  	v5 =	vsub.f32 @!p0 $0.0e+00, v5  }
0x24: {  	v4 =	vadd.s32 @!p0 $0xF, v4  }
0x25: {  	v5 =	vperm.xlane @!p0 v5, v4;
	_ =	sdelay $0x1  }
0x26: {  	v6 =	vperm.xlane @!p0 v6, v4;
	v5 =	vsel @!p0 vm1, v3, v5  }
0x27: {  	v5 =	vsub.f32 @!p0 $0.0e+00, v5  }
0x28: {  	v6 =	vsel @!p0 vm1, v2, v6  }
0x29: {  	(xrf1) =	vsort.ascd.msk.f32 @!p0 $0xffff, v5, v6;
	_ =	sdelay $0x1  }
0x2a: {  	_, v7, _ =	vpop @!p0 (xrf1)  }
0x2b: {  	v7 =	vperm.xlane @!p0 v7, v4;
	_, v6, _ =	vpop @!p0 (xrf1)  }
0x2c: {  	v4 =	vperm.xlane @!p0 v6, v4  }
0x2d: {  	v6 =	vsel @!p0 vm1, v1, v7  }
0x2e: {  	(xrf1) =	vsort.ascd.msk.f32 @!p0 $0xffff, v5, v6;
	v4 =	vsel @!p0 vm1, v0, v4  }
0x2f: {  	(xrf1) =	vsort.ascd.msk.f32 @!p0 $0xffff, v5, v4;
	_ =	sdelay $0x6  }
0x30: {  	v5, v4, _ =	vpop @!p0 (xrf1)  }
0x31: {  	v5 =	vsub.f32 @!p0 $0.0e+00, v5;
	_ =	sdelay $0x3  }
0x32: {  	v61 =	vpsel p0, v2, v4  }
0x33: {  	[tilespmem:$0x4010] =	vst v61;
	v60 =	vpsel p0, v3, v5;
	_, v5, _ =	vpop @!p0 (xrf1)  }
0x34: {  	[tilespmem:$0x4000] =	vst v60;
	_, v3, _ =	vpop @!p0 (xrf1);
	v62 =	vpsel p0, v1, v5  }
0x35: {  	v63 =	vpsel p0, v0, v3;
	[tilespmem:$0x4020] =	vst v62  }
0x36: {  	s29 =	simm.s32 $0x4000;
	[tilespmem:$0x4030] =	vst v63  }
0x37: {  	[hbm4b:s9+s3] =	stream.linear.scatter [tilespmem:s29], [sflag:$0x1], $0x10, $0x38;
	[tilespmem:$0x4040] =	vst v63  }
0x38: {  	_ =	swait.ge [sflag:s16], $0x10  }
0x39: {  	[sflag:s16] =	ssyncset.done $0x0  }
0x3a: {  	s30 =	simm.s32 $0x4010;
	[sflag:s16] =	ssyncadd.s32 $0xFFFFFFF0  }
0x3b: {  	[hbm4b:s10+s3] =	stream.linear.scatter [tilespmem:s30], [sflag:$0x1], $0x10, $0x38;
	[tilespmem:$0x4040] =	vst v63  }
0x3c: {  	_ =	swait.ge [sflag:s16], $0x10  }
0x3d: {  	[sflag:s16] =	ssyncset.done $0x0  }
0x3e: {  	s31 =	simm.s32 $0x4020;
	[sflag:s16] =	ssyncadd.s32 $0xFFFFFFF0  }
0x3f: {  	[hbm4b:s11+s3] =	stream.linear.scatter [tilespmem:s31], [sflag:$0x1], $0x10, $0x38;
	[tilespmem:$0x4040] =	vst v63  }
0x40: {  	s22 =	sadd.s32 $0x1, s22;
	_ =	swait.ge [sflag:s16], $0x10  }
0x41: {  	p1 =	sne.s32 s22, s13;
	[sflag:s16] =	ssyncset.done $0x0  }
.Ltmp1:
0x42: {  	[sflag:s16] =	ssyncadd.s32 $0xFFFFFFF0;
	(pc) =	sbr.rel @!p1 .LBB2_12-.Ltmp1, $4  }
0x43: {  	[hbm4b:s12+s3] =	stream.linear.scatter [tilespmem:s21], [sflag:$0x1], $0x10, $0x38;
	[tilespmem:$0x4040] =	vst v63  }
0x44: {  	_ =	swait.ge [sflag:s16], $0x10  }
0x45: {  	[sflag:s16] =	ssyncset.done $0x0  }
0x46: {  	[sflag:s16] =	ssyncadd.s32 $0xFFFFFFF0  }
.LBB2_1:
.Ltmp2:
0x47: {  	(pc) =	sbr.rel .LBB2_2-.Ltmp2, $3  }
0x48: {  	_ =	sdelay $0x1  }
0x49: {  	v3 =	vimm.f32 $-1.000000000e+00  }
0x4a: {  	v2 =	vimm.s32 $0x0;
	v0 =	vimm.f32 $0.0e+00;
	s23 =	simm.f32 $-1.000000000e+00;
	v1 =	vimm.f32 $0.0e+00;
	s24 =	simm.s32 $0x0  }
.LBB2_10:
0x4b: {  	s24 =	sadd.s32 $0x1, s24  }
0x4c: {  	p1 =	sne.s32 s24, $0x10  }
.Ltmp3:
0x4d: {  	_ = 	snop;
	(pc) =	sbr.rel @!p1 .LBB2_11-.Ltmp3, $1  }
0x4e: {  	_ =	sdelay $0x3  }
.LBB2_2:
0x4f: {  	s0 =	sshll.u32 s24, $0x7  }
0x50: {  	s25 =	sadd.s32 s6, s0  }
0x51: {  	s0 =	sshll.u32 s25, $0x4  }
0x52: {  	s1 =	sadd.s32 s2, s0  }
0x53: {  	[tilespmem:s3], [sflag:$0x1] =	stream.strided.gather [hbm4b:s1+s14], $0x2000, s15, s14, $0x38;
	[tilespmem:$0x4040] =	vst v63  }
0x54: {  	_ =	swait.ge [sflag:s16], $0x2000  }
0x55: {  	[sflag:s16] =	ssyncset.done $0x0  }
0x56: {  	s0 =	sadd.s32 s5, s0;
	[sflag:s16] =	ssyncadd.s32 $0xFFFFE000  }
0x57: {  	[tilespmem:s17], [sflag:$0x1] =	stream.strided.gather [hbm4b:s0+s14], $0x2000, s15, s14, $0x38;
	[tilespmem:$0x4040] =	vst v63  }
0x58: {  	_ =	swait.ge [sflag:s16], $0x2000  }
0x59: {  	s31 =	sor.u32 s4, s24;
	[sflag:s16] =	ssyncset.done $0x0  }
0x5a: {  	p1 =	sne.s32 s31, $0x0;
	[sflag:s16] =	ssyncadd.s32 $0xFFFFE000  }
0x5b: {  	v4 =	vld @!p1 [tilespmem:$0x0]  }
0x5c: {  	v5 =	vld @!p1 [tilespmem:$0x2000];
	_ =	sdelay $0x1  }
.Ltmp4:
0x5d: {  	v6 =	vlaneseq.u32 @!p1;
	(pc) =	sbr.rel .LBB2_3-.Ltmp4, $4  }
0x5e: {  	vm2 =	veq.s32 @!p1 v6, $0x0  }
0x5f: {  	v4 =	vsel @!p1 vm2, $0x0, v4  }
0x60: {  	[tilespmem:$0x0] =	vst @!p1 v4;
	v4 =	vsel @!p1 vm2, $0x0, v5  }
0x61: {  	s29 =	simm.s32 $0x0;
	s26 =	sshrl.u32 s25, $0x8;
	[tilespmem:$0x2000] =	vst @!p1 v4  }
.LBB2_8:
0x62: {  	_ =	sdelay $0x5  }
0x63: {  	v4, v5, _ =	vpop @p1 (xrf1)  }
0x64: {  	v4 =	vsub.f32 @p1 $0.0e+00, v4  }
0x65: {  	vm2 =	vmmov @p1 $0x1f  }
0x66: {  	v6 =	vnsel @p1 vm2, $0x7F61B1E6, v4  }
0x67: {  	(xrf0) =	vmin.scan.msk.f32 @p1 $0xffff, v6;
	_ =	sdelay $0x5  }
0x68: {  	v6, _, _ =	vpop @p1 (xrf0)  }
0x69: {  	(v2sf) =	vpush @p1 v6, $0xF;
	_ =	sdelay $0xd  }
0x6a: {  	_, v6, _ =	vpop @p1 (xrf1)  }
0x6b: {  	v2 =	vpsel p1, v5, v2;
	_, v5, _ =	vpop @p1 (xrf1);
	s0 =	spop @p1 (v2sf)  }
0x6c: {  	v3 =	vpsel p1, v4, v3;
	v0 =	vpsel p1, v6, v0;
	v1 =	vpsel p1, v5, v1;
	s23 =	smov.u32 @p1 s0  }
.LBB2_9:
0x6d: {  	s29 =	sadd.s32 $0x1, s29  }
0x6e: {  	p1 =	sne.s32 s29, $0x10  }
.Ltmp5:
0x6f: {  	_ = 	snop;
	(pc) =	sbr.rel @!p1 .LBB2_10-.Ltmp5, $1  }
0x70: {  	_ =	sdelay $0x3  }
.LBB2_3:
0x71: {  	s30 =	sshll.u32 s29, $0x3  }
0x72: {  	s0 =	sadd.s32 $0x0, s30  }
0x73: {  	s1 =	sand.u32 $0x30, s28;
	s0 =	sshll.u32 s0, $0x6  }
0x74: {  	s0 =	sor.u32 s1, s0  }
0x75: {  	v6 =	vld [tilespmem:s0+$0x0]  }
0x76: {  	v8 =	vld [tilespmem:s0+$0x2000];
	_ =	sdelay $0x1  }
0x77: {  	s31 =	sadd.s32 $0x0, s30;
	s0 =	simm.s32 $0x10  }
0x78: {  	s1 =	sshll.u32 s31, $0x6;
	s18 =	sand.u32 $0x30, s0  }
0x79: {  	s18 =	sor.u32 s18, s1  }
0x7a: {  	v5 =	vld [tilespmem:s18+$0x0];
	v7 =	vmul.f32 v6, v6;
	v8 =	vmul.f32 v8, v8  }
0x7b: {  	v4 =	vimm.f32 $-2.000000000e+00;
	s1 =	simm.s32 $0x2;
	v6 =	vld [tilespmem:s18+$0x2000]  }
.LBB2_4:
0x7c: {  	s18 =	sshrl.u32 s1, $0x2;
	s0 =	sadd.s32 $0x10, s0;
	v7 =	vadd.f32 v8, v7;
	p1 =	sne.s32 s1, $0x1F  }
.Ltmp6:
0x7d: {  	s1 =	sadd.s32 $0x1, s1;
	s18 =	sadd.s32 s30, s18;
	(pc) =	sbr.rel @p1 .LBB2_4-.Ltmp6, $4  }
0x7e: {  	s31 =	sand.u32 $0x30, s0;
	s18 =	sshll.u32 s18, $0x6;
	v4 =	vmax.f32 v4, v7  }
0x7f: {  	s18 =	sor.u32 s31, s18  }
0x80: {  	v7 =	vmul.f32 v5, v5;
	v5 =	vld [tilespmem:s18+$0x0];
	v8 =	vmul.f32 v6, v6  }
0x81: {  	v6 =	vld [tilespmem:s18+$0x2000]  }
0x82: {  	_ =	sdelay $0x3  }
0x83: {  	v5 =	vmul.f32 v5, v5;
	v6 =	vmul.f32 v6, v6  }
0x84: {  	v7 =	vadd.f32 v8, v7  }
0x85: {  	v5 =	vadd.f32 v6, v5  }
0x86: {  	v4 =	vmax.f32 v4, v7  }
0x87: {  	v4 =	vmax.f32 v4, v5  }
0x88: {  	(xrf0) =	vmax.scan.msk.f32 $0xffff, v4;
	_ =	sdelay $0x5  }
0x89: {  	v4, _, _ =	vpop (xrf0)  }
0x8a: {  	(v2sf) =	vpush v4, $0xF;
	_ =	sdelay $0xe  }
0x8b: {  	s0 =	spop (v2sf)  }
0x8c: {  	p1 =	sgt.f32 s0, s23  }
.Ltmp7:
0x8d: {  	_ = 	snop;
	(pc) =	sbr.rel @!p1 .LBB2_9-.Ltmp7, $2  }
0x8e: {  	_ =	sdelay $0x2  }
0x8f: {  	s31 =	simm.s32 $0x0  }
0x90: {  	s0 =	sshrl.u32 s31, $0x2  }
0x91: {  	s0 =	sor.u32 s30, s0  }
0x92: {  	s1 =	sand.u32 $0x30, s31;
	s18 =	sshll.u32 s0, $0x6  }
0x93: {  	s18 =	sor.u32 s1, s18  }
0x94: {  	v4 =	vld [tilespmem:s18+$0x0]  }
0x95: {  	v5 =	vld [tilespmem:s18+$0x2000];
	_ =	sdelay $0x4  }
0x96: {  	v6 =	vmul.f32 v4, v4;
	v7 =	vmul.f32 v5, v5;
	_ =	sdelay $0x1  }
0x97: {  	v6 =	vadd.f32 v7, v6;
	_ =	sdelay $0x1  }
0x98: {  	(xrf0) =	vmax.scan.msk.f32 $0xffff, v6;
	_ =	sdelay $0x5  }
0x99: {  	v63, _, _ =	vpop (xrf0)  }
0x9a: {  	(v2sf) =	vpush v63, $0xF;
	_ =	sdelay $0xe  }
0x9b: {  	s20 =	spop (v2sf)  }
0x9c: {  	p1 =	sgt.f32 s20, s23;
	_ =	sdelay $0x1  }
0x9d: {  	s0 =	sadd.s32 @p1 s25, s0  }
0x9e: {  	s1 =	sshll.u32 @p1 s1, $0x10;
	v7 =	vlaneseq.u32 @p1;
	s0 =	sshll.u32 @p1 s0, $0x8  }
0x9f: {  	s1 =	sadd.s32 @p1 s26, s1;
	v8 =	vmul.u32 @p1 $0x10000, v7;
	s0 =	sand.u32 @p1 $0xFF00, s0  }
0xa0: {  	v6 =	vsub.f32 @p1 $0.0e+00, v6;
	s0 =	sadd.s32 @p1 s0, s1  }
0xa1: {  	v8 =	vadd.s32 @p1 s0, v8  }
0xa2: {  	(xrf1) =	vsort.ascd.msk.f32 @p1 $0xffff, v6, v8;
	_ =	sdelay $0x4  }
0xa3: {  	(xrf1) =	vsort.ascd.msk.f32 @p1 $0xffff, v6, v5  }
0xa4: {  	(xrf1) =	vsort.ascd.msk.f32 @p1 $0xffff, v6, v4;
	_ =	sdelay $0x7  }
0xa5: {  	v4 =	vmul.u32 @p1 $0xFFFFFFFF, v7;
	v5, v6, _ =	vpop @p1 (xrf1)  }
0xa6: {  	v5 =	vsub.f32 @p1 $0.0e+00, v5  }
0xa7: {  	v4 =	vadd.s32 @p1 $0xF, v4  }
0xa8: {  	v5 =	vperm.xlane @p1 v5, v4  }
0xa9: {  	vm2 =	vmmov @p1 $0xff  }
0xaa: {  	_, v7, _ =	vpop @p1 (xrf1);
	v6 =	vperm.xlane @p1 v6, v4;
	v5 =	vsel @p1 vm2, v3, v5  }
0xab: {  	_, v8, _ =	vpop @p1 (xrf1);
	v7 =	vperm.xlane @p1 v7, v4;
	v5 =	vsub.f32 @p1 $0.0e+00, v5  }
0xac: {  	v4 =	vperm.xlane @p1 v8, v4;
	v6 =	vsel @p1 vm2, v2, v6  }
0xad: {  	v7 =	vsel @p1 vm2, v0, v7;
	(xrf1) =	vsort.ascd.msk.f32 @p1 $0xffff, v5, v6  }
0xae: {  	v4 =	vsel @p1 vm2, v1, v4;
	(xrf1) =	vsort.ascd.msk.f32 @p1 $0xffff, v5, v7  }
0xaf: {  	(xrf1) =	vsort.ascd.msk.f32 @p1 $0xffff, v5, v4  }
0xb0: {  	s0 =	sadd.s32 $0x1, s31  }
.LBB2_7:
0xb1: {  	s1 =	sshrl.u32 s0, $0x2  }
0xb2: {  	s31 =	sadd.s32 $0x10, s31;
	s1 =	sor.u32 s30, s1  }
0xb3: {  	s0 =	sadd.s32 $0x1, s0;
	s18 =	sand.u32 $0x30, s31;
	s19 =	sshll.u32 s1, $0x6  }
0xb4: {  	p2 =	sne.s32 s0, $0x20;
	s19 =	sor.u32 s18, s19  }
0xb5: {  	v4 =	vld [tilespmem:s19+$0x0]  }
0xb6: {  	v5 =	vld [tilespmem:s19+$0x2000];
	_ =	sdelay $0x4  }
0xb7: {  	v6 =	vmul.f32 v4, v4;
	v10 =	vmul.f32 v5, v5;
	v9, v8, _ =	vpop @p1 (xrf1)  }
0xb8: {  	v9 =	vsub.f32 @p1 $0.0e+00, v9;
	v2 =	vpsel p1, v8, v2;
	_, v8, _ =	vpop @p1 (xrf1)  }
0xb9: {  	vm2 =	vmmov @p1 $0x1f;
	v6 =	vadd.f32 v10, v6;
	v0 =	vpsel p1, v8, v0;
	_, v7, _ =	vpop @p1 (xrf1)  }
0xba: {  	v8 =	vnsel @p1 vm2, $0x7F61B1E6, v9;
	v3 =	vpsel p1, v9, v3;
	v1 =	vpsel p1, v7, v1  }
0xbb: {  	(xrf0) =	vmin.scan.msk.f32 @p1 $0xffff, v8  }
0xbc: {  	(xrf0) =	vmax.scan.msk.f32 $0xffff, v6;
	_ =	sdelay $0x4  }
0xbd: {  	v7, _, _ =	vpop @p1 (xrf0)  }
0xbe: {  	v8, _, _ =	vpop (xrf0);
	(v2sf) =	vpush @p1 v7, $0xF  }
0xbf: {  	(v2sf) =	vpush v8, $0xF;
	_ =	sdelay $0xd  }
0xc0: {  	s19 =	spop @p1 (v2sf)  }
0xc1: {  	s20 =	spop (v2sf);
	s23 =	smov.u32 @p1 s19  }
0xc2: {  	p1 =	sgt.f32 s20, s23;
	_ =	sdelay $0x1  }
0xc3: {  	s1 =	sadd.s32 @p1 s25, s1  }
0xc4: {  	s18 =	sshll.u32 @p1 s18, $0x10;
	v7 =	vlaneseq.u32 @p1;
	s1 =	sshll.u32 @p1 s1, $0x8  }
0xc5: {  	s18 =	sadd.s32 @p1 s26, s18;
	v8 =	vmul.u32 @p1 $0x10000, v7;
	s1 =	sand.u32 @p1 $0xFF00, s1  }
0xc6: {  	v6 =	vsub.f32 @p1 $0.0e+00, v6;
	s1 =	sadd.s32 @p1 s1, s18  }
0xc7: {  	v8 =	vadd.s32 @p1 s1, v8  }
0xc8: {  	(xrf1) =	vsort.ascd.msk.f32 @p1 $0xffff, v6, v8  }
0xc9: {  	(xrf1) =	vsort.ascd.msk.f32 @p1 $0xffff, v6, v5  }
0xca: {  	(xrf1) =	vsort.ascd.msk.f32 @p1 $0xffff, v6, v4;
	_ =	sdelay $0xb  }
0xcb: {  	v4 =	vmul.u32 @p1 $0xFFFFFFFF, v7;
	v5, v6, _ =	vpop @p1 (xrf1)  }
0xcc: {  	v5 =	vsub.f32 @p1 $0.0e+00, v5;
	_, v7, _ =	vpop @p1 (xrf1)  }
0xcd: {  	v4 =	vadd.s32 @p1 $0xF, v4;
	_, v8, _ =	vpop @p1 (xrf1)  }
0xce: {  	v7 =	vperm.xlane @p1 v7, v4;
	v5 =	vperm.xlane @p1 v5, v4  }
0xcf: {  	vm2 =	vmmov @p1 $0xff;
	v8 =	vperm.xlane @p1 v8, v4  }
0xd0: {  	v4 =	vperm.xlane @p1 v6, v4;
	v6 =	vsel @p1 vm2, v0, v7;
	v5 =	vsel @p1 vm2, v3, v5  }
.Ltmp8:
0xd1: {  	v7 =	vsel @p1 vm2, v1, v8;
	v5 =	vsub.f32 @p1 $0.0e+00, v5;
	(pc) =	sbr.rel @p2 .LBB2_7-.Ltmp8, $4  }
0xd2: {  	v4 =	vsel @p1 vm2, v2, v4  }
0xd3: {  	(xrf1) =	vsort.ascd.msk.f32 @p1 $0xffff, v5, v4  }
0xd4: {  	(xrf1) =	vsort.ascd.msk.f32 @p1 $0xffff, v5, v6  }
0xd5: {  	(xrf1) =	vsort.ascd.msk.f32 @p1 $0xffff, v5, v7  }
.Ltmp9:
0xd6: {  	_ = 	snop;
	(pc) =	sbr.rel .LBB2_8-.Ltmp9, $1  }
0xd7: {  	_ =	sdelay $0x3  }
.LBB2_12:
0xd8: {  	_ =	sfence.sel $0x180000  }
0xd9: {  	[bflag:$0x0] =	sbarrier.arrive $0xFFFF  }
0xda: {  	_ =	strace $0x90000047  }
0xdb: {  	s0 =	stileid.u32;
	[bflag:$0x2] =	sbarrier.arrive $0xFFFF  }
0xdc: {  	p0 =	sne.s32 s0, $0x0;
	s0 =	rddreg [dreg:$0x2]  }
0xdd: {  	s0 =	sadd.s32 @!p0 $0x100000, s0  }
0xde: {  	[sflag:s0] =	ssyncadd.tile.s32 @!p0 $0x1;
	_ =	shalt  }
.Lfunc_end2:
_tile_overlayer_lowered:
.L_overlay_start_2:
0xdf: {  	(tag) =	ssettag $0x2  }
0xe0: {  	s0 =	rddreg [dreg:$0x0];
	s2 =	stileid.u32  }
0xe1: {  	s1 =	rddreg [dreg:$0x1];
	p0 =	sne.s32 s2, $0x0  }
0xe2: {  	s3 =	rddreg [dreg:$0x2];
	[bflag:$0x3] =	sbarrier.arrive $0xFFFF;
	s2 =	simm.s32 @!p0 $0x1C01  }
0xe3: {  	[timem:s3], [sflag:s2] =	dma.local @!p0 [hbm:s0], s1  }
0xe4: {  	s0 =	simm.s32 @!p0 $0x1  }
0xe5: {  	_ =	swait.ge @!p0 [sflag:s0], s1  }
0xe6: {  	s1 =	ssub.s32 @!p0 $0x0, s1;
	[sflag:s0] =	ssyncset.done @!p0 $0x0  }
0xe7: {  	[sflag:s0] =	ssyncadd.s32 @!p0 s1  }
0xe8: {  	[bflag:$0x3] =	sbarrier.arrive $0xFFFF  }
0xe9: {  	_ =	shalt  }

// kernel: sparse-core-data-format-call.1.cloned.1.call-start
scs
called_computation.1_lowered:
.L_overlay_start_0:
0x0: {  	s2 =	sld [smem:$0x3FD9]  }
0x1: {  	s3 =	sld [smem:$0x3FFE];
	_ =	sdelay $0x1  }
0x2: {  	s1 =	srdreg.scid  }
0x3: {  	s0 =	sand.u32 $0x1, s1  }
0x4: {  	s15 =	sshll.u32 s0, $0xA;
	s2 =	sadd.s32 s3, s2  }
0x5: {  	s2 =	sadd.s32 s2, s15  }
0x6: {  	[smem:$0x3FC7] =	sst s2  }
0x7: {  	_ = 	snop  }
0x8: {  	s2 =	sld [smem:$0x3FD0];
	_ =	sdelay $0x2  }
0x9: {  	s16 =	simm.s32 $0xB;
	s4 =	simm.s32 $0x10  }
0xa: {  	[smem:s4], [sflag:s16] =	dma.local [hbm:s2], $0x1  }
0xb: {  	_ =	swait.eq [sflag:s16], $0x1  }
0xc: {  	[sflag:s16] =	ssyncset.done $0x0  }
0xd: {  	[sflag:s16] =	ssyncadd.s32 $0xFFFFFFFF  }
0xe: {  	s17 =	sld [smem:$0x10];
	(tm) =	ssettm $0x1  }
0xf: {  	s18 =	sld [smem:$0x3FFB];
	_ =	sdelay $0x3  }
0x10: {  	_ =	strace s18  }
0x11: {  	s3 =	sld [smem:$0x3FFC];
	_ =	sdelay $0x3  }
0x12: {  	_ =	strace s3  }
0x13: {  	s3 =	sld [smem:$0x3FFD];
	_ =	sdelay $0x3  }
0x14: {  	_ =	strace s3  }
0x15: {  	_ =	strace $0x8FFFFFFF  }
0x16: {  	s19 =	sld [smem:$0x3FDB];
	_ =	sdelay $0x1  }
0x17: {  	s20 =	simm.s32 $_scs_section_size  }
0x18: {  	s5 =	simm.s32 $_size__tile_overlayer_lowered;
	s6 =	simm.s32 $_tile_overlayer_lowered  }
0x19: {  	s23 =	simm.s32 $0x1BFF;
	s22 =	sshll.u32 s6, $0x1;
	s3 =	sadd.s32 s20, s19  }
0x1a: {  	s7 =	simm.s32 $0x0;
	s21 =	sshll.u32 s5, $0x1;
	s5 =	sadd.s32 s22, s3  }
0x1b: {  	[timem:s7], [sflag:s23] =	dma.local [hbm:s5], s21  }
0x1c: {  	_ =	swait.ge [sflag:s23], s21  }
0x1d: {  	s4 =	ssub.s32 $0x0, s21;
	[sflag:s23] =	ssyncset.done $0x0  }
0x1e: {  	[sflag:s23] =	ssyncadd.s32 s4;
	_ =	sdelay $0x1  }
0x1f: {  	s24 =	simm.s32 $0x1B8B  }
0x20: {  	_ =	swait.ge [sflag:s24], $0x1  }
0x21: {  	[sflag:s24] =	ssyncset.done $0x0  }
0x22: {  	s26 =	simm.s32 $0x1B8E;
	s25 =	sld [smem:$0x3FFE];
	[sflag:s24] =	ssyncadd.s32 $0xFFFFFFFF  }
0x23: {  	s27 =	simm.s32 $execute0_lowered;
	[smem:$0x3FD2] =	sst s26  }
0x24: {  	s5 =	sshll.u32 s27, $0x1;
	_ =	strace $0x80000049;
	[dreg:$0x1] =	wrdreg $0xFFFFFFFF  }
0x25: {  	s28 =	simm.s32 $_size_execute0_lowered;
	s3 =	sadd.s32 s3, s5;
	[dreg:$0x0] =	wrdreg $0x0  }
0x26: {  	s5 =	sshll.u32 s28, $0x1;
	[dreg:$0x2] =	wrdreg s3  }
0x27: {  	[dreg:$0x3] =	wrdreg s5  }
0x28: {  	[dreg:$0x4] =	wrdreg $0xC0  }
0x29: {  	_ =	task [dreg:s7], $0x5FFFF  }
0x2a: {  	[dreg:$0x1] =	wrdreg $0xFFFFFFFF  }
0x2b: {  	[dreg:$0x0] =	wrdreg $0x60  }
0x2c: {  	[dreg:$0x2] =	wrdreg s25  }
0x2d: {  	[dreg:$0x3] =	wrdreg s17  }
0x2e: {  	[dreg:$0x4] =	wrdreg $0xA  }
0x2f: {  	_ =	task.clear_ibuf [dreg:s7], $0x5FFFF;
	_ =	strace $0x90000049  }
0x30: {  	s29 =	simm.s32 $0xA;
	_ =	strace $0x8000004B  }
0x31: {  	_ =	swait.ge [sflag:s29], $0x1  }
0x32: {  	[sflag:s29] =	ssyncadd.s32 $0xFFFFFFFF  }
0x33: {  	_ =	strace $0x9000004B  }
0x34: {  	_ =	sfence  }
0x35: {  	s30 =	sld [smem:$0x0];
	_ =	sdelay $0x2  }
0x36: {  	s31 =	sshll.u32 s1, $0xD;
	s1 =	sshrl.u32 s1, $0x2  }
0x37: {  	s3 =	sand.u32 $0x4000, s31;
	s1 =	sadd.s32 s1, s30  }
0x38: {  	s0 =	sor.u32 s3, s0;
	s1 =	sshll.u32 s1, $0x11  }
0x39: {  	s0 =	sor.u32 s1, s0  }
0x3a: {  	s0 =	sadd.s32 $0x8F2B, s0  }
0x3b: {  	[sflag:s0] =	ssyncadd.remote.s32 $0x1  }
0x3c: {  	_ =	sfence.sel $0xFFFF  }
0x3d: {  	[dreg:$0x0] =	wrdreg $0xFFFFFFFF;
	(pc) =	sbr.abs _section_cstart, $3  }
0x3e: {  	[dreg:$0x1] =	wrdreg $0xFFFFFFFF  }
0x3f: {  	_ =	task.clear_ibuf [dreg:s7], $0x2FFFF;
	_ =	strace $0x9FFFFFFF  }
0x40: {  	(tm) =	ssettm $0x7FFFFFFF  }
0x41: {  	_ =	shalt  }
tec
execute0_lowered:
.L_overlay_start_1:
0x0: {  	(tag) =	ssettag $0x1  }
0x1: {  	s0 =	srdreg.scid  }
0x2: {  	s1 =	sshll.u32 s0, $0x4  }
0x3: {  	s4 =	rddreg [dreg:$0x0];
	s0 =	stileid.u32;
	s1 =	sand.u32 $0x10, s1  }
0x4: {  	s2 =	rddreg [dreg:$0x1];
	s7 =	simm.s32 $0x1;
	s1 =	sor.u32 s0, s1  }
0x5: {  	s8 =	simm.s32 $0x2;
	s9 =	simm.s32 $0x0;
	s3 =	sshll.u32 s1, $0x1  }
0x6: {  	s12 =	simm.s32 $0x0;
	s11 =	simm.s32 $0x0;
	s6 =	ssub.s32 $0x400, s3  }
.Ltmp0:
0x7: {  	s4 =	sadd.s32 $0x3200, s4;
	s5 =	sand.u32 $0x3E, s6;
	(pc) =	sbr.rel .LBB1_1-.Ltmp0, $4  }
0x8: {  	s1 =	rddreg [dreg:$0x2];
	_ =	strace $0x8000004A;
	p0 =	sne.s32 s5, $0x0  }
0x9: {  	s6 =	sshrl.u32 s6, $0x6;
	s5 =	simm.s32 $0x1;
	s7 =	simm.s32 @!p0 $0x0  }
0xa: {  	s10 =	smov.u32 s3;
	[sflag:s5] =	ssyncpa.u1 $0x0;
	s6 =	sadd.s32 s7, s6  }
0xb: {  	[sflag:s8] =	ssyncpa.u1 $0x0;
	s8 =	simm.s32 $0x0;
	s7 =	sadd.s32 $0x1, s6  }
.LBB1_9:
0xc: {  	s14 =	sadd.s32 $0x40, s10  }
0xd: {  	p1 =	sgt.s32 s14, $0x3FF  }
0xe: {  	s14 =	smov.u32 @p1 s3;
	p1 =	sne.s32 s11, s7  }
.Ltmp1:
0xf: {  	p0 =	slt.u32 s11, $0x2;
	(pc) =	sbr.rel @!p1 .LBB1_10-.Ltmp1, $4  }
0x10: {  	s13 =	simm.s32 @!p0 $0x2  }
0x11: {  	s15 =	sadd.s32 $0x1, s11;
	_ =	swait.ge @!p0 [sflag:s13], $0x4000  }
0x12: {  	s12 =	smov.u32 s10;
	s9 =	sadd.s32 $0x4000, s9;
	[sflag:s13] =	ssyncset.done @!p0 $0x0  }
0x13: {  	s11 =	smov.u32 s15;
	s10 =	smov.u32 s14;
	[sflag:s13] =	ssyncadd.s32 @!p0 $0xFFFFC000  }
.LBB1_1:
0x14: {  	p0 =	sge.u32 s11, s6  }
0x15: {  	s13 =	sxor.u32 @!p0 $0xFFFFFFFF, s11  }
0x16: {  	s31 =	sadd.s32 $0xFFFFFFFF, s11;
	s14 =	sshll.u32 @!p0 s10, $0xA;
	s13 =	sshll.u32 @!p0 s13, $0xE  }
0x17: {  	s15 =	simm.s32 @!p0 $0x0;
	s14 =	sadd.s32 @!p0 s4, s14;
	s13 =	sand.u32 @!p0 $0x4000, s13  }
0x18: {  	[tilespmem:s13], [sflag:$0x1] =	stream.linear.gather @!p0 [hbm4b:s14+s15], $0x4000, $0x38;
	[tilespmem:$0x10000] =	vst v63  }
0x19: {  	p0 =	sge.u32 s31, s6  }
.Ltmp2:
0x1a: {  	_ = 	snop;
	(pc) =	sbr.rel @p0 .LBB1_9-.Ltmp2, $1  }
0x1b: {  	_ =	sdelay $0x3  }
0x1c: {  	s13 =	sshll.u32 s9, $0x2  }
0x1d: {  	_ =	swait.ge [sflag:s5], $0x4000;
	s14 =	sshll.u32 s11, $0xE;
	s16 =	simm.s32 $0x0  }
0x1e: {  	p1 =	por $0x1, $0x1;
	s13 =	sand.u32 $0x10000, s13;
	[sflag:s5] =	ssyncset.done $0x0  }
0x1f: {  	s14 =	sand.u32 $0x4000, s14;
	s15 =	sshrl.u32 s13, $0x2;
	[sflag:s5] =	ssyncadd.s32 $0xFFFFC000  }
0x20: {  	s13 =	sor.u32 $0x8000, s14;
	s14 =	sadd.s32 $0x8040, s15;
	s15 =	sadd.s32 $0x40, s15  }
.LBB1_3:
0x21: {  	s16 =	sshll.u32 s16, $0x2  }
0x22: {  	p0 =	por p1, p1;
	s17 =	sshra.s32 s16, $0x2  }
0x23: {  	s18 =	simm.s32 $0x0;
	s16 =	sadd.s32 s17, s14;
	s17 =	sadd.s32 s17, s15  }
.LBB1_4:
0x24: {  	v0 =	vmov s17;
	_ =	sdelay $0x3  }
0x25: {  	s20 =	simm.s32 $0x0  }
0x26: {  	v6 =	vld.idx.msk [tilespmem:v0+s20+$0x30 ss:$0x1], $0xffff  }
0x27: {  	v7 =	vld.idx.msk [tilespmem:v0+s20+$0xFFFFFFC0 ss:$0x1], $0xffff  }
0x28: {  	v5 =	vld.idx.msk [tilespmem:v0+s20+$0xFFFFFFD0 ss:$0x1], $0xffff  }
0x29: {  	v4 =	vld.idx.msk [tilespmem:v0+s20+$0xFFFFFFE0 ss:$0x1], $0xffff  }
0x2a: {  	v3 =	vld.idx.msk [tilespmem:v0+s20+$0xFFFFFFF0 ss:$0x1], $0xffff  }
0x2b: {  	v1 =	vld.idx.msk [tilespmem:v0+s20+$0x0 ss:$0x1], $0xffff  }
0x2c: {  	v2 =	vld.idx.msk [tilespmem:v0+s20+$0x10 ss:$0x1], $0xffff;
	[tilespmem:s16+$0x30] =	vst v6  }
0x2d: {  	s19 =	simm.s32 $0x80;
	s21 =	simm.s32 $0x400;
	[tilespmem:s16+$0xFFFFFFC0] =	vst v7;
	v6 =	vld.idx.msk [tilespmem:v0+s20+$0x20 ss:$0x1], $0xffff;
	s20 =	smov.u32 s16  }
.LBB1_5:
0x2e: {  	p1 =	sne.s32 s21, $0xE00;
	v7 =	vld.idx.msk [tilespmem:v0+s19+$0x30 ss:$0x1], $0xffff;
	[tilespmem:s20+$0xFFFFFFD0] =	vst v5  }
0x2f: {  	v8 =	vld.idx.msk [tilespmem:v0+s19+$0xFFFFFFC0 ss:$0x1], $0xffff;
	[tilespmem:s20+$0xFFFFFFE0] =	vst v4  }
0x30: {  	v5 =	vld.idx.msk [tilespmem:v0+s19+$0xFFFFFFD0 ss:$0x1], $0xffff;
	[tilespmem:s20+$0xFFFFFFF0] =	vst v3  }
.Ltmp3:
0x31: {  	v4 =	vld.idx.msk [tilespmem:v0+s19+$0xFFFFFFE0 ss:$0x1], $0xffff;
	[tilespmem:s20+$0x0] =	vst v1;
	(pc) =	sbr.rel @p1 .LBB1_5-.Ltmp3, $4  }
0x32: {  	v3 =	vld.idx.msk [tilespmem:v0+s19+$0xFFFFFFF0 ss:$0x1], $0xffff;
	[tilespmem:s20+$0x10] =	vst v2  }
0x33: {  	v1 =	vld.idx.msk [tilespmem:v0+s19+$0x0 ss:$0x1], $0xffff;
	[tilespmem:s20+$0x20] =	vst v6;
	s20 =	sadd.s32 $0x400, s20  }
0x34: {  	v2 =	vld.idx.msk [tilespmem:v0+s19+$0x10 ss:$0x1], $0xffff;
	[tilespmem:s20+$0x30] =	vst v7  }
0x35: {  	[tilespmem:s20+$0xFFFFFFC0] =	vst v8;
	v6 =	vld.idx.msk [tilespmem:v0+s19+$0x20 ss:$0x1], $0xffff;
	s19 =	sshra.s32 s21, $0x2;
	s21 =	sadd.s32 $0x200, s21  }
0x36: {  	_ =	sdelay $0x2  }
0x37: {  	[tilespmem:s20+$0xFFFFFFD0] =	vst v5  }
0x38: {  	v56 =	vld.idx.msk [tilespmem:v0+s19+$0x30 ss:$0x1], $0xffff;
	[tilespmem:s20+$0xFFFFFFE0] =	vst v4  }
0x39: {  	v57 =	vld.idx.msk [tilespmem:v0+s19+$0xFFFFFFC0 ss:$0x1], $0xffff;
	[tilespmem:s20+$0xFFFFFFF0] =	vst v3  }
0x3a: {  	v58 =	vld.idx.msk [tilespmem:v0+s19+$0xFFFFFFD0 ss:$0x1], $0xffff;
	[tilespmem:s20+$0x0] =	vst v1  }
0x3b: {  	v59 =	vld.idx.msk [tilespmem:v0+s19+$0xFFFFFFE0 ss:$0x1], $0xffff;
	[tilespmem:s20+$0x10] =	vst v2  }
0x3c: {  	v60 =	vld.idx.msk [tilespmem:v0+s19+$0xFFFFFFF0 ss:$0x1], $0xffff;
	s31 =	sadd.s32 $0x400, s20;
	[tilespmem:s20+$0x20] =	vst v6  }
0x3d: {  	v61 =	vld.idx.msk [tilespmem:v0+s19+$0x0 ss:$0x1], $0xffff;
	[tilespmem:s31+$0x30] =	vst v56  }
0x3e: {  	v62 =	vld.idx.msk [tilespmem:v0+s19+$0x10 ss:$0x1], $0xffff;
	s18 =	sadd.s32 $0x1, s18;
	[tilespmem:s31+$0xFFFFFFC0] =	vst v57  }
0x3f: {  	v63 =	vld.idx.msk [tilespmem:v0+s19+$0x20 ss:$0x1], $0xffff;
	p1 =	sne.s32 s18, $0x8;
	[tilespmem:s31+$0xFFFFFFD0] =	vst v58  }
.Ltmp4:
0x40: {  	[tilespmem:s31+$0xFFFFFFE0] =	vst v59;
	(pc) =	sbr.rel @p1 .LBB1_4-.Ltmp4, $4  }
0x41: {  	[tilespmem:s31+$0xFFFFFFF0] =	vst v60  }
0x42: {  	[tilespmem:s31+$0x0] =	vst v61  }
0x43: {  	[tilespmem:s31+$0x10] =	vst v62  }
0x44: {  	s16 =	sadd.s32 $0x80, s16;
	s17 =	sadd.s32 $0x400, s17;
	[tilespmem:s31+$0x20] =	vst v63  }
.Ltmp5:
0x45: {  	(pc) =	sbr.rel @p0 .LBB1_3-.Ltmp5, $2  }
0x46: {  	_ =	sdelay $0x2  }
0x47: {  	s16 =	simm.s32 $0x2000;
	p1 =	por $0x0, $0x0  }
.Ltmp6:
0x48: {  	(pc) =	sbr.rel .LBB1_9-.Ltmp6, $4  }
0x49: {  	_ = 	snop  }
0x4a: {  	s12 =	sshll.u32 s12, $0xA  }
0x4b: {  	s12 =	sadd.s32 s2, s12  }
0x4c: {  	[hbm4b:s12+s8] =	stream.linear.scatter [tilespmem:s13], [sflag:$0x2], $0x4000, $0x38;
	[tilespmem:$0x10000] =	vst v63  }
.LBB1_10:
0x4d: {  	_ =	sfence.sel $0x180000  }
0x4e: {  	s2 =	simm.s32 $0x1;
	[bflag:$0x0] =	sbarrier.arrive $0xFFFF  }
0x4f: {  	s31 =	simm.s32 $0x2;
	[sflag:s2] =	ssyncpa.u1 $0x1  }
0x50: {  	[sflag:s31] =	ssyncpa.u1 $0x1  }
0x51: {  	p0 =	sne.s32 s0, $0x0;
	_ =	strace $0x9000004A  }
0x52: {  	s0 =	sadd.s32 @!p0 $0x100000, s1;
	[bflag:$0x2] =	sbarrier.arrive $0xFFFF  }
0x53: {  	[sflag:s0] =	ssyncadd.tile.s32 @!p0 $0x1;
	_ =	shalt  }
.Lfunc_end1:
_tile_overlayer_lowered:
.L_overlay_start_2:
0x54: {  	(tag) =	ssettag $0x2  }
0x55: {  	s0 =	rddreg [dreg:$0x0];
	s2 =	stileid.u32  }
0x56: {  	s1 =	rddreg [dreg:$0x1];
	p0 =	sne.s32 s2, $0x0  }
0x57: {  	s3 =	rddreg [dreg:$0x2];
	[bflag:$0x3] =	sbarrier.arrive $0xFFFF;
	s2 =	simm.s32 @!p0 $0x1C01  }
0x58: {  	[timem:s3], [sflag:s2] =	dma.local @!p0 [hbm:s0], s1  }
0x59: {  	s0 =	simm.s32 @!p0 $0x1  }
0x5a: {  	_ =	swait.ge @!p0 [sflag:s0], s1  }
0x5b: {  	s1 =	ssub.s32 @!p0 $0x0, s1;
	[sflag:s0] =	ssyncset.done @!p0 $0x0  }
0x5c: {  	[sflag:s0] =	ssyncadd.s32 @!p0 s1  }
0x5d: {  	[bflag:$0x3] =	sbarrier.arrive $0xFFFF  }
0x5e: {  	_ =	shalt  }

// kernel: sparse-core-data-format-call.cloned.1.call-start
scs
called_computation_lowered:
.L_overlay_start_0:
0x0: {  	s2 =	sld [smem:$0x3FD9]  }
0x1: {  	s3 =	sld [smem:$0x3FFE];
	_ =	sdelay $0x1  }
0x2: {  	s1 =	srdreg.scid  }
0x3: {  	s0 =	sand.u32 $0x1, s1  }
0x4: {  	s16 =	sshll.u32 s0, $0xA;
	s2 =	sadd.s32 s3, s2  }
0x5: {  	s2 =	sadd.s32 s2, s16  }
0x6: {  	[smem:$0x3FC7] =	sst s2  }
0x7: {  	_ = 	snop  }
0x8: {  	s2 =	sld [smem:$0x3FD0];
	_ =	sdelay $0x2  }
0x9: {  	s17 =	simm.s32 $0xB;
	s4 =	simm.s32 $0x10  }
0xa: {  	[smem:s4], [sflag:s17] =	dma.local [hbm:s2], $0x1  }
0xb: {  	_ =	swait.eq [sflag:s17], $0x1  }
0xc: {  	[sflag:s17] =	ssyncset.done $0x0  }
0xd: {  	[sflag:s17] =	ssyncadd.s32 $0xFFFFFFFF  }
0xe: {  	s18 =	sld [smem:$0x11];
	(tm) =	ssettm $0x1  }
0xf: {  	s19 =	sld [smem:$0x3FFB];
	_ =	sdelay $0x3  }
0x10: {  	_ =	strace s19  }
0x11: {  	s2 =	sld [smem:$0x3FFC];
	_ =	sdelay $0x3  }
0x12: {  	_ =	strace s2  }
0x13: {  	s2 =	sld [smem:$0x3FFD];
	_ =	sdelay $0x3  }
0x14: {  	_ =	strace s2  }
0x15: {  	_ =	strace $0x8FFFFFFF  }
0x16: {  	s20 =	sld [smem:$0x3FDB];
	_ =	sdelay $0x1  }
0x17: {  	s21 =	simm.s32 $_scs_section_size  }
0x18: {  	s5 =	simm.s32 $_size__tile_overlayer_lowered;
	s6 =	simm.s32 $_tile_overlayer_lowered  }
0x19: {  	s7 =	simm.s32 $0x1BFF;
	s22 =	sshll.u32 s6, $0x1;
	s4 =	sadd.s32 s21, s20  }
0x1a: {  	s23 =	simm.s32 $0x0;
	s5 =	sshll.u32 s5, $0x1;
	s6 =	sadd.s32 s22, s4  }
0x1b: {  	[timem:s23], [sflag:s7] =	dma.local [hbm:s6], s5  }
0x1c: {  	_ =	swait.ge [sflag:s7], s5  }
0x1d: {  	s5 =	ssub.s32 $0x0, s5;
	[sflag:s7] =	ssyncset.done $0x0  }
0x1e: {  	[sflag:s7] =	ssyncadd.s32 s5;
	_ =	sdelay $0x1  }
0x1f: {  	s24 =	simm.s32 $0x1B8B  }
0x20: {  	_ =	swait.ge [sflag:s24], $0x1  }
0x21: {  	[sflag:s24] =	ssyncset.done $0x0  }
0x22: {  	[sflag:s24] =	ssyncadd.s32 $0xFFFFFFFF  }
0x23: {  	s5 =	sld [smem:$0x0]  }
0x24: {  	s6 =	sand.u32 $0xFFFFFFFE, s1  }
0x25: {  	p0 =	sne.s32 s1, s6  }
0x26: {  	s6 =	sshll.u32 @p0 s6, $0xE  }
0x27: {  	s6 =	sadd.s32 @p0 $0x11B8D, s6;
	s7 =	sshll.u32 @p0 s5, $0x11  }
0x28: {  	s6 =	sor.u32 @p0 s7, s6  }
0x29: {  	[sflag:s6] =	ssyncadd.remote.s32 @p0 $0x1;
	_ =	sdelay $0x1  }
0x2a: {  	s6 =	simm.s32 @p0 $0x1B8D  }
0x2b: {  	_ =	swait.eq @p0 [sflag:s6], $0x1  }
0x2c: {  	[sflag:s6] =	ssyncadd.s32 @p0 $0xFFFFFFFF  }
0x2d: {  	s7 =	sshll.u32 @!p0 s1, $0xE  }
0x2e: {  	s7 =	sor.u32 @!p0 $0x4000, s7;
	s6 =	simm.s32 @!p0 $0x1B8D  }
0x2f: {  	s5 =	sshll.u32 @!p0 s5, $0x11;
	s7 =	sadd.s32 @!p0 $0x11B8D, s7;
	_ =	swait.eq @!p0 [sflag:s6], $0x1  }
0x30: {  	s5 =	sor.u32 @!p0 s5, s7;
	[sflag:s6] =	ssyncadd.s32 @!p0 $0xFFFFFFFF  }
0x31: {  	s26 =	simm.s32 $0x1B8E;
	s25 =	sld [smem:$0x3FFE];
	[sflag:s5] =	ssyncadd.remote.s32 @!p0 $0x1  }
0x32: {  	s27 =	simm.s32 $execute0_lowered;
	[smem:$0x3FD2] =	sst s26  }
0x33: {  	s6 =	sshll.u32 s27, $0x1;
	_ =	strace $0x8000004C;
	[dreg:$0x1] =	wrdreg $0xFFFFFFFF  }
0x34: {  	s28 =	simm.s32 $_size_execute0_lowered;
	s4 =	sadd.s32 s4, s6;
	[dreg:$0x0] =	wrdreg $0x0  }
0x35: {  	s6 =	sshll.u32 s28, $0x1;
	[dreg:$0x2] =	wrdreg s4  }
0x36: {  	[dreg:$0x3] =	wrdreg s6  }
0x37: {  	[dreg:$0x4] =	wrdreg $0xC0  }
0x38: {  	_ =	task [dreg:s23], $0x5FFFF  }
0x39: {  	[dreg:$0x1] =	wrdreg $0xFFFFFFFF  }
0x3a: {  	[dreg:$0x0] =	wrdreg $0x60  }
0x3b: {  	[dreg:$0x2] =	wrdreg s25  }
0x3c: {  	[dreg:$0x3] =	wrdreg s18  }
0x3d: {  	[dreg:$0x4] =	wrdreg $0x9  }
0x3e: {  	_ =	task.clear_ibuf [dreg:s23], $0x5FFFF;
	_ =	strace $0x9000004C  }
0x3f: {  	s29 =	simm.s32 $0x9;
	_ =	strace $0x8000004E  }
0x40: {  	_ =	swait.ge [sflag:s29], $0x1  }
0x41: {  	[sflag:s29] =	ssyncadd.s32 $0xFFFFFFFF  }
0x42: {  	_ =	strace $0x9000004E  }
0x43: {  	_ =	sfence  }
0x44: {  	s30 =	sld [smem:$0x0];
	_ =	sdelay $0x2  }
0x45: {  	s31 =	sshll.u32 s1, $0xD;
	s1 =	sshrl.u32 s1, $0x2  }
0x46: {  	s4 =	sand.u32 $0x4000, s31;
	s1 =	sadd.s32 s1, s30  }
0x47: {  	s0 =	sor.u32 s4, s0;
	s1 =	sshll.u32 s1, $0x11  }
0x48: {  	s0 =	sor.u32 s1, s0  }
0x49: {  	s0 =	sadd.s32 $0x8F2B, s0  }
0x4a: {  	[sflag:s0] =	ssyncadd.remote.s32 $0x1  }
0x4b: {  	_ =	sfence.sel $0xFFFF  }
0x4c: {  	[dreg:$0x0] =	wrdreg $0xFFFFFFFF;
	(pc) =	sbr.abs _section_cstart, $3  }
0x4d: {  	[dreg:$0x1] =	wrdreg $0xFFFFFFFF  }
0x4e: {  	_ =	task.clear_ibuf [dreg:s23], $0x2FFFF;
	_ =	strace $0x9FFFFFFF  }
0x4f: {  	(tm) =	ssettm $0x7FFFFFFF  }
tec
execute0_lowered:
.L_overlay_start_1:
0x0: {  	(tag) =	ssettag $0x1  }
0x1: {  	s0 =	srdreg.scid  }
0x2: {  	s1 =	sshll.u32 s0, $0x4  }
0x3: {  	s4 =	rddreg [dreg:$0x0];
	s0 =	stileid.u32;
	s1 =	sand.u32 $0x10, s1  }
0x4: {  	s2 =	rddreg [dreg:$0x1];
	s7 =	simm.s32 $0x1;
	s1 =	sor.u32 s0, s1  }
0x5: {  	s8 =	simm.s32 $0x2;
	s9 =	simm.s32 $0x0;
	s3 =	sshll.u32 s1, $0x1  }
0x6: {  	s12 =	simm.s32 $0x0;
	s11 =	simm.s32 $0x0;
	s6 =	ssub.s32 $0x400, s3  }
.Ltmp0:
0x7: {  	s4 =	sadd.s32 $0x103200, s4;
	s5 =	sand.u32 $0x3E, s6;
	(pc) =	sbr.rel .LBB1_1-.Ltmp0, $4  }
0x8: {  	s1 =	rddreg [dreg:$0x2];
	_ =	strace $0x8000004D;
	p0 =	sne.s32 s5, $0x0  }
0x9: {  	s6 =	sshrl.u32 s6, $0x6;
	s5 =	simm.s32 $0x1;
	s7 =	simm.s32 @!p0 $0x0  }
0xa: {  	s10 =	smov.u32 s3;
	[sflag:s5] =	ssyncpa.u1 $0x0;
	s6 =	sadd.s32 s7, s6  }
0xb: {  	[sflag:s8] =	ssyncpa.u1 $0x0;
	s8 =	simm.s32 $0x0;
	s7 =	sadd.s32 $0x1, s6  }
.LBB1_9:
0xc: {  	s14 =	sadd.s32 $0x40, s10  }
0xd: {  	p1 =	sgt.s32 s14, $0x3FF  }
0xe: {  	s14 =	smov.u32 @p1 s3;
	p1 =	sne.s32 s11, s7  }
.Ltmp1:
0xf: {  	p0 =	slt.u32 s11, $0x2;
	(pc) =	sbr.rel @!p1 .LBB1_10-.Ltmp1, $4  }
0x10: {  	s13 =	simm.s32 @!p0 $0x2  }
0x11: {  	s15 =	sadd.s32 $0x1, s11;
	_ =	swait.ge @!p0 [sflag:s13], $0x4000  }
0x12: {  	s12 =	smov.u32 s10;
	s9 =	sadd.s32 $0x4000, s9;
	[sflag:s13] =	ssyncset.done @!p0 $0x0  }
0x13: {  	s11 =	smov.u32 s15;
	s10 =	smov.u32 s14;
	[sflag:s13] =	ssyncadd.s32 @!p0 $0xFFFFC000  }
.LBB1_1:
0x14: {  	p0 =	sge.u32 s11, s6  }
0x15: {  	s13 =	sxor.u32 @!p0 $0xFFFFFFFF, s11  }
0x16: {  	s31 =	sadd.s32 $0xFFFFFFFF, s11;
	s14 =	sshll.u32 @!p0 s10, $0xA;
	s13 =	sshll.u32 @!p0 s13, $0xE  }
0x17: {  	s15 =	simm.s32 @!p0 $0x0;
	s14 =	sadd.s32 @!p0 s4, s14;
	s13 =	sand.u32 @!p0 $0x4000, s13  }
0x18: {  	[tilespmem:s13], [sflag:$0x1] =	stream.linear.gather @!p0 [hbm4b:s14+s15], $0x4000, $0x38;
	[tilespmem:$0x10000] =	vst v63  }
0x19: {  	p0 =	sge.u32 s31, s6  }
.Ltmp2:
0x1a: {  	_ = 	snop;
	(pc) =	sbr.rel @p0 .LBB1_9-.Ltmp2, $1  }
0x1b: {  	_ =	sdelay $0x3  }
0x1c: {  	s13 =	sshll.u32 s9, $0x2  }
0x1d: {  	_ =	swait.ge [sflag:s5], $0x4000;
	s14 =	sshll.u32 s11, $0xE;
	s16 =	simm.s32 $0x0  }
0x1e: {  	p1 =	por $0x1, $0x1;
	s13 =	sand.u32 $0x10000, s13;
	[sflag:s5] =	ssyncset.done $0x0  }
0x1f: {  	s14 =	sand.u32 $0x4000, s14;
	s15 =	sshrl.u32 s13, $0x2;
	[sflag:s5] =	ssyncadd.s32 $0xFFFFC000  }
0x20: {  	s13 =	sor.u32 $0x8000, s14;
	s14 =	sadd.s32 $0x8040, s15;
	s15 =	sadd.s32 $0x40, s15  }
.LBB1_3:
0x21: {  	s16 =	sshll.u32 s16, $0x2  }
0x22: {  	p0 =	por p1, p1;
	s17 =	sshra.s32 s16, $0x2  }
0x23: {  	s18 =	simm.s32 $0x0;
	s16 =	sadd.s32 s17, s14;
	s17 =	sadd.s32 s17, s15  }
.LBB1_4:
0x24: {  	v0 =	vmov s17;
	_ =	sdelay $0x3  }
0x25: {  	s20 =	simm.s32 $0x0  }
0x26: {  	v6 =	vld.idx.msk [tilespmem:v0+s20+$0x30 ss:$0x1], $0xffff  }
0x27: {  	v7 =	vld.idx.msk [tilespmem:v0+s20+$0xFFFFFFC0 ss:$0x1], $0xffff  }
0x28: {  	v5 =	vld.idx.msk [tilespmem:v0+s20+$0xFFFFFFD0 ss:$0x1], $0xffff  }
0x29: {  	v4 =	vld.idx.msk [tilespmem:v0+s20+$0xFFFFFFE0 ss:$0x1], $0xffff  }
0x2a: {  	v3 =	vld.idx.msk [tilespmem:v0+s20+$0xFFFFFFF0 ss:$0x1], $0xffff  }
0x2b: {  	v1 =	vld.idx.msk [tilespmem:v0+s20+$0x0 ss:$0x1], $0xffff  }
0x2c: {  	v2 =	vld.idx.msk [tilespmem:v0+s20+$0x10 ss:$0x1], $0xffff;
	[tilespmem:s16+$0x30] =	vst v6  }
0x2d: {  	s19 =	simm.s32 $0x80;
	s21 =	simm.s32 $0x400;
	[tilespmem:s16+$0xFFFFFFC0] =	vst v7;
	v6 =	vld.idx.msk [tilespmem:v0+s20+$0x20 ss:$0x1], $0xffff;
	s20 =	smov.u32 s16  }
.LBB1_5:
0x2e: {  	p1 =	sne.s32 s21, $0xE00;
	v7 =	vld.idx.msk [tilespmem:v0+s19+$0x30 ss:$0x1], $0xffff;
	[tilespmem:s20+$0xFFFFFFD0] =	vst v5  }
0x2f: {  	v8 =	vld.idx.msk [tilespmem:v0+s19+$0xFFFFFFC0 ss:$0x1], $0xffff;
	[tilespmem:s20+$0xFFFFFFE0] =	vst v4  }
0x30: {  	v5 =	vld.idx.msk [tilespmem:v0+s19+$0xFFFFFFD0 ss:$0x1], $0xffff;
	[tilespmem:s20+$0xFFFFFFF0] =	vst v3  }
.Ltmp3:
0x31: {  	v4 =	vld.idx.msk [tilespmem:v0+s19+$0xFFFFFFE0 ss:$0x1], $0xffff;
	[tilespmem:s20+$0x0] =	vst v1;
	(pc) =	sbr.rel @p1 .LBB1_5-.Ltmp3, $4  }
0x32: {  	v3 =	vld.idx.msk [tilespmem:v0+s19+$0xFFFFFFF0 ss:$0x1], $0xffff;
	[tilespmem:s20+$0x10] =	vst v2  }
0x33: {  	v1 =	vld.idx.msk [tilespmem:v0+s19+$0x0 ss:$0x1], $0xffff;
	[tilespmem:s20+$0x20] =	vst v6;
	s20 =	sadd.s32 $0x400, s20  }
0x34: {  	v2 =	vld.idx.msk [tilespmem:v0+s19+$0x10 ss:$0x1], $0xffff;
	[tilespmem:s20+$0x30] =	vst v7  }
0x35: {  	[tilespmem:s20+$0xFFFFFFC0] =	vst v8;
	v6 =	vld.idx.msk [tilespmem:v0+s19+$0x20 ss:$0x1], $0xffff;
	s19 =	sshra.s32 s21, $0x2;
	s21 =	sadd.s32 $0x200, s21  }
0x36: {  	_ =	sdelay $0x2  }
0x37: {  	[tilespmem:s20+$0xFFFFFFD0] =	vst v5  }
0x38: {  	v56 =	vld.idx.msk [tilespmem:v0+s19+$0x30 ss:$0x1], $0xffff;
	[tilespmem:s20+$0xFFFFFFE0] =	vst v4  }
0x39: {  	v57 =	vld.idx.msk [tilespmem:v0+s19+$0xFFFFFFC0 ss:$0x1], $0xffff;
	[tilespmem:s20+$0xFFFFFFF0] =	vst v3  }
0x3a: {  	v58 =	vld.idx.msk [tilespmem:v0+s19+$0xFFFFFFD0 ss:$0x1], $0xffff;
	[tilespmem:s20+$0x0] =	vst v1  }
0x3b: {  	v59 =	vld.idx.msk [tilespmem:v0+s19+$0xFFFFFFE0 ss:$0x1], $0xffff;
	[tilespmem:s20+$0x10] =	vst v2  }
0x3c: {  	v60 =	vld.idx.msk [tilespmem:v0+s19+$0xFFFFFFF0 ss:$0x1], $0xffff;
	s31 =	sadd.s32 $0x400, s20;
	[tilespmem:s20+$0x20] =	vst v6  }
0x3d: {  	v61 =	vld.idx.msk [tilespmem:v0+s19+$0x0 ss:$0x1], $0xffff;
	[tilespmem:s31+$0x30] =	vst v56  }
0x3e: {  	v62 =	vld.idx.msk [tilespmem:v0+s19+$0x10 ss:$0x1], $0xffff;
	s18 =	sadd.s32 $0x1, s18;
	[tilespmem:s31+$0xFFFFFFC0] =	vst v57  }
0x3f: {  	v63 =	vld.idx.msk [tilespmem:v0+s19+$0x20 ss:$0x1], $0xffff;
	p1 =	sne.s32 s18, $0x8;
	[tilespmem:s31+$0xFFFFFFD0] =	vst v58  }
.Ltmp4:
0x40: {  	[tilespmem:s31+$0xFFFFFFE0] =	vst v59;
	(pc) =	sbr.rel @p1 .LBB1_4-.Ltmp4, $4  }
0x41: {  	[tilespmem:s31+$0xFFFFFFF0] =	vst v60  }
0x42: {  	[tilespmem:s31+$0x0] =	vst v61  }
0x43: {  	[tilespmem:s31+$0x10] =	vst v62  }
0x44: {  	s16 =	sadd.s32 $0x80, s16;
	s17 =	sadd.s32 $0x400, s17;
	[tilespmem:s31+$0x20] =	vst v63  }
.Ltmp5:
0x45: {  	(pc) =	sbr.rel @p0 .LBB1_3-.Ltmp5, $2  }
0x46: {  	_ =	sdelay $0x2  }
0x47: {  	s16 =	simm.s32 $0x2000;
	p1 =	por $0x0, $0x0  }
.Ltmp6:
0x48: {  	(pc) =	sbr.rel .LBB1_9-.Ltmp6, $4  }
0x49: {  	_ = 	snop  }
0x4a: {  	s12 =	sshll.u32 s12, $0xA  }
0x4b: {  	s12 =	sadd.s32 s2, s12  }
0x4c: {  	[hbm4b:s12+s8] =	stream.linear.scatter [tilespmem:s13], [sflag:$0x2], $0x4000, $0x38;
	[tilespmem:$0x10000] =	vst v63  }
.LBB1_10:
0x4d: {  	_ =	sfence.sel $0x180000  }
0x4e: {  	s2 =	simm.s32 $0x1;
	[bflag:$0x0] =	sbarrier.arrive $0xFFFF  }
0x4f: {  	s31 =	simm.s32 $0x2;
	[sflag:s2] =	ssyncpa.u1 $0x1  }
0x50: {  	[sflag:s31] =	ssyncpa.u1 $0x1  }
0x51: {  	p0 =	sne.s32 s0, $0x0;
	_ =	strace $0x9000004D  }
0x52: {  	s0 =	sadd.s32 @!p0 $0x100000, s1;
	[bflag:$0x2] =	sbarrier.arrive $0xFFFF  }
0x53: {  	[sflag:s0] =	ssyncadd.tile.s32 @!p0 $0x1;
	_ =	shalt  }
.Lfunc_end1:
_tile_overlayer_lowered:
.L_overlay_start_2:
0x54: {  	(tag) =	ssettag $0x2  }
0x55: {  	s0 =	rddreg [dreg:$0x0];
	s2 =	stileid.u32  }
0x56: {  	s1 =	rddreg [dreg:$0x1];
	p0 =	sne.s32 s2, $0x0  }
0x57: {  	s3 =	rddreg [dreg:$0x2];
	[bflag:$0x3] =	sbarrier.arrive $0xFFFF;
	s2 =	simm.s32 @!p0 $0x1C01  }
0x58: {  	[timem:s3], [sflag:s2] =	dma.local @!p0 [hbm:s0], s1  }
0x59: {  	s0 =	simm.s32 @!p0 $0x1  }
0x5a: {  	_ =	swait.ge @!p0 [sflag:s0], s1  }
0x5b: {  	s1 =	ssub.s32 @!p0 $0x0, s1;
	[sflag:s0] =	ssyncset.done @!p0 $0x0  }
0x5c: {  	[sflag:s0] =	ssyncadd.s32 @!p0 s1  }
0x5d: {  	[bflag:$0x3] =	sbarrier.arrive $0xFFFF  }
0x5e: {  	_ =	shalt  }

</sc_bundles>
